<compile_context>
chip_gen: v7x
topology: tpu7x:2x2x1
jax: 0.10.2.dev20260603
libtpu: 0.0.44.dev20260713+nightly
codegen_flags: <defaults>
</compile_context>

<pallas_src>
import functools

import jax
import jax.numpy as jnp
from jax import lax
from jax.experimental import pallas as pl
from jax.experimental.pallas import tpu as pltpu
from jax.experimental.pallas import tpu_sc as plsc

_V = 10000
_E = 100
_B = 16384
_DP = 128
_NC = 2
_NS = 16
_NW = _NC * _NS
_RPT = _B // _NW
_CH = 64
_NG = _RPT // _CH
_NVR = _DP // 16


def _project_body(emb_ref, w_ref, out_ref):
    out_ref[0] = jnp.dot(emb_ref[...], w_ref[0],
                         preferred_element_type=jnp.float32)


def _build_table(emb, w4):
    return pl.pallas_call(
        _project_body,
        grid=(4,),
        in_specs=[
            pl.BlockSpec((_V, _E), lambda k: (0, 0)),
            pl.BlockSpec((1, _E, _DP), lambda k: (k, 0, 0)),
        ],
        out_specs=pl.BlockSpec((1, _V, _DP), lambda k: (k, 0, 0)),
        out_shape=jax.ShapeDtypeStruct((4, _V, _DP), jnp.float32),
    )(emb, w4)


def _cbow_sc(idx_hbm, word_hbm, table_hbm, out_hbm,
             idx_v, rows_v, word_v, vec_v, sems):
    wid = lax.axis_index("s") * _NC + lax.axis_index("c")
    tailmask = lax.iota(jnp.int32, 16) >= 12
    zero16 = jnp.zeros((16,), jnp.float32)

    def stage(g, buf):
        b0 = wid * _RPT + g * _CH
        pltpu.sync_copy(idx_hbm.at[pl.ds(4 * b0, 4 * _CH)], idx_v.at[buf])
        hs = []
        for h in range(4 * _CH // 128):
            sl = pl.ds(h * 128, 128)
            hs.append(pltpu.async_copy(table_hbm.at[idx_v.at[buf, sl]],
                                       rows_v.at[buf, sl], sems.at[buf]))
        hs.append(pltpu.async_copy(word_hbm.at[pl.ds(b0, _CH)],
                                   word_v.at[buf], sems.at[buf]))
        return hs

    def compute(buf, acc):
        def body(r, a):
            q = 4 * r
            for j in range(6):
                c = j * 16
                s = ((rows_v[buf, q, pl.ds(c, 16)]
                      + rows_v[buf, q + 1, pl.ds(c, 16)])
                     + (rows_v[buf, q + 2, pl.ds(c, 16)]
                        + rows_v[buf, q + 3, pl.ds(c, 16)])
                     ) - word_v[buf, r, pl.ds(c, 16)]
                a = a + s * s
            s = ((rows_v[buf, q, pl.ds(84, 16)]
                  + rows_v[buf, q + 1, pl.ds(84, 16)])
                 + (rows_v[buf, q + 2, pl.ds(84, 16)]
                    + rows_v[buf, q + 3, pl.ds(84, 16)])
                 ) - word_v[buf, r, pl.ds(84, 16)]
            s = jnp.where(tailmask, s, zero16)
            a = a + s * s
            return a

        return lax.fori_loop(0, _CH, body, acc)

    acc = jnp.zeros((16,), jnp.float32)
    pend = [None, None]
    pend[0] = stage(0, 0)
    for g in range(_NG):
        buf = g & 1
        if g + 1 < _NG:
            pend[(g + 1) & 1] = stage(g + 1, (g + 1) & 1)
        for h in pend[buf]:
            h.wait()
        acc = compute(buf, acc)

    lanes = lax.iota(jnp.int32, 16)
    for s in (8, 4, 2, 1):
        acc = acc + acc.at[lanes ^ s].get(mode="promise_in_bounds")
    vec_v[...] = acc * (1.0 / (_B * _E))
    pltpu.sync_copy(vec_v, out_hbm.at[pl.ds(wid * 16, 16)])


_cbow_sc_call = functools.partial(
    pl.kernel,
    out_type=jax.ShapeDtypeStruct((_NW * 16,), jnp.float32),
    mesh=plsc.VectorSubcoreMesh(core_axis_name="c", subcore_axis_name="s",
                                num_cores=_NC, num_subcores=_NS),
    scratch_types=[
        pltpu.VMEM((2, 4 * _CH), jnp.int32),
        pltpu.VMEM((2, 4 * _CH, _DP), jnp.float32),
        pltpu.VMEM((2, _CH, _E), jnp.float32),
        pltpu.VMEM((16,), jnp.float32),
        pltpu.SemaphoreType.DMA((2,)),
    ],
)(_cbow_sc)


@jax.jit
def kernel(token1, token2, word, emb, W):
    w4 = W.reshape(_E, 4, _E).transpose(1, 2, 0)
    w4 = jnp.pad(w4, ((0, 0), (0, 0), (0, _DP - _E)))
    table = _build_table(emb, w4).reshape(4 * _V, _DP)

    toks = jnp.concatenate([token1, token2], axis=1).astype(jnp.int32)
    idx = (toks + jnp.arange(4, dtype=jnp.int32)[None, :] * _V).reshape(-1)

    out = _cbow_sc_call(idx, word, table)
    return jnp.sum(out.reshape(_NW, 16)[:, 0])

# --- scband reference (transcript-rebuilt; emitter-appended) ---
"""Pipeline reference for scband-cbow-22634477650064 (READ-ONLY COPY).

The authoritative reference and input builder live on the scoring server;
editing this copy changes nothing except your own understanding.
"""

import jax, jax.numpy as jnp
import numpy as np

VOCAB = 10000
EMB = 100
BATCH = 16384

def setup_inputs(seed: int = 0) -> dict:
    key = jax.random.key(seed)
    k1, k2, k3, k4, k5 = jax.random.split(key, 5)
    token1 = jax.random.randint(k1, (BATCH, 2), 0, VOCAB, dtype=jnp.int64 if jax.config.jax_enable_x64 else jnp.int32).astype(jnp.int32)
    token2 = jax.random.randint(k2, (BATCH, 2), 0, VOCAB, dtype=jnp.int32)
    word = jax.random.normal(k3, (BATCH, EMB), dtype=jnp.float32)
    # learned params: embedding table and linear weight (torch Linear weight shape [out, in])
    emb = jax.random.normal(k4, (VOCAB, EMB), dtype=jnp.float32) * 0.02
    W = jax.random.normal(k5, (EMB, 4 * EMB), dtype=jnp.float32) * 0.02
    return {"token1": token1, "token2": token2, "word": word, "emb": emb, "W": W}

def reference(token1, token2, word, emb, W):
    # embedding lookups (gather)
    v1 = jnp.take(emb, token1, axis=0)  # [B, 2, 100]
    v2 = jnp.take(emb, token2, axis=0)  # [B, 2, 100]
    v = jnp.concatenate((v1, v2), axis=1).reshape(-1, 4 * EMB)  # [B, 400]
    score = v @ W.T  # Linear(400 -> 100), no bias
    # MSELoss (mean reduction)
    loss = jnp.mean((score - word) ** 2)
    return loss

if __name__ == "__main__":
    import jax
    _d = setup_inputs()
    print(jax.jit(kernel)(*tuple(_d.values())))

</pallas_src>

<mosaic_0001>
#map = affine_map<(d0, d1) -> (0)>
#map1 = affine_map<(d0, d1) -> (0, 0)>
module attributes {stable_mosaic.version = 14 : i64} {
  func.func @_cbow_sc(%arg0: i32, %arg1: i32, %arg2: memref<65536xi32, #tpu.memory_space<hbm>>, %arg3: memref<16384x100xf32, #tpu.memory_space<hbm>>, %arg4: memref<40000x128xf32, #tpu.memory_space<hbm>>, %arg5: memref<512xf32, #tpu.memory_space<hbm>>, %arg6: memref<2x256xi32, #tpu.memory_space<vmem>>, %arg7: memref<2x256x128xf32, #tpu.memory_space<vmem>>, %arg8: memref<2x64x100xf32, #tpu.memory_space<vmem>>, %arg9: memref<16xf32, #tpu.memory_space<vmem>>, %arg10: memref<2x!tpu.dma_semaphore, #tpu.memory_space<semaphore_mem>>) attributes {dimension_semantics = [#tpu.dimension_semantics<core_parallel>, #tpu.dimension_semantics<subcore_parallel>], iteration_bounds = array<i64: 2, 16>, scalar_prefetch = 0 : i64, scratch_operands = 5 : i64, tpu.core_type = #tpu.core_type<sc_vector_subcore>, window_params = [{transform_indices = #map}, {transform_indices = #map1}, {transform_indices = #map1}, {transform_indices = #map}]} {
    %mul3A = arith.constant 2 : i32
    %mul3A_0 = arith.muli %arg1, %mul3A : i32
    %add3A = arith.addi %mul3A_0, %arg0 : i32
    %iota3A = tpu.iota {dimensions = array<i32: 0>} : vector<16xi32>
    %ge3A = arith.constant 12 : i32
    %ge3A_1 = vector.broadcast %ge3A : i32 to vector<16xi32>
    %ge3A_2 = arith.cmpi sge, %iota3A, %ge3A_1 : vector<16xi32>
    %broadcast_in_dim3A = arith.constant 0.000000e+00 : f32
    %broadcast_in_dim3A_3 = vector.broadcast %broadcast_in_dim3A : f32 to vector<16xf32>
    %broadcast_in_dim3A_4 = arith.constant 0.000000e+00 : f32
    %broadcast_in_dim3A_5 = vector.broadcast %broadcast_in_dim3A_4 : f32 to vector<16xf32>
    %mul3A_6 = arith.constant 512 : i32
    %mul3A_7 = arith.muli %add3A, %mul3A_6 : i32
    %add3A_8 = arith.constant 0 : i32
    %add3A_9 = arith.addi %mul3A_7, %add3A_8 : i32
    %mul3A_10 = arith.constant 4 : i32
    %mul3A_11 = arith.muli %mul3A_10, %add3A_9 : i32
    %run_scoped3A = arith.constant 0 : i32
    "tpu.region"() ({
      %run_scoped3A_903 = tpu.sem_alloc : memref<!tpu.dma_semaphore, #tpu.memory_space<semaphore_mem>>
      %dma_start3A_904 = arith.constant 0 : i32
      %dma_start3A_905 = tpu.memref_slice %arg6[%run_scoped3A, %dma_start3A_904] : memref<2x256xi32, #tpu.memory_space<vmem>> -> memref<1x256xi32, #tpu.memory_space<vmem>>
      %dma_start3A_906 = tpu.memref_squeeze %dma_start3A_905 : memref<1x256xi32, #tpu.memory_space<vmem>> -> memref<256xi32, #tpu.memory_space<vmem>>
      %dma_start3A_907 = tpu.memref_slice %arg2[%mul3A_11] : memref<65536xi32, #tpu.memory_space<hbm>> -> memref<256xi32, #tpu.memory_space<hbm>>
      %dma_start3A_908 = arith.constant 0 : i32
      %dma_start3A_909 = tpu.memref_slice %arg6[%run_scoped3A, %dma_start3A_908] : memref<2x256xi32, #tpu.memory_space<vmem>> -> memref<1x256xi32, #tpu.memory_space<vmem>>
      %dma_start3A_910 = tpu.memref_squeeze %dma_start3A_909 : memref<1x256xi32, #tpu.memory_space<vmem>> -> memref<256xi32, #tpu.memory_space<vmem>>
      %dma_start3A_911 = tpu.memref_slice %arg2[%mul3A_11] : memref<65536xi32, #tpu.memory_space<hbm>> -> memref<256xi32, #tpu.memory_space<hbm>>
      tpu.enqueue_dma source(%dma_start3A_911 : memref<256xi32, #tpu.memory_space<hbm>>) target(%dma_start3A_910 : memref<256xi32, #tpu.memory_space<vmem>>) target_semaphore(%run_scoped3A_903 : memref<!tpu.dma_semaphore, #tpu.memory_space<semaphore_mem>>)
      %dma_wait3A_912 = arith.constant 0 : i32
      %dma_wait3A_913 = tpu.memref_slice %arg6[%run_scoped3A, %dma_wait3A_912] : memref<2x256xi32, #tpu.memory_space<vmem>> -> memref<1x256xi32, #tpu.memory_space<vmem>>
      %dma_wait3A_914 = tpu.memref_squeeze %dma_wait3A_913 : memref<1x256xi32, #tpu.memory_space<vmem>> -> memref<256xi32, #tpu.memory_space<vmem>>
      %dma_wait3A_915 = tpu.memref_slice %arg2[%mul3A_11] : memref<65536xi32, #tpu.memory_space<hbm>> -> memref<256xi32, #tpu.memory_space<hbm>>
      %dma_wait3A_916 = arith.constant 0 : i32
      %dma_wait3A_917 = tpu.memref_slice %arg6[%run_scoped3A, %dma_wait3A_916] : memref<2x256xi32, #tpu.memory_space<vmem>> -> memref<1x256xi32, #tpu.memory_space<vmem>>
      %dma_wait3A_918 = tpu.memref_squeeze %dma_wait3A_917 : memref<1x256xi32, #tpu.memory_space<vmem>> -> memref<256xi32, #tpu.memory_space<vmem>>
      %dma_wait3A_919 = tpu.memref_slice %arg2[%mul3A_11] : memref<65536xi32, #tpu.memory_space<hbm>> -> memref<256xi32, #tpu.memory_space<hbm>>
      tpu.wait_dma2 semaphore(%run_scoped3A_903 : memref<!tpu.dma_semaphore, #tpu.memory_space<semaphore_mem>>) src(%dma_wait3A_919 : memref<256xi32, #tpu.memory_space<hbm>>) dst(%dma_wait3A_918 : memref<256xi32, #tpu.memory_space<vmem>>)
      tpu.yield
    }) : () -> ()
    %dma_start3A = arith.constant 0 : i32
    %dma_start3A_12 = arith.constant 0 : i32
    %dma_start3A_13 = arith.constant 0 : i32
    %dma_start3A_14 = arith.constant 0 : i32
    %dma_start3A_15 = arith.constant 0 : i32
    %dma_start3A_16 = tpu.memref_slice %arg7[%dma_start3A_12, %dma_start3A_14, %dma_start3A_15] : memref<2x256x128xf32, #tpu.memory_space<vmem>> -> memref<1x128x128xf32, #tpu.memory_space<vmem>>
    %dma_start3A_17 = tpu.memref_squeeze %dma_start3A_16 : memref<1x128x128xf32, #tpu.memory_space<vmem>> -> memref<128x128xf32, #tpu.memory_space<vmem>>
    %dma_start3A_18 = arith.constant 0 : i32
    %dma_start3A_19 = tpu.memref_slice %arg6[%dma_start3A, %dma_start3A_18] : memref<2x256xi32, #tpu.memory_space<vmem>> -> memref<1x128xi32, #tpu.memory_space<vmem>>
    %dma_start3A_20 = tpu.memref_squeeze %dma_start3A_19 : memref<1x128xi32, #tpu.memory_space<vmem>> -> memref<128xi32, #tpu.memory_space<vmem>>
    %dma_start3A_21 = arith.constant 0 : i32
    %dma_start3A_22 = arith.constant 0 : i32
    %dma_start3A_23 = tpu.memref_slice %arg4[%dma_start3A_21, %dma_start3A_22] : memref<40000x128xf32, #tpu.memory_space<hbm>> -> memref<40000x128xf32, #tpu.memory_space<hbm>>
    %dma_start3A_24 = tpu.memref_slice %arg10[%dma_start3A_13] : memref<2x!tpu.dma_semaphore, #tpu.memory_space<semaphore_mem>> -> memref<1x!tpu.dma_semaphore, #tpu.memory_space<semaphore_mem>>
    %dma_start3A_25 = tpu.memref_squeeze %dma_start3A_24 : memref<1x!tpu.dma_semaphore, #tpu.memory_space<semaphore_mem>> -> memref<!tpu.dma_semaphore, #tpu.memory_space<semaphore_mem>>
    tpu.enqueue_indirect_dma source(%dma_start3A_23 : memref<40000x128xf32, #tpu.memory_space<hbm>>) target(%dma_start3A_17 : memref<128x128xf32, #tpu.memory_space<vmem>>) offsets(%dma_start3A_20 : memref<128xi32, #tpu.memory_space<vmem>>) semaphore(%dma_start3A_25 : memref<!tpu.dma_semaphore, #tpu.memory_space<semaphore_mem>>)
    %dma_start3A_26 = arith.constant 0 : i32
    %dma_start3A_27 = arith.constant 0 : i32
    %dma_start3A_28 = arith.constant 0 : i32
    %dma_start3A_29 = arith.constant 128 : i32
    %dma_start3A_30 = arith.constant 0 : i32
    %dma_start3A_31 = tpu.memref_slice %arg7[%dma_start3A_27, %dma_start3A_29, %dma_start3A_30] : memref<2x256x128xf32, #tpu.memory_space<vmem>> -> memref<1x128x128xf32, #tpu.memory_space<vmem>>
    %dma_start3A_32 = tpu.memref_squeeze %dma_start3A_31 : memref<1x128x128xf32, #tpu.memory_space<vmem>> -> memref<128x128xf32, #tpu.memory_space<vmem>>
    %dma_start3A_33 = arith.constant 128 : i32
    %dma_start3A_34 = tpu.memref_slice %arg6[%dma_start3A_26, %dma_start3A_33] : memref<2x256xi32, #tpu.memory_space<vmem>> -> memref<1x128xi32, #tpu.memory_space<vmem>>
    %dma_start3A_35 = tpu.memref_squeeze %dma_start3A_34 : memref<1x128xi32, #tpu.memory_space<vmem>> -> memref<128xi32, #tpu.memory_space<vmem>>
    %dma_start3A_36 = arith.constant 0 : i32
    %dma_start3A_37 = arith.constant 0 : i32
    %dma_start3A_38 = tpu.memref_slice %arg4[%dma_start3A_36, %dma_start3A_37] : memref<40000x128xf32, #tpu.memory_space<hbm>> -> memref<40000x128xf32, #tpu.memory_space<hbm>>
    %dma_start3A_39 = tpu.memref_slice %arg10[%dma_start3A_28] : memref<2x!tpu.dma_semaphore, #tpu.memory_space<semaphore_mem>> -> memref<1x!tpu.dma_semaphore, #tpu.memory_space<semaphore_mem>>
    %dma_start3A_40 = tpu.memref_squeeze %dma_start3A_39 : memref<1x!tpu.dma_semaphore, #tpu.memory_space<semaphore_mem>> -> memref<!tpu.dma_semaphore, #tpu.memory_space<semaphore_mem>>
    tpu.enqueue_indirect_dma source(%dma_start3A_38 : memref<40000x128xf32, #tpu.memory_space<hbm>>) target(%dma_start3A_32 : memref<128x128xf32, #tpu.memory_space<vmem>>) offsets(%dma_start3A_35 : memref<128xi32, #tpu.memory_space<vmem>>) semaphore(%dma_start3A_40 : memref<!tpu.dma_semaphore, #tpu.memory_space<semaphore_mem>>)
    %dma_start3A_41 = arith.constant 0 : i32
    %dma_start3A_42 = arith.constant 0 : i32
    %dma_start3A_43 = arith.constant 0 : i32
    %dma_start3A_44 = arith.constant 0 : i32
    %dma_start3A_45 = tpu.memref_slice %arg8[%dma_start3A_41, %dma_start3A_43, %dma_start3A_44] : memref<2x64x100xf32, #tpu.memory_space<vmem>> -> memref<1x64x100xf32, #tpu.memory_space<vmem>>
    %dma_start3A_46 = tpu.memref_squeeze %dma_start3A_45 : memref<1x64x100xf32, #tpu.memory_space<vmem>> -> memref<64x100xf32, #tpu.memory_space<vmem>>
    %dma_start3A_47 = arith.constant 0 : i32
    %dma_start3A_48 = tpu.memref_slice %arg3[%add3A_9, %dma_start3A_47] : memref<16384x100xf32, #tpu.memory_space<hbm>> -> memref<64x100xf32, #tpu.memory_space<hbm>>
    %dma_start3A_49 = tpu.memref_slice %arg10[%dma_start3A_42] : memref<2x!tpu.dma_semaphore, #tpu.memory_space<semaphore_mem>> -> memref<1x!tpu.dma_semaphore, #tpu.memory_space<semaphore_mem>>
    %dma_start3A_50 = tpu.memref_squeeze %dma_start3A_49 : memref<1x!tpu.dma_semaphore, #tpu.memory_space<semaphore_mem>> -> memref<!tpu.dma_semaphore, #tpu.memory_space<semaphore_mem>>
    %dma_start3A_51 = arith.constant 0 : i32
    %dma_start3A_52 = arith.constant 0 : i32
    %dma_start3A_53 = tpu.memref_slice %arg8[%dma_start3A_41, %dma_start3A_51, %dma_start3A_52] : memref<2x64x100xf32, #tpu.memory_space<vmem>> -> memref<1x64x100xf32, #tpu.memory_space<vmem>>
    %dma_start3A_54 = tpu.memref_squeeze %dma_start3A_53 : memref<1x64x100xf32, #tpu.memory_space<vmem>> -> memref<64x100xf32, #tpu.memory_space<vmem>>
    %dma_start3A_55 = arith.constant 0 : i32
    %dma_start3A_56 = tpu.memref_slice %arg3[%add3A_9, %dma_start3A_55] : memref<16384x100xf32, #tpu.memory_space<hbm>> -> memref<64x100xf32, #tpu.memory_space<hbm>>
    tpu.enqueue_dma source(%dma_start3A_56 : memref<64x100xf32, #tpu.memory_space<hbm>>) target(%dma_start3A_54 : memref<64x100xf32, #tpu.memory_space<vmem>>) target_semaphore(%dma_start3A_50 : memref<!tpu.dma_semaphore, #tpu.memory_space<semaphore_mem>>)
    %mul3A_57 = arith.constant 512 : i32
    %mul3A_58 = arith.muli %add3A, %mul3A_57 : i32
    %add3A_59 = arith.constant 64 : i32
    %add3A_60 = arith.addi %mul3A_58, %add3A_59 : i32
    %mul3A_61 = arith.constant 4 : i32
    %mul3A_62 = arith.muli %mul3A_61, %add3A_60 : i32
    %run_scoped3A_63 = arith.constant 1 : i32
    "tpu.region"() ({
      %run_scoped3A_903 = tpu.sem_alloc : memref<!tpu.dma_semaphore, #tpu.memory_space<semaphore_mem>>
      %dma_start3A_904 = arith.constant 0 : i32
      %dma_start3A_905 = tpu.memref_slice %arg6[%run_scoped3A_63, %dma_start3A_904] : memref<2x256xi32, #tpu.memory_space<vmem>> -> memref<1x256xi32, #tpu.memory_space<vmem>>
      %dma_start3A_906 = tpu.memref_squeeze %dma_start3A_905 : memref<1x256xi32, #tpu.memory_space<vmem>> -> memref<256xi32, #tpu.memory_space<vmem>>
      %dma_start3A_907 = tpu.memref_slice %arg2[%mul3A_62] : memref<65536xi32, #tpu.memory_space<hbm>> -> memref<256xi32, #tpu.memory_space<hbm>>
      %dma_start3A_908 = arith.constant 0 : i32
      %dma_start3A_909 = tpu.memref_slice %arg6[%run_scoped3A_63, %dma_start3A_908] : memref<2x256xi32, #tpu.memory_space<vmem>> -> memref<1x256xi32, #tpu.memory_space<vmem>>
      %dma_start3A_910 = tpu.memref_squeeze %dma_start3A_909 : memref<1x256xi32, #tpu.memory_space<vmem>> -> memref<256xi32, #tpu.memory_space<vmem>>
      %dma_start3A_911 = tpu.memref_slice %arg2[%mul3A_62] : memref<65536xi32, #tpu.memory_space<hbm>> -> memref<256xi32, #tpu.memory_space<hbm>>
      tpu.enqueue_dma source(%dma_start3A_911 : memref<256xi32, #tpu.memory_space<hbm>>) target(%dma_start3A_910 : memref<256xi32, #tpu.memory_space<vmem>>) target_semaphore(%run_scoped3A_903 : memref<!tpu.dma_semaphore, #tpu.memory_space<semaphore_mem>>)
      %dma_wait3A_912 = arith.constant 0 : i32
      %dma_wait3A_913 = tpu.memref_slice %arg6[%run_scoped3A_63, %dma_wait3A_912] : memref<2x256xi32, #tpu.memory_space<vmem>> -> memref<1x256xi32, #tpu.memory_space<vmem>>
      %dma_wait3A_914 = tpu.memref_squeeze %dma_wait3A_913 : memref<1x256xi32, #tpu.memory_space<vmem>> -> memref<256xi32, #tpu.memory_space<vmem>>
      %dma_wait3A_915 = tpu.memref_slice %arg2[%mul3A_62] : memref<65536xi32, #tpu.memory_space<hbm>> -> memref<256xi32, #tpu.memory_space<hbm>>
      %dma_wait3A_916 = arith.constant 0 : i32
      %dma_wait3A_917 = tpu.memref_slice %arg6[%run_scoped3A_63, %dma_wait3A_916] : memref<2x256xi32, #tpu.memory_space<vmem>> -> memref<1x256xi32, #tpu.memory_space<vmem>>
      %dma_wait3A_918 = tpu.memref_squeeze %dma_wait3A_917 : memref<1x256xi32, #tpu.memory_space<vmem>> -> memref<256xi32, #tpu.memory_space<vmem>>
      %dma_wait3A_919 = tpu.memref_slice %arg2[%mul3A_62] : memref<65536xi32, #tpu.memory_space<hbm>> -> memref<256xi32, #tpu.memory_space<hbm>>
      tpu.wait_dma2 semaphore(%run_scoped3A_903 : memref<!tpu.dma_semaphore, #tpu.memory_space<semaphore_mem>>) src(%dma_wait3A_919 : memref<256xi32, #tpu.memory_space<hbm>>) dst(%dma_wait3A_918 : memref<256xi32, #tpu.memory_space<vmem>>)
      tpu.yield
    }) : () -> ()
    %dma_start3A_64 = arith.constant 1 : i32
    %dma_start3A_65 = arith.constant 1 : i32
    %dma_start3A_66 = arith.constant 1 : i32
    %dma_start3A_67 = arith.constant 0 : i32
    %dma_start3A_68 = arith.constant 0 : i32
    %dma_start3A_69 = tpu.memref_slice %arg7[%dma_start3A_65, %dma_start3A_67, %dma_start3A_68] : memref<2x256x128xf32, #tpu.memory_space<vmem>> -> memref<1x128x128xf32, #tpu.memory_space<vmem>>
    %dma_start3A_70 = tpu.memref_squeeze %dma_start3A_69 : memref<1x128x128xf32, #tpu.memory_space<vmem>> -> memref<128x128xf32, #tpu.memory_space<vmem>>
    %dma_start3A_71 = arith.constant 0 : i32
    %dma_start3A_72 = tpu.memref_slice %arg6[%dma_start3A_64, %dma_start3A_71] : memref<2x256xi32, #tpu.memory_space<vmem>> -> memref<1x128xi32, #tpu.memory_space<vmem>>
    %dma_start3A_73 = tpu.memref_squeeze %dma_start3A_72 : memref<1x128xi32, #tpu.memory_space<vmem>> -> memref<128xi32, #tpu.memory_space<vmem>>
    %dma_start3A_74 = arith.constant 0 : i32
    %dma_start3A_75 = arith.constant 0 : i32
    %dma_start3A_76 = tpu.memref_slice %arg4[%dma_start3A_74, %dma_start3A_75] : memref<40000x128xf32, #tpu.memory_space<hbm>> -> memref<40000x128xf32, #tpu.memory_space<hbm>>
    %dma_start3A_77 = tpu.memref_slice %arg10[%dma_start3A_66] : memref<2x!tpu.dma_semaphore, #tpu.memory_space<semaphore_mem>> -> memref<1x!tpu.dma_semaphore, #tpu.memory_space<semaphore_mem>>
    %dma_start3A_78 = tpu.memref_squeeze %dma_start3A_77 : memref<1x!tpu.dma_semaphore, #tpu.memory_space<semaphore_mem>> -> memref<!tpu.dma_semaphore, #tpu.memory_space<semaphore_mem>>
    tpu.enqueue_indirect_dma source(%dma_start3A_76 : memref<40000x128xf32, #tpu.memory_space<hbm>>) target(%dma_start3A_70 : memref<128x128xf32, #tpu.memory_space<vmem>>) offsets(%dma_start3A_73 : memref<128xi32, #tpu.memory_space<vmem>>) semaphore(%dma_start3A_78 : memref<!tpu.dma_semaphore, #tpu.memory_space<semaphore_mem>>)
    %dma_start3A_79 = arith.constant 1 : i32
    %dma_start3A_80 = arith.constant 1 : i32
    %dma_start3A_81 = arith.constant 1 : i32
    %dma_start3A_82 = arith.constant 128 : i32
    %dma_start3A_83 = arith.constant 0 : i32
    %dma_start3A_84 = tpu.memref_slice %arg7[%dma_start3A_80, %dma_start3A_82, %dma_start3A_83] : memref<2x256x128xf32, #tpu.memory_space<vmem>> -> memref<1x128x128xf32, #tpu.memory_space<vmem>>
    %dma_start3A_85 = tpu.memref_squeeze %dma_start3A_84 : memref<1x128x128xf32, #tpu.memory_space<vmem>> -> memref<128x128xf32, #tpu.memory_space<vmem>>
    %dma_start3A_86 = arith.constant 128 : i32
    %dma_start3A_87 = tpu.memref_slice %arg6[%dma_start3A_79, %dma_start3A_86] : memref<2x256xi32, #tpu.memory_space<vmem>> -> memref<1x128xi32, #tpu.memory_space<vmem>>
    %dma_start3A_88 = tpu.memref_squeeze %dma_start3A_87 : memref<1x128xi32, #tpu.memory_space<vmem>> -> memref<128xi32, #tpu.memory_space<vmem>>
    %dma_start3A_89 = arith.constant 0 : i32
    %dma_start3A_90 = arith.constant 0 : i32
    %dma_start3A_91 = tpu.memref_slice %arg4[%dma_start3A_89, %dma_start3A_90] : memref<40000x128xf32, #tpu.memory_space<hbm>> -> memref<40000x128xf32, #tpu.memory_space<hbm>>
    %dma_start3A_92 = tpu.memref_slice %arg10[%dma_start3A_81] : memref<2x!tpu.dma_semaphore, #tpu.memory_space<semaphore_mem>> -> memref<1x!tpu.dma_semaphore, #tpu.memory_space<semaphore_mem>>
    %dma_start3A_93 = tpu.memref_squeeze %dma_start3A_92 : memref<1x!tpu.dma_semaphore, #tpu.memory_space<semaphore_mem>> -> memref<!tpu.dma_semaphore, #tpu.memory_space<semaphore_mem>>
    tpu.enqueue_indirect_dma source(%dma_start3A_91 : memref<40000x128xf32, #tpu.memory_space<hbm>>) target(%dma_start3A_85 : memref<128x128xf32, #tpu.memory_space<vmem>>) offsets(%dma_start3A_88 : memref<128xi32, #tpu.memory_space<vmem>>) semaphore(%dma_start3A_93 : memref<!tpu.dma_semaphore, #tpu.memory_space<semaphore_mem>>)
    %dma_start3A_94 = arith.constant 1 : i32
    %dma_start3A_95 = arith.constant 1 : i32
    %dma_start3A_96 = arith.constant 0 : i32
    %dma_start3A_97 = arith.constant 0 : i32
    %dma_start3A_98 = tpu.memref_slice %arg8[%dma_start3A_94, %dma_start3A_96, %dma_start3A_97] : memref<2x64x100xf32, #tpu.memory_space<vmem>> -> memref<1x64x100xf32, #tpu.memory_space<vmem>>
    %dma_start3A_99 = tpu.memref_squeeze %dma_start3A_98 : memref<1x64x100xf32, #tpu.memory_space<vmem>> -> memref<64x100xf32, #tpu.memory_space<vmem>>
    %dma_start3A_100 = arith.constant 0 : i32
    %dma_start3A_101 = tpu.memref_slice %arg3[%add3A_60, %dma_start3A_100] : memref<16384x100xf32, #tpu.memory_space<hbm>> -> memref<64x100xf32, #tpu.memory_space<hbm>>
    %dma_start3A_102 = tpu.memref_slice %arg10[%dma_start3A_95] : memref<2x!tpu.dma_semaphore, #tpu.memory_space<semaphore_mem>> -> memref<1x!tpu.dma_semaphore, #tpu.memory_space<semaphore_mem>>
    %dma_start3A_103 = tpu.memref_squeeze %dma_start3A_102 : memref<1x!tpu.dma_semaphore, #tpu.memory_space<semaphore_mem>> -> memref<!tpu.dma_semaphore, #tpu.memory_space<semaphore_mem>>
    %dma_start3A_104 = arith.constant 0 : i32
    %dma_start3A_105 = arith.constant 0 : i32
    %dma_start3A_106 = tpu.memref_slice %arg8[%dma_start3A_94, %dma_start3A_104, %dma_start3A_105] : memref<2x64x100xf32, #tpu.memory_space<vmem>> -> memref<1x64x100xf32, #tpu.memory_space<vmem>>
    %dma_start3A_107 = tpu.memref_squeeze %dma_start3A_106 : memref<1x64x100xf32, #tpu.memory_space<vmem>> -> memref<64x100xf32, #tpu.memory_space<vmem>>
    %dma_start3A_108 = arith.constant 0 : i32
    %dma_start3A_109 = tpu.memref_slice %arg3[%add3A_60, %dma_start3A_108] : memref<16384x100xf32, #tpu.memory_space<hbm>> -> memref<64x100xf32, #tpu.memory_space<hbm>>
    tpu.enqueue_dma source(%dma_start3A_109 : memref<64x100xf32, #tpu.memory_space<hbm>>) target(%dma_start3A_107 : memref<64x100xf32, #tpu.memory_space<vmem>>) target_semaphore(%dma_start3A_103 : memref<!tpu.dma_semaphore, #tpu.memory_space<semaphore_mem>>)
    %dma_wait3A = arith.constant 0 : i32
    %dma_wait3A_110 = arith.constant 0 : i32
    %dma_wait3A_111 = arith.constant 0 : i32
    %dma_wait3A_112 = arith.constant 0 : i32
    %dma_wait3A_113 = arith.constant 0 : i32
    %dma_wait3A_114 = tpu.memref_slice %arg7[%dma_wait3A_110, %dma_wait3A_112, %dma_wait3A_113] : memref<2x256x128xf32, #tpu.memory_space<vmem>> -> memref<1x128x128xf32, #tpu.memory_space<vmem>>
    %dma_wait3A_115 = tpu.memref_squeeze %dma_wait3A_114 : memref<1x128x128xf32, #tpu.memory_space<vmem>> -> memref<128x128xf32, #tpu.memory_space<vmem>>
    %dma_wait3A_116 = arith.constant 0 : i32
    %dma_wait3A_117 = tpu.memref_slice %arg6[%dma_wait3A, %dma_wait3A_116] : memref<2x256xi32, #tpu.memory_space<vmem>> -> memref<1x128xi32, #tpu.memory_space<vmem>>
    %dma_wait3A_118 = tpu.memref_squeeze %dma_wait3A_117 : memref<1x128xi32, #tpu.memory_space<vmem>> -> memref<128xi32, #tpu.memory_space<vmem>>
    %dma_wait3A_119 = arith.constant 0 : i32
    %dma_wait3A_120 = arith.constant 0 : i32
    %dma_wait3A_121 = tpu.memref_slice %arg4[%dma_wait3A_119, %dma_wait3A_120] : memref<40000x128xf32, #tpu.memory_space<hbm>> -> memref<40000x128xf32, #tpu.memory_space<hbm>>
    %dma_wait3A_122 = tpu.memref_slice %arg10[%dma_wait3A_111] : memref<2x!tpu.dma_semaphore, #tpu.memory_space<semaphore_mem>> -> memref<1x!tpu.dma_semaphore, #tpu.memory_space<semaphore_mem>>
    %dma_wait3A_123 = tpu.memref_squeeze %dma_wait3A_122 : memref<1x!tpu.dma_semaphore, #tpu.memory_space<semaphore_mem>> -> memref<!tpu.dma_semaphore, #tpu.memory_space<semaphore_mem>>
    tpu.wait_indirect_dma semaphore(%dma_wait3A_123 : memref<!tpu.dma_semaphore, #tpu.memory_space<semaphore_mem>>) src(%dma_wait3A_121 : memref<40000x128xf32, #tpu.memory_space<hbm>>) dst(%dma_wait3A_115 : memref<128x128xf32, #tpu.memory_space<vmem>>)
    %dma_wait3A_124 = arith.constant 0 : i32
    %dma_wait3A_125 = arith.constant 0 : i32
    %dma_wait3A_126 = arith.constant 0 : i32
    %dma_wait3A_127 = arith.constant 128 : i32
    %dma_wait3A_128 = arith.constant 0 : i32
    %dma_wait3A_129 = tpu.memref_slice %arg7[%dma_wait3A_125, %dma_wait3A_127, %dma_wait3A_128] : memref<2x256x128xf32, #tpu.memory_space<vmem>> -> memref<1x128x128xf32, #tpu.memory_space<vmem>>
    %dma_wait3A_130 = tpu.memref_squeeze %dma_wait3A_129 : memref<1x128x128xf32, #tpu.memory_space<vmem>> -> memref<128x128xf32, #tpu.memory_space<vmem>>
    %dma_wait3A_131 = arith.constant 128 : i32
    %dma_wait3A_132 = tpu.memref_slice %arg6[%dma_wait3A_124, %dma_wait3A_131] : memref<2x256xi32, #tpu.memory_space<vmem>> -> memref<1x128xi32, #tpu.memory_space<vmem>>
    %dma_wait3A_133 = tpu.memref_squeeze %dma_wait3A_132 : memref<1x128xi32, #tpu.memory_space<vmem>> -> memref<128xi32, #tpu.memory_space<vmem>>
    %dma_wait3A_134 = arith.constant 0 : i32
    %dma_wait3A_135 = arith.constant 0 : i32
    %dma_wait3A_136 = tpu.memref_slice %arg4[%dma_wait3A_134, %dma_wait3A_135] : memref<40000x128xf32, #tpu.memory_space<hbm>> -> memref<40000x128xf32, #tpu.memory_space<hbm>>
    %dma_wait3A_137 = tpu.memref_slice %arg10[%dma_wait3A_126] : memref<2x!tpu.dma_semaphore, #tpu.memory_space<semaphore_mem>> -> memref<1x!tpu.dma_semaphore, #tpu.memory_space<semaphore_mem>>
    %dma_wait3A_138 = tpu.memref_squeeze %dma_wait3A_137 : memref<1x!tpu.dma_semaphore, #tpu.memory_space<semaphore_mem>> -> memref<!tpu.dma_semaphore, #tpu.memory_space<semaphore_mem>>
    tpu.wait_indirect_dma semaphore(%dma_wait3A_138 : memref<!tpu.dma_semaphore, #tpu.memory_space<semaphore_mem>>) src(%dma_wait3A_136 : memref<40000x128xf32, #tpu.memory_space<hbm>>) dst(%dma_wait3A_130 : memref<128x128xf32, #tpu.memory_space<vmem>>)
    %dma_wait3A_139 = arith.constant 0 : i32
    %dma_wait3A_140 = arith.constant 0 : i32
    %dma_wait3A_141 = arith.constant 0 : i32
    %dma_wait3A_142 = arith.constant 0 : i32
    %dma_wait3A_143 = tpu.memref_slice %arg8[%dma_wait3A_139, %dma_wait3A_141, %dma_wait3A_142] : memref<2x64x100xf32, #tpu.memory_space<vmem>> -> memref<1x64x100xf32, #tpu.memory_space<vmem>>
    %dma_wait3A_144 = tpu.memref_squeeze %dma_wait3A_143 : memref<1x64x100xf32, #tpu.memory_space<vmem>> -> memref<64x100xf32, #tpu.memory_space<vmem>>
    %dma_wait3A_145 = arith.constant 0 : i32
    %dma_wait3A_146 = tpu.memref_slice %arg3[%add3A_9, %dma_wait3A_145] : memref<16384x100xf32, #tpu.memory_space<hbm>> -> memref<64x100xf32, #tpu.memory_space<hbm>>
    %dma_wait3A_147 = tpu.memref_slice %arg10[%dma_wait3A_140] : memref<2x!tpu.dma_semaphore, #tpu.memory_space<semaphore_mem>> -> memref<1x!tpu.dma_semaphore, #tpu.memory_space<semaphore_mem>>
    %dma_wait3A_148 = tpu.memref_squeeze %dma_wait3A_147 : memref<1x!tpu.dma_semaphore, #tpu.memory_space<semaphore_mem>> -> memref<!tpu.dma_semaphore, #tpu.memory_space<semaphore_mem>>
    %dma_wait3A_149 = arith.constant 0 : i32
    %dma_wait3A_150 = arith.constant 0 : i32
    %dma_wait3A_151 = tpu.memref_slice %arg8[%dma_wait3A_139, %dma_wait3A_149, %dma_wait3A_150] : memref<2x64x100xf32, #tpu.memory_space<vmem>> -> memref<1x64x100xf32, #tpu.memory_space<vmem>>
    %dma_wait3A_152 = tpu.memref_squeeze %dma_wait3A_151 : memref<1x64x100xf32, #tpu.memory_space<vmem>> -> memref<64x100xf32, #tpu.memory_space<vmem>>
    %dma_wait3A_153 = arith.constant 0 : i32
    %dma_wait3A_154 = tpu.memref_slice %arg3[%add3A_9, %dma_wait3A_153] : memref<16384x100xf32, #tpu.memory_space<hbm>> -> memref<64x100xf32, #tpu.memory_space<hbm>>
    tpu.wait_dma2 semaphore(%dma_wait3A_148 : memref<!tpu.dma_semaphore, #tpu.memory_space<semaphore_mem>>) src(%dma_wait3A_154 : memref<64x100xf32, #tpu.memory_space<hbm>>) dst(%dma_wait3A_152 : memref<64x100xf32, #tpu.memory_space<vmem>>)
    %scan3A = arith.constant 0 : i32
    %scan3A_155 = arith.constant 64 : i32
    %scan3A_156 = arith.addi %scan3A, %scan3A_155 : i32
    %scan3A_157 = arith.constant 1 : i32
    %scan3A_158 = scf.for %scan3A_903 = %scan3A to %scan3A_156 step %scan3A_157 iter_args(%scan3A_904 = %broadcast_in_dim3A_5) -> (vector<16xf32>)  : i32 {
      %mul3A_905 = arith.constant 4 : i32
      %mul3A_906 = arith.muli %mul3A_905, %scan3A_903 : i32
      %get3A = arith.constant 0 : i32
      %get3A_907 = arith.index_cast %get3A : i32 to index
      %get3A_908 = arith.index_cast %mul3A_906 : i32 to index
      %get3A_909 = arith.constant 0 : index
      %get3A_910 = tpu.vector_load %arg7[%get3A_907, %get3A_908, %get3A_909] {strides = array<i32>} : memref<2x256x128xf32, #tpu.memory_space<vmem>>, vector<1x1x16xf32>,
      %get3A_911 = vector.shape_cast %get3A_910 : vector<1x1x16xf32> to vector<16xf32>
      %add3A_912 = arith.constant 1 : i32
      %add3A_913 = arith.addi %mul3A_906, %add3A_912 : i32
      %get3A_914 = arith.constant 0 : i32
      %get3A_915 = arith.index_cast %get3A_914 : i32 to index
      %get3A_916 = arith.index_cast %add3A_913 : i32 to index
      %get3A_917 = arith.constant 0 : index
      %get3A_918 = tpu.vector_load %arg7[%get3A_915, %get3A_916, %get3A_917] {strides = array<i32>} : memref<2x256x128xf32, #tpu.memory_space<vmem>>, vector<1x1x16xf32>,
      %get3A_919 = vector.shape_cast %get3A_918 : vector<1x1x16xf32> to vector<16xf32>
      %add3A_920 = arith.addf %get3A_911, %get3A_919 : vector<16xf32>
      %add3A_921 = arith.constant 2 : i32
      %add3A_922 = arith.addi %mul3A_906, %add3A_921 : i32
      %get3A_923 = arith.constant 0 : i32
      %get3A_924 = arith.index_cast %get3A_923 : i32 to index
      %get3A_925 = arith.index_cast %add3A_922 : i32 to index
      %get3A_926 = arith.constant 0 : index
      %get3A_927 = tpu.vector_load %arg7[%get3A_924, %get3A_925, %get3A_926] {strides = array<i32>} : memref<2x256x128xf32, #tpu.memory_space<vmem>>, vector<1x1x16xf32>,
      %get3A_928 = vector.shape_cast %get3A_927 : vector<1x1x16xf32> to vector<16xf32>
      %add3A_929 = arith.constant 3 : i32
      %add3A_930 = arith.addi %mul3A_906, %add3A_929 : i32
      %get3A_931 = arith.constant 0 : i32
      %get3A_932 = arith.index_cast %get3A_931 : i32 to index
      %get3A_933 = arith.index_cast %add3A_930 : i32 to index
      %get3A_934 = arith.constant 0 : index
      %get3A_935 = tpu.vector_load %arg7[%get3A_932, %get3A_933, %get3A_934] {strides = array<i32>} : memref<2x256x128xf32, #tpu.memory_space<vmem>>, vector<1x1x16xf32>,
      %get3A_936 = vector.shape_cast %get3A_935 : vector<1x1x16xf32> to vector<16xf32>
      %add3A_937 = arith.addf %get3A_928, %get3A_936 : vector<16xf32>
      %add3A_938 = arith.addf %add3A_920, %add3A_937 : vector<16xf32>
      %get3A_939 = arith.constant 0 : i32
      %get3A_940 = arith.index_cast %get3A_939 : i32 to index
      %get3A_941 = arith.index_cast %scan3A_903 : i32 to index
      %get3A_942 = arith.constant 0 : index
      %get3A_943 = tpu.vector_load %arg8[%get3A_940, %get3A_941, %get3A_942] {strides = array<i32>} : memref<2x64x100xf32, #tpu.memory_space<vmem>>, vector<1x1x16xf32>,
      %get3A_944 = vector.shape_cast %get3A_943 : vector<1x1x16xf32> to vector<16xf32>
      %sub3A = arith.subf %add3A_938, %get3A_944 : vector<16xf32>
      %mul3A_945 = arith.mulf %sub3A, %sub3A : vector<16xf32>
      %add3A_946 = arith.addf %scan3A_904, %mul3A_945 : vector<16xf32>
      %get3A_947 = arith.constant 0 : i32
      %get3A_948 = arith.index_cast %get3A_947 : i32 to index
      %get3A_949 = arith.index_cast %mul3A_906 : i32 to index
      %get3A_950 = arith.constant 16 : index
      %get3A_951 = tpu.vector_load %arg7[%get3A_948, %get3A_949, %get3A_950] {strides = array<i32>} : memref<2x256x128xf32, #tpu.memory_space<vmem>>, vector<1x1x16xf32>,
      %get3A_952 = vector.shape_cast %get3A_951 : vector<1x1x16xf32> to vector<16xf32>
      %add3A_953 = arith.constant 1 : i32
      %add3A_954 = arith.addi %mul3A_906, %add3A_953 : i32
      %get3A_955 = arith.constant 0 : i32
      %get3A_956 = arith.index_cast %get3A_955 : i32 to index
      %get3A_957 = arith.index_cast %add3A_954 : i32 to index
      %get3A_958 = arith.constant 16 : index
      %get3A_959 = tpu.vector_load %arg7[%get3A_956, %get3A_957, %get3A_958] {strides = array<i32>} : memref<2x256x128xf32, #tpu.memory_space<vmem>>, vector<1x1x16xf32>,
      %get3A_960 = vector.shape_cast %get3A_959 : vector<1x1x16xf32> to vector<16xf32>
      %add3A_961 = arith.addf %get3A_952, %get3A_960 : vector<16xf32>
      %add3A_962 = arith.constant 2 : i32
      %add3A_963 = arith.addi %mul3A_906, %add3A_962 : i32
      %get3A_964 = arith.constant 0 : i32
      %get3A_965 = arith.index_cast %get3A_964 : i32 to index
      %get3A_966 = arith.index_cast %add3A_963 : i32 to index
      %get3A_967 = arith.constant 16 : index
      %get3A_968 = tpu.vector_load %arg7[%get3A_965, %get3A_966, %get3A_967] {strides = array<i32>} : memref<2x256x128xf32, #tpu.memory_space<vmem>>, vector<1x1x16xf32>,
      %get3A_969 = vector.shape_cast %get3A_968 : vector<1x1x16xf32> to vector<16xf32>
      %add3A_970 = arith.constant 3 : i32
      %add3A_971 = arith.addi %mul3A_906, %add3A_970 : i32
      %get3A_972 = arith.constant 0 : i32
      %get3A_973 = arith.index_cast %get3A_972 : i32 to index
      %get3A_974 = arith.index_cast %add3A_971 : i32 to index
      %get3A_975 = arith.constant 16 : index
      %get3A_976 = tpu.vector_load %arg7[%get3A_973, %get3A_974, %get3A_975] {strides = array<i32>} : memref<2x256x128xf32, #tpu.memory_space<vmem>>, vector<1x1x16xf32>,
      %get3A_977 = vector.shape_cast %get3A_976 : vector<1x1x16xf32> to vector<16xf32>
      %add3A_978 = arith.addf %get3A_969, %get3A_977 : vector<16xf32>
      %add3A_979 = arith.addf %add3A_961, %add3A_978 : vector<16xf32>
      %get3A_980 = arith.constant 0 : i32
      %get3A_981 = arith.index_cast %get3A_980 : i32 to index
      %get3A_982 = arith.index_cast %scan3A_903 : i32 to index
      %get3A_983 = arith.constant 16 : index
      %get3A_984 = tpu.vector_load %arg8[%get3A_981, %get3A_982, %get3A_983] {strides = array<i32>} : memref<2x64x100xf32, #tpu.memory_space<vmem>>, vector<1x1x16xf32>,
      %get3A_985 = vector.shape_cast %get3A_984 : vector<1x1x16xf32> to vector<16xf32>
      %sub3A_986 = arith.subf %add3A_979, %get3A_985 : vector<16xf32>
      %mul3A_987 = arith.mulf %sub3A_986, %sub3A_986 : vector<16xf32>
      %add3A_988 = arith.addf %add3A_946, %mul3A_987 : vector<16xf32>
      %get3A_989 = arith.constant 0 : i32
      %get3A_990 = arith.index_cast %get3A_989 : i32 to index
      %get3A_991 = arith.index_cast %mul3A_906 : i32 to index
      %get3A_992 = arith.constant 32 : index
      %get3A_993 = tpu.vector_load %arg7[%get3A_990, %get3A_991, %get3A_992] {strides = array<i32>} : memref<2x256x128xf32, #tpu.memory_space<vmem>>, vector<1x1x16xf32>,
      %get3A_994 = vector.shape_cast %get3A_993 : vector<1x1x16xf32> to vector<16xf32>
      %add3A_995 = arith.constant 1 : i32
      %add3A_996 = arith.addi %mul3A_906, %add3A_995 : i32
      %get3A_997 = arith.constant 0 : i32
      %get3A_998 = arith.index_cast %get3A_997 : i32 to index
      %get3A_999 = arith.index_cast %add3A_996 : i32 to index
      %get3A_1000 = arith.constant 32 : index
      %get3A_1001 = tpu.vector_load %arg7[%get3A_998, %get3A_999, %get3A_1000] {strides = array<i32>} : memref<2x256x128xf32, #tpu.memory_space<vmem>>, vector<1x1x16xf32>,
      %get3A_1002 = vector.shape_cast %get3A_1001 : vector<1x1x16xf32> to vector<16xf32>
      %add3A_1003 = arith.addf %get3A_994, %get3A_1002 : vector<16xf32>
      %add3A_1004 = arith.constant 2 : i32
      %add3A_1005 = arith.addi %mul3A_906, %add3A_1004 : i32
      %get3A_1006 = arith.constant 0 : i32
      %get3A_1007 = arith.index_cast %get3A_1006 : i32 to index
      %get3A_1008 = arith.index_cast %add3A_1005 : i32 to index
      %get3A_1009 = arith.constant 32 : index
      %get3A_1010 = tpu.vector_load %arg7[%get3A_1007, %get3A_1008, %get3A_1009] {strides = array<i32>} : memref<2x256x128xf32, #tpu.memory_space<vmem>>, vector<1x1x16xf32>,
      %get3A_1011 = vector.shape_cast %get3A_1010 : vector<1x1x16xf32> to vector<16xf32>
      %add3A_1012 = arith.constant 3 : i32
      %add3A_1013 = arith.addi %mul3A_906, %add3A_1012 : i32
      %get3A_1014 = arith.constant 0 : i32
      %get3A_1015 = arith.index_cast %get3A_1014 : i32 to index
      %get3A_1016 = arith.index_cast %add3A_1013 : i32 to index
      %get3A_1017 = arith.constant 32 : index
      %get3A_1018 = tpu.vector_load %arg7[%get3A_1015, %get3A_1016, %get3A_1017] {strides = array<i32>} : memref<2x256x128xf32, #tpu.memory_space<vmem>>, vector<1x1x16xf32>,
      %get3A_1019 = vector.shape_cast %get3A_1018 : vector<1x1x16xf32> to vector<16xf32>
      %add3A_1020 = arith.addf %get3A_1011, %get3A_1019 : vector<16xf32>
      %add3A_1021 = arith.addf %add3A_1003, %add3A_1020 : vector<16xf32>
      %get3A_1022 = arith.constant 0 : i32
      %get3A_1023 = arith.index_cast %get3A_1022 : i32 to index
      %get3A_1024 = arith.index_cast %scan3A_903 : i32 to index
      %get3A_1025 = arith.constant 32 : index
      %get3A_1026 = tpu.vector_load %arg8[%get3A_1023, %get3A_1024, %get3A_1025] {strides = array<i32>} : memref<2x64x100xf32, #tpu.memory_space<vmem>>, vector<1x1x16xf32>,
      %get3A_1027 = vector.shape_cast %get3A_1026 : vector<1x1x16xf32> to vector<16xf32>
      %sub3A_1028 = arith.subf %add3A_1021, %get3A_1027 : vector<16xf32>
      %mul3A_1029 = arith.mulf %sub3A_1028, %sub3A_1028 : vector<16xf32>
      %add3A_1030 = arith.addf %add3A_988, %mul3A_1029 : vector<16xf32>
      %get3A_1031 = arith.constant 0 : i32
      %get3A_1032 = arith.index_cast %get3A_1031 : i32 to index
      %get3A_1033 = arith.index_cast %mul3A_906 : i32 to index
      %get3A_1034 = arith.constant 48 : index
      %get3A_1035 = tpu.vector_load %arg7[%get3A_1032, %get3A_1033, %get3A_1034] {strides = array<i32>} : memref<2x256x128xf32, #tpu.memory_space<vmem>>, vector<1x1x16xf32>,
      %get3A_1036 = vector.shape_cast %get3A_1035 : vector<1x1x16xf32> to vector<16xf32>
      %add3A_1037 = arith.constant 1 : i32
      %add3A_1038 = arith.addi %mul3A_906, %add3A_1037 : i32
      %get3A_1039 = arith.constant 0 : i32
      %get3A_1040 = arith.index_cast %get3A_1039 : i32 to index
      %get3A_1041 = arith.index_cast %add3A_1038 : i32 to index
      %get3A_1042 = arith.constant 48 : index
      %get3A_1043 = tpu.vector_load %arg7[%get3A_1040, %get3A_1041, %get3A_1042] {strides = array<i32>} : memref<2x256x128xf32, #tpu.memory_space<vmem>>, vector<1x1x16xf32>,
      %get3A_1044 = vector.shape_cast %get3A_1043 : vector<1x1x16xf32> to vector<16xf32>
      %add3A_1045 = arith.addf %get3A_1036, %get3A_1044 : vector<16xf32>
      %add3A_1046 = arith.constant 2 : i32
      %add3A_1047 = arith.addi %mul3A_906, %add3A_1046 : i32
      %get3A_1048 = arith.constant 0 : i32
      %get3A_1049 = arith.index_cast %get3A_1048 : i32 to index
      %get3A_1050 = arith.index_cast %add3A_1047 : i32 to index
      %get3A_1051 = arith.constant 48 : index
      %get3A_1052 = tpu.vector_load %arg7[%get3A_1049, %get3A_1050, %get3A_1051] {strides = array<i32>} : memref<2x256x128xf32, #tpu.memory_space<vmem>>, vector<1x1x16xf32>,
      %get3A_1053 = vector.shape_cast %get3A_1052 : vector<1x1x16xf32> to vector<16xf32>
      %add3A_1054 = arith.constant 3 : i32
      %add3A_1055 = arith.addi %mul3A_906, %add3A_1054 : i32
      %get3A_1056 = arith.constant 0 : i32
      %get3A_1057 = arith.index_cast %get3A_1056 : i32 to index
      %get3A_1058 = arith.index_cast %add3A_1055 : i32 to index
      %get3A_1059 = arith.constant 48 : index
      %get3A_1060 = tpu.vector_load %arg7[%get3A_1057, %get3A_1058, %get3A_1059] {strides = array<i32>} : memref<2x256x128xf32, #tpu.memory_space<vmem>>, vector<1x1x16xf32>,
      %get3A_1061 = vector.shape_cast %get3A_1060 : vector<1x1x16xf32> to vector<16xf32>
      %add3A_1062 = arith.addf %get3A_1053, %get3A_1061 : vector<16xf32>
      %add3A_1063 = arith.addf %add3A_1045, %add3A_1062 : vector<16xf32>
      %get3A_1064 = arith.constant 0 : i32
      %get3A_1065 = arith.index_cast %get3A_1064 : i32 to index
      %get3A_1066 = arith.index_cast %scan3A_903 : i32 to index
      %get3A_1067 = arith.constant 48 : index
      %get3A_1068 = tpu.vector_load %arg8[%get3A_1065, %get3A_1066, %get3A_1067] {strides = array<i32>} : memref<2x64x100xf32, #tpu.memory_space<vmem>>, vector<1x1x16xf32>,
      %get3A_1069 = vector.shape_cast %get3A_1068 : vector<1x1x16xf32> to vector<16xf32>
      %sub3A_1070 = arith.subf %add3A_1063, %get3A_1069 : vector<16xf32>
      %mul3A_1071 = arith.mulf %sub3A_1070, %sub3A_1070 : vector<16xf32>
      %add3A_1072 = arith.addf %add3A_1030, %mul3A_1071 : vector<16xf32>
      %get3A_1073 = arith.constant 0 : i32
      %get3A_1074 = arith.index_cast %get3A_1073 : i32 to index
      %get3A_1075 = arith.index_cast %mul3A_906 : i32 to index
      %get3A_1076 = arith.constant 64 : index
      %get3A_1077 = tpu.vector_load %arg7[%get3A_1074, %get3A_1075, %get3A_1076] {strides = array<i32>} : memref<2x256x128xf32, #tpu.memory_space<vmem>>, vector<1x1x16xf32>,
      %get3A_1078 = vector.shape_cast %get3A_1077 : vector<1x1x16xf32> to vector<16xf32>
      %add3A_1079 = arith.constant 1 : i32
      %add3A_1080 = arith.addi %mul3A_906, %add3A_1079 : i32
      %get3A_1081 = arith.constant 0 : i32
      %get3A_1082 = arith.index_cast %get3A_1081 : i32 to index
      %get3A_1083 = arith.index_cast %add3A_1080 : i32 to index
      %get3A_1084 = arith.constant 64 : index
      %get3A_1085 = tpu.vector_load %arg7[%get3A_1082, %get3A_1083, %get3A_1084] {strides = array<i32>} : memref<2x256x128xf32, #tpu.memory_space<vmem>>, vector<1x1x16xf32>,
      %get3A_1086 = vector.shape_cast %get3A_1085 : vector<1x1x16xf32> to vector<16xf32>
      %add3A_1087 = arith.addf %get3A_1078, %get3A_1086 : vector<16xf32>
      %add3A_1088 = arith.constant 2 : i32
      %add3A_1089 = arith.addi %mul3A_906, %add3A_1088 : i32
      %get3A_1090 = arith.constant 0 : i32
      %get3A_1091 = arith.index_cast %get3A_1090 : i32 to index
      %get3A_1092 = arith.index_cast %add3A_1089 : i32 to index
      %get3A_1093 = arith.constant 64 : index
      %get3A_1094 = tpu.vector_load %arg7[%get3A_1091, %get3A_1092, %get3A_1093] {strides = array<i32>} : memref<2x256x128xf32, #tpu.memory_space<vmem>>, vector<1x1x16xf32>,
      %get3A_1095 = vector.shape_cast %get3A_1094 : vector<1x1x16xf32> to vector<16xf32>
      %add3A_1096 = arith.constant 3 : i32
      %add3A_1097 = arith.addi %mul3A_906, %add3A_1096 : i32
      %get3A_1098 = arith.constant 0 : i32
      %get3A_1099 = arith.index_cast %get3A_1098 : i32 to index
      %get3A_1100 = arith.index_cast %add3A_1097 : i32 to index
      %get3A_1101 = arith.constant 64 : index
      %get3A_1102 = tpu.vector_load %arg7[%get3A_1099, %get3A_1100, %get3A_1101] {strides = array<i32>} : memref<2x256x128xf32, #tpu.memory_space<vmem>>, vector<1x1x16xf32>,
      %get3A_1103 = vector.shape_cast %get3A_1102 : vector<1x1x16xf32> to vector<16xf32>
      %add3A_1104 = arith.addf %get3A_1095, %get3A_1103 : vector<16xf32>
      %add3A_1105 = arith.addf %add3A_1087, %add3A_1104 : vector<16xf32>
      %get3A_1106 = arith.constant 0 : i32
      %get3A_1107 = arith.index_cast %get3A_1106 : i32 to index
      %get3A_1108 = arith.index_cast %scan3A_903 : i32 to index
      %get3A_1109 = arith.constant 64 : index
      %get3A_1110 = tpu.vector_load %arg8[%get3A_1107, %get3A_1108, %get3A_1109] {strides = array<i32>} : memref<2x64x100xf32, #tpu.memory_space<vmem>>, vector<1x1x16xf32>,
      %get3A_1111 = vector.shape_cast %get3A_1110 : vector<1x1x16xf32> to vector<16xf32>
      %sub3A_1112 = arith.subf %add3A_1105, %get3A_1111 : vector<16xf32>
      %mul3A_1113 = arith.mulf %sub3A_1112, %sub3A_1112 : vector<16xf32>
      %add3A_1114 = arith.addf %add3A_1072, %mul3A_1113 : vector<16xf32>
      %get3A_1115 = arith.constant 0 : i32
      %get3A_1116 = arith.index_cast %get3A_1115 : i32 to index
      %get3A_1117 = arith.index_cast %mul3A_906 : i32 to index
      %get3A_1118 = arith.constant 80 : index
      %get3A_1119 = tpu.vector_load %arg7[%get3A_1116, %get3A_1117, %get3A_1118] {strides = array<i32>} : memref<2x256x128xf32, #tpu.memory_space<vmem>>, vector<1x1x16xf32>,
      %get3A_1120 = vector.shape_cast %get3A_1119 : vector<1x1x16xf32> to vector<16xf32>
      %add3A_1121 = arith.constant 1 : i32
      %add3A_1122 = arith.addi %mul3A_906, %add3A_1121 : i32
      %get3A_1123 = arith.constant 0 : i32
      %get3A_1124 = arith.index_cast %get3A_1123 : i32 to index
      %get3A_1125 = arith.index_cast %add3A_1122 : i32 to index
      %get3A_1126 = arith.constant 80 : index
      %get3A_1127 = tpu.vector_load %arg7[%get3A_1124, %get3A_1125, %get3A_1126] {strides = array<i32>} : memref<2x256x128xf32, #tpu.memory_space<vmem>>, vector<1x1x16xf32>,
      %get3A_1128 = vector.shape_cast %get3A_1127 : vector<1x1x16xf32> to vector<16xf32>
      %add3A_1129 = arith.addf %get3A_1120, %get3A_1128 : vector<16xf32>
      %add3A_1130 = arith.constant 2 : i32
      %add3A_1131 = arith.addi %mul3A_906, %add3A_1130 : i32
      %get3A_1132 = arith.constant 0 : i32
      %get3A_1133 = arith.index_cast %get3A_1132 : i32 to index
      %get3A_1134 = arith.index_cast %add3A_1131 : i32 to index
      %get3A_1135 = arith.constant 80 : index
      %get3A_1136 = tpu.vector_load %arg7[%get3A_1133, %get3A_1134, %get3A_1135] {strides = array<i32>} : memref<2x256x128xf32, #tpu.memory_space<vmem>>, vector<1x1x16xf32>,
      %get3A_1137 = vector.shape_cast %get3A_1136 : vector<1x1x16xf32> to vector<16xf32>
      %add3A_1138 = arith.constant 3 : i32
      %add3A_1139 = arith.addi %mul3A_906, %add3A_1138 : i32
      %get3A_1140 = arith.constant 0 : i32
      %get3A_1141 = arith.index_cast %get3A_1140 : i32 to index
      %get3A_1142 = arith.index_cast %add3A_1139 : i32 to index
      %get3A_1143 = arith.constant 80 : index
      %get3A_1144 = tpu.vector_load %arg7[%get3A_1141, %get3A_1142, %get3A_1143] {strides = array<i32>} : memref<2x256x128xf32, #tpu.memory_space<vmem>>, vector<1x1x16xf32>,
      %get3A_1145 = vector.shape_cast %get3A_1144 : vector<1x1x16xf32> to vector<16xf32>
      %add3A_1146 = arith.addf %get3A_1137, %get3A_1145 : vector<16xf32>
      %add3A_1147 = arith.addf %add3A_1129, %add3A_1146 : vector<16xf32>
      %get3A_1148 = arith.constant 0 : i32
      %get3A_1149 = arith.index_cast %get3A_1148 : i32 to index
      %get3A_1150 = arith.index_cast %scan3A_903 : i32 to index
      %get3A_1151 = arith.constant 80 : index
      %get3A_1152 = tpu.vector_load %arg8[%get3A_1149, %get3A_1150, %get3A_1151] {strides = array<i32>} : memref<2x64x100xf32, #tpu.memory_space<vmem>>, vector<1x1x16xf32>,
      %get3A_1153 = vector.shape_cast %get3A_1152 : vector<1x1x16xf32> to vector<16xf32>
      %sub3A_1154 = arith.subf %add3A_1147, %get3A_1153 : vector<16xf32>
      %mul3A_1155 = arith.mulf %sub3A_1154, %sub3A_1154 : vector<16xf32>
      %add3A_1156 = arith.addf %add3A_1114, %mul3A_1155 : vector<16xf32>
      %get3A_1157 = arith.constant 0 : i32
      %get3A_1158 = arith.index_cast %get3A_1157 : i32 to index
      %get3A_1159 = arith.index_cast %mul3A_906 : i32 to index
      %get3A_1160 = arith.constant 84 : index
      %get3A_1161 = tpu.vector_load %arg7[%get3A_1158, %get3A_1159, %get3A_1160] {strides = array<i32>} : memref<2x256x128xf32, #tpu.memory_space<vmem>>, vector<1x1x16xf32>,
      %get3A_1162 = vector.shape_cast %get3A_1161 : vector<1x1x16xf32> to vector<16xf32>
      %add3A_1163 = arith.constant 1 : i32
      %add3A_1164 = arith.addi %mul3A_906, %add3A_1163 : i32
      %get3A_1165 = arith.constant 0 : i32
      %get3A_1166 = arith.index_cast %get3A_1165 : i32 to index
      %get3A_1167 = arith.index_cast %add3A_1164 : i32 to index
      %get3A_1168 = arith.constant 84 : index
      %get3A_1169 = tpu.vector_load %arg7[%get3A_1166, %get3A_1167, %get3A_1168] {strides = array<i32>} : memref<2x256x128xf32, #tpu.memory_space<vmem>>, vector<1x1x16xf32>,
      %get3A_1170 = vector.shape_cast %get3A_1169 : vector<1x1x16xf32> to vector<16xf32>
      %add3A_1171 = arith.addf %get3A_1162, %get3A_1170 : vector<16xf32>
      %add3A_1172 = arith.constant 2 : i32
      %add3A_1173 = arith.addi %mul3A_906, %add3A_1172 : i32
      %get3A_1174 = arith.constant 0 : i32
      %get3A_1175 = arith.index_cast %get3A_1174 : i32 to index
      %get3A_1176 = arith.index_cast %add3A_1173 : i32 to index
      %get3A_1177 = arith.constant 84 : index
      %get3A_1178 = tpu.vector_load %arg7[%get3A_1175, %get3A_1176, %get3A_1177] {strides = array<i32>} : memref<2x256x128xf32, #tpu.memory_space<vmem>>, vector<1x1x16xf32>,
      %get3A_1179 = vector.shape_cast %get3A_1178 : vector<1x1x16xf32> to vector<16xf32>
      %add3A_1180 = arith.constant 3 : i32
      %add3A_1181 = arith.addi %mul3A_906, %add3A_1180 : i32
      %get3A_1182 = arith.constant 0 : i32
      %get3A_1183 = arith.index_cast %get3A_1182 : i32 to index
      %get3A_1184 = arith.index_cast %add3A_1181 : i32 to index
      %get3A_1185 = arith.constant 84 : index
      %get3A_1186 = tpu.vector_load %arg7[%get3A_1183, %get3A_1184, %get3A_1185] {strides = array<i32>} : memref<2x256x128xf32, #tpu.memory_space<vmem>>, vector<1x1x16xf32>,
      %get3A_1187 = vector.shape_cast %get3A_1186 : vector<1x1x16xf32> to vector<16xf32>
      %add3A_1188 = arith.addf %get3A_1179, %get3A_1187 : vector<16xf32>
      %add3A_1189 = arith.addf %add3A_1171, %add3A_1188 : vector<16xf32>
      %get3A_1190 = arith.constant 0 : i32
      %get3A_1191 = arith.index_cast %get3A_1190 : i32 to index
      %get3A_1192 = arith.index_cast %scan3A_903 : i32 to index
      %get3A_1193 = arith.constant 84 : index
      %get3A_1194 = tpu.vector_load %arg8[%get3A_1191, %get3A_1192, %get3A_1193] {strides = array<i32>} : memref<2x64x100xf32, #tpu.memory_space<vmem>>, vector<1x1x16xf32>,
      %get3A_1195 = vector.shape_cast %get3A_1194 : vector<1x1x16xf32> to vector<16xf32>
      %sub3A_1196 = arith.subf %add3A_1189, %get3A_1195 : vector<16xf32>
      %select_n3A_1197 = arith.select %ge3A_2, %sub3A_1196, %broadcast_in_dim3A_3 : vector<16xi1>, vector<16xf32>
      %mul3A_1198 = arith.mulf %select_n3A_1197, %select_n3A_1197 : vector<16xf32>
      %add3A_1199 = arith.addf %add3A_1156, %mul3A_1198 : vector<16xf32>
      scf.yield %add3A_1199 : vector<16xf32>
    }
    %scan3A_159 = arith.constant 64 : i32
    %mul3A_160 = arith.constant 512 : i32
    %mul3A_161 = arith.muli %add3A, %mul3A_160 : i32
    %add3A_162 = arith.constant 128 : i32
    %add3A_163 = arith.addi %mul3A_161, %add3A_162 : i32
    %mul3A_164 = arith.constant 4 : i32
    %mul3A_165 = arith.muli %mul3A_164, %add3A_163 : i32
    %run_scoped3A_166 = arith.constant 0 : i32
    "tpu.region"() ({
      %run_scoped3A_903 = tpu.sem_alloc : memref<!tpu.dma_semaphore, #tpu.memory_space<semaphore_mem>>
      %dma_start3A_904 = arith.constant 0 : i32
      %dma_start3A_905 = tpu.memref_slice %arg6[%run_scoped3A_166, %dma_start3A_904] : memref<2x256xi32, #tpu.memory_space<vmem>> -> memref<1x256xi32, #tpu.memory_space<vmem>>
      %dma_start3A_906 = tpu.memref_squeeze %dma_start3A_905 : memref<1x256xi32, #tpu.memory_space<vmem>> -> memref<256xi32, #tpu.memory_space<vmem>>
      %dma_start3A_907 = tpu.memref_slice %arg2[%mul3A_165] : memref<65536xi32, #tpu.memory_space<hbm>> -> memref<256xi32, #tpu.memory_space<hbm>>
      %dma_start3A_908 = arith.constant 0 : i32
      %dma_start3A_909 = tpu.memref_slice %arg6[%run_scoped3A_166, %dma_start3A_908] : memref<2x256xi32, #tpu.memory_space<vmem>> -> memref<1x256xi32, #tpu.memory_space<vmem>>
      %dma_start3A_910 = tpu.memref_squeeze %dma_start3A_909 : memref<1x256xi32, #tpu.memory_space<vmem>> -> memref<256xi32, #tpu.memory_space<vmem>>
      %dma_start3A_911 = tpu.memref_slice %arg2[%mul3A_165] : memref<65536xi32, #tpu.memory_space<hbm>> -> memref<256xi32, #tpu.memory_space<hbm>>
      tpu.enqueue_dma source(%dma_start3A_911 : memref<256xi32, #tpu.memory_space<hbm>>) target(%dma_start3A_910 : memref<256xi32, #tpu.memory_space<vmem>>) target_semaphore(%run_scoped3A_903 : memref<!tpu.dma_semaphore, #tpu.memory_space<semaphore_mem>>)
      %dma_wait3A_912 = arith.constant 0 : i32
      %dma_wait3A_913 = tpu.memref_slice %arg6[%run_scoped3A_166, %dma_wait3A_912] : memref<2x256xi32, #tpu.memory_space<vmem>> -> memref<1x256xi32, #tpu.memory_space<vmem>>
      %dma_wait3A_914 = tpu.memref_squeeze %dma_wait3A_913 : memref<1x256xi32, #tpu.memory_space<vmem>> -> memref<256xi32, #tpu.memory_space<vmem>>
      %dma_wait3A_915 = tpu.memref_slice %arg2[%mul3A_165] : memref<65536xi32, #tpu.memory_space<hbm>> -> memref<256xi32, #tpu.memory_space<hbm>>
      %dma_wait3A_916 = arith.constant 0 : i32
      %dma_wait3A_917 = tpu.memref_slice %arg6[%run_scoped3A_166, %dma_wait3A_916] : memref<2x256xi32, #tpu.memory_space<vmem>> -> memref<1x256xi32, #tpu.memory_space<vmem>>
      %dma_wait3A_918 = tpu.memref_squeeze %dma_wait3A_917 : memref<1x256xi32, #tpu.memory_space<vmem>> -> memref<256xi32, #tpu.memory_space<vmem>>
      %dma_wait3A_919 = tpu.memref_slice %arg2[%mul3A_165] : memref<65536xi32, #tpu.memory_space<hbm>> -> memref<256xi32, #tpu.memory_space<hbm>>
      tpu.wait_dma2 semaphore(%run_scoped3A_903 : memref<!tpu.dma_semaphore, #tpu.memory_space<semaphore_mem>>) src(%dma_wait3A_919 : memref<256xi32, #tpu.memory_space<hbm>>) dst(%dma_wait3A_918 : memref<256xi32, #tpu.memory_space<vmem>>)
      tpu.yield
    }) : () -> ()
    %dma_start3A_167 = arith.constant 0 : i32
    %dma_start3A_168 = arith.constant 0 : i32
    %dma_start3A_169 = arith.constant 0 : i32
    %dma_start3A_170 = arith.constant 0 : i32
    %dma_start3A_171 = arith.constant 0 : i32
    %dma_start3A_172 = tpu.memref_slice %arg7[%dma_start3A_168, %dma_start3A_170, %dma_start3A_171] : memref<2x256x128xf32, #tpu.memory_space<vmem>> -> memref<1x128x128xf32, #tpu.memory_space<vmem>>
    %dma_start3A_173 = tpu.memref_squeeze %dma_start3A_172 : memref<1x128x128xf32, #tpu.memory_space<vmem>> -> memref<128x128xf32, #tpu.memory_space<vmem>>
    %dma_start3A_174 = arith.constant 0 : i32
    %dma_start3A_175 = tpu.memref_slice %arg6[%dma_start3A_167, %dma_start3A_174] : memref<2x256xi32, #tpu.memory_space<vmem>> -> memref<1x128xi32, #tpu.memory_space<vmem>>
    %dma_start3A_176 = tpu.memref_squeeze %dma_start3A_175 : memref<1x128xi32, #tpu.memory_space<vmem>> -> memref<128xi32, #tpu.memory_space<vmem>>
    %dma_start3A_177 = arith.constant 0 : i32
    %dma_start3A_178 = arith.constant 0 : i32
    %dma_start3A_179 = tpu.memref_slice %arg4[%dma_start3A_177, %dma_start3A_178] : memref<40000x128xf32, #tpu.memory_space<hbm>> -> memref<40000x128xf32, #tpu.memory_space<hbm>>
    %dma_start3A_180 = tpu.memref_slice %arg10[%dma_start3A_169] : memref<2x!tpu.dma_semaphore, #tpu.memory_space<semaphore_mem>> -> memref<1x!tpu.dma_semaphore, #tpu.memory_space<semaphore_mem>>
    %dma_start3A_181 = tpu.memref_squeeze %dma_start3A_180 : memref<1x!tpu.dma_semaphore, #tpu.memory_space<semaphore_mem>> -> memref<!tpu.dma_semaphore, #tpu.memory_space<semaphore_mem>>
    tpu.enqueue_indirect_dma source(%dma_start3A_179 : memref<40000x128xf32, #tpu.memory_space<hbm>>) target(%dma_start3A_173 : memref<128x128xf32, #tpu.memory_space<vmem>>) offsets(%dma_start3A_176 : memref<128xi32, #tpu.memory_space<vmem>>) semaphore(%dma_start3A_181 : memref<!tpu.dma_semaphore, #tpu.memory_space<semaphore_mem>>)
    %dma_start3A_182 = arith.constant 0 : i32
    %dma_start3A_183 = arith.constant 0 : i32
    %dma_start3A_184 = arith.constant 0 : i32
    %dma_start3A_185 = arith.constant 128 : i32
    %dma_start3A_186 = arith.constant 0 : i32
    %dma_start3A_187 = tpu.memref_slice %arg7[%dma_start3A_183, %dma_start3A_185, %dma_start3A_186] : memref<2x256x128xf32, #tpu.memory_space<vmem>> -> memref<1x128x128xf32, #tpu.memory_space<vmem>>
    %dma_start3A_188 = tpu.memref_squeeze %dma_start3A_187 : memref<1x128x128xf32, #tpu.memory_space<vmem>> -> memref<128x128xf32, #tpu.memory_space<vmem>>
    %dma_start3A_189 = arith.constant 128 : i32
    %dma_start3A_190 = tpu.memref_slice %arg6[%dma_start3A_182, %dma_start3A_189] : memref<2x256xi32, #tpu.memory_space<vmem>> -> memref<1x128xi32, #tpu.memory_space<vmem>>
    %dma_start3A_191 = tpu.memref_squeeze %dma_start3A_190 : memref<1x128xi32, #tpu.memory_space<vmem>> -> memref<128xi32, #tpu.memory_space<vmem>>
    %dma_start3A_192 = arith.constant 0 : i32
    %dma_start3A_193 = arith.constant 0 : i32
    %dma_start3A_194 = tpu.memref_slice %arg4[%dma_start3A_192, %dma_start3A_193] : memref<40000x128xf32, #tpu.memory_space<hbm>> -> memref<40000x128xf32, #tpu.memory_space<hbm>>
    %dma_start3A_195 = tpu.memref_slice %arg10[%dma_start3A_184] : memref<2x!tpu.dma_semaphore, #tpu.memory_space<semaphore_mem>> -> memref<1x!tpu.dma_semaphore, #tpu.memory_space<semaphore_mem>>
    %dma_start3A_196 = tpu.memref_squeeze %dma_start3A_195 : memref<1x!tpu.dma_semaphore, #tpu.memory_space<semaphore_mem>> -> memref<!tpu.dma_semaphore, #tpu.memory_space<semaphore_mem>>
    tpu.enqueue_indirect_dma source(%dma_start3A_194 : memref<40000x128xf32, #tpu.memory_space<hbm>>) target(%dma_start3A_188 : memref<128x128xf32, #tpu.memory_space<vmem>>) offsets(%dma_start3A_191 : memref<128xi32, #tpu.memory_space<vmem>>) semaphore(%dma_start3A_196 : memref<!tpu.dma_semaphore, #tpu.memory_space<semaphore_mem>>)
    %dma_start3A_197 = arith.constant 0 : i32
    %dma_start3A_198 = arith.constant 0 : i32
    %dma_start3A_199 = arith.constant 0 : i32
    %dma_start3A_200 = arith.constant 0 : i32
    %dma_start3A_201 = tpu.memref_slice %arg8[%dma_start3A_197, %dma_start3A_199, %dma_start3A_200] : memref<2x64x100xf32, #tpu.memory_space<vmem>> -> memref<1x64x100xf32, #tpu.memory_space<vmem>>
    %dma_start3A_202 = tpu.memref_squeeze %dma_start3A_201 : memref<1x64x100xf32, #tpu.memory_space<vmem>> -> memref<64x100xf32, #tpu.memory_space<vmem>>
    %dma_start3A_203 = arith.constant 0 : i32
    %dma_start3A_204 = tpu.memref_slice %arg3[%add3A_163, %dma_start3A_203] : memref<16384x100xf32, #tpu.memory_space<hbm>> -> memref<64x100xf32, #tpu.memory_space<hbm>>
    %dma_start3A_205 = tpu.memref_slice %arg10[%dma_start3A_198] : memref<2x!tpu.dma_semaphore, #tpu.memory_space<semaphore_mem>> -> memref<1x!tpu.dma_semaphore, #tpu.memory_space<semaphore_mem>>
    %dma_start3A_206 = tpu.memref_squeeze %dma_start3A_205 : memref<1x!tpu.dma_semaphore, #tpu.memory_space<semaphore_mem>> -> memref<!tpu.dma_semaphore, #tpu.memory_space<semaphore_mem>>
    %dma_start3A_207 = arith.constant 0 : i32
    %dma_start3A_208 = arith.constant 0 : i32
    %dma_start3A_209 = tpu.memref_slice %arg8[%dma_start3A_197, %dma_start3A_207, %dma_start3A_208] : memref<2x64x100xf32, #tpu.memory_space<vmem>> -> memref<1x64x100xf32, #tpu.memory_space<vmem>>
    %dma_start3A_210 = tpu.memref_squeeze %dma_start3A_209 : memref<1x64x100xf32, #tpu.memory_space<vmem>> -> memref<64x100xf32, #tpu.memory_space<vmem>>
    %dma_start3A_211 = arith.constant 0 : i32
    %dma_start3A_212 = tpu.memref_slice %arg3[%add3A_163, %dma_start3A_211] : memref<16384x100xf32, #tpu.memory_space<hbm>> -> memref<64x100xf32, #tpu.memory_space<hbm>>
    tpu.enqueue_dma source(%dma_start3A_212 : memref<64x100xf32, #tpu.memory_space<hbm>>) target(%dma_start3A_210 : memref<64x100xf32, #tpu.memory_space<vmem>>) target_semaphore(%dma_start3A_206 : memref<!tpu.dma_semaphore, #tpu.memory_space<semaphore_mem>>)
    %dma_wait3A_213 = arith.constant 1 : i32
    %dma_wait3A_214 = arith.constant 1 : i32
    %dma_wait3A_215 = arith.constant 1 : i32
    %dma_wait3A_216 = arith.constant 0 : i32
    %dma_wait3A_217 = arith.constant 0 : i32
    %dma_wait3A_218 = tpu.memref_slice %arg7[%dma_wait3A_214, %dma_wait3A_216, %dma_wait3A_217] : memref<2x256x128xf32, #tpu.memory_space<vmem>> -> memref<1x128x128xf32, #tpu.memory_space<vmem>>
    %dma_wait3A_219 = tpu.memref_squeeze %dma_wait3A_218 : memref<1x128x128xf32, #tpu.memory_space<vmem>> -> memref<128x128xf32, #tpu.memory_space<vmem>>
    %dma_wait3A_220 = arith.constant 0 : i32
    %dma_wait3A_221 = tpu.memref_slice %arg6[%dma_wait3A_213, %dma_wait3A_220] : memref<2x256xi32, #tpu.memory_space<vmem>> -> memref<1x128xi32, #tpu.memory_space<vmem>>
    %dma_wait3A_222 = tpu.memref_squeeze %dma_wait3A_221 : memref<1x128xi32, #tpu.memory_space<vmem>> -> memref<128xi32, #tpu.memory_space<vmem>>
    %dma_wait3A_223 = arith.constant 0 : i32
    %dma_wait3A_224 = arith.constant 0 : i32
    %dma_wait3A_225 = tpu.memref_slice %arg4[%dma_wait3A_223, %dma_wait3A_224] : memref<40000x128xf32, #tpu.memory_space<hbm>> -> memref<40000x128xf32, #tpu.memory_space<hbm>>
    %dma_wait3A_226 = tpu.memref_slice %arg10[%dma_wait3A_215] : memref<2x!tpu.dma_semaphore, #tpu.memory_space<semaphore_mem>> -> memref<1x!tpu.dma_semaphore, #tpu.memory_space<semaphore_mem>>
    %dma_wait3A_227 = tpu.memref_squeeze %dma_wait3A_226 : memref<1x!tpu.dma_semaphore, #tpu.memory_space<semaphore_mem>> -> memref<!tpu.dma_semaphore, #tpu.memory_space<semaphore_mem>>
    tpu.wait_indirect_dma semaphore(%dma_wait3A_227 : memref<!tpu.dma_semaphore, #tpu.memory_space<semaphore_mem>>) src(%dma_wait3A_225 : memref<40000x128xf32, #tpu.memory_space<hbm>>) dst(%dma_wait3A_219 : memref<128x128xf32, #tpu.memory_space<vmem>>)
    %dma_wait3A_228 = arith.constant 1 : i32
    %dma_wait3A_229 = arith.constant 1 : i32
    %dma_wait3A_230 = arith.constant 1 : i32
    %dma_wait3A_231 = arith.constant 128 : i32
    %dma_wait3A_232 = arith.constant 0 : i32
    %dma_wait3A_233 = tpu.memref_slice %arg7[%dma_wait3A_229, %dma_wait3A_231, %dma_wait3A_232] : memref<2x256x128xf32, #tpu.memory_space<vmem>> -> memref<1x128x128xf32, #tpu.memory_space<vmem>>
    %dma_wait3A_234 = tpu.memref_squeeze %dma_wait3A_233 : memref<1x128x128xf32, #tpu.memory_space<vmem>> -> memref<128x128xf32, #tpu.memory_space<vmem>>
    %dma_wait3A_235 = arith.constant 128 : i32
    %dma_wait3A_236 = tpu.memref_slice %arg6[%dma_wait3A_228, %dma_wait3A_235] : memref<2x256xi32, #tpu.memory_space<vmem>> -> memref<1x128xi32, #tpu.memory_space<vmem>>
    %dma_wait3A_237 = tpu.memref_squeeze %dma_wait3A_236 : memref<1x128xi32, #tpu.memory_space<vmem>> -> memref<128xi32, #tpu.memory_space<vmem>>
    %dma_wait3A_238 = arith.constant 0 : i32
    %dma_wait3A_239 = arith.constant 0 : i32
    %dma_wait3A_240 = tpu.memref_slice %arg4[%dma_wait3A_238, %dma_wait3A_239] : memref<40000x128xf32, #tpu.memory_space<hbm>> -> memref<40000x128xf32, #tpu.memory_space<hbm>>
    %dma_wait3A_241 = tpu.memref_slice %arg10[%dma_wait3A_230] : memref<2x!tpu.dma_semaphore, #tpu.memory_space<semaphore_mem>> -> memref<1x!tpu.dma_semaphore, #tpu.memory_space<semaphore_mem>>
    %dma_wait3A_242 = tpu.memref_squeeze %dma_wait3A_241 : memref<1x!tpu.dma_semaphore, #tpu.memory_space<semaphore_mem>> -> memref<!tpu.dma_semaphore, #tpu.memory_space<semaphore_mem>>
    tpu.wait_indirect_dma semaphore(%dma_wait3A_242 : memref<!tpu.dma_semaphore, #tpu.memory_space<semaphore_mem>>) src(%dma_wait3A_240 : memref<40000x128xf32, #tpu.memory_space<hbm>>) dst(%dma_wait3A_234 : memref<128x128xf32, #tpu.memory_space<vmem>>)
    %dma_wait3A_243 = arith.constant 1 : i32
    %dma_wait3A_244 = arith.constant 1 : i32
    %dma_wait3A_245 = arith.constant 0 : i32
    %dma_wait3A_246 = arith.constant 0 : i32
    %dma_wait3A_247 = tpu.memref_slice %arg8[%dma_wait3A_243, %dma_wait3A_245, %dma_wait3A_246] : memref<2x64x100xf32, #tpu.memory_space<vmem>> -> memref<1x64x100xf32, #tpu.memory_space<vmem>>
    %dma_wait3A_248 = tpu.memref_squeeze %dma_wait3A_247 : memref<1x64x100xf32, #tpu.memory_space<vmem>> -> memref<64x100xf32, #tpu.memory_space<vmem>>
    %dma_wait3A_249 = arith.constant 0 : i32
    %dma_wait3A_250 = tpu.memref_slice %arg3[%add3A_60, %dma_wait3A_249] : memref<16384x100xf32, #tpu.memory_space<hbm>> -> memref<64x100xf32, #tpu.memory_space<hbm>>
    %dma_wait3A_251 = tpu.memref_slice %arg10[%dma_wait3A_244] : memref<2x!tpu.dma_semaphore, #tpu.memory_space<semaphore_mem>> -> memref<1x!tpu.dma_semaphore, #tpu.memory_space<semaphore_mem>>
    %dma_wait3A_252 = tpu.memref_squeeze %dma_wait3A_251 : memref<1x!tpu.dma_semaphore, #tpu.memory_space<semaphore_mem>> -> memref<!tpu.dma_semaphore, #tpu.memory_space<semaphore_mem>>
    %dma_wait3A_253 = arith.constant 0 : i32
    %dma_wait3A_254 = arith.constant 0 : i32
    %dma_wait3A_255 = tpu.memref_slice %arg8[%dma_wait3A_243, %dma_wait3A_253, %dma_wait3A_254] : memref<2x64x100xf32, #tpu.memory_space<vmem>> -> memref<1x64x100xf32, #tpu.memory_space<vmem>>
    %dma_wait3A_256 = tpu.memref_squeeze %dma_wait3A_255 : memref<1x64x100xf32, #tpu.memory_space<vmem>> -> memref<64x100xf32, #tpu.memory_space<vmem>>
    %dma_wait3A_257 = arith.constant 0 : i32
    %dma_wait3A_258 = tpu.memref_slice %arg3[%add3A_60, %dma_wait3A_257] : memref<16384x100xf32, #tpu.memory_space<hbm>> -> memref<64x100xf32, #tpu.memory_space<hbm>>
    tpu.wait_dma2 semaphore(%dma_wait3A_252 : memref<!tpu.dma_semaphore, #tpu.memory_space<semaphore_mem>>) src(%dma_wait3A_258 : memref<64x100xf32, #tpu.memory_space<hbm>>) dst(%dma_wait3A_256 : memref<64x100xf32, #tpu.memory_space<vmem>>)
    %scan3A_259 = arith.constant 0 : i32
    %scan3A_260 = arith.constant 64 : i32
    %scan3A_261 = arith.addi %scan3A_259, %scan3A_260 : i32
    %scan3A_262 = arith.constant 1 : i32
    %scan3A_263 = scf.for %scan3A_903 = %scan3A_259 to %scan3A_261 step %scan3A_262 iter_args(%scan3A_904 = %scan3A_158) -> (vector<16xf32>)  : i32 {
      %mul3A_905 = arith.constant 4 : i32
      %mul3A_906 = arith.muli %mul3A_905, %scan3A_903 : i32
      %get3A = arith.constant 1 : i32
      %get3A_907 = arith.index_cast %get3A : i32 to index
      %get3A_908 = arith.index_cast %mul3A_906 : i32 to index
      %get3A_909 = arith.constant 0 : index
      %get3A_910 = tpu.vector_load %arg7[%get3A_907, %get3A_908, %get3A_909] {strides = array<i32>} : memref<2x256x128xf32, #tpu.memory_space<vmem>>, vector<1x1x16xf32>,
      %get3A_911 = vector.shape_cast %get3A_910 : vector<1x1x16xf32> to vector<16xf32>
      %add3A_912 = arith.constant 1 : i32
      %add3A_913 = arith.addi %mul3A_906, %add3A_912 : i32
      %get3A_914 = arith.constant 1 : i32
      %get3A_915 = arith.index_cast %get3A_914 : i32 to index
      %get3A_916 = arith.index_cast %add3A_913 : i32 to index
      %get3A_917 = arith.constant 0 : index
      %get3A_918 = tpu.vector_load %arg7[%get3A_915, %get3A_916, %get3A_917] {strides = array<i32>} : memref<2x256x128xf32, #tpu.memory_space<vmem>>, vector<1x1x16xf32>,
      %get3A_919 = vector.shape_cast %get3A_918 : vector<1x1x16xf32> to vector<16xf32>
      %add3A_920 = arith.addf %get3A_911, %get3A_919 : vector<16xf32>
      %add3A_921 = arith.constant 2 : i32
      %add3A_922 = arith.addi %mul3A_906, %add3A_921 : i32
      %get3A_923 = arith.constant 1 : i32
      %get3A_924 = arith.index_cast %get3A_923 : i32 to index
      %get3A_925 = arith.index_cast %add3A_922 : i32 to index
      %get3A_926 = arith.constant 0 : index
      %get3A_927 = tpu.vector_load %arg7[%get3A_924, %get3A_925, %get3A_926] {strides = array<i32>} : memref<2x256x128xf32, #tpu.memory_space<vmem>>, vector<1x1x16xf32>,
      %get3A_928 = vector.shape_cast %get3A_927 : vector<1x1x16xf32> to vector<16xf32>
      %add3A_929 = arith.constant 3 : i32
      %add3A_930 = arith.addi %mul3A_906, %add3A_929 : i32
      %get3A_931 = arith.constant 1 : i32
      %get3A_932 = arith.index_cast %get3A_931 : i32 to index
      %get3A_933 = arith.index_cast %add3A_930 : i32 to index
      %get3A_934 = arith.constant 0 : index
      %get3A_935 = tpu.vector_load %arg7[%get3A_932, %get3A_933, %get3A_934] {strides = array<i32>} : memref<2x256x128xf32, #tpu.memory_space<vmem>>, vector<1x1x16xf32>,
      %get3A_936 = vector.shape_cast %get3A_935 : vector<1x1x16xf32> to vector<16xf32>
      %add3A_937 = arith.addf %get3A_928, %get3A_936 : vector<16xf32>
      %add3A_938 = arith.addf %add3A_920, %add3A_937 : vector<16xf32>
      %get3A_939 = arith.constant 1 : i32
      %get3A_940 = arith.index_cast %get3A_939 : i32 to index
      %get3A_941 = arith.index_cast %scan3A_903 : i32 to index
      %get3A_942 = arith.constant 0 : index
      %get3A_943 = tpu.vector_load %arg8[%get3A_940, %get3A_941, %get3A_942] {strides = array<i32>} : memref<2x64x100xf32, #tpu.memory_space<vmem>>, vector<1x1x16xf32>,
      %get3A_944 = vector.shape_cast %get3A_943 : vector<1x1x16xf32> to vector<16xf32>
      %sub3A = arith.subf %add3A_938, %get3A_944 : vector<16xf32>
      %mul3A_945 = arith.mulf %sub3A, %sub3A : vector<16xf32>
      %add3A_946 = arith.addf %scan3A_904, %mul3A_945 : vector<16xf32>
      %get3A_947 = arith.constant 1 : i32
      %get3A_948 = arith.index_cast %get3A_947 : i32 to index
      %get3A_949 = arith.index_cast %mul3A_906 : i32 to index
      %get3A_950 = arith.constant 16 : index
      %get3A_951 = tpu.vector_load %arg7[%get3A_948, %get3A_949, %get3A_950] {strides = array<i32>} : memref<2x256x128xf32, #tpu.memory_space<vmem>>, vector<1x1x16xf32>,
      %get3A_952 = vector.shape_cast %get3A_951 : vector<1x1x16xf32> to vector<16xf32>
      %add3A_953 = arith.constant 1 : i32
      %add3A_954 = arith.addi %mul3A_906, %add3A_953 : i32
      %get3A_955 = arith.constant 1 : i32
      %get3A_956 = arith.index_cast %get3A_955 : i32 to index
      %get3A_957 = arith.index_cast %add3A_954 : i32 to index
      %get3A_958 = arith.constant 16 : index
      %get3A_959 = tpu.vector_load %arg7[%get3A_956, %get3A_957, %get3A_958] {strides = array<i32>} : memref<2x256x128xf32, #tpu.memory_space<vmem>>, vector<1x1x16xf32>,
      %get3A_960 = vector.shape_cast %get3A_959 : vector<1x1x16xf32> to vector<16xf32>
      %add3A_961 = arith.addf %get3A_952, %get3A_960 : vector<16xf32>
      %add3A_962 = arith.constant 2 : i32
      %add3A_963 = arith.addi %mul3A_906, %add3A_962 : i32
      %get3A_964 = arith.constant 1 : i32
      %get3A_965 = arith.index_cast %get3A_964 : i32 to index
      %get3A_966 = arith.index_cast %add3A_963 : i32 to index
      %get3A_967 = arith.constant 16 : index
      %get3A_968 = tpu.vector_load %arg7[%get3A_965, %get3A_966, %get3A_967] {strides = array<i32>} : memref<2x256x128xf32, #tpu.memory_space<vmem>>, vector<1x1x16xf32>,
      %get3A_969 = vector.shape_cast %get3A_968 : vector<1x1x16xf32> to vector<16xf32>
      %add3A_970 = arith.constant 3 : i32
      %add3A_971 = arith.addi %mul3A_906, %add3A_970 : i32
      %get3A_972 = arith.constant 1 : i32
      %get3A_973 = arith.index_cast %get3A_972 : i32 to index
      %get3A_974 = arith.index_cast %add3A_971 : i32 to index
      %get3A_975 = arith.constant 16 : index
      %get3A_976 = tpu.vector_load %arg7[%get3A_973, %get3A_974, %get3A_975] {strides = array<i32>} : memref<2x256x128xf32, #tpu.memory_space<vmem>>, vector<1x1x16xf32>,
      %get3A_977 = vector.shape_cast %get3A_976 : vector<1x1x16xf32> to vector<16xf32>
      %add3A_978 = arith.addf %get3A_969, %get3A_977 : vector<16xf32>
      %add3A_979 = arith.addf %add3A_961, %add3A_978 : vector<16xf32>
      %get3A_980 = arith.constant 1 : i32
      %get3A_981 = arith.index_cast %get3A_980 : i32 to index
      %get3A_982 = arith.index_cast %scan3A_903 : i32 to index
      %get3A_983 = arith.constant 16 : index
      %get3A_984 = tpu.vector_load %arg8[%get3A_981, %get3A_982, %get3A_983] {strides = array<i32>} : memref<2x64x100xf32, #tpu.memory_space<vmem>>, vector<1x1x16xf32>,
      %get3A_985 = vector.shape_cast %get3A_984 : vector<1x1x16xf32> to vector<16xf32>
      %sub3A_986 = arith.subf %add3A_979, %get3A_985 : vector<16xf32>
      %mul3A_987 = arith.mulf %sub3A_986, %sub3A_986 : vector<16xf32>
      %add3A_988 = arith.addf %add3A_946, %mul3A_987 : vector<16xf32>
      %get3A_989 = arith.constant 1 : i32
      %get3A_990 = arith.index_cast %get3A_989 : i32 to index
      %get3A_991 = arith.index_cast %mul3A_906 : i32 to index
      %get3A_992 = arith.constant 32 : index
      %get3A_993 = tpu.vector_load %arg7[%get3A_990, %get3A_991, %get3A_992] {strides = array<i32>} : memref<2x256x128xf32, #tpu.memory_space<vmem>>, vector<1x1x16xf32>,
      %get3A_994 = vector.shape_cast %get3A_993 : vector<1x1x16xf32> to vector<16xf32>
      %add3A_995 = arith.constant 1 : i32
      %add3A_996 = arith.addi %mul3A_906, %add3A_995 : i32
      %get3A_997 = arith.constant 1 : i32
      %get3A_998 = arith.index_cast %get3A_997 : i32 to index
      %get3A_999 = arith.index_cast %add3A_996 : i32 to index
      %get3A_1000 = arith.constant 32 : index
      %get3A_1001 = tpu.vector_load %arg7[%get3A_998, %get3A_999, %get3A_1000] {strides = array<i32>} : memref<2x256x128xf32, #tpu.memory_space<vmem>>, vector<1x1x16xf32>,
      %get3A_1002 = vector.shape_cast %get3A_1001 : vector<1x1x16xf32> to vector<16xf32>
      %add3A_1003 = arith.addf %get3A_994, %get3A_1002 : vector<16xf32>
      %add3A_1004 = arith.constant 2 : i32
      %add3A_1005 = arith.addi %mul3A_906, %add3A_1004 : i32
      %get3A_1006 = arith.constant 1 : i32
      %get3A_1007 = arith.index_cast %get3A_1006 : i32 to index
      %get3A_1008 = arith.index_cast %add3A_1005 : i32 to index
      %get3A_1009 = arith.constant 32 : index
      %get3A_1010 = tpu.vector_load %arg7[%get3A_1007, %get3A_1008, %get3A_1009] {strides = array<i32>} : memref<2x256x128xf32, #tpu.memory_space<vmem>>, vector<1x1x16xf32>,
      %get3A_1011 = vector.shape_cast %get3A_1010 : vector<1x1x16xf32> to vector<16xf32>
      %add3A_1012 = arith.constant 3 : i32
      %add3A_1013 = arith.addi %mul3A_906, %add3A_1012 : i32
      %get3A_1014 = arith.constant 1 : i32
      %get3A_1015 = arith.index_cast %get3A_1014 : i32 to index
      %get3A_1016 = arith.index_cast %add3A_1013 : i32 to index
      %get3A_1017 = arith.constant 32 : index
      %get3A_1018 = tpu.vector_load %arg7[%get3A_1015, %get3A_1016, %get3A_1017] {strides = array<i32>} : memref<2x256x128xf32, #tpu.memory_space<vmem>>, vector<1x1x16xf32>,
      %get3A_1019 = vector.shape_cast %get3A_1018 : vector<1x1x16xf32> to vector<16xf32>
      %add3A_1020 = arith.addf %get3A_1011, %get3A_1019 : vector<16xf32>
      %add3A_1021 = arith.addf %add3A_1003, %add3A_1020 : vector<16xf32>
      %get3A_1022 = arith.constant 1 : i32
      %get3A_1023 = arith.index_cast %get3A_1022 : i32 to index
      %get3A_1024 = arith.index_cast %scan3A_903 : i32 to index
      %get3A_1025 = arith.constant 32 : index
      %get3A_1026 = tpu.vector_load %arg8[%get3A_1023, %get3A_1024, %get3A_1025] {strides = array<i32>} : memref<2x64x100xf32, #tpu.memory_space<vmem>>, vector<1x1x16xf32>,
      %get3A_1027 = vector.shape_cast %get3A_1026 : vector<1x1x16xf32> to vector<16xf32>
      %sub3A_1028 = arith.subf %add3A_1021, %get3A_1027 : vector<16xf32>
      %mul3A_1029 = arith.mulf %sub3A_1028, %sub3A_1028 : vector<16xf32>
      %add3A_1030 = arith.addf %add3A_988, %mul3A_1029 : vector<16xf32>
      %get3A_1031 = arith.constant 1 : i32
      %get3A_1032 = arith.index_cast %get3A_1031 : i32 to index
      %get3A_1033 = arith.index_cast %mul3A_906 : i32 to index
      %get3A_1034 = arith.constant 48 : index
      %get3A_1035 = tpu.vector_load %arg7[%get3A_1032, %get3A_1033, %get3A_1034] {strides = array<i32>} : memref<2x256x128xf32, #tpu.memory_space<vmem>>, vector<1x1x16xf32>,
      %get3A_1036 = vector.shape_cast %get3A_1035 : vector<1x1x16xf32> to vector<16xf32>
      %add3A_1037 = arith.constant 1 : i32
      %add3A_1038 = arith.addi %mul3A_906, %add3A_1037 : i32
      %get3A_1039 = arith.constant 1 : i32
      %get3A_1040 = arith.index_cast %get3A_1039 : i32 to index
      %get3A_1041 = arith.index_cast %add3A_1038 : i32 to index
      %get3A_1042 = arith.constant 48 : index
      %get3A_1043 = tpu.vector_load %arg7[%get3A_1040, %get3A_1041, %get3A_1042] {strides = array<i32>} : memref<2x256x128xf32, #tpu.memory_space<vmem>>, vector<1x1x16xf32>,
      %get3A_1044 = vector.shape_cast %get3A_1043 : vector<1x1x16xf32> to vector<16xf32>
      %add3A_1045 = arith.addf %get3A_1036, %get3A_1044 : vector<16xf32>
      %add3A_1046 = arith.constant 2 : i32
      %add3A_1047 = arith.addi %mul3A_906, %add3A_1046 : i32
      %get3A_1048 = arith.constant 1 : i32
      %get3A_1049 = arith.index_cast %get3A_1048 : i32 to index
      %get3A_1050 = arith.index_cast %add3A_1047 : i32 to index
      %get3A_1051 = arith.constant 48 : index
      %get3A_1052 = tpu.vector_load %arg7[%get3A_1049, %get3A_1050, %get3A_1051] {strides = array<i32>} : memref<2x256x128xf32, #tpu.memory_space<vmem>>, vector<1x1x16xf32>,
      %get3A_1053 = vector.shape_cast %get3A_1052 : vector<1x1x16xf32> to vector<16xf32>
      %add3A_1054 = arith.constant 3 : i32
      %add3A_1055 = arith.addi %mul3A_906, %add3A_1054 : i32
      %get3A_1056 = arith.constant 1 : i32
      %get3A_1057 = arith.index_cast %get3A_1056 : i32 to index
      %get3A_1058 = arith.index_cast %add3A_1055 : i32 to index
      %get3A_1059 = arith.constant 48 : index
      %get3A_1060 = tpu.vector_load %arg7[%get3A_1057, %get3A_1058, %get3A_1059] {strides = array<i32>} : memref<2x256x128xf32, #tpu.memory_space<vmem>>, vector<1x1x16xf32>,
      %get3A_1061 = vector.shape_cast %get3A_1060 : vector<1x1x16xf32> to vector<16xf32>
      %add3A_1062 = arith.addf %get3A_1053, %get3A_1061 : vector<16xf32>
      %add3A_1063 = arith.addf %add3A_1045, %add3A_1062 : vector<16xf32>
      %get3A_1064 = arith.constant 1 : i32
      %get3A_1065 = arith.index_cast %get3A_1064 : i32 to index
      %get3A_1066 = arith.index_cast %scan3A_903 : i32 to index
      %get3A_1067 = arith.constant 48 : index
      %get3A_1068 = tpu.vector_load %arg8[%get3A_1065, %get3A_1066, %get3A_1067] {strides = array<i32>} : memref<2x64x100xf32, #tpu.memory_space<vmem>>, vector<1x1x16xf32>,
      %get3A_1069 = vector.shape_cast %get3A_1068 : vector<1x1x16xf32> to vector<16xf32>
      %sub3A_1070 = arith.subf %add3A_1063, %get3A_1069 : vector<16xf32>
      %mul3A_1071 = arith.mulf %sub3A_1070, %sub3A_1070 : vector<16xf32>
      %add3A_1072 = arith.addf %add3A_1030, %mul3A_1071 : vector<16xf32>
      %get3A_1073 = arith.constant 1 : i32
      %get3A_1074 = arith.index_cast %get3A_1073 : i32 to index
      %get3A_1075 = arith.index_cast %mul3A_906 : i32 to index
      %get3A_1076 = arith.constant 64 : index
      %get3A_1077 = tpu.vector_load %arg7[%get3A_1074, %get3A_1075, %get3A_1076] {strides = array<i32>} : memref<2x256x128xf32, #tpu.memory_space<vmem>>, vector<1x1x16xf32>,
      %get3A_1078 = vector.shape_cast %get3A_1077 : vector<1x1x16xf32> to vector<16xf32>
      %add3A_1079 = arith.constant 1 : i32
      %add3A_1080 = arith.addi %mul3A_906, %add3A_1079 : i32
      %get3A_1081 = arith.constant 1 : i32
      %get3A_1082 = arith.index_cast %get3A_1081 : i32 to index
      %get3A_1083 = arith.index_cast %add3A_1080 : i32 to index
      %get3A_1084 = arith.constant 64 : index
      %get3A_1085 = tpu.vector_load %arg7[%get3A_1082, %get3A_1083, %get3A_1084] {strides = array<i32>} : memref<2x256x128xf32, #tpu.memory_space<vmem>>, vector<1x1x16xf32>,
      %get3A_1086 = vector.shape_cast %get3A_1085 : vector<1x1x16xf32> to vector<16xf32>
      %add3A_1087 = arith.addf %get3A_1078, %get3A_1086 : vector<16xf32>
      %add3A_1088 = arith.constant 2 : i32
      %add3A_1089 = arith.addi %mul3A_906, %add3A_1088 : i32
      %get3A_1090 = arith.constant 1 : i32
      %get3A_1091 = arith.index_cast %get3A_1090 : i32 to index
      %get3A_1092 = arith.index_cast %add3A_1089 : i32 to index
      %get3A_1093 = arith.constant 64 : index
      %get3A_1094 = tpu.vector_load %arg7[%get3A_1091, %get3A_1092, %get3A_1093] {strides = array<i32>} : memref<2x256x128xf32, #tpu.memory_space<vmem>>, vector<1x1x16xf32>,
      %get3A_1095 = vector.shape_cast %get3A_1094 : vector<1x1x16xf32> to vector<16xf32>
      %add3A_1096 = arith.constant 3 : i32
      %add3A_1097 = arith.addi %mul3A_906, %add3A_1096 : i32
      %get3A_1098 = arith.constant 1 : i32
      %get3A_1099 = arith.index_cast %get3A_1098 : i32 to index
      %get3A_1100 = arith.index_cast %add3A_1097 : i32 to index
      %get3A_1101 = arith.constant 64 : index
      %get3A_1102 = tpu.vector_load %arg7[%get3A_1099, %get3A_1100, %get3A_1101] {strides = array<i32>} : memref<2x256x128xf32, #tpu.memory_space<vmem>>, vector<1x1x16xf32>,
      %get3A_1103 = vector.shape_cast %get3A_1102 : vector<1x1x16xf32> to vector<16xf32>
      %add3A_1104 = arith.addf %get3A_1095, %get3A_1103 : vector<16xf32>
      %add3A_1105 = arith.addf %add3A_1087, %add3A_1104 : vector<16xf32>
      %get3A_1106 = arith.constant 1 : i32
      %get3A_1107 = arith.index_cast %get3A_1106 : i32 to index
      %get3A_1108 = arith.index_cast %scan3A_903 : i32 to index
      %get3A_1109 = arith.constant 64 : index
      %get3A_1110 = tpu.vector_load %arg8[%get3A_1107, %get3A_1108, %get3A_1109] {strides = array<i32>} : memref<2x64x100xf32, #tpu.memory_space<vmem>>, vector<1x1x16xf32>,
      %get3A_1111 = vector.shape_cast %get3A_1110 : vector<1x1x16xf32> to vector<16xf32>
      %sub3A_1112 = arith.subf %add3A_1105, %get3A_1111 : vector<16xf32>
      %mul3A_1113 = arith.mulf %sub3A_1112, %sub3A_1112 : vector<16xf32>
      %add3A_1114 = arith.addf %add3A_1072, %mul3A_1113 : vector<16xf32>
      %get3A_1115 = arith.constant 1 : i32
      %get3A_1116 = arith.index_cast %get3A_1115 : i32 to index
      %get3A_1117 = arith.index_cast %mul3A_906 : i32 to index
      %get3A_1118 = arith.constant 80 : index
      %get3A_1119 = tpu.vector_load %arg7[%get3A_1116, %get3A_1117, %get3A_1118] {strides = array<i32>} : memref<2x256x128xf32, #tpu.memory_space<vmem>>, vector<1x1x16xf32>,
      %get3A_1120 = vector.shape_cast %get3A_1119 : vector<1x1x16xf32> to vector<16xf32>
      %add3A_1121 = arith.constant 1 : i32
      %add3A_1122 = arith.addi %mul3A_906, %add3A_1121 : i32
      %get3A_1123 = arith.constant 1 : i32
      %get3A_1124 = arith.index_cast %get3A_1123 : i32 to index
      %get3A_1125 = arith.index_cast %add3A_1122 : i32 to index
      %get3A_1126 = arith.constant 80 : index
      %get3A_1127 = tpu.vector_load %arg7[%get3A_1124, %get3A_1125, %get3A_1126] {strides = array<i32>} : memref<2x256x128xf32, #tpu.memory_space<vmem>>, vector<1x1x16xf32>,
      %get3A_1128 = vector.shape_cast %get3A_1127 : vector<1x1x16xf32> to vector<16xf32>
      %add3A_1129 = arith.addf %get3A_1120, %get3A_1128 : vector<16xf32>
      %add3A_1130 = arith.constant 2 : i32
      %add3A_1131 = arith.addi %mul3A_906, %add3A_1130 : i32
      %get3A_1132 = arith.constant 1 : i32
      %get3A_1133 = arith.index_cast %get3A_1132 : i32 to index
      %get3A_1134 = arith.index_cast %add3A_1131 : i32 to index
      %get3A_1135 = arith.constant 80 : index
      %get3A_1136 = tpu.vector_load %arg7[%get3A_1133, %get3A_1134, %get3A_1135] {strides = array<i32>} : memref<2x256x128xf32, #tpu.memory_space<vmem>>, vector<1x1x16xf32>,
      %get3A_1137 = vector.shape_cast %get3A_1136 : vector<1x1x16xf32> to vector<16xf32>
      %add3A_1138 = arith.constant 3 : i32
      %add3A_1139 = arith.addi %mul3A_906, %add3A_1138 : i32
      %get3A_1140 = arith.constant 1 : i32
      %get3A_1141 = arith.index_cast %get3A_1140 : i32 to index
      %get3A_1142 = arith.index_cast %add3A_1139 : i32 to index
      %get3A_1143 = arith.constant 80 : index
      %get3A_1144 = tpu.vector_load %arg7[%get3A_1141, %get3A_1142, %get3A_1143] {strides = array<i32>} : memref<2x256x128xf32, #tpu.memory_space<vmem>>, vector<1x1x16xf32>,
      %get3A_1145 = vector.shape_cast %get3A_1144 : vector<1x1x16xf32> to vector<16xf32>
      %add3A_1146 = arith.addf %get3A_1137, %get3A_1145 : vector<16xf32>
      %add3A_1147 = arith.addf %add3A_1129, %add3A_1146 : vector<16xf32>
      %get3A_1148 = arith.constant 1 : i32
      %get3A_1149 = arith.index_cast %get3A_1148 : i32 to index
      %get3A_1150 = arith.index_cast %scan3A_903 : i32 to index
      %get3A_1151 = arith.constant 80 : index
      %get3A_1152 = tpu.vector_load %arg8[%get3A_1149, %get3A_1150, %get3A_1151] {strides = array<i32>} : memref<2x64x100xf32, #tpu.memory_space<vmem>>, vector<1x1x16xf32>,
      %get3A_1153 = vector.shape_cast %get3A_1152 : vector<1x1x16xf32> to vector<16xf32>
      %sub3A_1154 = arith.subf %add3A_1147, %get3A_1153 : vector<16xf32>
      %mul3A_1155 = arith.mulf %sub3A_1154, %sub3A_1154 : vector<16xf32>
      %add3A_1156 = arith.addf %add3A_1114, %mul3A_1155 : vector<16xf32>
      %get3A_1157 = arith.constant 1 : i32
      %get3A_1158 = arith.index_cast %get3A_1157 : i32 to index
      %get3A_1159 = arith.index_cast %mul3A_906 : i32 to index
      %get3A_1160 = arith.constant 84 : index
      %get3A_1161 = tpu.vector_load %arg7[%get3A_1158, %get3A_1159, %get3A_1160] {strides = array<i32>} : memref<2x256x128xf32, #tpu.memory_space<vmem>>, vector<1x1x16xf32>,
      %get3A_1162 = vector.shape_cast %get3A_1161 : vector<1x1x16xf32> to vector<16xf32>
      %add3A_1163 = arith.constant 1 : i32
      %add3A_1164 = arith.addi %mul3A_906, %add3A_1163 : i32
      %get3A_1165 = arith.constant 1 : i32
      %get3A_1166 = arith.index_cast %get3A_1165 : i32 to index
      %get3A_1167 = arith.index_cast %add3A_1164 : i32 to index
      %get3A_1168 = arith.constant 84 : index
      %get3A_1169 = tpu.vector_load %arg7[%get3A_1166, %get3A_1167, %get3A_1168] {strides = array<i32>} : memref<2x256x128xf32, #tpu.memory_space<vmem>>, vector<1x1x16xf32>,
      %get3A_1170 = vector.shape_cast %get3A_1169 : vector<1x1x16xf32> to vector<16xf32>
      %add3A_1171 = arith.addf %get3A_1162, %get3A_1170 : vector<16xf32>
      %add3A_1172 = arith.constant 2 : i32
      %add3A_1173 = arith.addi %mul3A_906, %add3A_1172 : i32
      %get3A_1174 = arith.constant 1 : i32
      %get3A_1175 = arith.index_cast %get3A_1174 : i32 to index
      %get3A_1176 = arith.index_cast %add3A_1173 : i32 to index
      %get3A_1177 = arith.constant 84 : index
      %get3A_1178 = tpu.vector_load %arg7[%get3A_1175, %get3A_1176, %get3A_1177] {strides = array<i32>} : memref<2x256x128xf32, #tpu.memory_space<vmem>>, vector<1x1x16xf32>,
      %get3A_1179 = vector.shape_cast %get3A_1178 : vector<1x1x16xf32> to vector<16xf32>
      %add3A_1180 = arith.constant 3 : i32
      %add3A_1181 = arith.addi %mul3A_906, %add3A_1180 : i32
      %get3A_1182 = arith.constant 1 : i32
      %get3A_1183 = arith.index_cast %get3A_1182 : i32 to index
      %get3A_1184 = arith.index_cast %add3A_1181 : i32 to index
      %get3A_1185 = arith.constant 84 : index
      %get3A_1186 = tpu.vector_load %arg7[%get3A_1183, %get3A_1184, %get3A_1185] {strides = array<i32>} : memref<2x256x128xf32, #tpu.memory_space<vmem>>, vector<1x1x16xf32>,
      %get3A_1187 = vector.shape_cast %get3A_1186 : vector<1x1x16xf32> to vector<16xf32>
      %add3A_1188 = arith.addf %get3A_1179, %get3A_1187 : vector<16xf32>
      %add3A_1189 = arith.addf %add3A_1171, %add3A_1188 : vector<16xf32>
      %get3A_1190 = arith.constant 1 : i32
      %get3A_1191 = arith.index_cast %get3A_1190 : i32 to index
      %get3A_1192 = arith.index_cast %scan3A_903 : i32 to index
      %get3A_1193 = arith.constant 84 : index
      %get3A_1194 = tpu.vector_load %arg8[%get3A_1191, %get3A_1192, %get3A_1193] {strides = array<i32>} : memref<2x64x100xf32, #tpu.memory_space<vmem>>, vector<1x1x16xf32>,
      %get3A_1195 = vector.shape_cast %get3A_1194 : vector<1x1x16xf32> to vector<16xf32>
      %sub3A_1196 = arith.subf %add3A_1189, %get3A_1195 : vector<16xf32>
      %select_n3A_1197 = arith.select %ge3A_2, %sub3A_1196, %broadcast_in_dim3A_3 : vector<16xi1>, vector<16xf32>
      %mul3A_1198 = arith.mulf %select_n3A_1197, %select_n3A_1197 : vector<16xf32>
      %add3A_1199 = arith.addf %add3A_1156, %mul3A_1198 : vector<16xf32>
      scf.yield %add3A_1199 : vector<16xf32>
    }
    %scan3A_264 = arith.constant 64 : i32
    %mul3A_265 = arith.constant 512 : i32
    %mul3A_266 = arith.muli %add3A, %mul3A_265 : i32
    %add3A_267 = arith.constant 192 : i32
    %add3A_268 = arith.addi %mul3A_266, %add3A_267 : i32
    %mul3A_269 = arith.constant 4 : i32
    %mul3A_270 = arith.muli %mul3A_269, %add3A_268 : i32
    %run_scoped3A_271 = arith.constant 1 : i32
    "tpu.region"() ({
      %run_scoped3A_903 = tpu.sem_alloc : memref<!tpu.dma_semaphore, #tpu.memory_space<semaphore_mem>>
      %dma_start3A_904 = arith.constant 0 : i32
      %dma_start3A_905 = tpu.memref_slice %arg6[%run_scoped3A_271, %dma_start3A_904] : memref<2x256xi32, #tpu.memory_space<vmem>> -> memref<1x256xi32, #tpu.memory_space<vmem>>
      %dma_start3A_906 = tpu.memref_squeeze %dma_start3A_905 : memref<1x256xi32, #tpu.memory_space<vmem>> -> memref<256xi32, #tpu.memory_space<vmem>>
      %dma_start3A_907 = tpu.memref_slice %arg2[%mul3A_270] : memref<65536xi32, #tpu.memory_space<hbm>> -> memref<256xi32, #tpu.memory_space<hbm>>
      %dma_start3A_908 = arith.constant 0 : i32
      %dma_start3A_909 = tpu.memref_slice %arg6[%run_scoped3A_271, %dma_start3A_908] : memref<2x256xi32, #tpu.memory_space<vmem>> -> memref<1x256xi32, #tpu.memory_space<vmem>>
      %dma_start3A_910 = tpu.memref_squeeze %dma_start3A_909 : memref<1x256xi32, #tpu.memory_space<vmem>> -> memref<256xi32, #tpu.memory_space<vmem>>
      %dma_start3A_911 = tpu.memref_slice %arg2[%mul3A_270] : memref<65536xi32, #tpu.memory_space<hbm>> -> memref<256xi32, #tpu.memory_space<hbm>>
      tpu.enqueue_dma source(%dma_start3A_911 : memref<256xi32, #tpu.memory_space<hbm>>) target(%dma_start3A_910 : memref<256xi32, #tpu.memory_space<vmem>>) target_semaphore(%run_scoped3A_903 : memref<!tpu.dma_semaphore, #tpu.memory_space<semaphore_mem>>)
      %dma_wait3A_912 = arith.constant 0 : i32
      %dma_wait3A_913 = tpu.memref_slice %arg6[%run_scoped3A_271, %dma_wait3A_912] : memref<2x256xi32, #tpu.memory_space<vmem>> -> memref<1x256xi32, #tpu.memory_space<vmem>>
      %dma_wait3A_914 = tpu.memref_squeeze %dma_wait3A_913 : memref<1x256xi32, #tpu.memory_space<vmem>> -> memref<256xi32, #tpu.memory_space<vmem>>
      %dma_wait3A_915 = tpu.memref_slice %arg2[%mul3A_270] : memref<65536xi32, #tpu.memory_space<hbm>> -> memref<256xi32, #tpu.memory_space<hbm>>
      %dma_wait3A_916 = arith.constant 0 : i32
      %dma_wait3A_917 = tpu.memref_slice %arg6[%run_scoped3A_271, %dma_wait3A_916] : memref<2x256xi32, #tpu.memory_space<vmem>> -> memref<1x256xi32, #tpu.memory_space<vmem>>
      %dma_wait3A_918 = tpu.memref_squeeze %dma_wait3A_917 : memref<1x256xi32, #tpu.memory_space<vmem>> -> memref<256xi32, #tpu.memory_space<vmem>>
      %dma_wait3A_919 = tpu.memref_slice %arg2[%mul3A_270] : memref<65536xi32, #tpu.memory_space<hbm>> -> memref<256xi32, #tpu.memory_space<hbm>>
      tpu.wait_dma2 semaphore(%run_scoped3A_903 : memref<!tpu.dma_semaphore, #tpu.memory_space<semaphore_mem>>) src(%dma_wait3A_919 : memref<256xi32, #tpu.memory_space<hbm>>) dst(%dma_wait3A_918 : memref<256xi32, #tpu.memory_space<vmem>>)
      tpu.yield
    }) : () -> ()
    %dma_start3A_272 = arith.constant 1 : i32
    %dma_start3A_273 = arith.constant 1 : i32
    %dma_start3A_274 = arith.constant 1 : i32
    %dma_start3A_275 = arith.constant 0 : i32
    %dma_start3A_276 = arith.constant 0 : i32
    %dma_start3A_277 = tpu.memref_slice %arg7[%dma_start3A_273, %dma_start3A_275, %dma_start3A_276] : memref<2x256x128xf32, #tpu.memory_space<vmem>> -> memref<1x128x128xf32, #tpu.memory_space<vmem>>
    %dma_start3A_278 = tpu.memref_squeeze %dma_start3A_277 : memref<1x128x128xf32, #tpu.memory_space<vmem>> -> memref<128x128xf32, #tpu.memory_space<vmem>>
    %dma_start3A_279 = arith.constant 0 : i32
    %dma_start3A_280 = tpu.memref_slice %arg6[%dma_start3A_272, %dma_start3A_279] : memref<2x256xi32, #tpu.memory_space<vmem>> -> memref<1x128xi32, #tpu.memory_space<vmem>>
    %dma_start3A_281 = tpu.memref_squeeze %dma_start3A_280 : memref<1x128xi32, #tpu.memory_space<vmem>> -> memref<128xi32, #tpu.memory_space<vmem>>
    %dma_start3A_282 = arith.constant 0 : i32
    %dma_start3A_283 = arith.constant 0 : i32
    %dma_start3A_284 = tpu.memref_slice %arg4[%dma_start3A_282, %dma_start3A_283] : memref<40000x128xf32, #tpu.memory_space<hbm>> -> memref<40000x128xf32, #tpu.memory_space<hbm>>
    %dma_start3A_285 = tpu.memref_slice %arg10[%dma_start3A_274] : memref<2x!tpu.dma_semaphore, #tpu.memory_space<semaphore_mem>> -> memref<1x!tpu.dma_semaphore, #tpu.memory_space<semaphore_mem>>
    %dma_start3A_286 = tpu.memref_squeeze %dma_start3A_285 : memref<1x!tpu.dma_semaphore, #tpu.memory_space<semaphore_mem>> -> memref<!tpu.dma_semaphore, #tpu.memory_space<semaphore_mem>>
    tpu.enqueue_indirect_dma source(%dma_start3A_284 : memref<40000x128xf32, #tpu.memory_space<hbm>>) target(%dma_start3A_278 : memref<128x128xf32, #tpu.memory_space<vmem>>) offsets(%dma_start3A_281 : memref<128xi32, #tpu.memory_space<vmem>>) semaphore(%dma_start3A_286 : memref<!tpu.dma_semaphore, #tpu.memory_space<semaphore_mem>>)
    %dma_start3A_287 = arith.constant 1 : i32
    %dma_start3A_288 = arith.constant 1 : i32
    %dma_start3A_289 = arith.constant 1 : i32
    %dma_start3A_290 = arith.constant 128 : i32
    %dma_start3A_291 = arith.constant 0 : i32
    %dma_start3A_292 = tpu.memref_slice %arg7[%dma_start3A_288, %dma_start3A_290, %dma_start3A_291] : memref<2x256x128xf32, #tpu.memory_space<vmem>> -> memref<1x128x128xf32, #tpu.memory_space<vmem>>
    %dma_start3A_293 = tpu.memref_squeeze %dma_start3A_292 : memref<1x128x128xf32, #tpu.memory_space<vmem>> -> memref<128x128xf32, #tpu.memory_space<vmem>>
    %dma_start3A_294 = arith.constant 128 : i32
    %dma_start3A_295 = tpu.memref_slice %arg6[%dma_start3A_287, %dma_start3A_294] : memref<2x256xi32, #tpu.memory_space<vmem>> -> memref<1x128xi32, #tpu.memory_space<vmem>>
    %dma_start3A_296 = tpu.memref_squeeze %dma_start3A_295 : memref<1x128xi32, #tpu.memory_space<vmem>> -> memref<128xi32, #tpu.memory_space<vmem>>
    %dma_start3A_297 = arith.constant 0 : i32
    %dma_start3A_298 = arith.constant 0 : i32
    %dma_start3A_299 = tpu.memref_slice %arg4[%dma_start3A_297, %dma_start3A_298] : memref<40000x128xf32, #tpu.memory_space<hbm>> -> memref<40000x128xf32, #tpu.memory_space<hbm>>
    %dma_start3A_300 = tpu.memref_slice %arg10[%dma_start3A_289] : memref<2x!tpu.dma_semaphore, #tpu.memory_space<semaphore_mem>> -> memref<1x!tpu.dma_semaphore, #tpu.memory_space<semaphore_mem>>
    %dma_start3A_301 = tpu.memref_squeeze %dma_start3A_300 : memref<1x!tpu.dma_semaphore, #tpu.memory_space<semaphore_mem>> -> memref<!tpu.dma_semaphore, #tpu.memory_space<semaphore_mem>>
    tpu.enqueue_indirect_dma source(%dma_start3A_299 : memref<40000x128xf32, #tpu.memory_space<hbm>>) target(%dma_start3A_293 : memref<128x128xf32, #tpu.memory_space<vmem>>) offsets(%dma_start3A_296 : memref<128xi32, #tpu.memory_space<vmem>>) semaphore(%dma_start3A_301 : memref<!tpu.dma_semaphore, #tpu.memory_space<semaphore_mem>>)
    %dma_start3A_302 = arith.constant 1 : i32
    %dma_start3A_303 = arith.constant 1 : i32
    %dma_start3A_304 = arith.constant 0 : i32
    %dma_start3A_305 = arith.constant 0 : i32
    %dma_start3A_306 = tpu.memref_slice %arg8[%dma_start3A_302, %dma_start3A_304, %dma_start3A_305] : memref<2x64x100xf32, #tpu.memory_space<vmem>> -> memref<1x64x100xf32, #tpu.memory_space<vmem>>
    %dma_start3A_307 = tpu.memref_squeeze %dma_start3A_306 : memref<1x64x100xf32, #tpu.memory_space<vmem>> -> memref<64x100xf32, #tpu.memory_space<vmem>>
    %dma_start3A_308 = arith.constant 0 : i32
    %dma_start3A_309 = tpu.memref_slice %arg3[%add3A_268, %dma_start3A_308] : memref<16384x100xf32, #tpu.memory_space<hbm>> -> memref<64x100xf32, #tpu.memory_space<hbm>>
    %dma_start3A_310 = tpu.memref_slice %arg10[%dma_start3A_303] : memref<2x!tpu.dma_semaphore, #tpu.memory_space<semaphore_mem>> -> memref<1x!tpu.dma_semaphore, #tpu.memory_space<semaphore_mem>>
    %dma_start3A_311 = tpu.memref_squeeze %dma_start3A_310 : memref<1x!tpu.dma_semaphore, #tpu.memory_space<semaphore_mem>> -> memref<!tpu.dma_semaphore, #tpu.memory_space<semaphore_mem>>
    %dma_start3A_312 = arith.constant 0 : i32
    %dma_start3A_313 = arith.constant 0 : i32
    %dma_start3A_314 = tpu.memref_slice %arg8[%dma_start3A_302, %dma_start3A_312, %dma_start3A_313] : memref<2x64x100xf32, #tpu.memory_space<vmem>> -> memref<1x64x100xf32, #tpu.memory_space<vmem>>
    %dma_start3A_315 = tpu.memref_squeeze %dma_start3A_314 : memref<1x64x100xf32, #tpu.memory_space<vmem>> -> memref<64x100xf32, #tpu.memory_space<vmem>>
    %dma_start3A_316 = arith.constant 0 : i32
    %dma_start3A_317 = tpu.memref_slice %arg3[%add3A_268, %dma_start3A_316] : memref<16384x100xf32, #tpu.memory_space<hbm>> -> memref<64x100xf32, #tpu.memory_space<hbm>>
    tpu.enqueue_dma source(%dma_start3A_317 : memref<64x100xf32, #tpu.memory_space<hbm>>) target(%dma_start3A_315 : memref<64x100xf32, #tpu.memory_space<vmem>>) target_semaphore(%dma_start3A_311 : memref<!tpu.dma_semaphore, #tpu.memory_space<semaphore_mem>>)
    %dma_wait3A_318 = arith.constant 0 : i32
    %dma_wait3A_319 = arith.constant 0 : i32
    %dma_wait3A_320 = arith.constant 0 : i32
    %dma_wait3A_321 = arith.constant 0 : i32
    %dma_wait3A_322 = arith.constant 0 : i32
    %dma_wait3A_323 = tpu.memref_slice %arg7[%dma_wait3A_319, %dma_wait3A_321, %dma_wait3A_322] : memref<2x256x128xf32, #tpu.memory_space<vmem>> -> memref<1x128x128xf32, #tpu.memory_space<vmem>>
    %dma_wait3A_324 = tpu.memref_squeeze %dma_wait3A_323 : memref<1x128x128xf32, #tpu.memory_space<vmem>> -> memref<128x128xf32, #tpu.memory_space<vmem>>
    %dma_wait3A_325 = arith.constant 0 : i32
    %dma_wait3A_326 = tpu.memref_slice %arg6[%dma_wait3A_318, %dma_wait3A_325] : memref<2x256xi32, #tpu.memory_space<vmem>> -> memref<1x128xi32, #tpu.memory_space<vmem>>
    %dma_wait3A_327 = tpu.memref_squeeze %dma_wait3A_326 : memref<1x128xi32, #tpu.memory_space<vmem>> -> memref<128xi32, #tpu.memory_space<vmem>>
    %dma_wait3A_328 = arith.constant 0 : i32
    %dma_wait3A_329 = arith.constant 0 : i32
    %dma_wait3A_330 = tpu.memref_slice %arg4[%dma_wait3A_328, %dma_wait3A_329] : memref<40000x128xf32, #tpu.memory_space<hbm>> -> memref<40000x128xf32, #tpu.memory_space<hbm>>
    %dma_wait3A_331 = tpu.memref_slice %arg10[%dma_wait3A_320] : memref<2x!tpu.dma_semaphore, #tpu.memory_space<semaphore_mem>> -> memref<1x!tpu.dma_semaphore, #tpu.memory_space<semaphore_mem>>
    %dma_wait3A_332 = tpu.memref_squeeze %dma_wait3A_331 : memref<1x!tpu.dma_semaphore, #tpu.memory_space<semaphore_mem>> -> memref<!tpu.dma_semaphore, #tpu.memory_space<semaphore_mem>>
    tpu.wait_indirect_dma semaphore(%dma_wait3A_332 : memref<!tpu.dma_semaphore, #tpu.memory_space<semaphore_mem>>) src(%dma_wait3A_330 : memref<40000x128xf32, #tpu.memory_space<hbm>>) dst(%dma_wait3A_324 : memref<128x128xf32, #tpu.memory_space<vmem>>)
    %dma_wait3A_333 = arith.constant 0 : i32
    %dma_wait3A_334 = arith.constant 0 : i32
    %dma_wait3A_335 = arith.constant 0 : i32
    %dma_wait3A_336 = arith.constant 128 : i32
    %dma_wait3A_337 = arith.constant 0 : i32
    %dma_wait3A_338 = tpu.memref_slice %arg7[%dma_wait3A_334, %dma_wait3A_336, %dma_wait3A_337] : memref<2x256x128xf32, #tpu.memory_space<vmem>> -> memref<1x128x128xf32, #tpu.memory_space<vmem>>
    %dma_wait3A_339 = tpu.memref_squeeze %dma_wait3A_338 : memref<1x128x128xf32, #tpu.memory_space<vmem>> -> memref<128x128xf32, #tpu.memory_space<vmem>>
    %dma_wait3A_340 = arith.constant 128 : i32
    %dma_wait3A_341 = tpu.memref_slice %arg6[%dma_wait3A_333, %dma_wait3A_340] : memref<2x256xi32, #tpu.memory_space<vmem>> -> memref<1x128xi32, #tpu.memory_space<vmem>>
    %dma_wait3A_342 = tpu.memref_squeeze %dma_wait3A_341 : memref<1x128xi32, #tpu.memory_space<vmem>> -> memref<128xi32, #tpu.memory_space<vmem>>
    %dma_wait3A_343 = arith.constant 0 : i32
    %dma_wait3A_344 = arith.constant 0 : i32
    %dma_wait3A_345 = tpu.memref_slice %arg4[%dma_wait3A_343, %dma_wait3A_344] : memref<40000x128xf32, #tpu.memory_space<hbm>> -> memref<40000x128xf32, #tpu.memory_space<hbm>>
    %dma_wait3A_346 = tpu.memref_slice %arg10[%dma_wait3A_335] : memref<2x!tpu.dma_semaphore, #tpu.memory_space<semaphore_mem>> -> memref<1x!tpu.dma_semaphore, #tpu.memory_space<semaphore_mem>>
    %dma_wait3A_347 = tpu.memref_squeeze %dma_wait3A_346 : memref<1x!tpu.dma_semaphore, #tpu.memory_space<semaphore_mem>> -> memref<!tpu.dma_semaphore, #tpu.memory_space<semaphore_mem>>
    tpu.wait_indirect_dma semaphore(%dma_wait3A_347 : memref<!tpu.dma_semaphore, #tpu.memory_space<semaphore_mem>>) src(%dma_wait3A_345 : memref<40000x128xf32, #tpu.memory_space<hbm>>) dst(%dma_wait3A_339 : memref<128x128xf32, #tpu.memory_space<vmem>>)
    %dma_wait3A_348 = arith.constant 0 : i32
    %dma_wait3A_349 = arith.constant 0 : i32
    %dma_wait3A_350 = arith.constant 0 : i32
    %dma_wait3A_351 = arith.constant 0 : i32
    %dma_wait3A_352 = tpu.memref_slice %arg8[%dma_wait3A_348, %dma_wait3A_350, %dma_wait3A_351] : memref<2x64x100xf32, #tpu.memory_space<vmem>> -> memref<1x64x100xf32, #tpu.memory_space<vmem>>
    %dma_wait3A_353 = tpu.memref_squeeze %dma_wait3A_352 : memref<1x64x100xf32, #tpu.memory_space<vmem>> -> memref<64x100xf32, #tpu.memory_space<vmem>>
    %dma_wait3A_354 = arith.constant 0 : i32
    %dma_wait3A_355 = tpu.memref_slice %arg3[%add3A_163, %dma_wait3A_354] : memref<16384x100xf32, #tpu.memory_space<hbm>> -> memref<64x100xf32, #tpu.memory_space<hbm>>
    %dma_wait3A_356 = tpu.memref_slice %arg10[%dma_wait3A_349] : memref<2x!tpu.dma_semaphore, #tpu.memory_space<semaphore_mem>> -> memref<1x!tpu.dma_semaphore, #tpu.memory_space<semaphore_mem>>
    %dma_wait3A_357 = tpu.memref_squeeze %dma_wait3A_356 : memref<1x!tpu.dma_semaphore, #tpu.memory_space<semaphore_mem>> -> memref<!tpu.dma_semaphore, #tpu.memory_space<semaphore_mem>>
    %dma_wait3A_358 = arith.constant 0 : i32
    %dma_wait3A_359 = arith.constant 0 : i32
    %dma_wait3A_360 = tpu.memref_slice %arg8[%dma_wait3A_348, %dma_wait3A_358, %dma_wait3A_359] : memref<2x64x100xf32, #tpu.memory_space<vmem>> -> memref<1x64x100xf32, #tpu.memory_space<vmem>>
    %dma_wait3A_361 = tpu.memref_squeeze %dma_wait3A_360 : memref<1x64x100xf32, #tpu.memory_space<vmem>> -> memref<64x100xf32, #tpu.memory_space<vmem>>
    %dma_wait3A_362 = arith.constant 0 : i32
    %dma_wait3A_363 = tpu.memref_slice %arg3[%add3A_163, %dma_wait3A_362] : memref<16384x100xf32, #tpu.memory_space<hbm>> -> memref<64x100xf32, #tpu.memory_space<hbm>>
    tpu.wait_dma2 semaphore(%dma_wait3A_357 : memref<!tpu.dma_semaphore, #tpu.memory_space<semaphore_mem>>) src(%dma_wait3A_363 : memref<64x100xf32, #tpu.memory_space<hbm>>) dst(%dma_wait3A_361 : memref<64x100xf32, #tpu.memory_space<vmem>>)
    %scan3A_364 = arith.constant 0 : i32
    %scan3A_365 = arith.constant 64 : i32
    %scan3A_366 = arith.addi %scan3A_364, %scan3A_365 : i32
    %scan3A_367 = arith.constant 1 : i32
    %scan3A_368 = scf.for %scan3A_903 = %scan3A_364 to %scan3A_366 step %scan3A_367 iter_args(%scan3A_904 = %scan3A_263) -> (vector<16xf32>)  : i32 {
      %mul3A_905 = arith.constant 4 : i32
      %mul3A_906 = arith.muli %mul3A_905, %scan3A_903 : i32
      %get3A = arith.constant 0 : i32
      %get3A_907 = arith.index_cast %get3A : i32 to index
      %get3A_908 = arith.index_cast %mul3A_906 : i32 to index
      %get3A_909 = arith.constant 0 : index
      %get3A_910 = tpu.vector_load %arg7[%get3A_907, %get3A_908, %get3A_909] {strides = array<i32>} : memref<2x256x128xf32, #tpu.memory_space<vmem>>, vector<1x1x16xf32>,
      %get3A_911 = vector.shape_cast %get3A_910 : vector<1x1x16xf32> to vector<16xf32>
      %add3A_912 = arith.constant 1 : i32
      %add3A_913 = arith.addi %mul3A_906, %add3A_912 : i32
      %get3A_914 = arith.constant 0 : i32
      %get3A_915 = arith.index_cast %get3A_914 : i32 to index
      %get3A_916 = arith.index_cast %add3A_913 : i32 to index
      %get3A_917 = arith.constant 0 : index
      %get3A_918 = tpu.vector_load %arg7[%get3A_915, %get3A_916, %get3A_917] {strides = array<i32>} : memref<2x256x128xf32, #tpu.memory_space<vmem>>, vector<1x1x16xf32>,
      %get3A_919 = vector.shape_cast %get3A_918 : vector<1x1x16xf32> to vector<16xf32>
      %add3A_920 = arith.addf %get3A_911, %get3A_919 : vector<16xf32>
      %add3A_921 = arith.constant 2 : i32
      %add3A_922 = arith.addi %mul3A_906, %add3A_921 : i32
      %get3A_923 = arith.constant 0 : i32
      %get3A_924 = arith.index_cast %get3A_923 : i32 to index
      %get3A_925 = arith.index_cast %add3A_922 : i32 to index
      %get3A_926 = arith.constant 0 : index
      %get3A_927 = tpu.vector_load %arg7[%get3A_924, %get3A_925, %get3A_926] {strides = array<i32>} : memref<2x256x128xf32, #tpu.memory_space<vmem>>, vector<1x1x16xf32>,
      %get3A_928 = vector.shape_cast %get3A_927 : vector<1x1x16xf32> to vector<16xf32>
      %add3A_929 = arith.constant 3 : i32
      %add3A_930 = arith.addi %mul3A_906, %add3A_929 : i32
      %get3A_931 = arith.constant 0 : i32
      %get3A_932 = arith.index_cast %get3A_931 : i32 to index
      %get3A_933 = arith.index_cast %add3A_930 : i32 to index
      %get3A_934 = arith.constant 0 : index
      %get3A_935 = tpu.vector_load %arg7[%get3A_932, %get3A_933, %get3A_934] {strides = array<i32>} : memref<2x256x128xf32, #tpu.memory_space<vmem>>, vector<1x1x16xf32>,
      %get3A_936 = vector.shape_cast %get3A_935 : vector<1x1x16xf32> to vector<16xf32>
      %add3A_937 = arith.addf %get3A_928, %get3A_936 : vector<16xf32>
      %add3A_938 = arith.addf %add3A_920, %add3A_937 : vector<16xf32>
      %get3A_939 = arith.constant 0 : i32
      %get3A_940 = arith.index_cast %get3A_939 : i32 to index
      %get3A_941 = arith.index_cast %scan3A_903 : i32 to index
      %get3A_942 = arith.constant 0 : index
      %get3A_943 = tpu.vector_load %arg8[%get3A_940, %get3A_941, %get3A_942] {strides = array<i32>} : memref<2x64x100xf32, #tpu.memory_space<vmem>>, vector<1x1x16xf32>,
      %get3A_944 = vector.shape_cast %get3A_943 : vector<1x1x16xf32> to vector<16xf32>
      %sub3A = arith.subf %add3A_938, %get3A_944 : vector<16xf32>
      %mul3A_945 = arith.mulf %sub3A, %sub3A : vector<16xf32>
      %add3A_946 = arith.addf %scan3A_904, %mul3A_945 : vector<16xf32>
      %get3A_947 = arith.constant 0 : i32
      %get3A_948 = arith.index_cast %get3A_947 : i32 to index
      %get3A_949 = arith.index_cast %mul3A_906 : i32 to index
      %get3A_950 = arith.constant 16 : index
      %get3A_951 = tpu.vector_load %arg7[%get3A_948, %get3A_949, %get3A_950] {strides = array<i32>} : memref<2x256x128xf32, #tpu.memory_space<vmem>>, vector<1x1x16xf32>,
      %get3A_952 = vector.shape_cast %get3A_951 : vector<1x1x16xf32> to vector<16xf32>
      %add3A_953 = arith.constant 1 : i32
      %add3A_954 = arith.addi %mul3A_906, %add3A_953 : i32
      %get3A_955 = arith.constant 0 : i32
      %get3A_956 = arith.index_cast %get3A_955 : i32 to index
      %get3A_957 = arith.index_cast %add3A_954 : i32 to index
      %get3A_958 = arith.constant 16 : index
      %get3A_959 = tpu.vector_load %arg7[%get3A_956, %get3A_957, %get3A_958] {strides = array<i32>} : memref<2x256x128xf32, #tpu.memory_space<vmem>>, vector<1x1x16xf32>,
      %get3A_960 = vector.shape_cast %get3A_959 : vector<1x1x16xf32> to vector<16xf32>
      %add3A_961 = arith.addf %get3A_952, %get3A_960 : vector<16xf32>
      %add3A_962 = arith.constant 2 : i32
      %add3A_963 = arith.addi %mul3A_906, %add3A_962 : i32
      %get3A_964 = arith.constant 0 : i32
      %get3A_965 = arith.index_cast %get3A_964 : i32 to index
      %get3A_966 = arith.index_cast %add3A_963 : i32 to index
      %get3A_967 = arith.constant 16 : index
      %get3A_968 = tpu.vector_load %arg7[%get3A_965, %get3A_966, %get3A_967] {strides = array<i32>} : memref<2x256x128xf32, #tpu.memory_space<vmem>>, vector<1x1x16xf32>,
      %get3A_969 = vector.shape_cast %get3A_968 : vector<1x1x16xf32> to vector<16xf32>
      %add3A_970 = arith.constant 3 : i32
      %add3A_971 = arith.addi %mul3A_906, %add3A_970 : i32
      %get3A_972 = arith.constant 0 : i32
      %get3A_973 = arith.index_cast %get3A_972 : i32 to index
      %get3A_974 = arith.index_cast %add3A_971 : i32 to index
      %get3A_975 = arith.constant 16 : index
      %get3A_976 = tpu.vector_load %arg7[%get3A_973, %get3A_974, %get3A_975] {strides = array<i32>} : memref<2x256x128xf32, #tpu.memory_space<vmem>>, vector<1x1x16xf32>,
      %get3A_977 = vector.shape_cast %get3A_976 : vector<1x1x16xf32> to vector<16xf32>
      %add3A_978 = arith.addf %get3A_969, %get3A_977 : vector<16xf32>
      %add3A_979 = arith.addf %add3A_961, %add3A_978 : vector<16xf32>
      %get3A_980 = arith.constant 0 : i32
      %get3A_981 = arith.index_cast %get3A_980 : i32 to index
      %get3A_982 = arith.index_cast %scan3A_903 : i32 to index
      %get3A_983 = arith.constant 16 : index
      %get3A_984 = tpu.vector_load %arg8[%get3A_981, %get3A_982, %get3A_983] {strides = array<i32>} : memref<2x64x100xf32, #tpu.memory_space<vmem>>, vector<1x1x16xf32>,
      %get3A_985 = vector.shape_cast %get3A_984 : vector<1x1x16xf32> to vector<16xf32>
      %sub3A_986 = arith.subf %add3A_979, %get3A_985 : vector<16xf32>
      %mul3A_987 = arith.mulf %sub3A_986, %sub3A_986 : vector<16xf32>
      %add3A_988 = arith.addf %add3A_946, %mul3A_987 : vector<16xf32>
      %get3A_989 = arith.constant 0 : i32
      %get3A_990 = arith.index_cast %get3A_989 : i32 to index
      %get3A_991 = arith.index_cast %mul3A_906 : i32 to index
      %get3A_992 = arith.constant 32 : index
      %get3A_993 = tpu.vector_load %arg7[%get3A_990, %get3A_991, %get3A_992] {strides = array<i32>} : memref<2x256x128xf32, #tpu.memory_space<vmem>>, vector<1x1x16xf32>,
      %get3A_994 = vector.shape_cast %get3A_993 : vector<1x1x16xf32> to vector<16xf32>
      %add3A_995 = arith.constant 1 : i32
      %add3A_996 = arith.addi %mul3A_906, %add3A_995 : i32
      %get3A_997 = arith.constant 0 : i32
      %get3A_998 = arith.index_cast %get3A_997 : i32 to index
      %get3A_999 = arith.index_cast %add3A_996 : i32 to index
      %get3A_1000 = arith.constant 32 : index
      %get3A_1001 = tpu.vector_load %arg7[%get3A_998, %get3A_999, %get3A_1000] {strides = array<i32>} : memref<2x256x128xf32, #tpu.memory_space<vmem>>, vector<1x1x16xf32>,
      %get3A_1002 = vector.shape_cast %get3A_1001 : vector<1x1x16xf32> to vector<16xf32>
      %add3A_1003 = arith.addf %get3A_994, %get3A_1002 : vector<16xf32>
      %add3A_1004 = arith.constant 2 : i32
      %add3A_1005 = arith.addi %mul3A_906, %add3A_1004 : i32
      %get3A_1006 = arith.constant 0 : i32
      %get3A_1007 = arith.index_cast %get3A_1006 : i32 to index
      %get3A_1008 = arith.index_cast %add3A_1005 : i32 to index
      %get3A_1009 = arith.constant 32 : index
      %get3A_1010 = tpu.vector_load %arg7[%get3A_1007, %get3A_1008, %get3A_1009] {strides = array<i32>} : memref<2x256x128xf32, #tpu.memory_space<vmem>>, vector<1x1x16xf32>,
      %get3A_1011 = vector.shape_cast %get3A_1010 : vector<1x1x16xf32> to vector<16xf32>
      %add3A_1012 = arith.constant 3 : i32
      %add3A_1013 = arith.addi %mul3A_906, %add3A_1012 : i32
      %get3A_1014 = arith.constant 0 : i32
      %get3A_1015 = arith.index_cast %get3A_1014 : i32 to index
      %get3A_1016 = arith.index_cast %add3A_1013 : i32 to index
      %get3A_1017 = arith.constant 32 : index
      %get3A_1018 = tpu.vector_load %arg7[%get3A_1015, %get3A_1016, %get3A_1017] {strides = array<i32>} : memref<2x256x128xf32, #tpu.memory_space<vmem>>, vector<1x1x16xf32>,
      %get3A_1019 = vector.shape_cast %get3A_1018 : vector<1x1x16xf32> to vector<16xf32>
      %add3A_1020 = arith.addf %get3A_1011, %get3A_1019 : vector<16xf32>
      %add3A_1021 = arith.addf %add3A_1003, %add3A_1020 : vector<16xf32>
      %get3A_1022 = arith.constant 0 : i32
      %get3A_1023 = arith.index_cast %get3A_1022 : i32 to index
      %get3A_1024 = arith.index_cast %scan3A_903 : i32 to index
      %get3A_1025 = arith.constant 32 : index
      %get3A_1026 = tpu.vector_load %arg8[%get3A_1023, %get3A_1024, %get3A_1025] {strides = array<i32>} : memref<2x64x100xf32, #tpu.memory_space<vmem>>, vector<1x1x16xf32>,
      %get3A_1027 = vector.shape_cast %get3A_1026 : vector<1x1x16xf32> to vector<16xf32>
      %sub3A_1028 = arith.subf %add3A_1021, %get3A_1027 : vector<16xf32>
      %mul3A_1029 = arith.mulf %sub3A_1028, %sub3A_1028 : vector<16xf32>
      %add3A_1030 = arith.addf %add3A_988, %mul3A_1029 : vector<16xf32>
      %get3A_1031 = arith.constant 0 : i32
      %get3A_1032 = arith.index_cast %get3A_1031 : i32 to index
      %get3A_1033 = arith.index_cast %mul3A_906 : i32 to index
      %get3A_1034 = arith.constant 48 : index
      %get3A_1035 = tpu.vector_load %arg7[%get3A_1032, %get3A_1033, %get3A_1034] {strides = array<i32>} : memref<2x256x128xf32, #tpu.memory_space<vmem>>, vector<1x1x16xf32>,
      %get3A_1036 = vector.shape_cast %get3A_1035 : vector<1x1x16xf32> to vector<16xf32>
      %add3A_1037 = arith.constant 1 : i32
      %add3A_1038 = arith.addi %mul3A_906, %add3A_1037 : i32
      %get3A_1039 = arith.constant 0 : i32
      %get3A_1040 = arith.index_cast %get3A_1039 : i32 to index
      %get3A_1041 = arith.index_cast %add3A_1038 : i32 to index
      %get3A_1042 = arith.constant 48 : index
      %get3A_1043 = tpu.vector_load %arg7[%get3A_1040, %get3A_1041, %get3A_1042] {strides = array<i32>} : memref<2x256x128xf32, #tpu.memory_space<vmem>>, vector<1x1x16xf32>,
      %get3A_1044 = vector.shape_cast %get3A_1043 : vector<1x1x16xf32> to vector<16xf32>
      %add3A_1045 = arith.addf %get3A_1036, %get3A_1044 : vector<16xf32>
      %add3A_1046 = arith.constant 2 : i32
      %add3A_1047 = arith.addi %mul3A_906, %add3A_1046 : i32
      %get3A_1048 = arith.constant 0 : i32
      %get3A_1049 = arith.index_cast %get3A_1048 : i32 to index
      %get3A_1050 = arith.index_cast %add3A_1047 : i32 to index
      %get3A_1051 = arith.constant 48 : index
      %get3A_1052 = tpu.vector_load %arg7[%get3A_1049, %get3A_1050, %get3A_1051] {strides = array<i32>} : memref<2x256x128xf32, #tpu.memory_space<vmem>>, vector<1x1x16xf32>,
      %get3A_1053 = vector.shape_cast %get3A_1052 : vector<1x1x16xf32> to vector<16xf32>
      %add3A_1054 = arith.constant 3 : i32
      %add3A_1055 = arith.addi %mul3A_906, %add3A_1054 : i32
      %get3A_1056 = arith.constant 0 : i32
      %get3A_1057 = arith.index_cast %get3A_1056 : i32 to index
      %get3A_1058 = arith.index_cast %add3A_1055 : i32 to index
      %get3A_1059 = arith.constant 48 : index
      %get3A_1060 = tpu.vector_load %arg7[%get3A_1057, %get3A_1058, %get3A_1059] {strides = array<i32>} : memref<2x256x128xf32, #tpu.memory_space<vmem>>, vector<1x1x16xf32>,
      %get3A_1061 = vector.shape_cast %get3A_1060 : vector<1x1x16xf32> to vector<16xf32>
      %add3A_1062 = arith.addf %get3A_1053, %get3A_1061 : vector<16xf32>
      %add3A_1063 = arith.addf %add3A_1045, %add3A_1062 : vector<16xf32>
      %get3A_1064 = arith.constant 0 : i32
      %get3A_1065 = arith.index_cast %get3A_1064 : i32 to index
      %get3A_1066 = arith.index_cast %scan3A_903 : i32 to index
      %get3A_1067 = arith.constant 48 : index
      %get3A_1068 = tpu.vector_load %arg8[%get3A_1065, %get3A_1066, %get3A_1067] {strides = array<i32>} : memref<2x64x100xf32, #tpu.memory_space<vmem>>, vector<1x1x16xf32>,
      %get3A_1069 = vector.shape_cast %get3A_1068 : vector<1x1x16xf32> to vector<16xf32>
      %sub3A_1070 = arith.subf %add3A_1063, %get3A_1069 : vector<16xf32>
      %mul3A_1071 = arith.mulf %sub3A_1070, %sub3A_1070 : vector<16xf32>
      %add3A_1072 = arith.addf %add3A_1030, %mul3A_1071 : vector<16xf32>
      %get3A_1073 = arith.constant 0 : i32
      %get3A_1074 = arith.index_cast %get3A_1073 : i32 to index
      %get3A_1075 = arith.index_cast %mul3A_906 : i32 to index
      %get3A_1076 = arith.constant 64 : index
      %get3A_1077 = tpu.vector_load %arg7[%get3A_1074, %get3A_1075, %get3A_1076] {strides = array<i32>} : memref<2x256x128xf32, #tpu.memory_space<vmem>>, vector<1x1x16xf32>,
      %get3A_1078 = vector.shape_cast %get3A_1077 : vector<1x1x16xf32> to vector<16xf32>
      %add3A_1079 = arith.constant 1 : i32
      %add3A_1080 = arith.addi %mul3A_906, %add3A_1079 : i32
      %get3A_1081 = arith.constant 0 : i32
      %get3A_1082 = arith.index_cast %get3A_1081 : i32 to index
      %get3A_1083 = arith.index_cast %add3A_1080 : i32 to index
      %get3A_1084 = arith.constant 64 : index
      %get3A_1085 = tpu.vector_load %arg7[%get3A_1082, %get3A_1083, %get3A_1084] {strides = array<i32>} : memref<2x256x128xf32, #tpu.memory_space<vmem>>, vector<1x1x16xf32>,
      %get3A_1086 = vector.shape_cast %get3A_1085 : vector<1x1x16xf32> to vector<16xf32>
      %add3A_1087 = arith.addf %get3A_1078, %get3A_1086 : vector<16xf32>
      %add3A_1088 = arith.constant 2 : i32
      %add3A_1089 = arith.addi %mul3A_906, %add3A_1088 : i32
      %get3A_1090 = arith.constant 0 : i32
      %get3A_1091 = arith.index_cast %get3A_1090 : i32 to index
      %get3A_1092 = arith.index_cast %add3A_1089 : i32 to index
      %get3A_1093 = arith.constant 64 : index
      %get3A_1094 = tpu.vector_load %arg7[%get3A_1091, %get3A_1092, %get3A_1093] {strides = array<i32>} : memref<2x256x128xf32, #tpu.memory_space<vmem>>, vector<1x1x16xf32>,
      %get3A_1095 = vector.shape_cast %get3A_1094 : vector<1x1x16xf32> to vector<16xf32>
      %add3A_1096 = arith.constant 3 : i32
      %add3A_1097 = arith.addi %mul3A_906, %add3A_1096 : i32
      %get3A_1098 = arith.constant 0 : i32
      %get3A_1099 = arith.index_cast %get3A_1098 : i32 to index
      %get3A_1100 = arith.index_cast %add3A_1097 : i32 to index
      %get3A_1101 = arith.constant 64 : index
      %get3A_1102 = tpu.vector_load %arg7[%get3A_1099, %get3A_1100, %get3A_1101] {strides = array<i32>} : memref<2x256x128xf32, #tpu.memory_space<vmem>>, vector<1x1x16xf32>,
      %get3A_1103 = vector.shape_cast %get3A_1102 : vector<1x1x16xf32> to vector<16xf32>
      %add3A_1104 = arith.addf %get3A_1095, %get3A_1103 : vector<16xf32>
      %add3A_1105 = arith.addf %add3A_1087, %add3A_1104 : vector<16xf32>
      %get3A_1106 = arith.constant 0 : i32
      %get3A_1107 = arith.index_cast %get3A_1106 : i32 to index
      %get3A_1108 = arith.index_cast %scan3A_903 : i32 to index
      %get3A_1109 = arith.constant 64 : index
      %get3A_1110 = tpu.vector_load %arg8[%get3A_1107, %get3A_1108, %get3A_1109] {strides = array<i32>} : memref<2x64x100xf32, #tpu.memory_space<vmem>>, vector<1x1x16xf32>,
      %get3A_1111 = vector.shape_cast %get3A_1110 : vector<1x1x16xf32> to vector<16xf32>
      %sub3A_1112 = arith.subf %add3A_1105, %get3A_1111 : vector<16xf32>
      %mul3A_1113 = arith.mulf %sub3A_1112, %sub3A_1112 : vector<16xf32>
      %add3A_1114 = arith.addf %add3A_1072, %mul3A_1113 : vector<16xf32>
      %get3A_1115 = arith.constant 0 : i32
      %get3A_1116 = arith.index_cast %get3A_1115 : i32 to index
      %get3A_1117 = arith.index_cast %mul3A_906 : i32 to index
      %get3A_1118 = arith.constant 80 : index
      %get3A_1119 = tpu.vector_load %arg7[%get3A_1116, %get3A_1117, %get3A_1118] {strides = array<i32>} : memref<2x256x128xf32, #tpu.memory_space<vmem>>, vector<1x1x16xf32>,
      %get3A_1120 = vector.shape_cast %get3A_1119 : vector<1x1x16xf32> to vector<16xf32>
      %add3A_1121 = arith.constant 1 : i32
      %add3A_1122 = arith.addi %mul3A_906, %add3A_1121 : i32
      %get3A_1123 = arith.constant 0 : i32
      %get3A_1124 = arith.index_cast %get3A_1123 : i32 to index
      %get3A_1125 = arith.index_cast %add3A_1122 : i32 to index
      %get3A_1126 = arith.constant 80 : index
      %get3A_1127 = tpu.vector_load %arg7[%get3A_1124, %get3A_1125, %get3A_1126] {strides = array<i32>} : memref<2x256x128xf32, #tpu.memory_space<vmem>>, vector<1x1x16xf32>,
      %get3A_1128 = vector.shape_cast %get3A_1127 : vector<1x1x16xf32> to vector<16xf32>
      %add3A_1129 = arith.addf %get3A_1120, %get3A_1128 : vector<16xf32>
      %add3A_1130 = arith.constant 2 : i32
      %add3A_1131 = arith.addi %mul3A_906, %add3A_1130 : i32
      %get3A_1132 = arith.constant 0 : i32
      %get3A_1133 = arith.index_cast %get3A_1132 : i32 to index
      %get3A_1134 = arith.index_cast %add3A_1131 : i32 to index
      %get3A_1135 = arith.constant 80 : index
      %get3A_1136 = tpu.vector_load %arg7[%get3A_1133, %get3A_1134, %get3A_1135] {strides = array<i32>} : memref<2x256x128xf32, #tpu.memory_space<vmem>>, vector<1x1x16xf32>,
      %get3A_1137 = vector.shape_cast %get3A_1136 : vector<1x1x16xf32> to vector<16xf32>
      %add3A_1138 = arith.constant 3 : i32
      %add3A_1139 = arith.addi %mul3A_906, %add3A_1138 : i32
      %get3A_1140 = arith.constant 0 : i32
      %get3A_1141 = arith.index_cast %get3A_1140 : i32 to index
      %get3A_1142 = arith.index_cast %add3A_1139 : i32 to index
      %get3A_1143 = arith.constant 80 : index
      %get3A_1144 = tpu.vector_load %arg7[%get3A_1141, %get3A_1142, %get3A_1143] {strides = array<i32>} : memref<2x256x128xf32, #tpu.memory_space<vmem>>, vector<1x1x16xf32>,
      %get3A_1145 = vector.shape_cast %get3A_1144 : vector<1x1x16xf32> to vector<16xf32>
      %add3A_1146 = arith.addf %get3A_1137, %get3A_1145 : vector<16xf32>
      %add3A_1147 = arith.addf %add3A_1129, %add3A_1146 : vector<16xf32>
      %get3A_1148 = arith.constant 0 : i32
      %get3A_1149 = arith.index_cast %get3A_1148 : i32 to index
      %get3A_1150 = arith.index_cast %scan3A_903 : i32 to index
      %get3A_1151 = arith.constant 80 : index
      %get3A_1152 = tpu.vector_load %arg8[%get3A_1149, %get3A_1150, %get3A_1151] {strides = array<i32>} : memref<2x64x100xf32, #tpu.memory_space<vmem>>, vector<1x1x16xf32>,
      %get3A_1153 = vector.shape_cast %get3A_1152 : vector<1x1x16xf32> to vector<16xf32>
      %sub3A_1154 = arith.subf %add3A_1147, %get3A_1153 : vector<16xf32>
      %mul3A_1155 = arith.mulf %sub3A_1154, %sub3A_1154 : vector<16xf32>
      %add3A_1156 = arith.addf %add3A_1114, %mul3A_1155 : vector<16xf32>
      %get3A_1157 = arith.constant 0 : i32
      %get3A_1158 = arith.index_cast %get3A_1157 : i32 to index
      %get3A_1159 = arith.index_cast %mul3A_906 : i32 to index
      %get3A_1160 = arith.constant 84 : index
      %get3A_1161 = tpu.vector_load %arg7[%get3A_1158, %get3A_1159, %get3A_1160] {strides = array<i32>} : memref<2x256x128xf32, #tpu.memory_space<vmem>>, vector<1x1x16xf32>,
      %get3A_1162 = vector.shape_cast %get3A_1161 : vector<1x1x16xf32> to vector<16xf32>
      %add3A_1163 = arith.constant 1 : i32
      %add3A_1164 = arith.addi %mul3A_906, %add3A_1163 : i32
      %get3A_1165 = arith.constant 0 : i32
      %get3A_1166 = arith.index_cast %get3A_1165 : i32 to index
      %get3A_1167 = arith.index_cast %add3A_1164 : i32 to index
      %get3A_1168 = arith.constant 84 : index
      %get3A_1169 = tpu.vector_load %arg7[%get3A_1166, %get3A_1167, %get3A_1168] {strides = array<i32>} : memref<2x256x128xf32, #tpu.memory_space<vmem>>, vector<1x1x16xf32>,
      %get3A_1170 = vector.shape_cast %get3A_1169 : vector<1x1x16xf32> to vector<16xf32>
      %add3A_1171 = arith.addf %get3A_1162, %get3A_1170 : vector<16xf32>
      %add3A_1172 = arith.constant 2 : i32
      %add3A_1173 = arith.addi %mul3A_906, %add3A_1172 : i32
      %get3A_1174 = arith.constant 0 : i32
      %get3A_1175 = arith.index_cast %get3A_1174 : i32 to index
      %get3A_1176 = arith.index_cast %add3A_1173 : i32 to index
      %get3A_1177 = arith.constant 84 : index
      %get3A_1178 = tpu.vector_load %arg7[%get3A_1175, %get3A_1176, %get3A_1177] {strides = array<i32>} : memref<2x256x128xf32, #tpu.memory_space<vmem>>, vector<1x1x16xf32>,
      %get3A_1179 = vector.shape_cast %get3A_1178 : vector<1x1x16xf32> to vector<16xf32>
      %add3A_1180 = arith.constant 3 : i32
      %add3A_1181 = arith.addi %mul3A_906, %add3A_1180 : i32
      %get3A_1182 = arith.constant 0 : i32
      %get3A_1183 = arith.index_cast %get3A_1182 : i32 to index
      %get3A_1184 = arith.index_cast %add3A_1181 : i32 to index
      %get3A_1185 = arith.constant 84 : index
      %get3A_1186 = tpu.vector_load %arg7[%get3A_1183, %get3A_1184, %get3A_1185] {strides = array<i32>} : memref<2x256x128xf32, #tpu.memory_space<vmem>>, vector<1x1x16xf32>,
      %get3A_1187 = vector.shape_cast %get3A_1186 : vector<1x1x16xf32> to vector<16xf32>
      %add3A_1188 = arith.addf %get3A_1179, %get3A_1187 : vector<16xf32>
      %add3A_1189 = arith.addf %add3A_1171, %add3A_1188 : vector<16xf32>
      %get3A_1190 = arith.constant 0 : i32
      %get3A_1191 = arith.index_cast %get3A_1190 : i32 to index
      %get3A_1192 = arith.index_cast %scan3A_903 : i32 to index
      %get3A_1193 = arith.constant 84 : index
      %get3A_1194 = tpu.vector_load %arg8[%get3A_1191, %get3A_1192, %get3A_1193] {strides = array<i32>} : memref<2x64x100xf32, #tpu.memory_space<vmem>>, vector<1x1x16xf32>,
      %get3A_1195 = vector.shape_cast %get3A_1194 : vector<1x1x16xf32> to vector<16xf32>
      %sub3A_1196 = arith.subf %add3A_1189, %get3A_1195 : vector<16xf32>
      %select_n3A_1197 = arith.select %ge3A_2, %sub3A_1196, %broadcast_in_dim3A_3 : vector<16xi1>, vector<16xf32>
      %mul3A_1198 = arith.mulf %select_n3A_1197, %select_n3A_1197 : vector<16xf32>
      %add3A_1199 = arith.addf %add3A_1156, %mul3A_1198 : vector<16xf32>
      scf.yield %add3A_1199 : vector<16xf32>
    }
    %scan3A_369 = arith.constant 64 : i32
    %mul3A_370 = arith.constant 512 : i32
    %mul3A_371 = arith.muli %add3A, %mul3A_370 : i32
    %add3A_372 = arith.constant 256 : i32
    %add3A_373 = arith.addi %mul3A_371, %add3A_372 : i32
    %mul3A_374 = arith.constant 4 : i32
    %mul3A_375 = arith.muli %mul3A_374, %add3A_373 : i32
    %run_scoped3A_376 = arith.constant 0 : i32
    "tpu.region"() ({
      %run_scoped3A_903 = tpu.sem_alloc : memref<!tpu.dma_semaphore, #tpu.memory_space<semaphore_mem>>
      %dma_start3A_904 = arith.constant 0 : i32
      %dma_start3A_905 = tpu.memref_slice %arg6[%run_scoped3A_376, %dma_start3A_904] : memref<2x256xi32, #tpu.memory_space<vmem>> -> memref<1x256xi32, #tpu.memory_space<vmem>>
      %dma_start3A_906 = tpu.memref_squeeze %dma_start3A_905 : memref<1x256xi32, #tpu.memory_space<vmem>> -> memref<256xi32, #tpu.memory_space<vmem>>
      %dma_start3A_907 = tpu.memref_slice %arg2[%mul3A_375] : memref<65536xi32, #tpu.memory_space<hbm>> -> memref<256xi32, #tpu.memory_space<hbm>>
      %dma_start3A_908 = arith.constant 0 : i32
      %dma_start3A_909 = tpu.memref_slice %arg6[%run_scoped3A_376, %dma_start3A_908] : memref<2x256xi32, #tpu.memory_space<vmem>> -> memref<1x256xi32, #tpu.memory_space<vmem>>
      %dma_start3A_910 = tpu.memref_squeeze %dma_start3A_909 : memref<1x256xi32, #tpu.memory_space<vmem>> -> memref<256xi32, #tpu.memory_space<vmem>>
      %dma_start3A_911 = tpu.memref_slice %arg2[%mul3A_375] : memref<65536xi32, #tpu.memory_space<hbm>> -> memref<256xi32, #tpu.memory_space<hbm>>
      tpu.enqueue_dma source(%dma_start3A_911 : memref<256xi32, #tpu.memory_space<hbm>>) target(%dma_start3A_910 : memref<256xi32, #tpu.memory_space<vmem>>) target_semaphore(%run_scoped3A_903 : memref<!tpu.dma_semaphore, #tpu.memory_space<semaphore_mem>>)
      %dma_wait3A_912 = arith.constant 0 : i32
      %dma_wait3A_913 = tpu.memref_slice %arg6[%run_scoped3A_376, %dma_wait3A_912] : memref<2x256xi32, #tpu.memory_space<vmem>> -> memref<1x256xi32, #tpu.memory_space<vmem>>
      %dma_wait3A_914 = tpu.memref_squeeze %dma_wait3A_913 : memref<1x256xi32, #tpu.memory_space<vmem>> -> memref<256xi32, #tpu.memory_space<vmem>>
      %dma_wait3A_915 = tpu.memref_slice %arg2[%mul3A_375] : memref<65536xi32, #tpu.memory_space<hbm>> -> memref<256xi32, #tpu.memory_space<hbm>>
      %dma_wait3A_916 = arith.constant 0 : i32
      %dma_wait3A_917 = tpu.memref_slice %arg6[%run_scoped3A_376, %dma_wait3A_916] : memref<2x256xi32, #tpu.memory_space<vmem>> -> memref<1x256xi32, #tpu.memory_space<vmem>>
      %dma_wait3A_918 = tpu.memref_squeeze %dma_wait3A_917 : memref<1x256xi32, #tpu.memory_space<vmem>> -> memref<256xi32, #tpu.memory_space<vmem>>
      %dma_wait3A_919 = tpu.memref_slice %arg2[%mul3A_375] : memref<65536xi32, #tpu.memory_space<hbm>> -> memref<256xi32, #tpu.memory_space<hbm>>
      tpu.wait_dma2 semaphore(%run_scoped3A_903 : memref<!tpu.dma_semaphore, #tpu.memory_space<semaphore_mem>>) src(%dma_wait3A_919 : memref<256xi32, #tpu.memory_space<hbm>>) dst(%dma_wait3A_918 : memref<256xi32, #tpu.memory_space<vmem>>)
      tpu.yield
    }) : () -> ()
    %dma_start3A_377 = arith.constant 0 : i32
    %dma_start3A_378 = arith.constant 0 : i32
    %dma_start3A_379 = arith.constant 0 : i32
    %dma_start3A_380 = arith.constant 0 : i32
    %dma_start3A_381 = arith.constant 0 : i32
    %dma_start3A_382 = tpu.memref_slice %arg7[%dma_start3A_378, %dma_start3A_380, %dma_start3A_381] : memref<2x256x128xf32, #tpu.memory_space<vmem>> -> memref<1x128x128xf32, #tpu.memory_space<vmem>>
    %dma_start3A_383 = tpu.memref_squeeze %dma_start3A_382 : memref<1x128x128xf32, #tpu.memory_space<vmem>> -> memref<128x128xf32, #tpu.memory_space<vmem>>
    %dma_start3A_384 = arith.constant 0 : i32
    %dma_start3A_385 = tpu.memref_slice %arg6[%dma_start3A_377, %dma_start3A_384] : memref<2x256xi32, #tpu.memory_space<vmem>> -> memref<1x128xi32, #tpu.memory_space<vmem>>
    %dma_start3A_386 = tpu.memref_squeeze %dma_start3A_385 : memref<1x128xi32, #tpu.memory_space<vmem>> -> memref<128xi32, #tpu.memory_space<vmem>>
    %dma_start3A_387 = arith.constant 0 : i32
    %dma_start3A_388 = arith.constant 0 : i32
    %dma_start3A_389 = tpu.memref_slice %arg4[%dma_start3A_387, %dma_start3A_388] : memref<40000x128xf32, #tpu.memory_space<hbm>> -> memref<40000x128xf32, #tpu.memory_space<hbm>>
    %dma_start3A_390 = tpu.memref_slice %arg10[%dma_start3A_379] : memref<2x!tpu.dma_semaphore, #tpu.memory_space<semaphore_mem>> -> memref<1x!tpu.dma_semaphore, #tpu.memory_space<semaphore_mem>>
    %dma_start3A_391 = tpu.memref_squeeze %dma_start3A_390 : memref<1x!tpu.dma_semaphore, #tpu.memory_space<semaphore_mem>> -> memref<!tpu.dma_semaphore, #tpu.memory_space<semaphore_mem>>
    tpu.enqueue_indirect_dma source(%dma_start3A_389 : memref<40000x128xf32, #tpu.memory_space<hbm>>) target(%dma_start3A_383 : memref<128x128xf32, #tpu.memory_space<vmem>>) offsets(%dma_start3A_386 : memref<128xi32, #tpu.memory_space<vmem>>) semaphore(%dma_start3A_391 : memref<!tpu.dma_semaphore, #tpu.memory_space<semaphore_mem>>)
    %dma_start3A_392 = arith.constant 0 : i32
    %dma_start3A_393 = arith.constant 0 : i32
    %dma_start3A_394 = arith.constant 0 : i32
    %dma_start3A_395 = arith.constant 128 : i32
    %dma_start3A_396 = arith.constant 0 : i32
    %dma_start3A_397 = tpu.memref_slice %arg7[%dma_start3A_393, %dma_start3A_395, %dma_start3A_396] : memref<2x256x128xf32, #tpu.memory_space<vmem>> -> memref<1x128x128xf32, #tpu.memory_space<vmem>>
    %dma_start3A_398 = tpu.memref_squeeze %dma_start3A_397 : memref<1x128x128xf32, #tpu.memory_space<vmem>> -> memref<128x128xf32, #tpu.memory_space<vmem>>
    %dma_start3A_399 = arith.constant 128 : i32
    %dma_start3A_400 = tpu.memref_slice %arg6[%dma_start3A_392, %dma_start3A_399] : memref<2x256xi32, #tpu.memory_space<vmem>> -> memref<1x128xi32, #tpu.memory_space<vmem>>
    %dma_start3A_401 = tpu.memref_squeeze %dma_start3A_400 : memref<1x128xi32, #tpu.memory_space<vmem>> -> memref<128xi32, #tpu.memory_space<vmem>>
    %dma_start3A_402 = arith.constant 0 : i32
    %dma_start3A_403 = arith.constant 0 : i32
    %dma_start3A_404 = tpu.memref_slice %arg4[%dma_start3A_402, %dma_start3A_403] : memref<40000x128xf32, #tpu.memory_space<hbm>> -> memref<40000x128xf32, #tpu.memory_space<hbm>>
    %dma_start3A_405 = tpu.memref_slice %arg10[%dma_start3A_394] : memref<2x!tpu.dma_semaphore, #tpu.memory_space<semaphore_mem>> -> memref<1x!tpu.dma_semaphore, #tpu.memory_space<semaphore_mem>>
    %dma_start3A_406 = tpu.memref_squeeze %dma_start3A_405 : memref<1x!tpu.dma_semaphore, #tpu.memory_space<semaphore_mem>> -> memref<!tpu.dma_semaphore, #tpu.memory_space<semaphore_mem>>
    tpu.enqueue_indirect_dma source(%dma_start3A_404 : memref<40000x128xf32, #tpu.memory_space<hbm>>) target(%dma_start3A_398 : memref<128x128xf32, #tpu.memory_space<vmem>>) offsets(%dma_start3A_401 : memref<128xi32, #tpu.memory_space<vmem>>) semaphore(%dma_start3A_406 : memref<!tpu.dma_semaphore, #tpu.memory_space<semaphore_mem>>)
    %dma_start3A_407 = arith.constant 0 : i32
    %dma_start3A_408 = arith.constant 0 : i32
    %dma_start3A_409 = arith.constant 0 : i32
    %dma_start3A_410 = arith.constant 0 : i32
    %dma_start3A_411 = tpu.memref_slice %arg8[%dma_start3A_407, %dma_start3A_409, %dma_start3A_410] : memref<2x64x100xf32, #tpu.memory_space<vmem>> -> memref<1x64x100xf32, #tpu.memory_space<vmem>>
    %dma_start3A_412 = tpu.memref_squeeze %dma_start3A_411 : memref<1x64x100xf32, #tpu.memory_space<vmem>> -> memref<64x100xf32, #tpu.memory_space<vmem>>
    %dma_start3A_413 = arith.constant 0 : i32
    %dma_start3A_414 = tpu.memref_slice %arg3[%add3A_373, %dma_start3A_413] : memref<16384x100xf32, #tpu.memory_space<hbm>> -> memref<64x100xf32, #tpu.memory_space<hbm>>
    %dma_start3A_415 = tpu.memref_slice %arg10[%dma_start3A_408] : memref<2x!tpu.dma_semaphore, #tpu.memory_space<semaphore_mem>> -> memref<1x!tpu.dma_semaphore, #tpu.memory_space<semaphore_mem>>
    %dma_start3A_416 = tpu.memref_squeeze %dma_start3A_415 : memref<1x!tpu.dma_semaphore, #tpu.memory_space<semaphore_mem>> -> memref<!tpu.dma_semaphore, #tpu.memory_space<semaphore_mem>>
    %dma_start3A_417 = arith.constant 0 : i32
    %dma_start3A_418 = arith.constant 0 : i32
    %dma_start3A_419 = tpu.memref_slice %arg8[%dma_start3A_407, %dma_start3A_417, %dma_start3A_418] : memref<2x64x100xf32, #tpu.memory_space<vmem>> -> memref<1x64x100xf32, #tpu.memory_space<vmem>>
    %dma_start3A_420 = tpu.memref_squeeze %dma_start3A_419 : memref<1x64x100xf32, #tpu.memory_space<vmem>> -> memref<64x100xf32, #tpu.memory_space<vmem>>
    %dma_start3A_421 = arith.constant 0 : i32
    %dma_start3A_422 = tpu.memref_slice %arg3[%add3A_373, %dma_start3A_421] : memref<16384x100xf32, #tpu.memory_space<hbm>> -> memref<64x100xf32, #tpu.memory_space<hbm>>
    tpu.enqueue_dma source(%dma_start3A_422 : memref<64x100xf32, #tpu.memory_space<hbm>>) target(%dma_start3A_420 : memref<64x100xf32, #tpu.memory_space<vmem>>) target_semaphore(%dma_start3A_416 : memref<!tpu.dma_semaphore, #tpu.memory_space<semaphore_mem>>)
    %dma_wait3A_423 = arith.constant 1 : i32
    %dma_wait3A_424 = arith.constant 1 : i32
    %dma_wait3A_425 = arith.constant 1 : i32
    %dma_wait3A_426 = arith.constant 0 : i32
    %dma_wait3A_427 = arith.constant 0 : i32
    %dma_wait3A_428 = tpu.memref_slice %arg7[%dma_wait3A_424, %dma_wait3A_426, %dma_wait3A_427] : memref<2x256x128xf32, #tpu.memory_space<vmem>> -> memref<1x128x128xf32, #tpu.memory_space<vmem>>
    %dma_wait3A_429 = tpu.memref_squeeze %dma_wait3A_428 : memref<1x128x128xf32, #tpu.memory_space<vmem>> -> memref<128x128xf32, #tpu.memory_space<vmem>>
    %dma_wait3A_430 = arith.constant 0 : i32
    %dma_wait3A_431 = tpu.memref_slice %arg6[%dma_wait3A_423, %dma_wait3A_430] : memref<2x256xi32, #tpu.memory_space<vmem>> -> memref<1x128xi32, #tpu.memory_space<vmem>>
    %dma_wait3A_432 = tpu.memref_squeeze %dma_wait3A_431 : memref<1x128xi32, #tpu.memory_space<vmem>> -> memref<128xi32, #tpu.memory_space<vmem>>
    %dma_wait3A_433 = arith.constant 0 : i32
    %dma_wait3A_434 = arith.constant 0 : i32
    %dma_wait3A_435 = tpu.memref_slice %arg4[%dma_wait3A_433, %dma_wait3A_434] : memref<40000x128xf32, #tpu.memory_space<hbm>> -> memref<40000x128xf32, #tpu.memory_space<hbm>>
    %dma_wait3A_436 = tpu.memref_slice %arg10[%dma_wait3A_425] : memref<2x!tpu.dma_semaphore, #tpu.memory_space<semaphore_mem>> -> memref<1x!tpu.dma_semaphore, #tpu.memory_space<semaphore_mem>>
    %dma_wait3A_437 = tpu.memref_squeeze %dma_wait3A_436 : memref<1x!tpu.dma_semaphore, #tpu.memory_space<semaphore_mem>> -> memref<!tpu.dma_semaphore, #tpu.memory_space<semaphore_mem>>
    tpu.wait_indirect_dma semaphore(%dma_wait3A_437 : memref<!tpu.dma_semaphore, #tpu.memory_space<semaphore_mem>>) src(%dma_wait3A_435 : memref<40000x128xf32, #tpu.memory_space<hbm>>) dst(%dma_wait3A_429 : memref<128x128xf32, #tpu.memory_space<vmem>>)
    %dma_wait3A_438 = arith.constant 1 : i32
    %dma_wait3A_439 = arith.constant 1 : i32
    %dma_wait3A_440 = arith.constant 1 : i32
    %dma_wait3A_441 = arith.constant 128 : i32
    %dma_wait3A_442 = arith.constant 0 : i32
    %dma_wait3A_443 = tpu.memref_slice %arg7[%dma_wait3A_439, %dma_wait3A_441, %dma_wait3A_442] : memref<2x256x128xf32, #tpu.memory_space<vmem>> -> memref<1x128x128xf32, #tpu.memory_space<vmem>>
    %dma_wait3A_444 = tpu.memref_squeeze %dma_wait3A_443 : memref<1x128x128xf32, #tpu.memory_space<vmem>> -> memref<128x128xf32, #tpu.memory_space<vmem>>
    %dma_wait3A_445 = arith.constant 128 : i32
    %dma_wait3A_446 = tpu.memref_slice %arg6[%dma_wait3A_438, %dma_wait3A_445] : memref<2x256xi32, #tpu.memory_space<vmem>> -> memref<1x128xi32, #tpu.memory_space<vmem>>
    %dma_wait3A_447 = tpu.memref_squeeze %dma_wait3A_446 : memref<1x128xi32, #tpu.memory_space<vmem>> -> memref<128xi32, #tpu.memory_space<vmem>>
    %dma_wait3A_448 = arith.constant 0 : i32
    %dma_wait3A_449 = arith.constant 0 : i32
    %dma_wait3A_450 = tpu.memref_slice %arg4[%dma_wait3A_448, %dma_wait3A_449] : memref<40000x128xf32, #tpu.memory_space<hbm>> -> memref<40000x128xf32, #tpu.memory_space<hbm>>
    %dma_wait3A_451 = tpu.memref_slice %arg10[%dma_wait3A_440] : memref<2x!tpu.dma_semaphore, #tpu.memory_space<semaphore_mem>> -> memref<1x!tpu.dma_semaphore, #tpu.memory_space<semaphore_mem>>
    %dma_wait3A_452 = tpu.memref_squeeze %dma_wait3A_451 : memref<1x!tpu.dma_semaphore, #tpu.memory_space<semaphore_mem>> -> memref<!tpu.dma_semaphore, #tpu.memory_space<semaphore_mem>>
    tpu.wait_indirect_dma semaphore(%dma_wait3A_452 : memref<!tpu.dma_semaphore, #tpu.memory_space<semaphore_mem>>) src(%dma_wait3A_450 : memref<40000x128xf32, #tpu.memory_space<hbm>>) dst(%dma_wait3A_444 : memref<128x128xf32, #tpu.memory_space<vmem>>)
    %dma_wait3A_453 = arith.constant 1 : i32
    %dma_wait3A_454 = arith.constant 1 : i32
    %dma_wait3A_455 = arith.constant 0 : i32
    %dma_wait3A_456 = arith.constant 0 : i32
    %dma_wait3A_457 = tpu.memref_slice %arg8[%dma_wait3A_453, %dma_wait3A_455, %dma_wait3A_456] : memref<2x64x100xf32, #tpu.memory_space<vmem>> -> memref<1x64x100xf32, #tpu.memory_space<vmem>>
    %dma_wait3A_458 = tpu.memref_squeeze %dma_wait3A_457 : memref<1x64x100xf32, #tpu.memory_space<vmem>> -> memref<64x100xf32, #tpu.memory_space<vmem>>
    %dma_wait3A_459 = arith.constant 0 : i32
    %dma_wait3A_460 = tpu.memref_slice %arg3[%add3A_268, %dma_wait3A_459] : memref<16384x100xf32, #tpu.memory_space<hbm>> -> memref<64x100xf32, #tpu.memory_space<hbm>>
    %dma_wait3A_461 = tpu.memref_slice %arg10[%dma_wait3A_454] : memref<2x!tpu.dma_semaphore, #tpu.memory_space<semaphore_mem>> -> memref<1x!tpu.dma_semaphore, #tpu.memory_space<semaphore_mem>>
    %dma_wait3A_462 = tpu.memref_squeeze %dma_wait3A_461 : memref<1x!tpu.dma_semaphore, #tpu.memory_space<semaphore_mem>> -> memref<!tpu.dma_semaphore, #tpu.memory_space<semaphore_mem>>
    %dma_wait3A_463 = arith.constant 0 : i32
    %dma_wait3A_464 = arith.constant 0 : i32
    %dma_wait3A_465 = tpu.memref_slice %arg8[%dma_wait3A_453, %dma_wait3A_463, %dma_wait3A_464] : memref<2x64x100xf32, #tpu.memory_space<vmem>> -> memref<1x64x100xf32, #tpu.memory_space<vmem>>
    %dma_wait3A_466 = tpu.memref_squeeze %dma_wait3A_465 : memref<1x64x100xf32, #tpu.memory_space<vmem>> -> memref<64x100xf32, #tpu.memory_space<vmem>>
    %dma_wait3A_467 = arith.constant 0 : i32
    %dma_wait3A_468 = tpu.memref_slice %arg3[%add3A_268, %dma_wait3A_467] : memref<16384x100xf32, #tpu.memory_space<hbm>> -> memref<64x100xf32, #tpu.memory_space<hbm>>
    tpu.wait_dma2 semaphore(%dma_wait3A_462 : memref<!tpu.dma_semaphore, #tpu.memory_space<semaphore_mem>>) src(%dma_wait3A_468 : memref<64x100xf32, #tpu.memory_space<hbm>>) dst(%dma_wait3A_466 : memref<64x100xf32, #tpu.memory_space<vmem>>)
    %scan3A_469 = arith.constant 0 : i32
    %scan3A_470 = arith.constant 64 : i32
    %scan3A_471 = arith.addi %scan3A_469, %scan3A_470 : i32
    %scan3A_472 = arith.constant 1 : i32
    %scan3A_473 = scf.for %scan3A_903 = %scan3A_469 to %scan3A_471 step %scan3A_472 iter_args(%scan3A_904 = %scan3A_368) -> (vector<16xf32>)  : i32 {
      %mul3A_905 = arith.constant 4 : i32
      %mul3A_906 = arith.muli %mul3A_905, %scan3A_903 : i32
      %get3A = arith.constant 1 : i32
      %get3A_907 = arith.index_cast %get3A : i32 to index
      %get3A_908 = arith.index_cast %mul3A_906 : i32 to index
      %get3A_909 = arith.constant 0 : index
      %get3A_910 = tpu.vector_load %arg7[%get3A_907, %get3A_908, %get3A_909] {strides = array<i32>} : memref<2x256x128xf32, #tpu.memory_space<vmem>>, vector<1x1x16xf32>,
      %get3A_911 = vector.shape_cast %get3A_910 : vector<1x1x16xf32> to vector<16xf32>
      %add3A_912 = arith.constant 1 : i32
      %add3A_913 = arith.addi %mul3A_906, %add3A_912 : i32
      %get3A_914 = arith.constant 1 : i32
      %get3A_915 = arith.index_cast %get3A_914 : i32 to index
      %get3A_916 = arith.index_cast %add3A_913 : i32 to index
      %get3A_917 = arith.constant 0 : index
      %get3A_918 = tpu.vector_load %arg7[%get3A_915, %get3A_916, %get3A_917] {strides = array<i32>} : memref<2x256x128xf32, #tpu.memory_space<vmem>>, vector<1x1x16xf32>,
      %get3A_919 = vector.shape_cast %get3A_918 : vector<1x1x16xf32> to vector<16xf32>
      %add3A_920 = arith.addf %get3A_911, %get3A_919 : vector<16xf32>
      %add3A_921 = arith.constant 2 : i32
      %add3A_922 = arith.addi %mul3A_906, %add3A_921 : i32
      %get3A_923 = arith.constant 1 : i32
      %get3A_924 = arith.index_cast %get3A_923 : i32 to index
      %get3A_925 = arith.index_cast %add3A_922 : i32 to index
      %get3A_926 = arith.constant 0 : index
      %get3A_927 = tpu.vector_load %arg7[%get3A_924, %get3A_925, %get3A_926] {strides = array<i32>} : memref<2x256x128xf32, #tpu.memory_space<vmem>>, vector<1x1x16xf32>,
      %get3A_928 = vector.shape_cast %get3A_927 : vector<1x1x16xf32> to vector<16xf32>
      %add3A_929 = arith.constant 3 : i32
      %add3A_930 = arith.addi %mul3A_906, %add3A_929 : i32
      %get3A_931 = arith.constant 1 : i32
      %get3A_932 = arith.index_cast %get3A_931 : i32 to index
      %get3A_933 = arith.index_cast %add3A_930 : i32 to index
      %get3A_934 = arith.constant 0 : index
      %get3A_935 = tpu.vector_load %arg7[%get3A_932, %get3A_933, %get3A_934] {strides = array<i32>} : memref<2x256x128xf32, #tpu.memory_space<vmem>>, vector<1x1x16xf32>,
      %get3A_936 = vector.shape_cast %get3A_935 : vector<1x1x16xf32> to vector<16xf32>
      %add3A_937 = arith.addf %get3A_928, %get3A_936 : vector<16xf32>
      %add3A_938 = arith.addf %add3A_920, %add3A_937 : vector<16xf32>
      %get3A_939 = arith.constant 1 : i32
      %get3A_940 = arith.index_cast %get3A_939 : i32 to index
      %get3A_941 = arith.index_cast %scan3A_903 : i32 to index
      %get3A_942 = arith.constant 0 : index
      %get3A_943 = tpu.vector_load %arg8[%get3A_940, %get3A_941, %get3A_942] {strides = array<i32>} : memref<2x64x100xf32, #tpu.memory_space<vmem>>, vector<1x1x16xf32>,
      %get3A_944 = vector.shape_cast %get3A_943 : vector<1x1x16xf32> to vector<16xf32>
      %sub3A = arith.subf %add3A_938, %get3A_944 : vector<16xf32>
      %mul3A_945 = arith.mulf %sub3A, %sub3A : vector<16xf32>
      %add3A_946 = arith.addf %scan3A_904, %mul3A_945 : vector<16xf32>
      %get3A_947 = arith.constant 1 : i32
      %get3A_948 = arith.index_cast %get3A_947 : i32 to index
      %get3A_949 = arith.index_cast %mul3A_906 : i32 to index
      %get3A_950 = arith.constant 16 : index
      %get3A_951 = tpu.vector_load %arg7[%get3A_948, %get3A_949, %get3A_950] {strides = array<i32>} : memref<2x256x128xf32, #tpu.memory_space<vmem>>, vector<1x1x16xf32>,
      %get3A_952 = vector.shape_cast %get3A_951 : vector<1x1x16xf32> to vector<16xf32>
      %add3A_953 = arith.constant 1 : i32
      %add3A_954 = arith.addi %mul3A_906, %add3A_953 : i32
      %get3A_955 = arith.constant 1 : i32
      %get3A_956 = arith.index_cast %get3A_955 : i32 to index
      %get3A_957 = arith.index_cast %add3A_954 : i32 to index
      %get3A_958 = arith.constant 16 : index
      %get3A_959 = tpu.vector_load %arg7[%get3A_956, %get3A_957, %get3A_958] {strides = array<i32>} : memref<2x256x128xf32, #tpu.memory_space<vmem>>, vector<1x1x16xf32>,
      %get3A_960 = vector.shape_cast %get3A_959 : vector<1x1x16xf32> to vector<16xf32>
      %add3A_961 = arith.addf %get3A_952, %get3A_960 : vector<16xf32>
      %add3A_962 = arith.constant 2 : i32
      %add3A_963 = arith.addi %mul3A_906, %add3A_962 : i32
      %get3A_964 = arith.constant 1 : i32
      %get3A_965 = arith.index_cast %get3A_964 : i32 to index
      %get3A_966 = arith.index_cast %add3A_963 : i32 to index
      %get3A_967 = arith.constant 16 : index
      %get3A_968 = tpu.vector_load %arg7[%get3A_965, %get3A_966, %get3A_967] {strides = array<i32>} : memref<2x256x128xf32, #tpu.memory_space<vmem>>, vector<1x1x16xf32>,
      %get3A_969 = vector.shape_cast %get3A_968 : vector<1x1x16xf32> to vector<16xf32>
      %add3A_970 = arith.constant 3 : i32
      %add3A_971 = arith.addi %mul3A_906, %add3A_970 : i32
      %get3A_972 = arith.constant 1 : i32
      %get3A_973 = arith.index_cast %get3A_972 : i32 to index
      %get3A_974 = arith.index_cast %add3A_971 : i32 to index
      %get3A_975 = arith.constant 16 : index
      %get3A_976 = tpu.vector_load %arg7[%get3A_973, %get3A_974, %get3A_975] {strides = array<i32>} : memref<2x256x128xf32, #tpu.memory_space<vmem>>, vector<1x1x16xf32>,
      %get3A_977 = vector.shape_cast %get3A_976 : vector<1x1x16xf32> to vector<16xf32>
      %add3A_978 = arith.addf %get3A_969, %get3A_977 : vector<16xf32>
      %add3A_979 = arith.addf %add3A_961, %add3A_978 : vector<16xf32>
      %get3A_980 = arith.constant 1 : i32
      %get3A_981 = arith.index_cast %get3A_980 : i32 to index
      %get3A_982 = arith.index_cast %scan3A_903 : i32 to index
      %get3A_983 = arith.constant 16 : index
      %get3A_984 = tpu.vector_load %arg8[%get3A_981, %get3A_982, %get3A_983] {strides = array<i32>} : memref<2x64x100xf32, #tpu.memory_space<vmem>>, vector<1x1x16xf32>,
      %get3A_985 = vector.shape_cast %get3A_984 : vector<1x1x16xf32> to vector<16xf32>
      %sub3A_986 = arith.subf %add3A_979, %get3A_985 : vector<16xf32>
      %mul3A_987 = arith.mulf %sub3A_986, %sub3A_986 : vector<16xf32>
      %add3A_988 = arith.addf %add3A_946, %mul3A_987 : vector<16xf32>
      %get3A_989 = arith.constant 1 : i32
      %get3A_990 = arith.index_cast %get3A_989 : i32 to index
      %get3A_991 = arith.index_cast %mul3A_906 : i32 to index
      %get3A_992 = arith.constant 32 : index
      %get3A_993 = tpu.vector_load %arg7[%get3A_990, %get3A_991, %get3A_992] {strides = array<i32>} : memref<2x256x128xf32, #tpu.memory_space<vmem>>, vector<1x1x16xf32>,
      %get3A_994 = vector.shape_cast %get3A_993 : vector<1x1x16xf32> to vector<16xf32>
      %add3A_995 = arith.constant 1 : i32
      %add3A_996 = arith.addi %mul3A_906, %add3A_995 : i32
      %get3A_997 = arith.constant 1 : i32
      %get3A_998 = arith.index_cast %get3A_997 : i32 to index
      %get3A_999 = arith.index_cast %add3A_996 : i32 to index
      %get3A_1000 = arith.constant 32 : index
      %get3A_1001 = tpu.vector_load %arg7[%get3A_998, %get3A_999, %get3A_1000] {strides = array<i32>} : memref<2x256x128xf32, #tpu.memory_space<vmem>>, vector<1x1x16xf32>,
      %get3A_1002 = vector.shape_cast %get3A_1001 : vector<1x1x16xf32> to vector<16xf32>
      %add3A_1003 = arith.addf %get3A_994, %get3A_1002 : vector<16xf32>
      %add3A_1004 = arith.constant 2 : i32
      %add3A_1005 = arith.addi %mul3A_906, %add3A_1004 : i32
      %get3A_1006 = arith.constant 1 : i32
      %get3A_1007 = arith.index_cast %get3A_1006 : i32 to index
      %get3A_1008 = arith.index_cast %add3A_1005 : i32 to index
      %get3A_1009 = arith.constant 32 : index
      %get3A_1010 = tpu.vector_load %arg7[%get3A_1007, %get3A_1008, %get3A_1009] {strides = array<i32>} : memref<2x256x128xf32, #tpu.memory_space<vmem>>, vector<1x1x16xf32>,
      %get3A_1011 = vector.shape_cast %get3A_1010 : vector<1x1x16xf32> to vector<16xf32>
      %add3A_1012 = arith.constant 3 : i32
      %add3A_1013 = arith.addi %mul3A_906, %add3A_1012 : i32
      %get3A_1014 = arith.constant 1 : i32
      %get3A_1015 = arith.index_cast %get3A_1014 : i32 to index
      %get3A_1016 = arith.index_cast %add3A_1013 : i32 to index
      %get3A_1017 = arith.constant 32 : index
      %get3A_1018 = tpu.vector_load %arg7[%get3A_1015, %get3A_1016, %get3A_1017] {strides = array<i32>} : memref<2x256x128xf32, #tpu.memory_space<vmem>>, vector<1x1x16xf32>,
      %get3A_1019 = vector.shape_cast %get3A_1018 : vector<1x1x16xf32> to vector<16xf32>
      %add3A_1020 = arith.addf %get3A_1011, %get3A_1019 : vector<16xf32>
      %add3A_1021 = arith.addf %add3A_1003, %add3A_1020 : vector<16xf32>
      %get3A_1022 = arith.constant 1 : i32
      %get3A_1023 = arith.index_cast %get3A_1022 : i32 to index
      %get3A_1024 = arith.index_cast %scan3A_903 : i32 to index
      %get3A_1025 = arith.constant 32 : index
      %get3A_1026 = tpu.vector_load %arg8[%get3A_1023, %get3A_1024, %get3A_1025] {strides = array<i32>} : memref<2x64x100xf32, #tpu.memory_space<vmem>>, vector<1x1x16xf32>,
      %get3A_1027 = vector.shape_cast %get3A_1026 : vector<1x1x16xf32> to vector<16xf32>
      %sub3A_1028 = arith.subf %add3A_1021, %get3A_1027 : vector<16xf32>
      %mul3A_1029 = arith.mulf %sub3A_1028, %sub3A_1028 : vector<16xf32>
      %add3A_1030 = arith.addf %add3A_988, %mul3A_1029 : vector<16xf32>
      %get3A_1031 = arith.constant 1 : i32
      %get3A_1032 = arith.index_cast %get3A_1031 : i32 to index
      %get3A_1033 = arith.index_cast %mul3A_906 : i32 to index
      %get3A_1034 = arith.constant 48 : index
      %get3A_1035 = tpu.vector_load %arg7[%get3A_1032, %get3A_1033, %get3A_1034] {strides = array<i32>} : memref<2x256x128xf32, #tpu.memory_space<vmem>>, vector<1x1x16xf32>,
      %get3A_1036 = vector.shape_cast %get3A_1035 : vector<1x1x16xf32> to vector<16xf32>
      %add3A_1037 = arith.constant 1 : i32
      %add3A_1038 = arith.addi %mul3A_906, %add3A_1037 : i32
      %get3A_1039 = arith.constant 1 : i32
      %get3A_1040 = arith.index_cast %get3A_1039 : i32 to index
      %get3A_1041 = arith.index_cast %add3A_1038 : i32 to index
      %get3A_1042 = arith.constant 48 : index
      %get3A_1043 = tpu.vector_load %arg7[%get3A_1040, %get3A_1041, %get3A_1042] {strides = array<i32>} : memref<2x256x128xf32, #tpu.memory_space<vmem>>, vector<1x1x16xf32>,
      %get3A_1044 = vector.shape_cast %get3A_1043 : vector<1x1x16xf32> to vector<16xf32>
      %add3A_1045 = arith.addf %get3A_1036, %get3A_1044 : vector<16xf32>
      %add3A_1046 = arith.constant 2 : i32
      %add3A_1047 = arith.addi %mul3A_906, %add3A_1046 : i32
      %get3A_1048 = arith.constant 1 : i32
      %get3A_1049 = arith.index_cast %get3A_1048 : i32 to index
      %get3A_1050 = arith.index_cast %add3A_1047 : i32 to index
      %get3A_1051 = arith.constant 48 : index
      %get3A_1052 = tpu.vector_load %arg7[%get3A_1049, %get3A_1050, %get3A_1051] {strides = array<i32>} : memref<2x256x128xf32, #tpu.memory_space<vmem>>, vector<1x1x16xf32>,
      %get3A_1053 = vector.shape_cast %get3A_1052 : vector<1x1x16xf32> to vector<16xf32>
      %add3A_1054 = arith.constant 3 : i32
      %add3A_1055 = arith.addi %mul3A_906, %add3A_1054 : i32
      %get3A_1056 = arith.constant 1 : i32
      %get3A_1057 = arith.index_cast %get3A_1056 : i32 to index
      %get3A_1058 = arith.index_cast %add3A_1055 : i32 to index
      %get3A_1059 = arith.constant 48 : index
      %get3A_1060 = tpu.vector_load %arg7[%get3A_1057, %get3A_1058, %get3A_1059] {strides = array<i32>} : memref<2x256x128xf32, #tpu.memory_space<vmem>>, vector<1x1x16xf32>,
      %get3A_1061 = vector.shape_cast %get3A_1060 : vector<1x1x16xf32> to vector<16xf32>
      %add3A_1062 = arith.addf %get3A_1053, %get3A_1061 : vector<16xf32>
      %add3A_1063 = arith.addf %add3A_1045, %add3A_1062 : vector<16xf32>
      %get3A_1064 = arith.constant 1 : i32
      %get3A_1065 = arith.index_cast %get3A_1064 : i32 to index
      %get3A_1066 = arith.index_cast %scan3A_903 : i32 to index
      %get3A_1067 = arith.constant 48 : index
      %get3A_1068 = tpu.vector_load %arg8[%get3A_1065, %get3A_1066, %get3A_1067] {strides = array<i32>} : memref<2x64x100xf32, #tpu.memory_space<vmem>>, vector<1x1x16xf32>,
      %get3A_1069 = vector.shape_cast %get3A_1068 : vector<1x1x16xf32> to vector<16xf32>
      %sub3A_1070 = arith.subf %add3A_1063, %get3A_1069 : vector<16xf32>
      %mul3A_1071 = arith.mulf %sub3A_1070, %sub3A_1070 : vector<16xf32>
      %add3A_1072 = arith.addf %add3A_1030, %mul3A_1071 : vector<16xf32>
      %get3A_1073 = arith.constant 1 : i32
      %get3A_1074 = arith.index_cast %get3A_1073 : i32 to index
      %get3A_1075 = arith.index_cast %mul3A_906 : i32 to index
      %get3A_1076 = arith.constant 64 : index
      %get3A_1077 = tpu.vector_load %arg7[%get3A_1074, %get3A_1075, %get3A_1076] {strides = array<i32>} : memref<2x256x128xf32, #tpu.memory_space<vmem>>, vector<1x1x16xf32>,
      %get3A_1078 = vector.shape_cast %get3A_1077 : vector<1x1x16xf32> to vector<16xf32>
      %add3A_1079 = arith.constant 1 : i32
      %add3A_1080 = arith.addi %mul3A_906, %add3A_1079 : i32
      %get3A_1081 = arith.constant 1 : i32
      %get3A_1082 = arith.index_cast %get3A_1081 : i32 to index
      %get3A_1083 = arith.index_cast %add3A_1080 : i32 to index
      %get3A_1084 = arith.constant 64 : index
      %get3A_1085 = tpu.vector_load %arg7[%get3A_1082, %get3A_1083, %get3A_1084] {strides = array<i32>} : memref<2x256x128xf32, #tpu.memory_space<vmem>>, vector<1x1x16xf32>,
      %get3A_1086 = vector.shape_cast %get3A_1085 : vector<1x1x16xf32> to vector<16xf32>
      %add3A_1087 = arith.addf %get3A_1078, %get3A_1086 : vector<16xf32>
      %add3A_1088 = arith.constant 2 : i32
      %add3A_1089 = arith.addi %mul3A_906, %add3A_1088 : i32
      %get3A_1090 = arith.constant 1 : i32
      %get3A_1091 = arith.index_cast %get3A_1090 : i32 to index
      %get3A_1092 = arith.index_cast %add3A_1089 : i32 to index
      %get3A_1093 = arith.constant 64 : index
      %get3A_1094 = tpu.vector_load %arg7[%get3A_1091, %get3A_1092, %get3A_1093] {strides = array<i32>} : memref<2x256x128xf32, #tpu.memory_space<vmem>>, vector<1x1x16xf32>,
      %get3A_1095 = vector.shape_cast %get3A_1094 : vector<1x1x16xf32> to vector<16xf32>
      %add3A_1096 = arith.constant 3 : i32
      %add3A_1097 = arith.addi %mul3A_906, %add3A_1096 : i32
      %get3A_1098 = arith.constant 1 : i32
      %get3A_1099 = arith.index_cast %get3A_1098 : i32 to index
      %get3A_1100 = arith.index_cast %add3A_1097 : i32 to index
      %get3A_1101 = arith.constant 64 : index
      %get3A_1102 = tpu.vector_load %arg7[%get3A_1099, %get3A_1100, %get3A_1101] {strides = array<i32>} : memref<2x256x128xf32, #tpu.memory_space<vmem>>, vector<1x1x16xf32>,
      %get3A_1103 = vector.shape_cast %get3A_1102 : vector<1x1x16xf32> to vector<16xf32>
      %add3A_1104 = arith.addf %get3A_1095, %get3A_1103 : vector<16xf32>
      %add3A_1105 = arith.addf %add3A_1087, %add3A_1104 : vector<16xf32>
      %get3A_1106 = arith.constant 1 : i32
      %get3A_1107 = arith.index_cast %get3A_1106 : i32 to index
      %get3A_1108 = arith.index_cast %scan3A_903 : i32 to index
      %get3A_1109 = arith.constant 64 : index
      %get3A_1110 = tpu.vector_load %arg8[%get3A_1107, %get3A_1108, %get3A_1109] {strides = array<i32>} : memref<2x64x100xf32, #tpu.memory_space<vmem>>, vector<1x1x16xf32>,
      %get3A_1111 = vector.shape_cast %get3A_1110 : vector<1x1x16xf32> to vector<16xf32>
      %sub3A_1112 = arith.subf %add3A_1105, %get3A_1111 : vector<16xf32>
      %mul3A_1113 = arith.mulf %sub3A_1112, %sub3A_1112 : vector<16xf32>
      %add3A_1114 = arith.addf %add3A_1072, %mul3A_1113 : vector<16xf32>
      %get3A_1115 = arith.constant 1 : i32
      %get3A_1116 = arith.index_cast %get3A_1115 : i32 to index
      %get3A_1117 = arith.index_cast %mul3A_906 : i32 to index
      %get3A_1118 = arith.constant 80 : index
      %get3A_1119 = tpu.vector_load %arg7[%get3A_1116, %get3A_1117, %get3A_1118] {strides = array<i32>} : memref<2x256x128xf32, #tpu.memory_space<vmem>>, vector<1x1x16xf32>,
      %get3A_1120 = vector.shape_cast %get3A_1119 : vector<1x1x16xf32> to vector<16xf32>
      %add3A_1121 = arith.constant 1 : i32
      %add3A_1122 = arith.addi %mul3A_906, %add3A_1121 : i32
      %get3A_1123 = arith.constant 1 : i32
      %get3A_1124 = arith.index_cast %get3A_1123 : i32 to index
      %get3A_1125 = arith.index_cast %add3A_1122 : i32 to index
      %get3A_1126 = arith.constant 80 : index
      %get3A_1127 = tpu.vector_load %arg7[%get3A_1124, %get3A_1125, %get3A_1126] {strides = array<i32>} : memref<2x256x128xf32, #tpu.memory_space<vmem>>, vector<1x1x16xf32>,
      %get3A_1128 = vector.shape_cast %get3A_1127 : vector<1x1x16xf32> to vector<16xf32>
      %add3A_1129 = arith.addf %get3A_1120, %get3A_1128 : vector<16xf32>
      %add3A_1130 = arith.constant 2 : i32
      %add3A_1131 = arith.addi %mul3A_906, %add3A_1130 : i32
      %get3A_1132 = arith.constant 1 : i32
      %get3A_1133 = arith.index_cast %get3A_1132 : i32 to index
      %get3A_1134 = arith.index_cast %add3A_1131 : i32 to index
      %get3A_1135 = arith.constant 80 : index
      %get3A_1136 = tpu.vector_load %arg7[%get3A_1133, %get3A_1134, %get3A_1135] {strides = array<i32>} : memref<2x256x128xf32, #tpu.memory_space<vmem>>, vector<1x1x16xf32>,
      %get3A_1137 = vector.shape_cast %get3A_1136 : vector<1x1x16xf32> to vector<16xf32>
      %add3A_1138 = arith.constant 3 : i32
      %add3A_1139 = arith.addi %mul3A_906, %add3A_1138 : i32
      %get3A_1140 = arith.constant 1 : i32
      %get3A_1141 = arith.index_cast %get3A_1140 : i32 to index
      %get3A_1142 = arith.index_cast %add3A_1139 : i32 to index
      %get3A_1143 = arith.constant 80 : index
      %get3A_1144 = tpu.vector_load %arg7[%get3A_1141, %get3A_1142, %get3A_1143] {strides = array<i32>} : memref<2x256x128xf32, #tpu.memory_space<vmem>>, vector<1x1x16xf32>,
      %get3A_1145 = vector.shape_cast %get3A_1144 : vector<1x1x16xf32> to vector<16xf32>
      %add3A_1146 = arith.addf %get3A_1137, %get3A_1145 : vector<16xf32>
      %add3A_1147 = arith.addf %add3A_1129, %add3A_1146 : vector<16xf32>
      %get3A_1148 = arith.constant 1 : i32
      %get3A_1149 = arith.index_cast %get3A_1148 : i32 to index
      %get3A_1150 = arith.index_cast %scan3A_903 : i32 to index
      %get3A_1151 = arith.constant 80 : index
      %get3A_1152 = tpu.vector_load %arg8[%get3A_1149, %get3A_1150, %get3A_1151] {strides = array<i32>} : memref<2x64x100xf32, #tpu.memory_space<vmem>>, vector<1x1x16xf32>,
      %get3A_1153 = vector.shape_cast %get3A_1152 : vector<1x1x16xf32> to vector<16xf32>
      %sub3A_1154 = arith.subf %add3A_1147, %get3A_1153 : vector<16xf32>
      %mul3A_1155 = arith.mulf %sub3A_1154, %sub3A_1154 : vector<16xf32>
      %add3A_1156 = arith.addf %add3A_1114, %mul3A_1155 : vector<16xf32>
      %get3A_1157 = arith.constant 1 : i32
      %get3A_1158 = arith.index_cast %get3A_1157 : i32 to index
      %get3A_1159 = arith.index_cast %mul3A_906 : i32 to index
      %get3A_1160 = arith.constant 84 : index
      %get3A_1161 = tpu.vector_load %arg7[%get3A_1158, %get3A_1159, %get3A_1160] {strides = array<i32>} : memref<2x256x128xf32, #tpu.memory_space<vmem>>, vector<1x1x16xf32>,
      %get3A_1162 = vector.shape_cast %get3A_1161 : vector<1x1x16xf32> to vector<16xf32>
      %add3A_1163 = arith.constant 1 : i32
      %add3A_1164 = arith.addi %mul3A_906, %add3A_1163 : i32
      %get3A_1165 = arith.constant 1 : i32
      %get3A_1166 = arith.index_cast %get3A_1165 : i32 to index
      %get3A_1167 = arith.index_cast %add3A_1164 : i32 to index
      %get3A_1168 = arith.constant 84 : index
      %get3A_1169 = tpu.vector_load %arg7[%get3A_1166, %get3A_1167, %get3A_1168] {strides = array<i32>} : memref<2x256x128xf32, #tpu.memory_space<vmem>>, vector<1x1x16xf32>,
      %get3A_1170 = vector.shape_cast %get3A_1169 : vector<1x1x16xf32> to vector<16xf32>
      %add3A_1171 = arith.addf %get3A_1162, %get3A_1170 : vector<16xf32>
      %add3A_1172 = arith.constant 2 : i32
      %add3A_1173 = arith.addi %mul3A_906, %add3A_1172 : i32
      %get3A_1174 = arith.constant 1 : i32
      %get3A_1175 = arith.index_cast %get3A_1174 : i32 to index
      %get3A_1176 = arith.index_cast %add3A_1173 : i32 to index
      %get3A_1177 = arith.constant 84 : index
      %get3A_1178 = tpu.vector_load %arg7[%get3A_1175, %get3A_1176, %get3A_1177] {strides = array<i32>} : memref<2x256x128xf32, #tpu.memory_space<vmem>>, vector<1x1x16xf32>,
      %get3A_1179 = vector.shape_cast %get3A_1178 : vector<1x1x16xf32> to vector<16xf32>
      %add3A_1180 = arith.constant 3 : i32
      %add3A_1181 = arith.addi %mul3A_906, %add3A_1180 : i32
      %get3A_1182 = arith.constant 1 : i32
      %get3A_1183 = arith.index_cast %get3A_1182 : i32 to index
      %get3A_1184 = arith.index_cast %add3A_1181 : i32 to index
      %get3A_1185 = arith.constant 84 : index
      %get3A_1186 = tpu.vector_load %arg7[%get3A_1183, %get3A_1184, %get3A_1185] {strides = array<i32>} : memref<2x256x128xf32, #tpu.memory_space<vmem>>, vector<1x1x16xf32>,
      %get3A_1187 = vector.shape_cast %get3A_1186 : vector<1x1x16xf32> to vector<16xf32>
      %add3A_1188 = arith.addf %get3A_1179, %get3A_1187 : vector<16xf32>
      %add3A_1189 = arith.addf %add3A_1171, %add3A_1188 : vector<16xf32>
      %get3A_1190 = arith.constant 1 : i32
      %get3A_1191 = arith.index_cast %get3A_1190 : i32 to index
      %get3A_1192 = arith.index_cast %scan3A_903 : i32 to index
      %get3A_1193 = arith.constant 84 : index
      %get3A_1194 = tpu.vector_load %arg8[%get3A_1191, %get3A_1192, %get3A_1193] {strides = array<i32>} : memref<2x64x100xf32, #tpu.memory_space<vmem>>, vector<1x1x16xf32>,
      %get3A_1195 = vector.shape_cast %get3A_1194 : vector<1x1x16xf32> to vector<16xf32>
      %sub3A_1196 = arith.subf %add3A_1189, %get3A_1195 : vector<16xf32>
      %select_n3A_1197 = arith.select %ge3A_2, %sub3A_1196, %broadcast_in_dim3A_3 : vector<16xi1>, vector<16xf32>
      %mul3A_1198 = arith.mulf %select_n3A_1197, %select_n3A_1197 : vector<16xf32>
      %add3A_1199 = arith.addf %add3A_1156, %mul3A_1198 : vector<16xf32>
      scf.yield %add3A_1199 : vector<16xf32>
    }
    %scan3A_474 = arith.constant 64 : i32
    %mul3A_475 = arith.constant 512 : i32
    %mul3A_476 = arith.muli %add3A, %mul3A_475 : i32
    %add3A_477 = arith.constant 320 : i32
    %add3A_478 = arith.addi %mul3A_476, %add3A_477 : i32
    %mul3A_479 = arith.constant 4 : i32
    %mul3A_480 = arith.muli %mul3A_479, %add3A_478 : i32
    %run_scoped3A_481 = arith.constant 1 : i32
    "tpu.region"() ({
      %run_scoped3A_903 = tpu.sem_alloc : memref<!tpu.dma_semaphore, #tpu.memory_space<semaphore_mem>>
      %dma_start3A_904 = arith.constant 0 : i32
      %dma_start3A_905 = tpu.memref_slice %arg6[%run_scoped3A_481, %dma_start3A_904] : memref<2x256xi32, #tpu.memory_space<vmem>> -> memref<1x256xi32, #tpu.memory_space<vmem>>
      %dma_start3A_906 = tpu.memref_squeeze %dma_start3A_905 : memref<1x256xi32, #tpu.memory_space<vmem>> -> memref<256xi32, #tpu.memory_space<vmem>>
      %dma_start3A_907 = tpu.memref_slice %arg2[%mul3A_480] : memref<65536xi32, #tpu.memory_space<hbm>> -> memref<256xi32, #tpu.memory_space<hbm>>
      %dma_start3A_908 = arith.constant 0 : i32
      %dma_start3A_909 = tpu.memref_slice %arg6[%run_scoped3A_481, %dma_start3A_908] : memref<2x256xi32, #tpu.memory_space<vmem>> -> memref<1x256xi32, #tpu.memory_space<vmem>>
      %dma_start3A_910 = tpu.memref_squeeze %dma_start3A_909 : memref<1x256xi32, #tpu.memory_space<vmem>> -> memref<256xi32, #tpu.memory_space<vmem>>
      %dma_start3A_911 = tpu.memref_slice %arg2[%mul3A_480] : memref<65536xi32, #tpu.memory_space<hbm>> -> memref<256xi32, #tpu.memory_space<hbm>>
      tpu.enqueue_dma source(%dma_start3A_911 : memref<256xi32, #tpu.memory_space<hbm>>) target(%dma_start3A_910 : memref<256xi32, #tpu.memory_space<vmem>>) target_semaphore(%run_scoped3A_903 : memref<!tpu.dma_semaphore, #tpu.memory_space<semaphore_mem>>)
      %dma_wait3A_912 = arith.constant 0 : i32
      %dma_wait3A_913 = tpu.memref_slice %arg6[%run_scoped3A_481, %dma_wait3A_912] : memref<2x256xi32, #tpu.memory_space<vmem>> -> memref<1x256xi32, #tpu.memory_space<vmem>>
      %dma_wait3A_914 = tpu.memref_squeeze %dma_wait3A_913 : memref<1x256xi32, #tpu.memory_space<vmem>> -> memref<256xi32, #tpu.memory_space<vmem>>
      %dma_wait3A_915 = tpu.memref_slice %arg2[%mul3A_480] : memref<65536xi32, #tpu.memory_space<hbm>> -> memref<256xi32, #tpu.memory_space<hbm>>
      %dma_wait3A_916 = arith.constant 0 : i32
      %dma_wait3A_917 = tpu.memref_slice %arg6[%run_scoped3A_481, %dma_wait3A_916] : memref<2x256xi32, #tpu.memory_space<vmem>> -> memref<1x256xi32, #tpu.memory_space<vmem>>
      %dma_wait3A_918 = tpu.memref_squeeze %dma_wait3A_917 : memref<1x256xi32, #tpu.memory_space<vmem>> -> memref<256xi32, #tpu.memory_space<vmem>>
      %dma_wait3A_919 = tpu.memref_slice %arg2[%mul3A_480] : memref<65536xi32, #tpu.memory_space<hbm>> -> memref<256xi32, #tpu.memory_space<hbm>>
      tpu.wait_dma2 semaphore(%run_scoped3A_903 : memref<!tpu.dma_semaphore, #tpu.memory_space<semaphore_mem>>) src(%dma_wait3A_919 : memref<256xi32, #tpu.memory_space<hbm>>) dst(%dma_wait3A_918 : memref<256xi32, #tpu.memory_space<vmem>>)
      tpu.yield
    }) : () -> ()
    %dma_start3A_482 = arith.constant 1 : i32
    %dma_start3A_483 = arith.constant 1 : i32
    %dma_start3A_484 = arith.constant 1 : i32
    %dma_start3A_485 = arith.constant 0 : i32
    %dma_start3A_486 = arith.constant 0 : i32
    %dma_start3A_487 = tpu.memref_slice %arg7[%dma_start3A_483, %dma_start3A_485, %dma_start3A_486] : memref<2x256x128xf32, #tpu.memory_space<vmem>> -> memref<1x128x128xf32, #tpu.memory_space<vmem>>
    %dma_start3A_488 = tpu.memref_squeeze %dma_start3A_487 : memref<1x128x128xf32, #tpu.memory_space<vmem>> -> memref<128x128xf32, #tpu.memory_space<vmem>>
    %dma_start3A_489 = arith.constant 0 : i32
    %dma_start3A_490 = tpu.memref_slice %arg6[%dma_start3A_482, %dma_start3A_489] : memref<2x256xi32, #tpu.memory_space<vmem>> -> memref<1x128xi32, #tpu.memory_space<vmem>>
    %dma_start3A_491 = tpu.memref_squeeze %dma_start3A_490 : memref<1x128xi32, #tpu.memory_space<vmem>> -> memref<128xi32, #tpu.memory_space<vmem>>
    %dma_start3A_492 = arith.constant 0 : i32
    %dma_start3A_493 = arith.constant 0 : i32
    %dma_start3A_494 = tpu.memref_slice %arg4[%dma_start3A_492, %dma_start3A_493] : memref<40000x128xf32, #tpu.memory_space<hbm>> -> memref<40000x128xf32, #tpu.memory_space<hbm>>
    %dma_start3A_495 = tpu.memref_slice %arg10[%dma_start3A_484] : memref<2x!tpu.dma_semaphore, #tpu.memory_space<semaphore_mem>> -> memref<1x!tpu.dma_semaphore, #tpu.memory_space<semaphore_mem>>
    %dma_start3A_496 = tpu.memref_squeeze %dma_start3A_495 : memref<1x!tpu.dma_semaphore, #tpu.memory_space<semaphore_mem>> -> memref<!tpu.dma_semaphore, #tpu.memory_space<semaphore_mem>>
    tpu.enqueue_indirect_dma source(%dma_start3A_494 : memref<40000x128xf32, #tpu.memory_space<hbm>>) target(%dma_start3A_488 : memref<128x128xf32, #tpu.memory_space<vmem>>) offsets(%dma_start3A_491 : memref<128xi32, #tpu.memory_space<vmem>>) semaphore(%dma_start3A_496 : memref<!tpu.dma_semaphore, #tpu.memory_space<semaphore_mem>>)
    %dma_start3A_497 = arith.constant 1 : i32
    %dma_start3A_498 = arith.constant 1 : i32
    %dma_start3A_499 = arith.constant 1 : i32
    %dma_start3A_500 = arith.constant 128 : i32
    %dma_start3A_501 = arith.constant 0 : i32
    %dma_start3A_502 = tpu.memref_slice %arg7[%dma_start3A_498, %dma_start3A_500, %dma_start3A_501] : memref<2x256x128xf32, #tpu.memory_space<vmem>> -> memref<1x128x128xf32, #tpu.memory_space<vmem>>
    %dma_start3A_503 = tpu.memref_squeeze %dma_start3A_502 : memref<1x128x128xf32, #tpu.memory_space<vmem>> -> memref<128x128xf32, #tpu.memory_space<vmem>>
    %dma_start3A_504 = arith.constant 128 : i32
    %dma_start3A_505 = tpu.memref_slice %arg6[%dma_start3A_497, %dma_start3A_504] : memref<2x256xi32, #tpu.memory_space<vmem>> -> memref<1x128xi32, #tpu.memory_space<vmem>>
    %dma_start3A_506 = tpu.memref_squeeze %dma_start3A_505 : memref<1x128xi32, #tpu.memory_space<vmem>> -> memref<128xi32, #tpu.memory_space<vmem>>
    %dma_start3A_507 = arith.constant 0 : i32
    %dma_start3A_508 = arith.constant 0 : i32
    %dma_start3A_509 = tpu.memref_slice %arg4[%dma_start3A_507, %dma_start3A_508] : memref<40000x128xf32, #tpu.memory_space<hbm>> -> memref<40000x128xf32, #tpu.memory_space<hbm>>
    %dma_start3A_510 = tpu.memref_slice %arg10[%dma_start3A_499] : memref<2x!tpu.dma_semaphore, #tpu.memory_space<semaphore_mem>> -> memref<1x!tpu.dma_semaphore, #tpu.memory_space<semaphore_mem>>
    %dma_start3A_511 = tpu.memref_squeeze %dma_start3A_510 : memref<1x!tpu.dma_semaphore, #tpu.memory_space<semaphore_mem>> -> memref<!tpu.dma_semaphore, #tpu.memory_space<semaphore_mem>>
    tpu.enqueue_indirect_dma source(%dma_start3A_509 : memref<40000x128xf32, #tpu.memory_space<hbm>>) target(%dma_start3A_503 : memref<128x128xf32, #tpu.memory_space<vmem>>) offsets(%dma_start3A_506 : memref<128xi32, #tpu.memory_space<vmem>>) semaphore(%dma_start3A_511 : memref<!tpu.dma_semaphore, #tpu.memory_space<semaphore_mem>>)
    %dma_start3A_512 = arith.constant 1 : i32
    %dma_start3A_513 = arith.constant 1 : i32
    %dma_start3A_514 = arith.constant 0 : i32
    %dma_start3A_515 = arith.constant 0 : i32
    %dma_start3A_516 = tpu.memref_slice %arg8[%dma_start3A_512, %dma_start3A_514, %dma_start3A_515] : memref<2x64x100xf32, #tpu.memory_space<vmem>> -> memref<1x64x100xf32, #tpu.memory_space<vmem>>
    %dma_start3A_517 = tpu.memref_squeeze %dma_start3A_516 : memref<1x64x100xf32, #tpu.memory_space<vmem>> -> memref<64x100xf32, #tpu.memory_space<vmem>>
    %dma_start3A_518 = arith.constant 0 : i32
    %dma_start3A_519 = tpu.memref_slice %arg3[%add3A_478, %dma_start3A_518] : memref<16384x100xf32, #tpu.memory_space<hbm>> -> memref<64x100xf32, #tpu.memory_space<hbm>>
    %dma_start3A_520 = tpu.memref_slice %arg10[%dma_start3A_513] : memref<2x!tpu.dma_semaphore, #tpu.memory_space<semaphore_mem>> -> memref<1x!tpu.dma_semaphore, #tpu.memory_space<semaphore_mem>>
    %dma_start3A_521 = tpu.memref_squeeze %dma_start3A_520 : memref<1x!tpu.dma_semaphore, #tpu.memory_space<semaphore_mem>> -> memref<!tpu.dma_semaphore, #tpu.memory_space<semaphore_mem>>
    %dma_start3A_522 = arith.constant 0 : i32
    %dma_start3A_523 = arith.constant 0 : i32
    %dma_start3A_524 = tpu.memref_slice %arg8[%dma_start3A_512, %dma_start3A_522, %dma_start3A_523] : memref<2x64x100xf32, #tpu.memory_space<vmem>> -> memref<1x64x100xf32, #tpu.memory_space<vmem>>
    %dma_start3A_525 = tpu.memref_squeeze %dma_start3A_524 : memref<1x64x100xf32, #tpu.memory_space<vmem>> -> memref<64x100xf32, #tpu.memory_space<vmem>>
    %dma_start3A_526 = arith.constant 0 : i32
    %dma_start3A_527 = tpu.memref_slice %arg3[%add3A_478, %dma_start3A_526] : memref<16384x100xf32, #tpu.memory_space<hbm>> -> memref<64x100xf32, #tpu.memory_space<hbm>>
    tpu.enqueue_dma source(%dma_start3A_527 : memref<64x100xf32, #tpu.memory_space<hbm>>) target(%dma_start3A_525 : memref<64x100xf32, #tpu.memory_space<vmem>>) target_semaphore(%dma_start3A_521 : memref<!tpu.dma_semaphore, #tpu.memory_space<semaphore_mem>>)
    %dma_wait3A_528 = arith.constant 0 : i32
    %dma_wait3A_529 = arith.constant 0 : i32
    %dma_wait3A_530 = arith.constant 0 : i32
    %dma_wait3A_531 = arith.constant 0 : i32
    %dma_wait3A_532 = arith.constant 0 : i32
    %dma_wait3A_533 = tpu.memref_slice %arg7[%dma_wait3A_529, %dma_wait3A_531, %dma_wait3A_532] : memref<2x256x128xf32, #tpu.memory_space<vmem>> -> memref<1x128x128xf32, #tpu.memory_space<vmem>>
    %dma_wait3A_534 = tpu.memref_squeeze %dma_wait3A_533 : memref<1x128x128xf32, #tpu.memory_space<vmem>> -> memref<128x128xf32, #tpu.memory_space<vmem>>
    %dma_wait3A_535 = arith.constant 0 : i32
    %dma_wait3A_536 = tpu.memref_slice %arg6[%dma_wait3A_528, %dma_wait3A_535] : memref<2x256xi32, #tpu.memory_space<vmem>> -> memref<1x128xi32, #tpu.memory_space<vmem>>
    %dma_wait3A_537 = tpu.memref_squeeze %dma_wait3A_536 : memref<1x128xi32, #tpu.memory_space<vmem>> -> memref<128xi32, #tpu.memory_space<vmem>>
    %dma_wait3A_538 = arith.constant 0 : i32
    %dma_wait3A_539 = arith.constant 0 : i32
    %dma_wait3A_540 = tpu.memref_slice %arg4[%dma_wait3A_538, %dma_wait3A_539] : memref<40000x128xf32, #tpu.memory_space<hbm>> -> memref<40000x128xf32, #tpu.memory_space<hbm>>
    %dma_wait3A_541 = tpu.memref_slice %arg10[%dma_wait3A_530] : memref<2x!tpu.dma_semaphore, #tpu.memory_space<semaphore_mem>> -> memref<1x!tpu.dma_semaphore, #tpu.memory_space<semaphore_mem>>
    %dma_wait3A_542 = tpu.memref_squeeze %dma_wait3A_541 : memref<1x!tpu.dma_semaphore, #tpu.memory_space<semaphore_mem>> -> memref<!tpu.dma_semaphore, #tpu.memory_space<semaphore_mem>>
    tpu.wait_indirect_dma semaphore(%dma_wait3A_542 : memref<!tpu.dma_semaphore, #tpu.memory_space<semaphore_mem>>) src(%dma_wait3A_540 : memref<40000x128xf32, #tpu.memory_space<hbm>>) dst(%dma_wait3A_534 : memref<128x128xf32, #tpu.memory_space<vmem>>)
    %dma_wait3A_543 = arith.constant 0 : i32
    %dma_wait3A_544 = arith.constant 0 : i32
    %dma_wait3A_545 = arith.constant 0 : i32
    %dma_wait3A_546 = arith.constant 128 : i32
    %dma_wait3A_547 = arith.constant 0 : i32
    %dma_wait3A_548 = tpu.memref_slice %arg7[%dma_wait3A_544, %dma_wait3A_546, %dma_wait3A_547] : memref<2x256x128xf32, #tpu.memory_space<vmem>> -> memref<1x128x128xf32, #tpu.memory_space<vmem>>
    %dma_wait3A_549 = tpu.memref_squeeze %dma_wait3A_548 : memref<1x128x128xf32, #tpu.memory_space<vmem>> -> memref<128x128xf32, #tpu.memory_space<vmem>>
    %dma_wait3A_550 = arith.constant 128 : i32
    %dma_wait3A_551 = tpu.memref_slice %arg6[%dma_wait3A_543, %dma_wait3A_550] : memref<2x256xi32, #tpu.memory_space<vmem>> -> memref<1x128xi32, #tpu.memory_space<vmem>>
    %dma_wait3A_552 = tpu.memref_squeeze %dma_wait3A_551 : memref<1x128xi32, #tpu.memory_space<vmem>> -> memref<128xi32, #tpu.memory_space<vmem>>
    %dma_wait3A_553 = arith.constant 0 : i32
    %dma_wait3A_554 = arith.constant 0 : i32
    %dma_wait3A_555 = tpu.memref_slice %arg4[%dma_wait3A_553, %dma_wait3A_554] : memref<40000x128xf32, #tpu.memory_space<hbm>> -> memref<40000x128xf32, #tpu.memory_space<hbm>>
    %dma_wait3A_556 = tpu.memref_slice %arg10[%dma_wait3A_545] : memref<2x!tpu.dma_semaphore, #tpu.memory_space<semaphore_mem>> -> memref<1x!tpu.dma_semaphore, #tpu.memory_space<semaphore_mem>>
    %dma_wait3A_557 = tpu.memref_squeeze %dma_wait3A_556 : memref<1x!tpu.dma_semaphore, #tpu.memory_space<semaphore_mem>> -> memref<!tpu.dma_semaphore, #tpu.memory_space<semaphore_mem>>
    tpu.wait_indirect_dma semaphore(%dma_wait3A_557 : memref<!tpu.dma_semaphore, #tpu.memory_space<semaphore_mem>>) src(%dma_wait3A_555 : memref<40000x128xf32, #tpu.memory_space<hbm>>) dst(%dma_wait3A_549 : memref<128x128xf32, #tpu.memory_space<vmem>>)
    %dma_wait3A_558 = arith.constant 0 : i32
    %dma_wait3A_559 = arith.constant 0 : i32
    %dma_wait3A_560 = arith.constant 0 : i32
    %dma_wait3A_561 = arith.constant 0 : i32
    %dma_wait3A_562 = tpu.memref_slice %arg8[%dma_wait3A_558, %dma_wait3A_560, %dma_wait3A_561] : memref<2x64x100xf32, #tpu.memory_space<vmem>> -> memref<1x64x100xf32, #tpu.memory_space<vmem>>
    %dma_wait3A_563 = tpu.memref_squeeze %dma_wait3A_562 : memref<1x64x100xf32, #tpu.memory_space<vmem>> -> memref<64x100xf32, #tpu.memory_space<vmem>>
    %dma_wait3A_564 = arith.constant 0 : i32
    %dma_wait3A_565 = tpu.memref_slice %arg3[%add3A_373, %dma_wait3A_564] : memref<16384x100xf32, #tpu.memory_space<hbm>> -> memref<64x100xf32, #tpu.memory_space<hbm>>
    %dma_wait3A_566 = tpu.memref_slice %arg10[%dma_wait3A_559] : memref<2x!tpu.dma_semaphore, #tpu.memory_space<semaphore_mem>> -> memref<1x!tpu.dma_semaphore, #tpu.memory_space<semaphore_mem>>
    %dma_wait3A_567 = tpu.memref_squeeze %dma_wait3A_566 : memref<1x!tpu.dma_semaphore, #tpu.memory_space<semaphore_mem>> -> memref<!tpu.dma_semaphore, #tpu.memory_space<semaphore_mem>>
    %dma_wait3A_568 = arith.constant 0 : i32
    %dma_wait3A_569 = arith.constant 0 : i32
    %dma_wait3A_570 = tpu.memref_slice %arg8[%dma_wait3A_558, %dma_wait3A_568, %dma_wait3A_569] : memref<2x64x100xf32, #tpu.memory_space<vmem>> -> memref<1x64x100xf32, #tpu.memory_space<vmem>>
    %dma_wait3A_571 = tpu.memref_squeeze %dma_wait3A_570 : memref<1x64x100xf32, #tpu.memory_space<vmem>> -> memref<64x100xf32, #tpu.memory_space<vmem>>
    %dma_wait3A_572 = arith.constant 0 : i32
    %dma_wait3A_573 = tpu.memref_slice %arg3[%add3A_373, %dma_wait3A_572] : memref<16384x100xf32, #tpu.memory_space<hbm>> -> memref<64x100xf32, #tpu.memory_space<hbm>>
    tpu.wait_dma2 semaphore(%dma_wait3A_567 : memref<!tpu.dma_semaphore, #tpu.memory_space<semaphore_mem>>) src(%dma_wait3A_573 : memref<64x100xf32, #tpu.memory_space<hbm>>) dst(%dma_wait3A_571 : memref<64x100xf32, #tpu.memory_space<vmem>>)
    %scan3A_574 = arith.constant 0 : i32
    %scan3A_575 = arith.constant 64 : i32
    %scan3A_576 = arith.addi %scan3A_574, %scan3A_575 : i32
    %scan3A_577 = arith.constant 1 : i32
    %scan3A_578 = scf.for %scan3A_903 = %scan3A_574 to %scan3A_576 step %scan3A_577 iter_args(%scan3A_904 = %scan3A_473) -> (vector<16xf32>)  : i32 {
      %mul3A_905 = arith.constant 4 : i32
      %mul3A_906 = arith.muli %mul3A_905, %scan3A_903 : i32
      %get3A = arith.constant 0 : i32
      %get3A_907 = arith.index_cast %get3A : i32 to index
      %get3A_908 = arith.index_cast %mul3A_906 : i32 to index
      %get3A_909 = arith.constant 0 : index
      %get3A_910 = tpu.vector_load %arg7[%get3A_907, %get3A_908, %get3A_909] {strides = array<i32>} : memref<2x256x128xf32, #tpu.memory_space<vmem>>, vector<1x1x16xf32>,
      %get3A_911 = vector.shape_cast %get3A_910 : vector<1x1x16xf32> to vector<16xf32>
      %add3A_912 = arith.constant 1 : i32
      %add3A_913 = arith.addi %mul3A_906, %add3A_912 : i32
      %get3A_914 = arith.constant 0 : i32
      %get3A_915 = arith.index_cast %get3A_914 : i32 to index
      %get3A_916 = arith.index_cast %add3A_913 : i32 to index
      %get3A_917 = arith.constant 0 : index
      %get3A_918 = tpu.vector_load %arg7[%get3A_915, %get3A_916, %get3A_917] {strides = array<i32>} : memref<2x256x128xf32, #tpu.memory_space<vmem>>, vector<1x1x16xf32>,
      %get3A_919 = vector.shape_cast %get3A_918 : vector<1x1x16xf32> to vector<16xf32>
      %add3A_920 = arith.addf %get3A_911, %get3A_919 : vector<16xf32>
      %add3A_921 = arith.constant 2 : i32
      %add3A_922 = arith.addi %mul3A_906, %add3A_921 : i32
      %get3A_923 = arith.constant 0 : i32
      %get3A_924 = arith.index_cast %get3A_923 : i32 to index
      %get3A_925 = arith.index_cast %add3A_922 : i32 to index
      %get3A_926 = arith.constant 0 : index
      %get3A_927 = tpu.vector_load %arg7[%get3A_924, %get3A_925, %get3A_926] {strides = array<i32>} : memref<2x256x128xf32, #tpu.memory_space<vmem>>, vector<1x1x16xf32>,
      %get3A_928 = vector.shape_cast %get3A_927 : vector<1x1x16xf32> to vector<16xf32>
      %add3A_929 = arith.constant 3 : i32
      %add3A_930 = arith.addi %mul3A_906, %add3A_929 : i32
      %get3A_931 = arith.constant 0 : i32
      %get3A_932 = arith.index_cast %get3A_931 : i32 to index
      %get3A_933 = arith.index_cast %add3A_930 : i32 to index
      %get3A_934 = arith.constant 0 : index
      %get3A_935 = tpu.vector_load %arg7[%get3A_932, %get3A_933, %get3A_934] {strides = array<i32>} : memref<2x256x128xf32, #tpu.memory_space<vmem>>, vector<1x1x16xf32>,
      %get3A_936 = vector.shape_cast %get3A_935 : vector<1x1x16xf32> to vector<16xf32>
      %add3A_937 = arith.addf %get3A_928, %get3A_936 : vector<16xf32>
      %add3A_938 = arith.addf %add3A_920, %add3A_937 : vector<16xf32>
      %get3A_939 = arith.constant 0 : i32
      %get3A_940 = arith.index_cast %get3A_939 : i32 to index
      %get3A_941 = arith.index_cast %scan3A_903 : i32 to index
      %get3A_942 = arith.constant 0 : index
      %get3A_943 = tpu.vector_load %arg8[%get3A_940, %get3A_941, %get3A_942] {strides = array<i32>} : memref<2x64x100xf32, #tpu.memory_space<vmem>>, vector<1x1x16xf32>,
      %get3A_944 = vector.shape_cast %get3A_943 : vector<1x1x16xf32> to vector<16xf32>
      %sub3A = arith.subf %add3A_938, %get3A_944 : vector<16xf32>
      %mul3A_945 = arith.mulf %sub3A, %sub3A : vector<16xf32>
      %add3A_946 = arith.addf %scan3A_904, %mul3A_945 : vector<16xf32>
      %get3A_947 = arith.constant 0 : i32
      %get3A_948 = arith.index_cast %get3A_947 : i32 to index
      %get3A_949 = arith.index_cast %mul3A_906 : i32 to index
      %get3A_950 = arith.constant 16 : index
      %get3A_951 = tpu.vector_load %arg7[%get3A_948, %get3A_949, %get3A_950] {strides = array<i32>} : memref<2x256x128xf32, #tpu.memory_space<vmem>>, vector<1x1x16xf32>,
      %get3A_952 = vector.shape_cast %get3A_951 : vector<1x1x16xf32> to vector<16xf32>
      %add3A_953 = arith.constant 1 : i32
      %add3A_954 = arith.addi %mul3A_906, %add3A_953 : i32
      %get3A_955 = arith.constant 0 : i32
      %get3A_956 = arith.index_cast %get3A_955 : i32 to index
      %get3A_957 = arith.index_cast %add3A_954 : i32 to index
      %get3A_958 = arith.constant 16 : index
      %get3A_959 = tpu.vector_load %arg7[%get3A_956, %get3A_957, %get3A_958] {strides = array<i32>} : memref<2x256x128xf32, #tpu.memory_space<vmem>>, vector<1x1x16xf32>,
      %get3A_960 = vector.shape_cast %get3A_959 : vector<1x1x16xf32> to vector<16xf32>
      %add3A_961 = arith.addf %get3A_952, %get3A_960 : vector<16xf32>
      %add3A_962 = arith.constant 2 : i32
      %add3A_963 = arith.addi %mul3A_906, %add3A_962 : i32
      %get3A_964 = arith.constant 0 : i32
      %get3A_965 = arith.index_cast %get3A_964 : i32 to index
      %get3A_966 = arith.index_cast %add3A_963 : i32 to index
      %get3A_967 = arith.constant 16 : index
      %get3A_968 = tpu.vector_load %arg7[%get3A_965, %get3A_966, %get3A_967] {strides = array<i32>} : memref<2x256x128xf32, #tpu.memory_space<vmem>>, vector<1x1x16xf32>,
      %get3A_969 = vector.shape_cast %get3A_968 : vector<1x1x16xf32> to vector<16xf32>
      %add3A_970 = arith.constant 3 : i32
      %add3A_971 = arith.addi %mul3A_906, %add3A_970 : i32
      %get3A_972 = arith.constant 0 : i32
      %get3A_973 = arith.index_cast %get3A_972 : i32 to index
      %get3A_974 = arith.index_cast %add3A_971 : i32 to index
      %get3A_975 = arith.constant 16 : index
      %get3A_976 = tpu.vector_load %arg7[%get3A_973, %get3A_974, %get3A_975] {strides = array<i32>} : memref<2x256x128xf32, #tpu.memory_space<vmem>>, vector<1x1x16xf32>,
      %get3A_977 = vector.shape_cast %get3A_976 : vector<1x1x16xf32> to vector<16xf32>
      %add3A_978 = arith.addf %get3A_969, %get3A_977 : vector<16xf32>
      %add3A_979 = arith.addf %add3A_961, %add3A_978 : vector<16xf32>
      %get3A_980 = arith.constant 0 : i32
      %get3A_981 = arith.index_cast %get3A_980 : i32 to index
      %get3A_982 = arith.index_cast %scan3A_903 : i32 to index
      %get3A_983 = arith.constant 16 : index
      %get3A_984 = tpu.vector_load %arg8[%get3A_981, %get3A_982, %get3A_983] {strides = array<i32>} : memref<2x64x100xf32, #tpu.memory_space<vmem>>, vector<1x1x16xf32>,
      %get3A_985 = vector.shape_cast %get3A_984 : vector<1x1x16xf32> to vector<16xf32>
      %sub3A_986 = arith.subf %add3A_979, %get3A_985 : vector<16xf32>
      %mul3A_987 = arith.mulf %sub3A_986, %sub3A_986 : vector<16xf32>
      %add3A_988 = arith.addf %add3A_946, %mul3A_987 : vector<16xf32>
      %get3A_989 = arith.constant 0 : i32
      %get3A_990 = arith.index_cast %get3A_989 : i32 to index
      %get3A_991 = arith.index_cast %mul3A_906 : i32 to index
      %get3A_992 = arith.constant 32 : index
      %get3A_993 = tpu.vector_load %arg7[%get3A_990, %get3A_991, %get3A_992] {strides = array<i32>} : memref<2x256x128xf32, #tpu.memory_space<vmem>>, vector<1x1x16xf32>,
      %get3A_994 = vector.shape_cast %get3A_993 : vector<1x1x16xf32> to vector<16xf32>
      %add3A_995 = arith.constant 1 : i32
      %add3A_996 = arith.addi %mul3A_906, %add3A_995 : i32
      %get3A_997 = arith.constant 0 : i32
      %get3A_998 = arith.index_cast %get3A_997 : i32 to index
      %get3A_999 = arith.index_cast %add3A_996 : i32 to index
      %get3A_1000 = arith.constant 32 : index
      %get3A_1001 = tpu.vector_load %arg7[%get3A_998, %get3A_999, %get3A_1000] {strides = array<i32>} : memref<2x256x128xf32, #tpu.memory_space<vmem>>, vector<1x1x16xf32>,
      %get3A_1002 = vector.shape_cast %get3A_1001 : vector<1x1x16xf32> to vector<16xf32>
      %add3A_1003 = arith.addf %get3A_994, %get3A_1002 : vector<16xf32>
      %add3A_1004 = arith.constant 2 : i32
      %add3A_1005 = arith.addi %mul3A_906, %add3A_1004 : i32
      %get3A_1006 = arith.constant 0 : i32
      %get3A_1007 = arith.index_cast %get3A_1006 : i32 to index
      %get3A_1008 = arith.index_cast %add3A_1005 : i32 to index
      %get3A_1009 = arith.constant 32 : index
      %get3A_1010 = tpu.vector_load %arg7[%get3A_1007, %get3A_1008, %get3A_1009] {strides = array<i32>} : memref<2x256x128xf32, #tpu.memory_space<vmem>>, vector<1x1x16xf32>,
      %get3A_1011 = vector.shape_cast %get3A_1010 : vector<1x1x16xf32> to vector<16xf32>
      %add3A_1012 = arith.constant 3 : i32
      %add3A_1013 = arith.addi %mul3A_906, %add3A_1012 : i32
      %get3A_1014 = arith.constant 0 : i32
      %get3A_1015 = arith.index_cast %get3A_1014 : i32 to index
      %get3A_1016 = arith.index_cast %add3A_1013 : i32 to index
      %get3A_1017 = arith.constant 32 : index
      %get3A_1018 = tpu.vector_load %arg7[%get3A_1015, %get3A_1016, %get3A_1017] {strides = array<i32>} : memref<2x256x128xf32, #tpu.memory_space<vmem>>, vector<1x1x16xf32>,
      %get3A_1019 = vector.shape_cast %get3A_1018 : vector<1x1x16xf32> to vector<16xf32>
      %add3A_1020 = arith.addf %get3A_1011, %get3A_1019 : vector<16xf32>
      %add3A_1021 = arith.addf %add3A_1003, %add3A_1020 : vector<16xf32>
      %get3A_1022 = arith.constant 0 : i32
      %get3A_1023 = arith.index_cast %get3A_1022 : i32 to index
      %get3A_1024 = arith.index_cast %scan3A_903 : i32 to index
      %get3A_1025 = arith.constant 32 : index
      %get3A_1026 = tpu.vector_load %arg8[%get3A_1023, %get3A_1024, %get3A_1025] {strides = array<i32>} : memref<2x64x100xf32, #tpu.memory_space<vmem>>, vector<1x1x16xf32>,
      %get3A_1027 = vector.shape_cast %get3A_1026 : vector<1x1x16xf32> to vector<16xf32>
      %sub3A_1028 = arith.subf %add3A_1021, %get3A_1027 : vector<16xf32>
      %mul3A_1029 = arith.mulf %sub3A_1028, %sub3A_1028 : vector<16xf32>
      %add3A_1030 = arith.addf %add3A_988, %mul3A_1029 : vector<16xf32>
      %get3A_1031 = arith.constant 0 : i32
      %get3A_1032 = arith.index_cast %get3A_1031 : i32 to index
      %get3A_1033 = arith.index_cast %mul3A_906 : i32 to index
      %get3A_1034 = arith.constant 48 : index
      %get3A_1035 = tpu.vector_load %arg7[%get3A_1032, %get3A_1033, %get3A_1034] {strides = array<i32>} : memref<2x256x128xf32, #tpu.memory_space<vmem>>, vector<1x1x16xf32>,
      %get3A_1036 = vector.shape_cast %get3A_1035 : vector<1x1x16xf32> to vector<16xf32>
      %add3A_1037 = arith.constant 1 : i32
      %add3A_1038 = arith.addi %mul3A_906, %add3A_1037 : i32
      %get3A_1039 = arith.constant 0 : i32
      %get3A_1040 = arith.index_cast %get3A_1039 : i32 to index
      %get3A_1041 = arith.index_cast %add3A_1038 : i32 to index
      %get3A_1042 = arith.constant 48 : index
      %get3A_1043 = tpu.vector_load %arg7[%get3A_1040, %get3A_1041, %get3A_1042] {strides = array<i32>} : memref<2x256x128xf32, #tpu.memory_space<vmem>>, vector<1x1x16xf32>,
      %get3A_1044 = vector.shape_cast %get3A_1043 : vector<1x1x16xf32> to vector<16xf32>
      %add3A_1045 = arith.addf %get3A_1036, %get3A_1044 : vector<16xf32>
      %add3A_1046 = arith.constant 2 : i32
      %add3A_1047 = arith.addi %mul3A_906, %add3A_1046 : i32
      %get3A_1048 = arith.constant 0 : i32
      %get3A_1049 = arith.index_cast %get3A_1048 : i32 to index
      %get3A_1050 = arith.index_cast %add3A_1047 : i32 to index
      %get3A_1051 = arith.constant 48 : index
      %get3A_1052 = tpu.vector_load %arg7[%get3A_1049, %get3A_1050, %get3A_1051] {strides = array<i32>} : memref<2x256x128xf32, #tpu.memory_space<vmem>>, vector<1x1x16xf32>,
      %get3A_1053 = vector.shape_cast %get3A_1052 : vector<1x1x16xf32> to vector<16xf32>
      %add3A_1054 = arith.constant 3 : i32
      %add3A_1055 = arith.addi %mul3A_906, %add3A_1054 : i32
      %get3A_1056 = arith.constant 0 : i32
      %get3A_1057 = arith.index_cast %get3A_1056 : i32 to index
      %get3A_1058 = arith.index_cast %add3A_1055 : i32 to index
      %get3A_1059 = arith.constant 48 : index
      %get3A_1060 = tpu.vector_load %arg7[%get3A_1057, %get3A_1058, %get3A_1059] {strides = array<i32>} : memref<2x256x128xf32, #tpu.memory_space<vmem>>, vector<1x1x16xf32>,
      %get3A_1061 = vector.shape_cast %get3A_1060 : vector<1x1x16xf32> to vector<16xf32>
      %add3A_1062 = arith.addf %get3A_1053, %get3A_1061 : vector<16xf32>
      %add3A_1063 = arith.addf %add3A_1045, %add3A_1062 : vector<16xf32>
      %get3A_1064 = arith.constant 0 : i32
      %get3A_1065 = arith.index_cast %get3A_1064 : i32 to index
      %get3A_1066 = arith.index_cast %scan3A_903 : i32 to index
      %get3A_1067 = arith.constant 48 : index
      %get3A_1068 = tpu.vector_load %arg8[%get3A_1065, %get3A_1066, %get3A_1067] {strides = array<i32>} : memref<2x64x100xf32, #tpu.memory_space<vmem>>, vector<1x1x16xf32>,
      %get3A_1069 = vector.shape_cast %get3A_1068 : vector<1x1x16xf32> to vector<16xf32>
      %sub3A_1070 = arith.subf %add3A_1063, %get3A_1069 : vector<16xf32>
      %mul3A_1071 = arith.mulf %sub3A_1070, %sub3A_1070 : vector<16xf32>
      %add3A_1072 = arith.addf %add3A_1030, %mul3A_1071 : vector<16xf32>
      %get3A_1073 = arith.constant 0 : i32
      %get3A_1074 = arith.index_cast %get3A_1073 : i32 to index
      %get3A_1075 = arith.index_cast %mul3A_906 : i32 to index
      %get3A_1076 = arith.constant 64 : index
      %get3A_1077 = tpu.vector_load %arg7[%get3A_1074, %get3A_1075, %get3A_1076] {strides = array<i32>} : memref<2x256x128xf32, #tpu.memory_space<vmem>>, vector<1x1x16xf32>,
      %get3A_1078 = vector.shape_cast %get3A_1077 : vector<1x1x16xf32> to vector<16xf32>
      %add3A_1079 = arith.constant 1 : i32
      %add3A_1080 = arith.addi %mul3A_906, %add3A_1079 : i32
      %get3A_1081 = arith.constant 0 : i32
      %get3A_1082 = arith.index_cast %get3A_1081 : i32 to index
      %get3A_1083 = arith.index_cast %add3A_1080 : i32 to index
      %get3A_1084 = arith.constant 64 : index
      %get3A_1085 = tpu.vector_load %arg7[%get3A_1082, %get3A_1083, %get3A_1084] {strides = array<i32>} : memref<2x256x128xf32, #tpu.memory_space<vmem>>, vector<1x1x16xf32>,
      %get3A_1086 = vector.shape_cast %get3A_1085 : vector<1x1x16xf32> to vector<16xf32>
      %add3A_1087 = arith.addf %get3A_1078, %get3A_1086 : vector<16xf32>
      %add3A_1088 = arith.constant 2 : i32
      %add3A_1089 = arith.addi %mul3A_906, %add3A_1088 : i32
      %get3A_1090 = arith.constant 0 : i32
      %get3A_1091 = arith.index_cast %get3A_1090 : i32 to index
      %get3A_1092 = arith.index_cast %add3A_1089 : i32 to index
      %get3A_1093 = arith.constant 64 : index
      %get3A_1094 = tpu.vector_load %arg7[%get3A_1091, %get3A_1092, %get3A_1093] {strides = array<i32>} : memref<2x256x128xf32, #tpu.memory_space<vmem>>, vector<1x1x16xf32>,
      %get3A_1095 = vector.shape_cast %get3A_1094 : vector<1x1x16xf32> to vector<16xf32>
      %add3A_1096 = arith.constant 3 : i32
      %add3A_1097 = arith.addi %mul3A_906, %add3A_1096 : i32
      %get3A_1098 = arith.constant 0 : i32
      %get3A_1099 = arith.index_cast %get3A_1098 : i32 to index
      %get3A_1100 = arith.index_cast %add3A_1097 : i32 to index
      %get3A_1101 = arith.constant 64 : index
      %get3A_1102 = tpu.vector_load %arg7[%get3A_1099, %get3A_1100, %get3A_1101] {strides = array<i32>} : memref<2x256x128xf32, #tpu.memory_space<vmem>>, vector<1x1x16xf32>,
      %get3A_1103 = vector.shape_cast %get3A_1102 : vector<1x1x16xf32> to vector<16xf32>
      %add3A_1104 = arith.addf %get3A_1095, %get3A_1103 : vector<16xf32>
      %add3A_1105 = arith.addf %add3A_1087, %add3A_1104 : vector<16xf32>
      %get3A_1106 = arith.constant 0 : i32
      %get3A_1107 = arith.index_cast %get3A_1106 : i32 to index
      %get3A_1108 = arith.index_cast %scan3A_903 : i32 to index
      %get3A_1109 = arith.constant 64 : index
      %get3A_1110 = tpu.vector_load %arg8[%get3A_1107, %get3A_1108, %get3A_1109] {strides = array<i32>} : memref<2x64x100xf32, #tpu.memory_space<vmem>>, vector<1x1x16xf32>,
      %get3A_1111 = vector.shape_cast %get3A_1110 : vector<1x1x16xf32> to vector<16xf32>
      %sub3A_1112 = arith.subf %add3A_1105, %get3A_1111 : vector<16xf32>
      %mul3A_1113 = arith.mulf %sub3A_1112, %sub3A_1112 : vector<16xf32>
      %add3A_1114 = arith.addf %add3A_1072, %mul3A_1113 : vector<16xf32>
      %get3A_1115 = arith.constant 0 : i32
      %get3A_1116 = arith.index_cast %get3A_1115 : i32 to index
      %get3A_1117 = arith.index_cast %mul3A_906 : i32 to index
      %get3A_1118 = arith.constant 80 : index
      %get3A_1119 = tpu.vector_load %arg7[%get3A_1116, %get3A_1117, %get3A_1118] {strides = array<i32>} : memref<2x256x128xf32, #tpu.memory_space<vmem>>, vector<1x1x16xf32>,
      %get3A_1120 = vector.shape_cast %get3A_1119 : vector<1x1x16xf32> to vector<16xf32>
      %add3A_1121 = arith.constant 1 : i32
      %add3A_1122 = arith.addi %mul3A_906, %add3A_1121 : i32
      %get3A_1123 = arith.constant 0 : i32
      %get3A_1124 = arith.index_cast %get3A_1123 : i32 to index
      %get3A_1125 = arith.index_cast %add3A_1122 : i32 to index
      %get3A_1126 = arith.constant 80 : index
      %get3A_1127 = tpu.vector_load %arg7[%get3A_1124, %get3A_1125, %get3A_1126] {strides = array<i32>} : memref<2x256x128xf32, #tpu.memory_space<vmem>>, vector<1x1x16xf32>,
      %get3A_1128 = vector.shape_cast %get3A_1127 : vector<1x1x16xf32> to vector<16xf32>
      %add3A_1129 = arith.addf %get3A_1120, %get3A_1128 : vector<16xf32>
      %add3A_1130 = arith.constant 2 : i32
      %add3A_1131 = arith.addi %mul3A_906, %add3A_1130 : i32
      %get3A_1132 = arith.constant 0 : i32
      %get3A_1133 = arith.index_cast %get3A_1132 : i32 to index
      %get3A_1134 = arith.index_cast %add3A_1131 : i32 to index
      %get3A_1135 = arith.constant 80 : index
      %get3A_1136 = tpu.vector_load %arg7[%get3A_1133, %get3A_1134, %get3A_1135] {strides = array<i32>} : memref<2x256x128xf32, #tpu.memory_space<vmem>>, vector<1x1x16xf32>,
      %get3A_1137 = vector.shape_cast %get3A_1136 : vector<1x1x16xf32> to vector<16xf32>
      %add3A_1138 = arith.constant 3 : i32
      %add3A_1139 = arith.addi %mul3A_906, %add3A_1138 : i32
      %get3A_1140 = arith.constant 0 : i32
      %get3A_1141 = arith.index_cast %get3A_1140 : i32 to index
      %get3A_1142 = arith.index_cast %add3A_1139 : i32 to index
      %get3A_1143 = arith.constant 80 : index
      %get3A_1144 = tpu.vector_load %arg7[%get3A_1141, %get3A_1142, %get3A_1143] {strides = array<i32>} : memref<2x256x128xf32, #tpu.memory_space<vmem>>, vector<1x1x16xf32>,
      %get3A_1145 = vector.shape_cast %get3A_1144 : vector<1x1x16xf32> to vector<16xf32>
      %add3A_1146 = arith.addf %get3A_1137, %get3A_1145 : vector<16xf32>
      %add3A_1147 = arith.addf %add3A_1129, %add3A_1146 : vector<16xf32>
      %get3A_1148 = arith.constant 0 : i32
      %get3A_1149 = arith.index_cast %get3A_1148 : i32 to index
      %get3A_1150 = arith.index_cast %scan3A_903 : i32 to index
      %get3A_1151 = arith.constant 80 : index
      %get3A_1152 = tpu.vector_load %arg8[%get3A_1149, %get3A_1150, %get3A_1151] {strides = array<i32>} : memref<2x64x100xf32, #tpu.memory_space<vmem>>, vector<1x1x16xf32>,
      %get3A_1153 = vector.shape_cast %get3A_1152 : vector<1x1x16xf32> to vector<16xf32>
      %sub3A_1154 = arith.subf %add3A_1147, %get3A_1153 : vector<16xf32>
      %mul3A_1155 = arith.mulf %sub3A_1154, %sub3A_1154 : vector<16xf32>
      %add3A_1156 = arith.addf %add3A_1114, %mul3A_1155 : vector<16xf32>
      %get3A_1157 = arith.constant 0 : i32
      %get3A_1158 = arith.index_cast %get3A_1157 : i32 to index
      %get3A_1159 = arith.index_cast %mul3A_906 : i32 to index
      %get3A_1160 = arith.constant 84 : index
      %get3A_1161 = tpu.vector_load %arg7[%get3A_1158, %get3A_1159, %get3A_1160] {strides = array<i32>} : memref<2x256x128xf32, #tpu.memory_space<vmem>>, vector<1x1x16xf32>,
      %get3A_1162 = vector.shape_cast %get3A_1161 : vector<1x1x16xf32> to vector<16xf32>
      %add3A_1163 = arith.constant 1 : i32
      %add3A_1164 = arith.addi %mul3A_906, %add3A_1163 : i32
      %get3A_1165 = arith.constant 0 : i32
      %get3A_1166 = arith.index_cast %get3A_1165 : i32 to index
      %get3A_1167 = arith.index_cast %add3A_1164 : i32 to index
      %get3A_1168 = arith.constant 84 : index
      %get3A_1169 = tpu.vector_load %arg7[%get3A_1166, %get3A_1167, %get3A_1168] {strides = array<i32>} : memref<2x256x128xf32, #tpu.memory_space<vmem>>, vector<1x1x16xf32>,
      %get3A_1170 = vector.shape_cast %get3A_1169 : vector<1x1x16xf32> to vector<16xf32>
      %add3A_1171 = arith.addf %get3A_1162, %get3A_1170 : vector<16xf32>
      %add3A_1172 = arith.constant 2 : i32
      %add3A_1173 = arith.addi %mul3A_906, %add3A_1172 : i32
      %get3A_1174 = arith.constant 0 : i32
      %get3A_1175 = arith.index_cast %get3A_1174 : i32 to index
      %get3A_1176 = arith.index_cast %add3A_1173 : i32 to index
      %get3A_1177 = arith.constant 84 : index
      %get3A_1178 = tpu.vector_load %arg7[%get3A_1175, %get3A_1176, %get3A_1177] {strides = array<i32>} : memref<2x256x128xf32, #tpu.memory_space<vmem>>, vector<1x1x16xf32>,
      %get3A_1179 = vector.shape_cast %get3A_1178 : vector<1x1x16xf32> to vector<16xf32>
      %add3A_1180 = arith.constant 3 : i32
      %add3A_1181 = arith.addi %mul3A_906, %add3A_1180 : i32
      %get3A_1182 = arith.constant 0 : i32
      %get3A_1183 = arith.index_cast %get3A_1182 : i32 to index
      %get3A_1184 = arith.index_cast %add3A_1181 : i32 to index
      %get3A_1185 = arith.constant 84 : index
      %get3A_1186 = tpu.vector_load %arg7[%get3A_1183, %get3A_1184, %get3A_1185] {strides = array<i32>} : memref<2x256x128xf32, #tpu.memory_space<vmem>>, vector<1x1x16xf32>,
      %get3A_1187 = vector.shape_cast %get3A_1186 : vector<1x1x16xf32> to vector<16xf32>
      %add3A_1188 = arith.addf %get3A_1179, %get3A_1187 : vector<16xf32>
      %add3A_1189 = arith.addf %add3A_1171, %add3A_1188 : vector<16xf32>
      %get3A_1190 = arith.constant 0 : i32
      %get3A_1191 = arith.index_cast %get3A_1190 : i32 to index
      %get3A_1192 = arith.index_cast %scan3A_903 : i32 to index
      %get3A_1193 = arith.constant 84 : index
      %get3A_1194 = tpu.vector_load %arg8[%get3A_1191, %get3A_1192, %get3A_1193] {strides = array<i32>} : memref<2x64x100xf32, #tpu.memory_space<vmem>>, vector<1x1x16xf32>,
      %get3A_1195 = vector.shape_cast %get3A_1194 : vector<1x1x16xf32> to vector<16xf32>
      %sub3A_1196 = arith.subf %add3A_1189, %get3A_1195 : vector<16xf32>
      %select_n3A_1197 = arith.select %ge3A_2, %sub3A_1196, %broadcast_in_dim3A_3 : vector<16xi1>, vector<16xf32>
      %mul3A_1198 = arith.mulf %select_n3A_1197, %select_n3A_1197 : vector<16xf32>
      %add3A_1199 = arith.addf %add3A_1156, %mul3A_1198 : vector<16xf32>
      scf.yield %add3A_1199 : vector<16xf32>
    }
    %scan3A_579 = arith.constant 64 : i32
    %mul3A_580 = arith.constant 512 : i32
    %mul3A_581 = arith.muli %add3A, %mul3A_580 : i32
    %add3A_582 = arith.constant 384 : i32
    %add3A_583 = arith.addi %mul3A_581, %add3A_582 : i32
    %mul3A_584 = arith.constant 4 : i32
    %mul3A_585 = arith.muli %mul3A_584, %add3A_583 : i32
    %run_scoped3A_586 = arith.constant 0 : i32
    "tpu.region"() ({
      %run_scoped3A_903 = tpu.sem_alloc : memref<!tpu.dma_semaphore, #tpu.memory_space<semaphore_mem>>
      %dma_start3A_904 = arith.constant 0 : i32
      %dma_start3A_905 = tpu.memref_slice %arg6[%run_scoped3A_586, %dma_start3A_904] : memref<2x256xi32, #tpu.memory_space<vmem>> -> memref<1x256xi32, #tpu.memory_space<vmem>>
      %dma_start3A_906 = tpu.memref_squeeze %dma_start3A_905 : memref<1x256xi32, #tpu.memory_space<vmem>> -> memref<256xi32, #tpu.memory_space<vmem>>
      %dma_start3A_907 = tpu.memref_slice %arg2[%mul3A_585] : memref<65536xi32, #tpu.memory_space<hbm>> -> memref<256xi32, #tpu.memory_space<hbm>>
      %dma_start3A_908 = arith.constant 0 : i32
      %dma_start3A_909 = tpu.memref_slice %arg6[%run_scoped3A_586, %dma_start3A_908] : memref<2x256xi32, #tpu.memory_space<vmem>> -> memref<1x256xi32, #tpu.memory_space<vmem>>
      %dma_start3A_910 = tpu.memref_squeeze %dma_start3A_909 : memref<1x256xi32, #tpu.memory_space<vmem>> -> memref<256xi32, #tpu.memory_space<vmem>>
      %dma_start3A_911 = tpu.memref_slice %arg2[%mul3A_585] : memref<65536xi32, #tpu.memory_space<hbm>> -> memref<256xi32, #tpu.memory_space<hbm>>
      tpu.enqueue_dma source(%dma_start3A_911 : memref<256xi32, #tpu.memory_space<hbm>>) target(%dma_start3A_910 : memref<256xi32, #tpu.memory_space<vmem>>) target_semaphore(%run_scoped3A_903 : memref<!tpu.dma_semaphore, #tpu.memory_space<semaphore_mem>>)
      %dma_wait3A_912 = arith.constant 0 : i32
      %dma_wait3A_913 = tpu.memref_slice %arg6[%run_scoped3A_586, %dma_wait3A_912] : memref<2x256xi32, #tpu.memory_space<vmem>> -> memref<1x256xi32, #tpu.memory_space<vmem>>
      %dma_wait3A_914 = tpu.memref_squeeze %dma_wait3A_913 : memref<1x256xi32, #tpu.memory_space<vmem>> -> memref<256xi32, #tpu.memory_space<vmem>>
      %dma_wait3A_915 = tpu.memref_slice %arg2[%mul3A_585] : memref<65536xi32, #tpu.memory_space<hbm>> -> memref<256xi32, #tpu.memory_space<hbm>>
      %dma_wait3A_916 = arith.constant 0 : i32
      %dma_wait3A_917 = tpu.memref_slice %arg6[%run_scoped3A_586, %dma_wait3A_916] : memref<2x256xi32, #tpu.memory_space<vmem>> -> memref<1x256xi32, #tpu.memory_space<vmem>>
      %dma_wait3A_918 = tpu.memref_squeeze %dma_wait3A_917 : memref<1x256xi32, #tpu.memory_space<vmem>> -> memref<256xi32, #tpu.memory_space<vmem>>
      %dma_wait3A_919 = tpu.memref_slice %arg2[%mul3A_585] : memref<65536xi32, #tpu.memory_space<hbm>> -> memref<256xi32, #tpu.memory_space<hbm>>
      tpu.wait_dma2 semaphore(%run_scoped3A_903 : memref<!tpu.dma_semaphore, #tpu.memory_space<semaphore_mem>>) src(%dma_wait3A_919 : memref<256xi32, #tpu.memory_space<hbm>>) dst(%dma_wait3A_918 : memref<256xi32, #tpu.memory_space<vmem>>)
      tpu.yield
    }) : () -> ()
    %dma_start3A_587 = arith.constant 0 : i32
    %dma_start3A_588 = arith.constant 0 : i32
    %dma_start3A_589 = arith.constant 0 : i32
    %dma_start3A_590 = arith.constant 0 : i32
    %dma_start3A_591 = arith.constant 0 : i32
    %dma_start3A_592 = tpu.memref_slice %arg7[%dma_start3A_588, %dma_start3A_590, %dma_start3A_591] : memref<2x256x128xf32, #tpu.memory_space<vmem>> -> memref<1x128x128xf32, #tpu.memory_space<vmem>>
    %dma_start3A_593 = tpu.memref_squeeze %dma_start3A_592 : memref<1x128x128xf32, #tpu.memory_space<vmem>> -> memref<128x128xf32, #tpu.memory_space<vmem>>
    %dma_start3A_594 = arith.constant 0 : i32
    %dma_start3A_595 = tpu.memref_slice %arg6[%dma_start3A_587, %dma_start3A_594] : memref<2x256xi32, #tpu.memory_space<vmem>> -> memref<1x128xi32, #tpu.memory_space<vmem>>
    %dma_start3A_596 = tpu.memref_squeeze %dma_start3A_595 : memref<1x128xi32, #tpu.memory_space<vmem>> -> memref<128xi32, #tpu.memory_space<vmem>>
    %dma_start3A_597 = arith.constant 0 : i32
    %dma_start3A_598 = arith.constant 0 : i32
    %dma_start3A_599 = tpu.memref_slice %arg4[%dma_start3A_597, %dma_start3A_598] : memref<40000x128xf32, #tpu.memory_space<hbm>> -> memref<40000x128xf32, #tpu.memory_space<hbm>>
    %dma_start3A_600 = tpu.memref_slice %arg10[%dma_start3A_589] : memref<2x!tpu.dma_semaphore, #tpu.memory_space<semaphore_mem>> -> memref<1x!tpu.dma_semaphore, #tpu.memory_space<semaphore_mem>>
    %dma_start3A_601 = tpu.memref_squeeze %dma_start3A_600 : memref<1x!tpu.dma_semaphore, #tpu.memory_space<semaphore_mem>> -> memref<!tpu.dma_semaphore, #tpu.memory_space<semaphore_mem>>
    tpu.enqueue_indirect_dma source(%dma_start3A_599 : memref<40000x128xf32, #tpu.memory_space<hbm>>) target(%dma_start3A_593 : memref<128x128xf32, #tpu.memory_space<vmem>>) offsets(%dma_start3A_596 : memref<128xi32, #tpu.memory_space<vmem>>) semaphore(%dma_start3A_601 : memref<!tpu.dma_semaphore, #tpu.memory_space<semaphore_mem>>)
    %dma_start3A_602 = arith.constant 0 : i32
    %dma_start3A_603 = arith.constant 0 : i32
    %dma_start3A_604 = arith.constant 0 : i32
    %dma_start3A_605 = arith.constant 128 : i32
    %dma_start3A_606 = arith.constant 0 : i32
    %dma_start3A_607 = tpu.memref_slice %arg7[%dma_start3A_603, %dma_start3A_605, %dma_start3A_606] : memref<2x256x128xf32, #tpu.memory_space<vmem>> -> memref<1x128x128xf32, #tpu.memory_space<vmem>>
    %dma_start3A_608 = tpu.memref_squeeze %dma_start3A_607 : memref<1x128x128xf32, #tpu.memory_space<vmem>> -> memref<128x128xf32, #tpu.memory_space<vmem>>
    %dma_start3A_609 = arith.constant 128 : i32
    %dma_start3A_610 = tpu.memref_slice %arg6[%dma_start3A_602, %dma_start3A_609] : memref<2x256xi32, #tpu.memory_space<vmem>> -> memref<1x128xi32, #tpu.memory_space<vmem>>
    %dma_start3A_611 = tpu.memref_squeeze %dma_start3A_610 : memref<1x128xi32, #tpu.memory_space<vmem>> -> memref<128xi32, #tpu.memory_space<vmem>>
    %dma_start3A_612 = arith.constant 0 : i32
    %dma_start3A_613 = arith.constant 0 : i32
    %dma_start3A_614 = tpu.memref_slice %arg4[%dma_start3A_612, %dma_start3A_613] : memref<40000x128xf32, #tpu.memory_space<hbm>> -> memref<40000x128xf32, #tpu.memory_space<hbm>>
    %dma_start3A_615 = tpu.memref_slice %arg10[%dma_start3A_604] : memref<2x!tpu.dma_semaphore, #tpu.memory_space<semaphore_mem>> -> memref<1x!tpu.dma_semaphore, #tpu.memory_space<semaphore_mem>>
    %dma_start3A_616 = tpu.memref_squeeze %dma_start3A_615 : memref<1x!tpu.dma_semaphore, #tpu.memory_space<semaphore_mem>> -> memref<!tpu.dma_semaphore, #tpu.memory_space<semaphore_mem>>
    tpu.enqueue_indirect_dma source(%dma_start3A_614 : memref<40000x128xf32, #tpu.memory_space<hbm>>) target(%dma_start3A_608 : memref<128x128xf32, #tpu.memory_space<vmem>>) offsets(%dma_start3A_611 : memref<128xi32, #tpu.memory_space<vmem>>) semaphore(%dma_start3A_616 : memref<!tpu.dma_semaphore, #tpu.memory_space<semaphore_mem>>)
    %dma_start3A_617 = arith.constant 0 : i32
    %dma_start3A_618 = arith.constant 0 : i32
    %dma_start3A_619 = arith.constant 0 : i32
    %dma_start3A_620 = arith.constant 0 : i32
    %dma_start3A_621 = tpu.memref_slice %arg8[%dma_start3A_617, %dma_start3A_619, %dma_start3A_620] : memref<2x64x100xf32, #tpu.memory_space<vmem>> -> memref<1x64x100xf32, #tpu.memory_space<vmem>>
    %dma_start3A_622 = tpu.memref_squeeze %dma_start3A_621 : memref<1x64x100xf32, #tpu.memory_space<vmem>> -> memref<64x100xf32, #tpu.memory_space<vmem>>
    %dma_start3A_623 = arith.constant 0 : i32
    %dma_start3A_624 = tpu.memref_slice %arg3[%add3A_583, %dma_start3A_623] : memref<16384x100xf32, #tpu.memory_space<hbm>> -> memref<64x100xf32, #tpu.memory_space<hbm>>
    %dma_start3A_625 = tpu.memref_slice %arg10[%dma_start3A_618] : memref<2x!tpu.dma_semaphore, #tpu.memory_space<semaphore_mem>> -> memref<1x!tpu.dma_semaphore, #tpu.memory_space<semaphore_mem>>
    %dma_start3A_626 = tpu.memref_squeeze %dma_start3A_625 : memref<1x!tpu.dma_semaphore, #tpu.memory_space<semaphore_mem>> -> memref<!tpu.dma_semaphore, #tpu.memory_space<semaphore_mem>>
    %dma_start3A_627 = arith.constant 0 : i32
    %dma_start3A_628 = arith.constant 0 : i32
    %dma_start3A_629 = tpu.memref_slice %arg8[%dma_start3A_617, %dma_start3A_627, %dma_start3A_628] : memref<2x64x100xf32, #tpu.memory_space<vmem>> -> memref<1x64x100xf32, #tpu.memory_space<vmem>>
    %dma_start3A_630 = tpu.memref_squeeze %dma_start3A_629 : memref<1x64x100xf32, #tpu.memory_space<vmem>> -> memref<64x100xf32, #tpu.memory_space<vmem>>
    %dma_start3A_631 = arith.constant 0 : i32
    %dma_start3A_632 = tpu.memref_slice %arg3[%add3A_583, %dma_start3A_631] : memref<16384x100xf32, #tpu.memory_space<hbm>> -> memref<64x100xf32, #tpu.memory_space<hbm>>
    tpu.enqueue_dma source(%dma_start3A_632 : memref<64x100xf32, #tpu.memory_space<hbm>>) target(%dma_start3A_630 : memref<64x100xf32, #tpu.memory_space<vmem>>) target_semaphore(%dma_start3A_626 : memref<!tpu.dma_semaphore, #tpu.memory_space<semaphore_mem>>)
    %dma_wait3A_633 = arith.constant 1 : i32
    %dma_wait3A_634 = arith.constant 1 : i32
    %dma_wait3A_635 = arith.constant 1 : i32
    %dma_wait3A_636 = arith.constant 0 : i32
    %dma_wait3A_637 = arith.constant 0 : i32
    %dma_wait3A_638 = tpu.memref_slice %arg7[%dma_wait3A_634, %dma_wait3A_636, %dma_wait3A_637] : memref<2x256x128xf32, #tpu.memory_space<vmem>> -> memref<1x128x128xf32, #tpu.memory_space<vmem>>
    %dma_wait3A_639 = tpu.memref_squeeze %dma_wait3A_638 : memref<1x128x128xf32, #tpu.memory_space<vmem>> -> memref<128x128xf32, #tpu.memory_space<vmem>>
    %dma_wait3A_640 = arith.constant 0 : i32
    %dma_wait3A_641 = tpu.memref_slice %arg6[%dma_wait3A_633, %dma_wait3A_640] : memref<2x256xi32, #tpu.memory_space<vmem>> -> memref<1x128xi32, #tpu.memory_space<vmem>>
    %dma_wait3A_642 = tpu.memref_squeeze %dma_wait3A_641 : memref<1x128xi32, #tpu.memory_space<vmem>> -> memref<128xi32, #tpu.memory_space<vmem>>
    %dma_wait3A_643 = arith.constant 0 : i32
    %dma_wait3A_644 = arith.constant 0 : i32
    %dma_wait3A_645 = tpu.memref_slice %arg4[%dma_wait3A_643, %dma_wait3A_644] : memref<40000x128xf32, #tpu.memory_space<hbm>> -> memref<40000x128xf32, #tpu.memory_space<hbm>>
    %dma_wait3A_646 = tpu.memref_slice %arg10[%dma_wait3A_635] : memref<2x!tpu.dma_semaphore, #tpu.memory_space<semaphore_mem>> -> memref<1x!tpu.dma_semaphore, #tpu.memory_space<semaphore_mem>>
    %dma_wait3A_647 = tpu.memref_squeeze %dma_wait3A_646 : memref<1x!tpu.dma_semaphore, #tpu.memory_space<semaphore_mem>> -> memref<!tpu.dma_semaphore, #tpu.memory_space<semaphore_mem>>
    tpu.wait_indirect_dma semaphore(%dma_wait3A_647 : memref<!tpu.dma_semaphore, #tpu.memory_space<semaphore_mem>>) src(%dma_wait3A_645 : memref<40000x128xf32, #tpu.memory_space<hbm>>) dst(%dma_wait3A_639 : memref<128x128xf32, #tpu.memory_space<vmem>>)
    %dma_wait3A_648 = arith.constant 1 : i32
    %dma_wait3A_649 = arith.constant 1 : i32
    %dma_wait3A_650 = arith.constant 1 : i32
    %dma_wait3A_651 = arith.constant 128 : i32
    %dma_wait3A_652 = arith.constant 0 : i32
    %dma_wait3A_653 = tpu.memref_slice %arg7[%dma_wait3A_649, %dma_wait3A_651, %dma_wait3A_652] : memref<2x256x128xf32, #tpu.memory_space<vmem>> -> memref<1x128x128xf32, #tpu.memory_space<vmem>>
    %dma_wait3A_654 = tpu.memref_squeeze %dma_wait3A_653 : memref<1x128x128xf32, #tpu.memory_space<vmem>> -> memref<128x128xf32, #tpu.memory_space<vmem>>
    %dma_wait3A_655 = arith.constant 128 : i32
    %dma_wait3A_656 = tpu.memref_slice %arg6[%dma_wait3A_648, %dma_wait3A_655] : memref<2x256xi32, #tpu.memory_space<vmem>> -> memref<1x128xi32, #tpu.memory_space<vmem>>
    %dma_wait3A_657 = tpu.memref_squeeze %dma_wait3A_656 : memref<1x128xi32, #tpu.memory_space<vmem>> -> memref<128xi32, #tpu.memory_space<vmem>>
    %dma_wait3A_658 = arith.constant 0 : i32
    %dma_wait3A_659 = arith.constant 0 : i32
    %dma_wait3A_660 = tpu.memref_slice %arg4[%dma_wait3A_658, %dma_wait3A_659] : memref<40000x128xf32, #tpu.memory_space<hbm>> -> memref<40000x128xf32, #tpu.memory_space<hbm>>
    %dma_wait3A_661 = tpu.memref_slice %arg10[%dma_wait3A_650] : memref<2x!tpu.dma_semaphore, #tpu.memory_space<semaphore_mem>> -> memref<1x!tpu.dma_semaphore, #tpu.memory_space<semaphore_mem>>
    %dma_wait3A_662 = tpu.memref_squeeze %dma_wait3A_661 : memref<1x!tpu.dma_semaphore, #tpu.memory_space<semaphore_mem>> -> memref<!tpu.dma_semaphore, #tpu.memory_space<semaphore_mem>>
    tpu.wait_indirect_dma semaphore(%dma_wait3A_662 : memref<!tpu.dma_semaphore, #tpu.memory_space<semaphore_mem>>) src(%dma_wait3A_660 : memref<40000x128xf32, #tpu.memory_space<hbm>>) dst(%dma_wait3A_654 : memref<128x128xf32, #tpu.memory_space<vmem>>)
    %dma_wait3A_663 = arith.constant 1 : i32
    %dma_wait3A_664 = arith.constant 1 : i32
    %dma_wait3A_665 = arith.constant 0 : i32
    %dma_wait3A_666 = arith.constant 0 : i32
    %dma_wait3A_667 = tpu.memref_slice %arg8[%dma_wait3A_663, %dma_wait3A_665, %dma_wait3A_666] : memref<2x64x100xf32, #tpu.memory_space<vmem>> -> memref<1x64x100xf32, #tpu.memory_space<vmem>>
    %dma_wait3A_668 = tpu.memref_squeeze %dma_wait3A_667 : memref<1x64x100xf32, #tpu.memory_space<vmem>> -> memref<64x100xf32, #tpu.memory_space<vmem>>
    %dma_wait3A_669 = arith.constant 0 : i32
    %dma_wait3A_670 = tpu.memref_slice %arg3[%add3A_478, %dma_wait3A_669] : memref<16384x100xf32, #tpu.memory_space<hbm>> -> memref<64x100xf32, #tpu.memory_space<hbm>>
    %dma_wait3A_671 = tpu.memref_slice %arg10[%dma_wait3A_664] : memref<2x!tpu.dma_semaphore, #tpu.memory_space<semaphore_mem>> -> memref<1x!tpu.dma_semaphore, #tpu.memory_space<semaphore_mem>>
    %dma_wait3A_672 = tpu.memref_squeeze %dma_wait3A_671 : memref<1x!tpu.dma_semaphore, #tpu.memory_space<semaphore_mem>> -> memref<!tpu.dma_semaphore, #tpu.memory_space<semaphore_mem>>
    %dma_wait3A_673 = arith.constant 0 : i32
    %dma_wait3A_674 = arith.constant 0 : i32
    %dma_wait3A_675 = tpu.memref_slice %arg8[%dma_wait3A_663, %dma_wait3A_673, %dma_wait3A_674] : memref<2x64x100xf32, #tpu.memory_space<vmem>> -> memref<1x64x100xf32, #tpu.memory_space<vmem>>
    %dma_wait3A_676 = tpu.memref_squeeze %dma_wait3A_675 : memref<1x64x100xf32, #tpu.memory_space<vmem>> -> memref<64x100xf32, #tpu.memory_space<vmem>>
    %dma_wait3A_677 = arith.constant 0 : i32
    %dma_wait3A_678 = tpu.memref_slice %arg3[%add3A_478, %dma_wait3A_677] : memref<16384x100xf32, #tpu.memory_space<hbm>> -> memref<64x100xf32, #tpu.memory_space<hbm>>
    tpu.wait_dma2 semaphore(%dma_wait3A_672 : memref<!tpu.dma_semaphore, #tpu.memory_space<semaphore_mem>>) src(%dma_wait3A_678 : memref<64x100xf32, #tpu.memory_space<hbm>>) dst(%dma_wait3A_676 : memref<64x100xf32, #tpu.memory_space<vmem>>)
    %scan3A_679 = arith.constant 0 : i32
    %scan3A_680 = arith.constant 64 : i32
    %scan3A_681 = arith.addi %scan3A_679, %scan3A_680 : i32
    %scan3A_682 = arith.constant 1 : i32
    %scan3A_683 = scf.for %scan3A_903 = %scan3A_679 to %scan3A_681 step %scan3A_682 iter_args(%scan3A_904 = %scan3A_578) -> (vector<16xf32>)  : i32 {
      %mul3A_905 = arith.constant 4 : i32
      %mul3A_906 = arith.muli %mul3A_905, %scan3A_903 : i32
      %get3A = arith.constant 1 : i32
      %get3A_907 = arith.index_cast %get3A : i32 to index
      %get3A_908 = arith.index_cast %mul3A_906 : i32 to index
      %get3A_909 = arith.constant 0 : index
      %get3A_910 = tpu.vector_load %arg7[%get3A_907, %get3A_908, %get3A_909] {strides = array<i32>} : memref<2x256x128xf32, #tpu.memory_space<vmem>>, vector<1x1x16xf32>,
      %get3A_911 = vector.shape_cast %get3A_910 : vector<1x1x16xf32> to vector<16xf32>
      %add3A_912 = arith.constant 1 : i32
      %add3A_913 = arith.addi %mul3A_906, %add3A_912 : i32
      %get3A_914 = arith.constant 1 : i32
      %get3A_915 = arith.index_cast %get3A_914 : i32 to index
      %get3A_916 = arith.index_cast %add3A_913 : i32 to index
      %get3A_917 = arith.constant 0 : index
      %get3A_918 = tpu.vector_load %arg7[%get3A_915, %get3A_916, %get3A_917] {strides = array<i32>} : memref<2x256x128xf32, #tpu.memory_space<vmem>>, vector<1x1x16xf32>,
      %get3A_919 = vector.shape_cast %get3A_918 : vector<1x1x16xf32> to vector<16xf32>
      %add3A_920 = arith.addf %get3A_911, %get3A_919 : vector<16xf32>
      %add3A_921 = arith.constant 2 : i32
      %add3A_922 = arith.addi %mul3A_906, %add3A_921 : i32
      %get3A_923 = arith.constant 1 : i32
      %get3A_924 = arith.index_cast %get3A_923 : i32 to index
      %get3A_925 = arith.index_cast %add3A_922 : i32 to index
      %get3A_926 = arith.constant 0 : index
      %get3A_927 = tpu.vector_load %arg7[%get3A_924, %get3A_925, %get3A_926] {strides = array<i32>} : memref<2x256x128xf32, #tpu.memory_space<vmem>>, vector<1x1x16xf32>,
      %get3A_928 = vector.shape_cast %get3A_927 : vector<1x1x16xf32> to vector<16xf32>
      %add3A_929 = arith.constant 3 : i32
      %add3A_930 = arith.addi %mul3A_906, %add3A_929 : i32
      %get3A_931 = arith.constant 1 : i32
      %get3A_932 = arith.index_cast %get3A_931 : i32 to index
      %get3A_933 = arith.index_cast %add3A_930 : i32 to index
      %get3A_934 = arith.constant 0 : index
      %get3A_935 = tpu.vector_load %arg7[%get3A_932, %get3A_933, %get3A_934] {strides = array<i32>} : memref<2x256x128xf32, #tpu.memory_space<vmem>>, vector<1x1x16xf32>,
      %get3A_936 = vector.shape_cast %get3A_935 : vector<1x1x16xf32> to vector<16xf32>
      %add3A_937 = arith.addf %get3A_928, %get3A_936 : vector<16xf32>
      %add3A_938 = arith.addf %add3A_920, %add3A_937 : vector<16xf32>
      %get3A_939 = arith.constant 1 : i32
      %get3A_940 = arith.index_cast %get3A_939 : i32 to index
      %get3A_941 = arith.index_cast %scan3A_903 : i32 to index
      %get3A_942 = arith.constant 0 : index
      %get3A_943 = tpu.vector_load %arg8[%get3A_940, %get3A_941, %get3A_942] {strides = array<i32>} : memref<2x64x100xf32, #tpu.memory_space<vmem>>, vector<1x1x16xf32>,
      %get3A_944 = vector.shape_cast %get3A_943 : vector<1x1x16xf32> to vector<16xf32>
      %sub3A = arith.subf %add3A_938, %get3A_944 : vector<16xf32>
      %mul3A_945 = arith.mulf %sub3A, %sub3A : vector<16xf32>
      %add3A_946 = arith.addf %scan3A_904, %mul3A_945 : vector<16xf32>
      %get3A_947 = arith.constant 1 : i32
      %get3A_948 = arith.index_cast %get3A_947 : i32 to index
      %get3A_949 = arith.index_cast %mul3A_906 : i32 to index
      %get3A_950 = arith.constant 16 : index
      %get3A_951 = tpu.vector_load %arg7[%get3A_948, %get3A_949, %get3A_950] {strides = array<i32>} : memref<2x256x128xf32, #tpu.memory_space<vmem>>, vector<1x1x16xf32>,
      %get3A_952 = vector.shape_cast %get3A_951 : vector<1x1x16xf32> to vector<16xf32>
      %add3A_953 = arith.constant 1 : i32
      %add3A_954 = arith.addi %mul3A_906, %add3A_953 : i32
      %get3A_955 = arith.constant 1 : i32
      %get3A_956 = arith.index_cast %get3A_955 : i32 to index
      %get3A_957 = arith.index_cast %add3A_954 : i32 to index
      %get3A_958 = arith.constant 16 : index
      %get3A_959 = tpu.vector_load %arg7[%get3A_956, %get3A_957, %get3A_958] {strides = array<i32>} : memref<2x256x128xf32, #tpu.memory_space<vmem>>, vector<1x1x16xf32>,
      %get3A_960 = vector.shape_cast %get3A_959 : vector<1x1x16xf32> to vector<16xf32>
      %add3A_961 = arith.addf %get3A_952, %get3A_960 : vector<16xf32>
      %add3A_962 = arith.constant 2 : i32
      %add3A_963 = arith.addi %mul3A_906, %add3A_962 : i32
      %get3A_964 = arith.constant 1 : i32
      %get3A_965 = arith.index_cast %get3A_964 : i32 to index
      %get3A_966 = arith.index_cast %add3A_963 : i32 to index
      %get3A_967 = arith.constant 16 : index
      %get3A_968 = tpu.vector_load %arg7[%get3A_965, %get3A_966, %get3A_967] {strides = array<i32>} : memref<2x256x128xf32, #tpu.memory_space<vmem>>, vector<1x1x16xf32>,
      %get3A_969 = vector.shape_cast %get3A_968 : vector<1x1x16xf32> to vector<16xf32>
      %add3A_970 = arith.constant 3 : i32
      %add3A_971 = arith.addi %mul3A_906, %add3A_970 : i32
      %get3A_972 = arith.constant 1 : i32
      %get3A_973 = arith.index_cast %get3A_972 : i32 to index
      %get3A_974 = arith.index_cast %add3A_971 : i32 to index
      %get3A_975 = arith.constant 16 : index
      %get3A_976 = tpu.vector_load %arg7[%get3A_973, %get3A_974, %get3A_975] {strides = array<i32>} : memref<2x256x128xf32, #tpu.memory_space<vmem>>, vector<1x1x16xf32>,
      %get3A_977 = vector.shape_cast %get3A_976 : vector<1x1x16xf32> to vector<16xf32>
      %add3A_978 = arith.addf %get3A_969, %get3A_977 : vector<16xf32>
      %add3A_979 = arith.addf %add3A_961, %add3A_978 : vector<16xf32>
      %get3A_980 = arith.constant 1 : i32
      %get3A_981 = arith.index_cast %get3A_980 : i32 to index
      %get3A_982 = arith.index_cast %scan3A_903 : i32 to index
      %get3A_983 = arith.constant 16 : index
      %get3A_984 = tpu.vector_load %arg8[%get3A_981, %get3A_982, %get3A_983] {strides = array<i32>} : memref<2x64x100xf32, #tpu.memory_space<vmem>>, vector<1x1x16xf32>,
      %get3A_985 = vector.shape_cast %get3A_984 : vector<1x1x16xf32> to vector<16xf32>
      %sub3A_986 = arith.subf %add3A_979, %get3A_985 : vector<16xf32>
      %mul3A_987 = arith.mulf %sub3A_986, %sub3A_986 : vector<16xf32>
      %add3A_988 = arith.addf %add3A_946, %mul3A_987 : vector<16xf32>
      %get3A_989 = arith.constant 1 : i32
      %get3A_990 = arith.index_cast %get3A_989 : i32 to index
      %get3A_991 = arith.index_cast %mul3A_906 : i32 to index
      %get3A_992 = arith.constant 32 : index
      %get3A_993 = tpu.vector_load %arg7[%get3A_990, %get3A_991, %get3A_992] {strides = array<i32>} : memref<2x256x128xf32, #tpu.memory_space<vmem>>, vector<1x1x16xf32>,
      %get3A_994 = vector.shape_cast %get3A_993 : vector<1x1x16xf32> to vector<16xf32>
      %add3A_995 = arith.constant 1 : i32
      %add3A_996 = arith.addi %mul3A_906, %add3A_995 : i32
      %get3A_997 = arith.constant 1 : i32
      %get3A_998 = arith.index_cast %get3A_997 : i32 to index
      %get3A_999 = arith.index_cast %add3A_996 : i32 to index
      %get3A_1000 = arith.constant 32 : index
      %get3A_1001 = tpu.vector_load %arg7[%get3A_998, %get3A_999, %get3A_1000] {strides = array<i32>} : memref<2x256x128xf32, #tpu.memory_space<vmem>>, vector<1x1x16xf32>,
      %get3A_1002 = vector.shape_cast %get3A_1001 : vector<1x1x16xf32> to vector<16xf32>
      %add3A_1003 = arith.addf %get3A_994, %get3A_1002 : vector<16xf32>
      %add3A_1004 = arith.constant 2 : i32
      %add3A_1005 = arith.addi %mul3A_906, %add3A_1004 : i32
      %get3A_1006 = arith.constant 1 : i32
      %get3A_1007 = arith.index_cast %get3A_1006 : i32 to index
      %get3A_1008 = arith.index_cast %add3A_1005 : i32 to index
      %get3A_1009 = arith.constant 32 : index
      %get3A_1010 = tpu.vector_load %arg7[%get3A_1007, %get3A_1008, %get3A_1009] {strides = array<i32>} : memref<2x256x128xf32, #tpu.memory_space<vmem>>, vector<1x1x16xf32>,
      %get3A_1011 = vector.shape_cast %get3A_1010 : vector<1x1x16xf32> to vector<16xf32>
      %add3A_1012 = arith.constant 3 : i32
      %add3A_1013 = arith.addi %mul3A_906, %add3A_1012 : i32
      %get3A_1014 = arith.constant 1 : i32
      %get3A_1015 = arith.index_cast %get3A_1014 : i32 to index
      %get3A_1016 = arith.index_cast %add3A_1013 : i32 to index
      %get3A_1017 = arith.constant 32 : index
      %get3A_1018 = tpu.vector_load %arg7[%get3A_1015, %get3A_1016, %get3A_1017] {strides = array<i32>} : memref<2x256x128xf32, #tpu.memory_space<vmem>>, vector<1x1x16xf32>,
      %get3A_1019 = vector.shape_cast %get3A_1018 : vector<1x1x16xf32> to vector<16xf32>
      %add3A_1020 = arith.addf %get3A_1011, %get3A_1019 : vector<16xf32>
      %add3A_1021 = arith.addf %add3A_1003, %add3A_1020 : vector<16xf32>
      %get3A_1022 = arith.constant 1 : i32
      %get3A_1023 = arith.index_cast %get3A_1022 : i32 to index
      %get3A_1024 = arith.index_cast %scan3A_903 : i32 to index
      %get3A_1025 = arith.constant 32 : index
      %get3A_1026 = tpu.vector_load %arg8[%get3A_1023, %get3A_1024, %get3A_1025] {strides = array<i32>} : memref<2x64x100xf32, #tpu.memory_space<vmem>>, vector<1x1x16xf32>,
      %get3A_1027 = vector.shape_cast %get3A_1026 : vector<1x1x16xf32> to vector<16xf32>
      %sub3A_1028 = arith.subf %add3A_1021, %get3A_1027 : vector<16xf32>
      %mul3A_1029 = arith.mulf %sub3A_1028, %sub3A_1028 : vector<16xf32>
      %add3A_1030 = arith.addf %add3A_988, %mul3A_1029 : vector<16xf32>
      %get3A_1031 = arith.constant 1 : i32
      %get3A_1032 = arith.index_cast %get3A_1031 : i32 to index
      %get3A_1033 = arith.index_cast %mul3A_906 : i32 to index
      %get3A_1034 = arith.constant 48 : index
      %get3A_1035 = tpu.vector_load %arg7[%get3A_1032, %get3A_1033, %get3A_1034] {strides = array<i32>} : memref<2x256x128xf32, #tpu.memory_space<vmem>>, vector<1x1x16xf32>,
      %get3A_1036 = vector.shape_cast %get3A_1035 : vector<1x1x16xf32> to vector<16xf32>
      %add3A_1037 = arith.constant 1 : i32
      %add3A_1038 = arith.addi %mul3A_906, %add3A_1037 : i32
      %get3A_1039 = arith.constant 1 : i32
      %get3A_1040 = arith.index_cast %get3A_1039 : i32 to index
      %get3A_1041 = arith.index_cast %add3A_1038 : i32 to index
      %get3A_1042 = arith.constant 48 : index
      %get3A_1043 = tpu.vector_load %arg7[%get3A_1040, %get3A_1041, %get3A_1042] {strides = array<i32>} : memref<2x256x128xf32, #tpu.memory_space<vmem>>, vector<1x1x16xf32>,
      %get3A_1044 = vector.shape_cast %get3A_1043 : vector<1x1x16xf32> to vector<16xf32>
      %add3A_1045 = arith.addf %get3A_1036, %get3A_1044 : vector<16xf32>
      %add3A_1046 = arith.constant 2 : i32
      %add3A_1047 = arith.addi %mul3A_906, %add3A_1046 : i32
      %get3A_1048 = arith.constant 1 : i32
      %get3A_1049 = arith.index_cast %get3A_1048 : i32 to index
      %get3A_1050 = arith.index_cast %add3A_1047 : i32 to index
      %get3A_1051 = arith.constant 48 : index
      %get3A_1052 = tpu.vector_load %arg7[%get3A_1049, %get3A_1050, %get3A_1051] {strides = array<i32>} : memref<2x256x128xf32, #tpu.memory_space<vmem>>, vector<1x1x16xf32>,
      %get3A_1053 = vector.shape_cast %get3A_1052 : vector<1x1x16xf32> to vector<16xf32>
      %add3A_1054 = arith.constant 3 : i32
      %add3A_1055 = arith.addi %mul3A_906, %add3A_1054 : i32
      %get3A_1056 = arith.constant 1 : i32
      %get3A_1057 = arith.index_cast %get3A_1056 : i32 to index
      %get3A_1058 = arith.index_cast %add3A_1055 : i32 to index
      %get3A_1059 = arith.constant 48 : index
      %get3A_1060 = tpu.vector_load %arg7[%get3A_1057, %get3A_1058, %get3A_1059] {strides = array<i32>} : memref<2x256x128xf32, #tpu.memory_space<vmem>>, vector<1x1x16xf32>,
      %get3A_1061 = vector.shape_cast %get3A_1060 : vector<1x1x16xf32> to vector<16xf32>
      %add3A_1062 = arith.addf %get3A_1053, %get3A_1061 : vector<16xf32>
      %add3A_1063 = arith.addf %add3A_1045, %add3A_1062 : vector<16xf32>
      %get3A_1064 = arith.constant 1 : i32
      %get3A_1065 = arith.index_cast %get3A_1064 : i32 to index
      %get3A_1066 = arith.index_cast %scan3A_903 : i32 to index
      %get3A_1067 = arith.constant 48 : index
      %get3A_1068 = tpu.vector_load %arg8[%get3A_1065, %get3A_1066, %get3A_1067] {strides = array<i32>} : memref<2x64x100xf32, #tpu.memory_space<vmem>>, vector<1x1x16xf32>,
      %get3A_1069 = vector.shape_cast %get3A_1068 : vector<1x1x16xf32> to vector<16xf32>
      %sub3A_1070 = arith.subf %add3A_1063, %get3A_1069 : vector<16xf32>
      %mul3A_1071 = arith.mulf %sub3A_1070, %sub3A_1070 : vector<16xf32>
      %add3A_1072 = arith.addf %add3A_1030, %mul3A_1071 : vector<16xf32>
      %get3A_1073 = arith.constant 1 : i32
      %get3A_1074 = arith.index_cast %get3A_1073 : i32 to index
      %get3A_1075 = arith.index_cast %mul3A_906 : i32 to index
      %get3A_1076 = arith.constant 64 : index
      %get3A_1077 = tpu.vector_load %arg7[%get3A_1074, %get3A_1075, %get3A_1076] {strides = array<i32>} : memref<2x256x128xf32, #tpu.memory_space<vmem>>, vector<1x1x16xf32>,
      %get3A_1078 = vector.shape_cast %get3A_1077 : vector<1x1x16xf32> to vector<16xf32>
      %add3A_1079 = arith.constant 1 : i32
      %add3A_1080 = arith.addi %mul3A_906, %add3A_1079 : i32
      %get3A_1081 = arith.constant 1 : i32
      %get3A_1082 = arith.index_cast %get3A_1081 : i32 to index
      %get3A_1083 = arith.index_cast %add3A_1080 : i32 to index
      %get3A_1084 = arith.constant 64 : index
      %get3A_1085 = tpu.vector_load %arg7[%get3A_1082, %get3A_1083, %get3A_1084] {strides = array<i32>} : memref<2x256x128xf32, #tpu.memory_space<vmem>>, vector<1x1x16xf32>,
      %get3A_1086 = vector.shape_cast %get3A_1085 : vector<1x1x16xf32> to vector<16xf32>
      %add3A_1087 = arith.addf %get3A_1078, %get3A_1086 : vector<16xf32>
      %add3A_1088 = arith.constant 2 : i32
      %add3A_1089 = arith.addi %mul3A_906, %add3A_1088 : i32
      %get3A_1090 = arith.constant 1 : i32
      %get3A_1091 = arith.index_cast %get3A_1090 : i32 to index
      %get3A_1092 = arith.index_cast %add3A_1089 : i32 to index
      %get3A_1093 = arith.constant 64 : index
      %get3A_1094 = tpu.vector_load %arg7[%get3A_1091, %get3A_1092, %get3A_1093] {strides = array<i32>} : memref<2x256x128xf32, #tpu.memory_space<vmem>>, vector<1x1x16xf32>,
      %get3A_1095 = vector.shape_cast %get3A_1094 : vector<1x1x16xf32> to vector<16xf32>
      %add3A_1096 = arith.constant 3 : i32
      %add3A_1097 = arith.addi %mul3A_906, %add3A_1096 : i32
      %get3A_1098 = arith.constant 1 : i32
      %get3A_1099 = arith.index_cast %get3A_1098 : i32 to index
      %get3A_1100 = arith.index_cast %add3A_1097 : i32 to index
      %get3A_1101 = arith.constant 64 : index
      %get3A_1102 = tpu.vector_load %arg7[%get3A_1099, %get3A_1100, %get3A_1101] {strides = array<i32>} : memref<2x256x128xf32, #tpu.memory_space<vmem>>, vector<1x1x16xf32>,
      %get3A_1103 = vector.shape_cast %get3A_1102 : vector<1x1x16xf32> to vector<16xf32>
      %add3A_1104 = arith.addf %get3A_1095, %get3A_1103 : vector<16xf32>
      %add3A_1105 = arith.addf %add3A_1087, %add3A_1104 : vector<16xf32>
      %get3A_1106 = arith.constant 1 : i32
      %get3A_1107 = arith.index_cast %get3A_1106 : i32 to index
      %get3A_1108 = arith.index_cast %scan3A_903 : i32 to index
      %get3A_1109 = arith.constant 64 : index
      %get3A_1110 = tpu.vector_load %arg8[%get3A_1107, %get3A_1108, %get3A_1109] {strides = array<i32>} : memref<2x64x100xf32, #tpu.memory_space<vmem>>, vector<1x1x16xf32>,
      %get3A_1111 = vector.shape_cast %get3A_1110 : vector<1x1x16xf32> to vector<16xf32>
      %sub3A_1112 = arith.subf %add3A_1105, %get3A_1111 : vector<16xf32>
      %mul3A_1113 = arith.mulf %sub3A_1112, %sub3A_1112 : vector<16xf32>
      %add3A_1114 = arith.addf %add3A_1072, %mul3A_1113 : vector<16xf32>
      %get3A_1115 = arith.constant 1 : i32
      %get3A_1116 = arith.index_cast %get3A_1115 : i32 to index
      %get3A_1117 = arith.index_cast %mul3A_906 : i32 to index
      %get3A_1118 = arith.constant 80 : index
      %get3A_1119 = tpu.vector_load %arg7[%get3A_1116, %get3A_1117, %get3A_1118] {strides = array<i32>} : memref<2x256x128xf32, #tpu.memory_space<vmem>>, vector<1x1x16xf32>,
      %get3A_1120 = vector.shape_cast %get3A_1119 : vector<1x1x16xf32> to vector<16xf32>
      %add3A_1121 = arith.constant 1 : i32
      %add3A_1122 = arith.addi %mul3A_906, %add3A_1121 : i32
      %get3A_1123 = arith.constant 1 : i32
      %get3A_1124 = arith.index_cast %get3A_1123 : i32 to index
      %get3A_1125 = arith.index_cast %add3A_1122 : i32 to index
      %get3A_1126 = arith.constant 80 : index
      %get3A_1127 = tpu.vector_load %arg7[%get3A_1124, %get3A_1125, %get3A_1126] {strides = array<i32>} : memref<2x256x128xf32, #tpu.memory_space<vmem>>, vector<1x1x16xf32>,
      %get3A_1128 = vector.shape_cast %get3A_1127 : vector<1x1x16xf32> to vector<16xf32>
      %add3A_1129 = arith.addf %get3A_1120, %get3A_1128 : vector<16xf32>
      %add3A_1130 = arith.constant 2 : i32
      %add3A_1131 = arith.addi %mul3A_906, %add3A_1130 : i32
      %get3A_1132 = arith.constant 1 : i32
      %get3A_1133 = arith.index_cast %get3A_1132 : i32 to index
      %get3A_1134 = arith.index_cast %add3A_1131 : i32 to index
      %get3A_1135 = arith.constant 80 : index
      %get3A_1136 = tpu.vector_load %arg7[%get3A_1133, %get3A_1134, %get3A_1135] {strides = array<i32>} : memref<2x256x128xf32, #tpu.memory_space<vmem>>, vector<1x1x16xf32>,
      %get3A_1137 = vector.shape_cast %get3A_1136 : vector<1x1x16xf32> to vector<16xf32>
      %add3A_1138 = arith.constant 3 : i32
      %add3A_1139 = arith.addi %mul3A_906, %add3A_1138 : i32
      %get3A_1140 = arith.constant 1 : i32
      %get3A_1141 = arith.index_cast %get3A_1140 : i32 to index
      %get3A_1142 = arith.index_cast %add3A_1139 : i32 to index
      %get3A_1143 = arith.constant 80 : index
      %get3A_1144 = tpu.vector_load %arg7[%get3A_1141, %get3A_1142, %get3A_1143] {strides = array<i32>} : memref<2x256x128xf32, #tpu.memory_space<vmem>>, vector<1x1x16xf32>,
      %get3A_1145 = vector.shape_cast %get3A_1144 : vector<1x1x16xf32> to vector<16xf32>
      %add3A_1146 = arith.addf %get3A_1137, %get3A_1145 : vector<16xf32>
      %add3A_1147 = arith.addf %add3A_1129, %add3A_1146 : vector<16xf32>
      %get3A_1148 = arith.constant 1 : i32
      %get3A_1149 = arith.index_cast %get3A_1148 : i32 to index
      %get3A_1150 = arith.index_cast %scan3A_903 : i32 to index
      %get3A_1151 = arith.constant 80 : index
      %get3A_1152 = tpu.vector_load %arg8[%get3A_1149, %get3A_1150, %get3A_1151] {strides = array<i32>} : memref<2x64x100xf32, #tpu.memory_space<vmem>>, vector<1x1x16xf32>,
      %get3A_1153 = vector.shape_cast %get3A_1152 : vector<1x1x16xf32> to vector<16xf32>
      %sub3A_1154 = arith.subf %add3A_1147, %get3A_1153 : vector<16xf32>
      %mul3A_1155 = arith.mulf %sub3A_1154, %sub3A_1154 : vector<16xf32>
      %add3A_1156 = arith.addf %add3A_1114, %mul3A_1155 : vector<16xf32>
      %get3A_1157 = arith.constant 1 : i32
      %get3A_1158 = arith.index_cast %get3A_1157 : i32 to index
      %get3A_1159 = arith.index_cast %mul3A_906 : i32 to index
      %get3A_1160 = arith.constant 84 : index
      %get3A_1161 = tpu.vector_load %arg7[%get3A_1158, %get3A_1159, %get3A_1160] {strides = array<i32>} : memref<2x256x128xf32, #tpu.memory_space<vmem>>, vector<1x1x16xf32>,
      %get3A_1162 = vector.shape_cast %get3A_1161 : vector<1x1x16xf32> to vector<16xf32>
      %add3A_1163 = arith.constant 1 : i32
      %add3A_1164 = arith.addi %mul3A_906, %add3A_1163 : i32
      %get3A_1165 = arith.constant 1 : i32
      %get3A_1166 = arith.index_cast %get3A_1165 : i32 to index
      %get3A_1167 = arith.index_cast %add3A_1164 : i32 to index
      %get3A_1168 = arith.constant 84 : index
      %get3A_1169 = tpu.vector_load %arg7[%get3A_1166, %get3A_1167, %get3A_1168] {strides = array<i32>} : memref<2x256x128xf32, #tpu.memory_space<vmem>>, vector<1x1x16xf32>,
      %get3A_1170 = vector.shape_cast %get3A_1169 : vector<1x1x16xf32> to vector<16xf32>
      %add3A_1171 = arith.addf %get3A_1162, %get3A_1170 : vector<16xf32>
      %add3A_1172 = arith.constant 2 : i32
      %add3A_1173 = arith.addi %mul3A_906, %add3A_1172 : i32
      %get3A_1174 = arith.constant 1 : i32
      %get3A_1175 = arith.index_cast %get3A_1174 : i32 to index
      %get3A_1176 = arith.index_cast %add3A_1173 : i32 to index
      %get3A_1177 = arith.constant 84 : index
      %get3A_1178 = tpu.vector_load %arg7[%get3A_1175, %get3A_1176, %get3A_1177] {strides = array<i32>} : memref<2x256x128xf32, #tpu.memory_space<vmem>>, vector<1x1x16xf32>,
      %get3A_1179 = vector.shape_cast %get3A_1178 : vector<1x1x16xf32> to vector<16xf32>
      %add3A_1180 = arith.constant 3 : i32
      %add3A_1181 = arith.addi %mul3A_906, %add3A_1180 : i32
      %get3A_1182 = arith.constant 1 : i32
      %get3A_1183 = arith.index_cast %get3A_1182 : i32 to index
      %get3A_1184 = arith.index_cast %add3A_1181 : i32 to index
      %get3A_1185 = arith.constant 84 : index
      %get3A_1186 = tpu.vector_load %arg7[%get3A_1183, %get3A_1184, %get3A_1185] {strides = array<i32>} : memref<2x256x128xf32, #tpu.memory_space<vmem>>, vector<1x1x16xf32>,
      %get3A_1187 = vector.shape_cast %get3A_1186 : vector<1x1x16xf32> to vector<16xf32>
      %add3A_1188 = arith.addf %get3A_1179, %get3A_1187 : vector<16xf32>
      %add3A_1189 = arith.addf %add3A_1171, %add3A_1188 : vector<16xf32>
      %get3A_1190 = arith.constant 1 : i32
      %get3A_1191 = arith.index_cast %get3A_1190 : i32 to index
      %get3A_1192 = arith.index_cast %scan3A_903 : i32 to index
      %get3A_1193 = arith.constant 84 : index
      %get3A_1194 = tpu.vector_load %arg8[%get3A_1191, %get3A_1192, %get3A_1193] {strides = array<i32>} : memref<2x64x100xf32, #tpu.memory_space<vmem>>, vector<1x1x16xf32>,
      %get3A_1195 = vector.shape_cast %get3A_1194 : vector<1x1x16xf32> to vector<16xf32>
      %sub3A_1196 = arith.subf %add3A_1189, %get3A_1195 : vector<16xf32>
      %select_n3A_1197 = arith.select %ge3A_2, %sub3A_1196, %broadcast_in_dim3A_3 : vector<16xi1>, vector<16xf32>
      %mul3A_1198 = arith.mulf %select_n3A_1197, %select_n3A_1197 : vector<16xf32>
      %add3A_1199 = arith.addf %add3A_1156, %mul3A_1198 : vector<16xf32>
      scf.yield %add3A_1199 : vector<16xf32>
    }
    %scan3A_684 = arith.constant 64 : i32
    %mul3A_685 = arith.constant 512 : i32
    %mul3A_686 = arith.muli %add3A, %mul3A_685 : i32
    %add3A_687 = arith.constant 448 : i32
    %add3A_688 = arith.addi %mul3A_686, %add3A_687 : i32
    %mul3A_689 = arith.constant 4 : i32
    %mul3A_690 = arith.muli %mul3A_689, %add3A_688 : i32
    %run_scoped3A_691 = arith.constant 1 : i32
    "tpu.region"() ({
      %run_scoped3A_903 = tpu.sem_alloc : memref<!tpu.dma_semaphore, #tpu.memory_space<semaphore_mem>>
      %dma_start3A_904 = arith.constant 0 : i32
      %dma_start3A_905 = tpu.memref_slice %arg6[%run_scoped3A_691, %dma_start3A_904] : memref<2x256xi32, #tpu.memory_space<vmem>> -> memref<1x256xi32, #tpu.memory_space<vmem>>
      %dma_start3A_906 = tpu.memref_squeeze %dma_start3A_905 : memref<1x256xi32, #tpu.memory_space<vmem>> -> memref<256xi32, #tpu.memory_space<vmem>>
      %dma_start3A_907 = tpu.memref_slice %arg2[%mul3A_690] : memref<65536xi32, #tpu.memory_space<hbm>> -> memref<256xi32, #tpu.memory_space<hbm>>
      %dma_start3A_908 = arith.constant 0 : i32
      %dma_start3A_909 = tpu.memref_slice %arg6[%run_scoped3A_691, %dma_start3A_908] : memref<2x256xi32, #tpu.memory_space<vmem>> -> memref<1x256xi32, #tpu.memory_space<vmem>>
      %dma_start3A_910 = tpu.memref_squeeze %dma_start3A_909 : memref<1x256xi32, #tpu.memory_space<vmem>> -> memref<256xi32, #tpu.memory_space<vmem>>
      %dma_start3A_911 = tpu.memref_slice %arg2[%mul3A_690] : memref<65536xi32, #tpu.memory_space<hbm>> -> memref<256xi32, #tpu.memory_space<hbm>>
      tpu.enqueue_dma source(%dma_start3A_911 : memref<256xi32, #tpu.memory_space<hbm>>) target(%dma_start3A_910 : memref<256xi32, #tpu.memory_space<vmem>>) target_semaphore(%run_scoped3A_903 : memref<!tpu.dma_semaphore, #tpu.memory_space<semaphore_mem>>)
      %dma_wait3A_912 = arith.constant 0 : i32
      %dma_wait3A_913 = tpu.memref_slice %arg6[%run_scoped3A_691, %dma_wait3A_912] : memref<2x256xi32, #tpu.memory_space<vmem>> -> memref<1x256xi32, #tpu.memory_space<vmem>>
      %dma_wait3A_914 = tpu.memref_squeeze %dma_wait3A_913 : memref<1x256xi32, #tpu.memory_space<vmem>> -> memref<256xi32, #tpu.memory_space<vmem>>
      %dma_wait3A_915 = tpu.memref_slice %arg2[%mul3A_690] : memref<65536xi32, #tpu.memory_space<hbm>> -> memref<256xi32, #tpu.memory_space<hbm>>
      %dma_wait3A_916 = arith.constant 0 : i32
      %dma_wait3A_917 = tpu.memref_slice %arg6[%run_scoped3A_691, %dma_wait3A_916] : memref<2x256xi32, #tpu.memory_space<vmem>> -> memref<1x256xi32, #tpu.memory_space<vmem>>
      %dma_wait3A_918 = tpu.memref_squeeze %dma_wait3A_917 : memref<1x256xi32, #tpu.memory_space<vmem>> -> memref<256xi32, #tpu.memory_space<vmem>>
      %dma_wait3A_919 = tpu.memref_slice %arg2[%mul3A_690] : memref<65536xi32, #tpu.memory_space<hbm>> -> memref<256xi32, #tpu.memory_space<hbm>>
      tpu.wait_dma2 semaphore(%run_scoped3A_903 : memref<!tpu.dma_semaphore, #tpu.memory_space<semaphore_mem>>) src(%dma_wait3A_919 : memref<256xi32, #tpu.memory_space<hbm>>) dst(%dma_wait3A_918 : memref<256xi32, #tpu.memory_space<vmem>>)
      tpu.yield
    }) : () -> ()
    %dma_start3A_692 = arith.constant 1 : i32
    %dma_start3A_693 = arith.constant 1 : i32
    %dma_start3A_694 = arith.constant 1 : i32
    %dma_start3A_695 = arith.constant 0 : i32
    %dma_start3A_696 = arith.constant 0 : i32
    %dma_start3A_697 = tpu.memref_slice %arg7[%dma_start3A_693, %dma_start3A_695, %dma_start3A_696] : memref<2x256x128xf32, #tpu.memory_space<vmem>> -> memref<1x128x128xf32, #tpu.memory_space<vmem>>
    %dma_start3A_698 = tpu.memref_squeeze %dma_start3A_697 : memref<1x128x128xf32, #tpu.memory_space<vmem>> -> memref<128x128xf32, #tpu.memory_space<vmem>>
    %dma_start3A_699 = arith.constant 0 : i32
    %dma_start3A_700 = tpu.memref_slice %arg6[%dma_start3A_692, %dma_start3A_699] : memref<2x256xi32, #tpu.memory_space<vmem>> -> memref<1x128xi32, #tpu.memory_space<vmem>>
    %dma_start3A_701 = tpu.memref_squeeze %dma_start3A_700 : memref<1x128xi32, #tpu.memory_space<vmem>> -> memref<128xi32, #tpu.memory_space<vmem>>
    %dma_start3A_702 = arith.constant 0 : i32
    %dma_start3A_703 = arith.constant 0 : i32
    %dma_start3A_704 = tpu.memref_slice %arg4[%dma_start3A_702, %dma_start3A_703] : memref<40000x128xf32, #tpu.memory_space<hbm>> -> memref<40000x128xf32, #tpu.memory_space<hbm>>
    %dma_start3A_705 = tpu.memref_slice %arg10[%dma_start3A_694] : memref<2x!tpu.dma_semaphore, #tpu.memory_space<semaphore_mem>> -> memref<1x!tpu.dma_semaphore, #tpu.memory_space<semaphore_mem>>
    %dma_start3A_706 = tpu.memref_squeeze %dma_start3A_705 : memref<1x!tpu.dma_semaphore, #tpu.memory_space<semaphore_mem>> -> memref<!tpu.dma_semaphore, #tpu.memory_space<semaphore_mem>>
    tpu.enqueue_indirect_dma source(%dma_start3A_704 : memref<40000x128xf32, #tpu.memory_space<hbm>>) target(%dma_start3A_698 : memref<128x128xf32, #tpu.memory_space<vmem>>) offsets(%dma_start3A_701 : memref<128xi32, #tpu.memory_space<vmem>>) semaphore(%dma_start3A_706 : memref<!tpu.dma_semaphore, #tpu.memory_space<semaphore_mem>>)
    %dma_start3A_707 = arith.constant 1 : i32
    %dma_start3A_708 = arith.constant 1 : i32
    %dma_start3A_709 = arith.constant 1 : i32
    %dma_start3A_710 = arith.constant 128 : i32
    %dma_start3A_711 = arith.constant 0 : i32
    %dma_start3A_712 = tpu.memref_slice %arg7[%dma_start3A_708, %dma_start3A_710, %dma_start3A_711] : memref<2x256x128xf32, #tpu.memory_space<vmem>> -> memref<1x128x128xf32, #tpu.memory_space<vmem>>
    %dma_start3A_713 = tpu.memref_squeeze %dma_start3A_712 : memref<1x128x128xf32, #tpu.memory_space<vmem>> -> memref<128x128xf32, #tpu.memory_space<vmem>>
    %dma_start3A_714 = arith.constant 128 : i32
    %dma_start3A_715 = tpu.memref_slice %arg6[%dma_start3A_707, %dma_start3A_714] : memref<2x256xi32, #tpu.memory_space<vmem>> -> memref<1x128xi32, #tpu.memory_space<vmem>>
    %dma_start3A_716 = tpu.memref_squeeze %dma_start3A_715 : memref<1x128xi32, #tpu.memory_space<vmem>> -> memref<128xi32, #tpu.memory_space<vmem>>
    %dma_start3A_717 = arith.constant 0 : i32
    %dma_start3A_718 = arith.constant 0 : i32
    %dma_start3A_719 = tpu.memref_slice %arg4[%dma_start3A_717, %dma_start3A_718] : memref<40000x128xf32, #tpu.memory_space<hbm>> -> memref<40000x128xf32, #tpu.memory_space<hbm>>
    %dma_start3A_720 = tpu.memref_slice %arg10[%dma_start3A_709] : memref<2x!tpu.dma_semaphore, #tpu.memory_space<semaphore_mem>> -> memref<1x!tpu.dma_semaphore, #tpu.memory_space<semaphore_mem>>
    %dma_start3A_721 = tpu.memref_squeeze %dma_start3A_720 : memref<1x!tpu.dma_semaphore, #tpu.memory_space<semaphore_mem>> -> memref<!tpu.dma_semaphore, #tpu.memory_space<semaphore_mem>>
    tpu.enqueue_indirect_dma source(%dma_start3A_719 : memref<40000x128xf32, #tpu.memory_space<hbm>>) target(%dma_start3A_713 : memref<128x128xf32, #tpu.memory_space<vmem>>) offsets(%dma_start3A_716 : memref<128xi32, #tpu.memory_space<vmem>>) semaphore(%dma_start3A_721 : memref<!tpu.dma_semaphore, #tpu.memory_space<semaphore_mem>>)
    %dma_start3A_722 = arith.constant 1 : i32
    %dma_start3A_723 = arith.constant 1 : i32
    %dma_start3A_724 = arith.constant 0 : i32
    %dma_start3A_725 = arith.constant 0 : i32
    %dma_start3A_726 = tpu.memref_slice %arg8[%dma_start3A_722, %dma_start3A_724, %dma_start3A_725] : memref<2x64x100xf32, #tpu.memory_space<vmem>> -> memref<1x64x100xf32, #tpu.memory_space<vmem>>
    %dma_start3A_727 = tpu.memref_squeeze %dma_start3A_726 : memref<1x64x100xf32, #tpu.memory_space<vmem>> -> memref<64x100xf32, #tpu.memory_space<vmem>>
    %dma_start3A_728 = arith.constant 0 : i32
    %dma_start3A_729 = tpu.memref_slice %arg3[%add3A_688, %dma_start3A_728] : memref<16384x100xf32, #tpu.memory_space<hbm>> -> memref<64x100xf32, #tpu.memory_space<hbm>>
    %dma_start3A_730 = tpu.memref_slice %arg10[%dma_start3A_723] : memref<2x!tpu.dma_semaphore, #tpu.memory_space<semaphore_mem>> -> memref<1x!tpu.dma_semaphore, #tpu.memory_space<semaphore_mem>>
    %dma_start3A_731 = tpu.memref_squeeze %dma_start3A_730 : memref<1x!tpu.dma_semaphore, #tpu.memory_space<semaphore_mem>> -> memref<!tpu.dma_semaphore, #tpu.memory_space<semaphore_mem>>
    %dma_start3A_732 = arith.constant 0 : i32
    %dma_start3A_733 = arith.constant 0 : i32
    %dma_start3A_734 = tpu.memref_slice %arg8[%dma_start3A_722, %dma_start3A_732, %dma_start3A_733] : memref<2x64x100xf32, #tpu.memory_space<vmem>> -> memref<1x64x100xf32, #tpu.memory_space<vmem>>
    %dma_start3A_735 = tpu.memref_squeeze %dma_start3A_734 : memref<1x64x100xf32, #tpu.memory_space<vmem>> -> memref<64x100xf32, #tpu.memory_space<vmem>>
    %dma_start3A_736 = arith.constant 0 : i32
    %dma_start3A_737 = tpu.memref_slice %arg3[%add3A_688, %dma_start3A_736] : memref<16384x100xf32, #tpu.memory_space<hbm>> -> memref<64x100xf32, #tpu.memory_space<hbm>>
    tpu.enqueue_dma source(%dma_start3A_737 : memref<64x100xf32, #tpu.memory_space<hbm>>) target(%dma_start3A_735 : memref<64x100xf32, #tpu.memory_space<vmem>>) target_semaphore(%dma_start3A_731 : memref<!tpu.dma_semaphore, #tpu.memory_space<semaphore_mem>>)
    %dma_wait3A_738 = arith.constant 0 : i32
    %dma_wait3A_739 = arith.constant 0 : i32
    %dma_wait3A_740 = arith.constant 0 : i32
    %dma_wait3A_741 = arith.constant 0 : i32
    %dma_wait3A_742 = arith.constant 0 : i32
    %dma_wait3A_743 = tpu.memref_slice %arg7[%dma_wait3A_739, %dma_wait3A_741, %dma_wait3A_742] : memref<2x256x128xf32, #tpu.memory_space<vmem>> -> memref<1x128x128xf32, #tpu.memory_space<vmem>>
    %dma_wait3A_744 = tpu.memref_squeeze %dma_wait3A_743 : memref<1x128x128xf32, #tpu.memory_space<vmem>> -> memref<128x128xf32, #tpu.memory_space<vmem>>
    %dma_wait3A_745 = arith.constant 0 : i32
    %dma_wait3A_746 = tpu.memref_slice %arg6[%dma_wait3A_738, %dma_wait3A_745] : memref<2x256xi32, #tpu.memory_space<vmem>> -> memref<1x128xi32, #tpu.memory_space<vmem>>
    %dma_wait3A_747 = tpu.memref_squeeze %dma_wait3A_746 : memref<1x128xi32, #tpu.memory_space<vmem>> -> memref<128xi32, #tpu.memory_space<vmem>>
    %dma_wait3A_748 = arith.constant 0 : i32
    %dma_wait3A_749 = arith.constant 0 : i32
    %dma_wait3A_750 = tpu.memref_slice %arg4[%dma_wait3A_748, %dma_wait3A_749] : memref<40000x128xf32, #tpu.memory_space<hbm>> -> memref<40000x128xf32, #tpu.memory_space<hbm>>
    %dma_wait3A_751 = tpu.memref_slice %arg10[%dma_wait3A_740] : memref<2x!tpu.dma_semaphore, #tpu.memory_space<semaphore_mem>> -> memref<1x!tpu.dma_semaphore, #tpu.memory_space<semaphore_mem>>
    %dma_wait3A_752 = tpu.memref_squeeze %dma_wait3A_751 : memref<1x!tpu.dma_semaphore, #tpu.memory_space<semaphore_mem>> -> memref<!tpu.dma_semaphore, #tpu.memory_space<semaphore_mem>>
    tpu.wait_indirect_dma semaphore(%dma_wait3A_752 : memref<!tpu.dma_semaphore, #tpu.memory_space<semaphore_mem>>) src(%dma_wait3A_750 : memref<40000x128xf32, #tpu.memory_space<hbm>>) dst(%dma_wait3A_744 : memref<128x128xf32, #tpu.memory_space<vmem>>)
    %dma_wait3A_753 = arith.constant 0 : i32
    %dma_wait3A_754 = arith.constant 0 : i32
    %dma_wait3A_755 = arith.constant 0 : i32
    %dma_wait3A_756 = arith.constant 128 : i32
    %dma_wait3A_757 = arith.constant 0 : i32
    %dma_wait3A_758 = tpu.memref_slice %arg7[%dma_wait3A_754, %dma_wait3A_756, %dma_wait3A_757] : memref<2x256x128xf32, #tpu.memory_space<vmem>> -> memref<1x128x128xf32, #tpu.memory_space<vmem>>
    %dma_wait3A_759 = tpu.memref_squeeze %dma_wait3A_758 : memref<1x128x128xf32, #tpu.memory_space<vmem>> -> memref<128x128xf32, #tpu.memory_space<vmem>>
    %dma_wait3A_760 = arith.constant 128 : i32
    %dma_wait3A_761 = tpu.memref_slice %arg6[%dma_wait3A_753, %dma_wait3A_760] : memref<2x256xi32, #tpu.memory_space<vmem>> -> memref<1x128xi32, #tpu.memory_space<vmem>>
    %dma_wait3A_762 = tpu.memref_squeeze %dma_wait3A_761 : memref<1x128xi32, #tpu.memory_space<vmem>> -> memref<128xi32, #tpu.memory_space<vmem>>
    %dma_wait3A_763 = arith.constant 0 : i32
    %dma_wait3A_764 = arith.constant 0 : i32
    %dma_wait3A_765 = tpu.memref_slice %arg4[%dma_wait3A_763, %dma_wait3A_764] : memref<40000x128xf32, #tpu.memory_space<hbm>> -> memref<40000x128xf32, #tpu.memory_space<hbm>>
    %dma_wait3A_766 = tpu.memref_slice %arg10[%dma_wait3A_755] : memref<2x!tpu.dma_semaphore, #tpu.memory_space<semaphore_mem>> -> memref<1x!tpu.dma_semaphore, #tpu.memory_space<semaphore_mem>>
    %dma_wait3A_767 = tpu.memref_squeeze %dma_wait3A_766 : memref<1x!tpu.dma_semaphore, #tpu.memory_space<semaphore_mem>> -> memref<!tpu.dma_semaphore, #tpu.memory_space<semaphore_mem>>
    tpu.wait_indirect_dma semaphore(%dma_wait3A_767 : memref<!tpu.dma_semaphore, #tpu.memory_space<semaphore_mem>>) src(%dma_wait3A_765 : memref<40000x128xf32, #tpu.memory_space<hbm>>) dst(%dma_wait3A_759 : memref<128x128xf32, #tpu.memory_space<vmem>>)
    %dma_wait3A_768 = arith.constant 0 : i32
    %dma_wait3A_769 = arith.constant 0 : i32
    %dma_wait3A_770 = arith.constant 0 : i32
    %dma_wait3A_771 = arith.constant 0 : i32
    %dma_wait3A_772 = tpu.memref_slice %arg8[%dma_wait3A_768, %dma_wait3A_770, %dma_wait3A_771] : memref<2x64x100xf32, #tpu.memory_space<vmem>> -> memref<1x64x100xf32, #tpu.memory_space<vmem>>
    %dma_wait3A_773 = tpu.memref_squeeze %dma_wait3A_772 : memref<1x64x100xf32, #tpu.memory_space<vmem>> -> memref<64x100xf32, #tpu.memory_space<vmem>>
    %dma_wait3A_774 = arith.constant 0 : i32
    %dma_wait3A_775 = tpu.memref_slice %arg3[%add3A_583, %dma_wait3A_774] : memref<16384x100xf32, #tpu.memory_space<hbm>> -> memref<64x100xf32, #tpu.memory_space<hbm>>
    %dma_wait3A_776 = tpu.memref_slice %arg10[%dma_wait3A_769] : memref<2x!tpu.dma_semaphore, #tpu.memory_space<semaphore_mem>> -> memref<1x!tpu.dma_semaphore, #tpu.memory_space<semaphore_mem>>
    %dma_wait3A_777 = tpu.memref_squeeze %dma_wait3A_776 : memref<1x!tpu.dma_semaphore, #tpu.memory_space<semaphore_mem>> -> memref<!tpu.dma_semaphore, #tpu.memory_space<semaphore_mem>>
    %dma_wait3A_778 = arith.constant 0 : i32
    %dma_wait3A_779 = arith.constant 0 : i32
    %dma_wait3A_780 = tpu.memref_slice %arg8[%dma_wait3A_768, %dma_wait3A_778, %dma_wait3A_779] : memref<2x64x100xf32, #tpu.memory_space<vmem>> -> memref<1x64x100xf32, #tpu.memory_space<vmem>>
    %dma_wait3A_781 = tpu.memref_squeeze %dma_wait3A_780 : memref<1x64x100xf32, #tpu.memory_space<vmem>> -> memref<64x100xf32, #tpu.memory_space<vmem>>
    %dma_wait3A_782 = arith.constant 0 : i32
    %dma_wait3A_783 = tpu.memref_slice %arg3[%add3A_583, %dma_wait3A_782] : memref<16384x100xf32, #tpu.memory_space<hbm>> -> memref<64x100xf32, #tpu.memory_space<hbm>>
    tpu.wait_dma2 semaphore(%dma_wait3A_777 : memref<!tpu.dma_semaphore, #tpu.memory_space<semaphore_mem>>) src(%dma_wait3A_783 : memref<64x100xf32, #tpu.memory_space<hbm>>) dst(%dma_wait3A_781 : memref<64x100xf32, #tpu.memory_space<vmem>>)
    %scan3A_784 = arith.constant 0 : i32
    %scan3A_785 = arith.constant 64 : i32
    %scan3A_786 = arith.addi %scan3A_784, %scan3A_785 : i32
    %scan3A_787 = arith.constant 1 : i32
    %scan3A_788 = scf.for %scan3A_903 = %scan3A_784 to %scan3A_786 step %scan3A_787 iter_args(%scan3A_904 = %scan3A_683) -> (vector<16xf32>)  : i32 {
      %mul3A_905 = arith.constant 4 : i32
      %mul3A_906 = arith.muli %mul3A_905, %scan3A_903 : i32
      %get3A = arith.constant 0 : i32
      %get3A_907 = arith.index_cast %get3A : i32 to index
      %get3A_908 = arith.index_cast %mul3A_906 : i32 to index
      %get3A_909 = arith.constant 0 : index
      %get3A_910 = tpu.vector_load %arg7[%get3A_907, %get3A_908, %get3A_909] {strides = array<i32>} : memref<2x256x128xf32, #tpu.memory_space<vmem>>, vector<1x1x16xf32>,
      %get3A_911 = vector.shape_cast %get3A_910 : vector<1x1x16xf32> to vector<16xf32>
      %add3A_912 = arith.constant 1 : i32
      %add3A_913 = arith.addi %mul3A_906, %add3A_912 : i32
      %get3A_914 = arith.constant 0 : i32
      %get3A_915 = arith.index_cast %get3A_914 : i32 to index
      %get3A_916 = arith.index_cast %add3A_913 : i32 to index
      %get3A_917 = arith.constant 0 : index
      %get3A_918 = tpu.vector_load %arg7[%get3A_915, %get3A_916, %get3A_917] {strides = array<i32>} : memref<2x256x128xf32, #tpu.memory_space<vmem>>, vector<1x1x16xf32>,
      %get3A_919 = vector.shape_cast %get3A_918 : vector<1x1x16xf32> to vector<16xf32>
      %add3A_920 = arith.addf %get3A_911, %get3A_919 : vector<16xf32>
      %add3A_921 = arith.constant 2 : i32
      %add3A_922 = arith.addi %mul3A_906, %add3A_921 : i32
      %get3A_923 = arith.constant 0 : i32
      %get3A_924 = arith.index_cast %get3A_923 : i32 to index
      %get3A_925 = arith.index_cast %add3A_922 : i32 to index
      %get3A_926 = arith.constant 0 : index
      %get3A_927 = tpu.vector_load %arg7[%get3A_924, %get3A_925, %get3A_926] {strides = array<i32>} : memref<2x256x128xf32, #tpu.memory_space<vmem>>, vector<1x1x16xf32>,
      %get3A_928 = vector.shape_cast %get3A_927 : vector<1x1x16xf32> to vector<16xf32>
      %add3A_929 = arith.constant 3 : i32
      %add3A_930 = arith.addi %mul3A_906, %add3A_929 : i32
      %get3A_931 = arith.constant 0 : i32
      %get3A_932 = arith.index_cast %get3A_931 : i32 to index
      %get3A_933 = arith.index_cast %add3A_930 : i32 to index
      %get3A_934 = arith.constant 0 : index
      %get3A_935 = tpu.vector_load %arg7[%get3A_932, %get3A_933, %get3A_934] {strides = array<i32>} : memref<2x256x128xf32, #tpu.memory_space<vmem>>, vector<1x1x16xf32>,
      %get3A_936 = vector.shape_cast %get3A_935 : vector<1x1x16xf32> to vector<16xf32>
      %add3A_937 = arith.addf %get3A_928, %get3A_936 : vector<16xf32>
      %add3A_938 = arith.addf %add3A_920, %add3A_937 : vector<16xf32>
      %get3A_939 = arith.constant 0 : i32
      %get3A_940 = arith.index_cast %get3A_939 : i32 to index
      %get3A_941 = arith.index_cast %scan3A_903 : i32 to index
      %get3A_942 = arith.constant 0 : index
      %get3A_943 = tpu.vector_load %arg8[%get3A_940, %get3A_941, %get3A_942] {strides = array<i32>} : memref<2x64x100xf32, #tpu.memory_space<vmem>>, vector<1x1x16xf32>,
      %get3A_944 = vector.shape_cast %get3A_943 : vector<1x1x16xf32> to vector<16xf32>
      %sub3A = arith.subf %add3A_938, %get3A_944 : vector<16xf32>
      %mul3A_945 = arith.mulf %sub3A, %sub3A : vector<16xf32>
      %add3A_946 = arith.addf %scan3A_904, %mul3A_945 : vector<16xf32>
      %get3A_947 = arith.constant 0 : i32
      %get3A_948 = arith.index_cast %get3A_947 : i32 to index
      %get3A_949 = arith.index_cast %mul3A_906 : i32 to index
      %get3A_950 = arith.constant 16 : index
      %get3A_951 = tpu.vector_load %arg7[%get3A_948, %get3A_949, %get3A_950] {strides = array<i32>} : memref<2x256x128xf32, #tpu.memory_space<vmem>>, vector<1x1x16xf32>,
      %get3A_952 = vector.shape_cast %get3A_951 : vector<1x1x16xf32> to vector<16xf32>
      %add3A_953 = arith.constant 1 : i32
      %add3A_954 = arith.addi %mul3A_906, %add3A_953 : i32
      %get3A_955 = arith.constant 0 : i32
      %get3A_956 = arith.index_cast %get3A_955 : i32 to index
      %get3A_957 = arith.index_cast %add3A_954 : i32 to index
      %get3A_958 = arith.constant 16 : index
      %get3A_959 = tpu.vector_load %arg7[%get3A_956, %get3A_957, %get3A_958] {strides = array<i32>} : memref<2x256x128xf32, #tpu.memory_space<vmem>>, vector<1x1x16xf32>,
      %get3A_960 = vector.shape_cast %get3A_959 : vector<1x1x16xf32> to vector<16xf32>
      %add3A_961 = arith.addf %get3A_952, %get3A_960 : vector<16xf32>
      %add3A_962 = arith.constant 2 : i32
      %add3A_963 = arith.addi %mul3A_906, %add3A_962 : i32
      %get3A_964 = arith.constant 0 : i32
      %get3A_965 = arith.index_cast %get3A_964 : i32 to index
      %get3A_966 = arith.index_cast %add3A_963 : i32 to index
      %get3A_967 = arith.constant 16 : index
      %get3A_968 = tpu.vector_load %arg7[%get3A_965, %get3A_966, %get3A_967] {strides = array<i32>} : memref<2x256x128xf32, #tpu.memory_space<vmem>>, vector<1x1x16xf32>,
      %get3A_969 = vector.shape_cast %get3A_968 : vector<1x1x16xf32> to vector<16xf32>
      %add3A_970 = arith.constant 3 : i32
      %add3A_971 = arith.addi %mul3A_906, %add3A_970 : i32
      %get3A_972 = arith.constant 0 : i32
      %get3A_973 = arith.index_cast %get3A_972 : i32 to index
      %get3A_974 = arith.index_cast %add3A_971 : i32 to index
      %get3A_975 = arith.constant 16 : index
      %get3A_976 = tpu.vector_load %arg7[%get3A_973, %get3A_974, %get3A_975] {strides = array<i32>} : memref<2x256x128xf32, #tpu.memory_space<vmem>>, vector<1x1x16xf32>,
      %get3A_977 = vector.shape_cast %get3A_976 : vector<1x1x16xf32> to vector<16xf32>
      %add3A_978 = arith.addf %get3A_969, %get3A_977 : vector<16xf32>
      %add3A_979 = arith.addf %add3A_961, %add3A_978 : vector<16xf32>
      %get3A_980 = arith.constant 0 : i32
      %get3A_981 = arith.index_cast %get3A_980 : i32 to index
      %get3A_982 = arith.index_cast %scan3A_903 : i32 to index
      %get3A_983 = arith.constant 16 : index
      %get3A_984 = tpu.vector_load %arg8[%get3A_981, %get3A_982, %get3A_983] {strides = array<i32>} : memref<2x64x100xf32, #tpu.memory_space<vmem>>, vector<1x1x16xf32>,
      %get3A_985 = vector.shape_cast %get3A_984 : vector<1x1x16xf32> to vector<16xf32>
      %sub3A_986 = arith.subf %add3A_979, %get3A_985 : vector<16xf32>
      %mul3A_987 = arith.mulf %sub3A_986, %sub3A_986 : vector<16xf32>
      %add3A_988 = arith.addf %add3A_946, %mul3A_987 : vector<16xf32>
      %get3A_989 = arith.constant 0 : i32
      %get3A_990 = arith.index_cast %get3A_989 : i32 to index
      %get3A_991 = arith.index_cast %mul3A_906 : i32 to index
      %get3A_992 = arith.constant 32 : index
      %get3A_993 = tpu.vector_load %arg7[%get3A_990, %get3A_991, %get3A_992] {strides = array<i32>} : memref<2x256x128xf32, #tpu.memory_space<vmem>>, vector<1x1x16xf32>,
      %get3A_994 = vector.shape_cast %get3A_993 : vector<1x1x16xf32> to vector<16xf32>
      %add3A_995 = arith.constant 1 : i32
      %add3A_996 = arith.addi %mul3A_906, %add3A_995 : i32
      %get3A_997 = arith.constant 0 : i32
      %get3A_998 = arith.index_cast %get3A_997 : i32 to index
      %get3A_999 = arith.index_cast %add3A_996 : i32 to index
      %get3A_1000 = arith.constant 32 : index
      %get3A_1001 = tpu.vector_load %arg7[%get3A_998, %get3A_999, %get3A_1000] {strides = array<i32>} : memref<2x256x128xf32, #tpu.memory_space<vmem>>, vector<1x1x16xf32>,
      %get3A_1002 = vector.shape_cast %get3A_1001 : vector<1x1x16xf32> to vector<16xf32>
      %add3A_1003 = arith.addf %get3A_994, %get3A_1002 : vector<16xf32>
      %add3A_1004 = arith.constant 2 : i32
      %add3A_1005 = arith.addi %mul3A_906, %add3A_1004 : i32
      %get3A_1006 = arith.constant 0 : i32
      %get3A_1007 = arith.index_cast %get3A_1006 : i32 to index
      %get3A_1008 = arith.index_cast %add3A_1005 : i32 to index
      %get3A_1009 = arith.constant 32 : index
      %get3A_1010 = tpu.vector_load %arg7[%get3A_1007, %get3A_1008, %get3A_1009] {strides = array<i32>} : memref<2x256x128xf32, #tpu.memory_space<vmem>>, vector<1x1x16xf32>,
      %get3A_1011 = vector.shape_cast %get3A_1010 : vector<1x1x16xf32> to vector<16xf32>
      %add3A_1012 = arith.constant 3 : i32
      %add3A_1013 = arith.addi %mul3A_906, %add3A_1012 : i32
      %get3A_1014 = arith.constant 0 : i32
      %get3A_1015 = arith.index_cast %get3A_1014 : i32 to index
      %get3A_1016 = arith.index_cast %add3A_1013 : i32 to index
      %get3A_1017 = arith.constant 32 : index
      %get3A_1018 = tpu.vector_load %arg7[%get3A_1015, %get3A_1016, %get3A_1017] {strides = array<i32>} : memref<2x256x128xf32, #tpu.memory_space<vmem>>, vector<1x1x16xf32>,
      %get3A_1019 = vector.shape_cast %get3A_1018 : vector<1x1x16xf32> to vector<16xf32>
      %add3A_1020 = arith.addf %get3A_1011, %get3A_1019 : vector<16xf32>
      %add3A_1021 = arith.addf %add3A_1003, %add3A_1020 : vector<16xf32>
      %get3A_1022 = arith.constant 0 : i32
      %get3A_1023 = arith.index_cast %get3A_1022 : i32 to index
      %get3A_1024 = arith.index_cast %scan3A_903 : i32 to index
      %get3A_1025 = arith.constant 32 : index
      %get3A_1026 = tpu.vector_load %arg8[%get3A_1023, %get3A_1024, %get3A_1025] {strides = array<i32>} : memref<2x64x100xf32, #tpu.memory_space<vmem>>, vector<1x1x16xf32>,
      %get3A_1027 = vector.shape_cast %get3A_1026 : vector<1x1x16xf32> to vector<16xf32>
      %sub3A_1028 = arith.subf %add3A_1021, %get3A_1027 : vector<16xf32>
      %mul3A_1029 = arith.mulf %sub3A_1028, %sub3A_1028 : vector<16xf32>
      %add3A_1030 = arith.addf %add3A_988, %mul3A_1029 : vector<16xf32>
      %get3A_1031 = arith.constant 0 : i32
      %get3A_1032 = arith.index_cast %get3A_1031 : i32 to index
      %get3A_1033 = arith.index_cast %mul3A_906 : i32 to index
      %get3A_1034 = arith.constant 48 : index
      %get3A_1035 = tpu.vector_load %arg7[%get3A_1032, %get3A_1033, %get3A_1034] {strides = array<i32>} : memref<2x256x128xf32, #tpu.memory_space<vmem>>, vector<1x1x16xf32>,
      %get3A_1036 = vector.shape_cast %get3A_1035 : vector<1x1x16xf32> to vector<16xf32>
      %add3A_1037 = arith.constant 1 : i32
      %add3A_1038 = arith.addi %mul3A_906, %add3A_1037 : i32
      %get3A_1039 = arith.constant 0 : i32
      %get3A_1040 = arith.index_cast %get3A_1039 : i32 to index
      %get3A_1041 = arith.index_cast %add3A_1038 : i32 to index
      %get3A_1042 = arith.constant 48 : index
      %get3A_1043 = tpu.vector_load %arg7[%get3A_1040, %get3A_1041, %get3A_1042] {strides = array<i32>} : memref<2x256x128xf32, #tpu.memory_space<vmem>>, vector<1x1x16xf32>,
      %get3A_1044 = vector.shape_cast %get3A_1043 : vector<1x1x16xf32> to vector<16xf32>
      %add3A_1045 = arith.addf %get3A_1036, %get3A_1044 : vector<16xf32>
      %add3A_1046 = arith.constant 2 : i32
      %add3A_1047 = arith.addi %mul3A_906, %add3A_1046 : i32
      %get3A_1048 = arith.constant 0 : i32
      %get3A_1049 = arith.index_cast %get3A_1048 : i32 to index
      %get3A_1050 = arith.index_cast %add3A_1047 : i32 to index
      %get3A_1051 = arith.constant 48 : index
      %get3A_1052 = tpu.vector_load %arg7[%get3A_1049, %get3A_1050, %get3A_1051] {strides = array<i32>} : memref<2x256x128xf32, #tpu.memory_space<vmem>>, vector<1x1x16xf32>,
      %get3A_1053 = vector.shape_cast %get3A_1052 : vector<1x1x16xf32> to vector<16xf32>
      %add3A_1054 = arith.constant 3 : i32
      %add3A_1055 = arith.addi %mul3A_906, %add3A_1054 : i32
      %get3A_1056 = arith.constant 0 : i32
      %get3A_1057 = arith.index_cast %get3A_1056 : i32 to index
      %get3A_1058 = arith.index_cast %add3A_1055 : i32 to index
      %get3A_1059 = arith.constant 48 : index
      %get3A_1060 = tpu.vector_load %arg7[%get3A_1057, %get3A_1058, %get3A_1059] {strides = array<i32>} : memref<2x256x128xf32, #tpu.memory_space<vmem>>, vector<1x1x16xf32>,
      %get3A_1061 = vector.shape_cast %get3A_1060 : vector<1x1x16xf32> to vector<16xf32>
      %add3A_1062 = arith.addf %get3A_1053, %get3A_1061 : vector<16xf32>
      %add3A_1063 = arith.addf %add3A_1045, %add3A_1062 : vector<16xf32>
      %get3A_1064 = arith.constant 0 : i32
      %get3A_1065 = arith.index_cast %get3A_1064 : i32 to index
      %get3A_1066 = arith.index_cast %scan3A_903 : i32 to index
      %get3A_1067 = arith.constant 48 : index
      %get3A_1068 = tpu.vector_load %arg8[%get3A_1065, %get3A_1066, %get3A_1067] {strides = array<i32>} : memref<2x64x100xf32, #tpu.memory_space<vmem>>, vector<1x1x16xf32>,
      %get3A_1069 = vector.shape_cast %get3A_1068 : vector<1x1x16xf32> to vector<16xf32>
      %sub3A_1070 = arith.subf %add3A_1063, %get3A_1069 : vector<16xf32>
      %mul3A_1071 = arith.mulf %sub3A_1070, %sub3A_1070 : vector<16xf32>
      %add3A_1072 = arith.addf %add3A_1030, %mul3A_1071 : vector<16xf32>
      %get3A_1073 = arith.constant 0 : i32
      %get3A_1074 = arith.index_cast %get3A_1073 : i32 to index
      %get3A_1075 = arith.index_cast %mul3A_906 : i32 to index
      %get3A_1076 = arith.constant 64 : index
      %get3A_1077 = tpu.vector_load %arg7[%get3A_1074, %get3A_1075, %get3A_1076] {strides = array<i32>} : memref<2x256x128xf32, #tpu.memory_space<vmem>>, vector<1x1x16xf32>,
      %get3A_1078 = vector.shape_cast %get3A_1077 : vector<1x1x16xf32> to vector<16xf32>
      %add3A_1079 = arith.constant 1 : i32
      %add3A_1080 = arith.addi %mul3A_906, %add3A_1079 : i32
      %get3A_1081 = arith.constant 0 : i32
      %get3A_1082 = arith.index_cast %get3A_1081 : i32 to index
      %get3A_1083 = arith.index_cast %add3A_1080 : i32 to index
      %get3A_1084 = arith.constant 64 : index
      %get3A_1085 = tpu.vector_load %arg7[%get3A_1082, %get3A_1083, %get3A_1084] {strides = array<i32>} : memref<2x256x128xf32, #tpu.memory_space<vmem>>, vector<1x1x16xf32>,
      %get3A_1086 = vector.shape_cast %get3A_1085 : vector<1x1x16xf32> to vector<16xf32>
      %add3A_1087 = arith.addf %get3A_1078, %get3A_1086 : vector<16xf32>
      %add3A_1088 = arith.constant 2 : i32
      %add3A_1089 = arith.addi %mul3A_906, %add3A_1088 : i32
      %get3A_1090 = arith.constant 0 : i32
      %get3A_1091 = arith.index_cast %get3A_1090 : i32 to index
      %get3A_1092 = arith.index_cast %add3A_1089 : i32 to index
      %get3A_1093 = arith.constant 64 : index
      %get3A_1094 = tpu.vector_load %arg7[%get3A_1091, %get3A_1092, %get3A_1093] {strides = array<i32>} : memref<2x256x128xf32, #tpu.memory_space<vmem>>, vector<1x1x16xf32>,
      %get3A_1095 = vector.shape_cast %get3A_1094 : vector<1x1x16xf32> to vector<16xf32>
      %add3A_1096 = arith.constant 3 : i32
      %add3A_1097 = arith.addi %mul3A_906, %add3A_1096 : i32
      %get3A_1098 = arith.constant 0 : i32
      %get3A_1099 = arith.index_cast %get3A_1098 : i32 to index
      %get3A_1100 = arith.index_cast %add3A_1097 : i32 to index
      %get3A_1101 = arith.constant 64 : index
      %get3A_1102 = tpu.vector_load %arg7[%get3A_1099, %get3A_1100, %get3A_1101] {strides = array<i32>} : memref<2x256x128xf32, #tpu.memory_space<vmem>>, vector<1x1x16xf32>,
      %get3A_1103 = vector.shape_cast %get3A_1102 : vector<1x1x16xf32> to vector<16xf32>
      %add3A_1104 = arith.addf %get3A_1095, %get3A_1103 : vector<16xf32>
      %add3A_1105 = arith.addf %add3A_1087, %add3A_1104 : vector<16xf32>
      %get3A_1106 = arith.constant 0 : i32
      %get3A_1107 = arith.index_cast %get3A_1106 : i32 to index
      %get3A_1108 = arith.index_cast %scan3A_903 : i32 to index
      %get3A_1109 = arith.constant 64 : index
      %get3A_1110 = tpu.vector_load %arg8[%get3A_1107, %get3A_1108, %get3A_1109] {strides = array<i32>} : memref<2x64x100xf32, #tpu.memory_space<vmem>>, vector<1x1x16xf32>,
      %get3A_1111 = vector.shape_cast %get3A_1110 : vector<1x1x16xf32> to vector<16xf32>
      %sub3A_1112 = arith.subf %add3A_1105, %get3A_1111 : vector<16xf32>
      %mul3A_1113 = arith.mulf %sub3A_1112, %sub3A_1112 : vector<16xf32>
      %add3A_1114 = arith.addf %add3A_1072, %mul3A_1113 : vector<16xf32>
      %get3A_1115 = arith.constant 0 : i32
      %get3A_1116 = arith.index_cast %get3A_1115 : i32 to index
      %get3A_1117 = arith.index_cast %mul3A_906 : i32 to index
      %get3A_1118 = arith.constant 80 : index
      %get3A_1119 = tpu.vector_load %arg7[%get3A_1116, %get3A_1117, %get3A_1118] {strides = array<i32>} : memref<2x256x128xf32, #tpu.memory_space<vmem>>, vector<1x1x16xf32>,
      %get3A_1120 = vector.shape_cast %get3A_1119 : vector<1x1x16xf32> to vector<16xf32>
      %add3A_1121 = arith.constant 1 : i32
      %add3A_1122 = arith.addi %mul3A_906, %add3A_1121 : i32
      %get3A_1123 = arith.constant 0 : i32
      %get3A_1124 = arith.index_cast %get3A_1123 : i32 to index
      %get3A_1125 = arith.index_cast %add3A_1122 : i32 to index
      %get3A_1126 = arith.constant 80 : index
      %get3A_1127 = tpu.vector_load %arg7[%get3A_1124, %get3A_1125, %get3A_1126] {strides = array<i32>} : memref<2x256x128xf32, #tpu.memory_space<vmem>>, vector<1x1x16xf32>,
      %get3A_1128 = vector.shape_cast %get3A_1127 : vector<1x1x16xf32> to vector<16xf32>
      %add3A_1129 = arith.addf %get3A_1120, %get3A_1128 : vector<16xf32>
      %add3A_1130 = arith.constant 2 : i32
      %add3A_1131 = arith.addi %mul3A_906, %add3A_1130 : i32
      %get3A_1132 = arith.constant 0 : i32
      %get3A_1133 = arith.index_cast %get3A_1132 : i32 to index
      %get3A_1134 = arith.index_cast %add3A_1131 : i32 to index
      %get3A_1135 = arith.constant 80 : index
      %get3A_1136 = tpu.vector_load %arg7[%get3A_1133, %get3A_1134, %get3A_1135] {strides = array<i32>} : memref<2x256x128xf32, #tpu.memory_space<vmem>>, vector<1x1x16xf32>,
      %get3A_1137 = vector.shape_cast %get3A_1136 : vector<1x1x16xf32> to vector<16xf32>
      %add3A_1138 = arith.constant 3 : i32
      %add3A_1139 = arith.addi %mul3A_906, %add3A_1138 : i32
      %get3A_1140 = arith.constant 0 : i32
      %get3A_1141 = arith.index_cast %get3A_1140 : i32 to index
      %get3A_1142 = arith.index_cast %add3A_1139 : i32 to index
      %get3A_1143 = arith.constant 80 : index
      %get3A_1144 = tpu.vector_load %arg7[%get3A_1141, %get3A_1142, %get3A_1143] {strides = array<i32>} : memref<2x256x128xf32, #tpu.memory_space<vmem>>, vector<1x1x16xf32>,
      %get3A_1145 = vector.shape_cast %get3A_1144 : vector<1x1x16xf32> to vector<16xf32>
      %add3A_1146 = arith.addf %get3A_1137, %get3A_1145 : vector<16xf32>
      %add3A_1147 = arith.addf %add3A_1129, %add3A_1146 : vector<16xf32>
      %get3A_1148 = arith.constant 0 : i32
      %get3A_1149 = arith.index_cast %get3A_1148 : i32 to index
      %get3A_1150 = arith.index_cast %scan3A_903 : i32 to index
      %get3A_1151 = arith.constant 80 : index
      %get3A_1152 = tpu.vector_load %arg8[%get3A_1149, %get3A_1150, %get3A_1151] {strides = array<i32>} : memref<2x64x100xf32, #tpu.memory_space<vmem>>, vector<1x1x16xf32>,
      %get3A_1153 = vector.shape_cast %get3A_1152 : vector<1x1x16xf32> to vector<16xf32>
      %sub3A_1154 = arith.subf %add3A_1147, %get3A_1153 : vector<16xf32>
      %mul3A_1155 = arith.mulf %sub3A_1154, %sub3A_1154 : vector<16xf32>
      %add3A_1156 = arith.addf %add3A_1114, %mul3A_1155 : vector<16xf32>
      %get3A_1157 = arith.constant 0 : i32
      %get3A_1158 = arith.index_cast %get3A_1157 : i32 to index
      %get3A_1159 = arith.index_cast %mul3A_906 : i32 to index
      %get3A_1160 = arith.constant 84 : index
      %get3A_1161 = tpu.vector_load %arg7[%get3A_1158, %get3A_1159, %get3A_1160] {strides = array<i32>} : memref<2x256x128xf32, #tpu.memory_space<vmem>>, vector<1x1x16xf32>,
      %get3A_1162 = vector.shape_cast %get3A_1161 : vector<1x1x16xf32> to vector<16xf32>
      %add3A_1163 = arith.constant 1 : i32
      %add3A_1164 = arith.addi %mul3A_906, %add3A_1163 : i32
      %get3A_1165 = arith.constant 0 : i32
      %get3A_1166 = arith.index_cast %get3A_1165 : i32 to index
      %get3A_1167 = arith.index_cast %add3A_1164 : i32 to index
      %get3A_1168 = arith.constant 84 : index
      %get3A_1169 = tpu.vector_load %arg7[%get3A_1166, %get3A_1167, %get3A_1168] {strides = array<i32>} : memref<2x256x128xf32, #tpu.memory_space<vmem>>, vector<1x1x16xf32>,
      %get3A_1170 = vector.shape_cast %get3A_1169 : vector<1x1x16xf32> to vector<16xf32>
      %add3A_1171 = arith.addf %get3A_1162, %get3A_1170 : vector<16xf32>
      %add3A_1172 = arith.constant 2 : i32
      %add3A_1173 = arith.addi %mul3A_906, %add3A_1172 : i32
      %get3A_1174 = arith.constant 0 : i32
      %get3A_1175 = arith.index_cast %get3A_1174 : i32 to index
      %get3A_1176 = arith.index_cast %add3A_1173 : i32 to index
      %get3A_1177 = arith.constant 84 : index
      %get3A_1178 = tpu.vector_load %arg7[%get3A_1175, %get3A_1176, %get3A_1177] {strides = array<i32>} : memref<2x256x128xf32, #tpu.memory_space<vmem>>, vector<1x1x16xf32>,
      %get3A_1179 = vector.shape_cast %get3A_1178 : vector<1x1x16xf32> to vector<16xf32>
      %add3A_1180 = arith.constant 3 : i32
      %add3A_1181 = arith.addi %mul3A_906, %add3A_1180 : i32
      %get3A_1182 = arith.constant 0 : i32
      %get3A_1183 = arith.index_cast %get3A_1182 : i32 to index
      %get3A_1184 = arith.index_cast %add3A_1181 : i32 to index
      %get3A_1185 = arith.constant 84 : index
      %get3A_1186 = tpu.vector_load %arg7[%get3A_1183, %get3A_1184, %get3A_1185] {strides = array<i32>} : memref<2x256x128xf32, #tpu.memory_space<vmem>>, vector<1x1x16xf32>,
      %get3A_1187 = vector.shape_cast %get3A_1186 : vector<1x1x16xf32> to vector<16xf32>
      %add3A_1188 = arith.addf %get3A_1179, %get3A_1187 : vector<16xf32>
      %add3A_1189 = arith.addf %add3A_1171, %add3A_1188 : vector<16xf32>
      %get3A_1190 = arith.constant 0 : i32
      %get3A_1191 = arith.index_cast %get3A_1190 : i32 to index
      %get3A_1192 = arith.index_cast %scan3A_903 : i32 to index
      %get3A_1193 = arith.constant 84 : index
      %get3A_1194 = tpu.vector_load %arg8[%get3A_1191, %get3A_1192, %get3A_1193] {strides = array<i32>} : memref<2x64x100xf32, #tpu.memory_space<vmem>>, vector<1x1x16xf32>,
      %get3A_1195 = vector.shape_cast %get3A_1194 : vector<1x1x16xf32> to vector<16xf32>
      %sub3A_1196 = arith.subf %add3A_1189, %get3A_1195 : vector<16xf32>
      %select_n3A_1197 = arith.select %ge3A_2, %sub3A_1196, %broadcast_in_dim3A_3 : vector<16xi1>, vector<16xf32>
      %mul3A_1198 = arith.mulf %select_n3A_1197, %select_n3A_1197 : vector<16xf32>
      %add3A_1199 = arith.addf %add3A_1156, %mul3A_1198 : vector<16xf32>
      scf.yield %add3A_1199 : vector<16xf32>
    }
    %scan3A_789 = arith.constant 64 : i32
    %dma_wait3A_790 = arith.constant 1 : i32
    %dma_wait3A_791 = arith.constant 1 : i32
    %dma_wait3A_792 = arith.constant 1 : i32
    %dma_wait3A_793 = arith.constant 0 : i32
    %dma_wait3A_794 = arith.constant 0 : i32
    %dma_wait3A_795 = tpu.memref_slice %arg7[%dma_wait3A_791, %dma_wait3A_793, %dma_wait3A_794] : memref<2x256x128xf32, #tpu.memory_space<vmem>> -> memref<1x128x128xf32, #tpu.memory_space<vmem>>
    %dma_wait3A_796 = tpu.memref_squeeze %dma_wait3A_795 : memref<1x128x128xf32, #tpu.memory_space<vmem>> -> memref<128x128xf32, #tpu.memory_space<vmem>>
    %dma_wait3A_797 = arith.constant 0 : i32
    %dma_wait3A_798 = tpu.memref_slice %arg6[%dma_wait3A_790, %dma_wait3A_797] : memref<2x256xi32, #tpu.memory_space<vmem>> -> memref<1x128xi32, #tpu.memory_space<vmem>>
    %dma_wait3A_799 = tpu.memref_squeeze %dma_wait3A_798 : memref<1x128xi32, #tpu.memory_space<vmem>> -> memref<128xi32, #tpu.memory_space<vmem>>
    %dma_wait3A_800 = arith.constant 0 : i32
    %dma_wait3A_801 = arith.constant 0 : i32
    %dma_wait3A_802 = tpu.memref_slice %arg4[%dma_wait3A_800, %dma_wait3A_801] : memref<40000x128xf32, #tpu.memory_space<hbm>> -> memref<40000x128xf32, #tpu.memory_space<hbm>>
    %dma_wait3A_803 = tpu.memref_slice %arg10[%dma_wait3A_792] : memref<2x!tpu.dma_semaphore, #tpu.memory_space<semaphore_mem>> -> memref<1x!tpu.dma_semaphore, #tpu.memory_space<semaphore_mem>>
    %dma_wait3A_804 = tpu.memref_squeeze %dma_wait3A_803 : memref<1x!tpu.dma_semaphore, #tpu.memory_space<semaphore_mem>> -> memref<!tpu.dma_semaphore, #tpu.memory_space<semaphore_mem>>
    tpu.wait_indirect_dma semaphore(%dma_wait3A_804 : memref<!tpu.dma_semaphore, #tpu.memory_space<semaphore_mem>>) src(%dma_wait3A_802 : memref<40000x128xf32, #tpu.memory_space<hbm>>) dst(%dma_wait3A_796 : memref<128x128xf32, #tpu.memory_space<vmem>>)
    %dma_wait3A_805 = arith.constant 1 : i32
    %dma_wait3A_806 = arith.constant 1 : i32
    %dma_wait3A_807 = arith.constant 1 : i32
    %dma_wait3A_808 = arith.constant 128 : i32
    %dma_wait3A_809 = arith.constant 0 : i32
    %dma_wait3A_810 = tpu.memref_slice %arg7[%dma_wait3A_806, %dma_wait3A_808, %dma_wait3A_809] : memref<2x256x128xf32, #tpu.memory_space<vmem>> -> memref<1x128x128xf32, #tpu.memory_space<vmem>>
    %dma_wait3A_811 = tpu.memref_squeeze %dma_wait3A_810 : memref<1x128x128xf32, #tpu.memory_space<vmem>> -> memref<128x128xf32, #tpu.memory_space<vmem>>
    %dma_wait3A_812 = arith.constant 128 : i32
    %dma_wait3A_813 = tpu.memref_slice %arg6[%dma_wait3A_805, %dma_wait3A_812] : memref<2x256xi32, #tpu.memory_space<vmem>> -> memref<1x128xi32, #tpu.memory_space<vmem>>
    %dma_wait3A_814 = tpu.memref_squeeze %dma_wait3A_813 : memref<1x128xi32, #tpu.memory_space<vmem>> -> memref<128xi32, #tpu.memory_space<vmem>>
    %dma_wait3A_815 = arith.constant 0 : i32
    %dma_wait3A_816 = arith.constant 0 : i32
    %dma_wait3A_817 = tpu.memref_slice %arg4[%dma_wait3A_815, %dma_wait3A_816] : memref<40000x128xf32, #tpu.memory_space<hbm>> -> memref<40000x128xf32, #tpu.memory_space<hbm>>
    %dma_wait3A_818 = tpu.memref_slice %arg10[%dma_wait3A_807] : memref<2x!tpu.dma_semaphore, #tpu.memory_space<semaphore_mem>> -> memref<1x!tpu.dma_semaphore, #tpu.memory_space<semaphore_mem>>
    %dma_wait3A_819 = tpu.memref_squeeze %dma_wait3A_818 : memref<1x!tpu.dma_semaphore, #tpu.memory_space<semaphore_mem>> -> memref<!tpu.dma_semaphore, #tpu.memory_space<semaphore_mem>>
    tpu.wait_indirect_dma semaphore(%dma_wait3A_819 : memref<!tpu.dma_semaphore, #tpu.memory_space<semaphore_mem>>) src(%dma_wait3A_817 : memref<40000x128xf32, #tpu.memory_space<hbm>>) dst(%dma_wait3A_811 : memref<128x128xf32, #tpu.memory_space<vmem>>)
    %dma_wait3A_820 = arith.constant 1 : i32
    %dma_wait3A_821 = arith.constant 1 : i32
    %dma_wait3A_822 = arith.constant 0 : i32
    %dma_wait3A_823 = arith.constant 0 : i32
    %dma_wait3A_824 = tpu.memref_slice %arg8[%dma_wait3A_820, %dma_wait3A_822, %dma_wait3A_823] : memref<2x64x100xf32, #tpu.memory_space<vmem>> -> memref<1x64x100xf32, #tpu.memory_space<vmem>>
    %dma_wait3A_825 = tpu.memref_squeeze %dma_wait3A_824 : memref<1x64x100xf32, #tpu.memory_space<vmem>> -> memref<64x100xf32, #tpu.memory_space<vmem>>
    %dma_wait3A_826 = arith.constant 0 : i32
    %dma_wait3A_827 = tpu.memref_slice %arg3[%add3A_688, %dma_wait3A_826] : memref<16384x100xf32, #tpu.memory_space<hbm>> -> memref<64x100xf32, #tpu.memory_space<hbm>>
    %dma_wait3A_828 = tpu.memref_slice %arg10[%dma_wait3A_821] : memref<2x!tpu.dma_semaphore, #tpu.memory_space<semaphore_mem>> -> memref<1x!tpu.dma_semaphore, #tpu.memory_space<semaphore_mem>>
    %dma_wait3A_829 = tpu.memref_squeeze %dma_wait3A_828 : memref<1x!tpu.dma_semaphore, #tpu.memory_space<semaphore_mem>> -> memref<!tpu.dma_semaphore, #tpu.memory_space<semaphore_mem>>
    %dma_wait3A_830 = arith.constant 0 : i32
    %dma_wait3A_831 = arith.constant 0 : i32
    %dma_wait3A_832 = tpu.memref_slice %arg8[%dma_wait3A_820, %dma_wait3A_830, %dma_wait3A_831] : memref<2x64x100xf32, #tpu.memory_space<vmem>> -> memref<1x64x100xf32, #tpu.memory_space<vmem>>
    %dma_wait3A_833 = tpu.memref_squeeze %dma_wait3A_832 : memref<1x64x100xf32, #tpu.memory_space<vmem>> -> memref<64x100xf32, #tpu.memory_space<vmem>>
    %dma_wait3A_834 = arith.constant 0 : i32
    %dma_wait3A_835 = tpu.memref_slice %arg3[%add3A_688, %dma_wait3A_834] : memref<16384x100xf32, #tpu.memory_space<hbm>> -> memref<64x100xf32, #tpu.memory_space<hbm>>
    tpu.wait_dma2 semaphore(%dma_wait3A_829 : memref<!tpu.dma_semaphore, #tpu.memory_space<semaphore_mem>>) src(%dma_wait3A_835 : memref<64x100xf32, #tpu.memory_space<hbm>>) dst(%dma_wait3A_833 : memref<64x100xf32, #tpu.memory_space<vmem>>)
    %scan3A_836 = arith.constant 0 : i32
    %scan3A_837 = arith.constant 64 : i32
    %scan3A_838 = arith.addi %scan3A_836, %scan3A_837 : i32
    %scan3A_839 = arith.constant 1 : i32
    %scan3A_840 = scf.for %scan3A_903 = %scan3A_836 to %scan3A_838 step %scan3A_839 iter_args(%scan3A_904 = %scan3A_788) -> (vector<16xf32>)  : i32 {
      %mul3A_905 = arith.constant 4 : i32
      %mul3A_906 = arith.muli %mul3A_905, %scan3A_903 : i32
      %get3A = arith.constant 1 : i32
      %get3A_907 = arith.index_cast %get3A : i32 to index
      %get3A_908 = arith.index_cast %mul3A_906 : i32 to index
      %get3A_909 = arith.constant 0 : index
      %get3A_910 = tpu.vector_load %arg7[%get3A_907, %get3A_908, %get3A_909] {strides = array<i32>} : memref<2x256x128xf32, #tpu.memory_space<vmem>>, vector<1x1x16xf32>,
      %get3A_911 = vector.shape_cast %get3A_910 : vector<1x1x16xf32> to vector<16xf32>
      %add3A_912 = arith.constant 1 : i32
      %add3A_913 = arith.addi %mul3A_906, %add3A_912 : i32
      %get3A_914 = arith.constant 1 : i32
      %get3A_915 = arith.index_cast %get3A_914 : i32 to index
      %get3A_916 = arith.index_cast %add3A_913 : i32 to index
      %get3A_917 = arith.constant 0 : index
      %get3A_918 = tpu.vector_load %arg7[%get3A_915, %get3A_916, %get3A_917] {strides = array<i32>} : memref<2x256x128xf32, #tpu.memory_space<vmem>>, vector<1x1x16xf32>,
      %get3A_919 = vector.shape_cast %get3A_918 : vector<1x1x16xf32> to vector<16xf32>
      %add3A_920 = arith.addf %get3A_911, %get3A_919 : vector<16xf32>
      %add3A_921 = arith.constant 2 : i32
      %add3A_922 = arith.addi %mul3A_906, %add3A_921 : i32
      %get3A_923 = arith.constant 1 : i32
      %get3A_924 = arith.index_cast %get3A_923 : i32 to index
      %get3A_925 = arith.index_cast %add3A_922 : i32 to index
      %get3A_926 = arith.constant 0 : index
      %get3A_927 = tpu.vector_load %arg7[%get3A_924, %get3A_925, %get3A_926] {strides = array<i32>} : memref<2x256x128xf32, #tpu.memory_space<vmem>>, vector<1x1x16xf32>,
      %get3A_928 = vector.shape_cast %get3A_927 : vector<1x1x16xf32> to vector<16xf32>
      %add3A_929 = arith.constant 3 : i32
      %add3A_930 = arith.addi %mul3A_906, %add3A_929 : i32
      %get3A_931 = arith.constant 1 : i32
      %get3A_932 = arith.index_cast %get3A_931 : i32 to index
      %get3A_933 = arith.index_cast %add3A_930 : i32 to index
      %get3A_934 = arith.constant 0 : index
      %get3A_935 = tpu.vector_load %arg7[%get3A_932, %get3A_933, %get3A_934] {strides = array<i32>} : memref<2x256x128xf32, #tpu.memory_space<vmem>>, vector<1x1x16xf32>,
      %get3A_936 = vector.shape_cast %get3A_935 : vector<1x1x16xf32> to vector<16xf32>
      %add3A_937 = arith.addf %get3A_928, %get3A_936 : vector<16xf32>
      %add3A_938 = arith.addf %add3A_920, %add3A_937 : vector<16xf32>
      %get3A_939 = arith.constant 1 : i32
      %get3A_940 = arith.index_cast %get3A_939 : i32 to index
      %get3A_941 = arith.index_cast %scan3A_903 : i32 to index
      %get3A_942 = arith.constant 0 : index
      %get3A_943 = tpu.vector_load %arg8[%get3A_940, %get3A_941, %get3A_942] {strides = array<i32>} : memref<2x64x100xf32, #tpu.memory_space<vmem>>, vector<1x1x16xf32>,
      %get3A_944 = vector.shape_cast %get3A_943 : vector<1x1x16xf32> to vector<16xf32>
      %sub3A = arith.subf %add3A_938, %get3A_944 : vector<16xf32>
      %mul3A_945 = arith.mulf %sub3A, %sub3A : vector<16xf32>
      %add3A_946 = arith.addf %scan3A_904, %mul3A_945 : vector<16xf32>
      %get3A_947 = arith.constant 1 : i32
      %get3A_948 = arith.index_cast %get3A_947 : i32 to index
      %get3A_949 = arith.index_cast %mul3A_906 : i32 to index
      %get3A_950 = arith.constant 16 : index
      %get3A_951 = tpu.vector_load %arg7[%get3A_948, %get3A_949, %get3A_950] {strides = array<i32>} : memref<2x256x128xf32, #tpu.memory_space<vmem>>, vector<1x1x16xf32>,
      %get3A_952 = vector.shape_cast %get3A_951 : vector<1x1x16xf32> to vector<16xf32>
      %add3A_953 = arith.constant 1 : i32
      %add3A_954 = arith.addi %mul3A_906, %add3A_953 : i32
      %get3A_955 = arith.constant 1 : i32
      %get3A_956 = arith.index_cast %get3A_955 : i32 to index
      %get3A_957 = arith.index_cast %add3A_954 : i32 to index
      %get3A_958 = arith.constant 16 : index
      %get3A_959 = tpu.vector_load %arg7[%get3A_956, %get3A_957, %get3A_958] {strides = array<i32>} : memref<2x256x128xf32, #tpu.memory_space<vmem>>, vector<1x1x16xf32>,
      %get3A_960 = vector.shape_cast %get3A_959 : vector<1x1x16xf32> to vector<16xf32>
      %add3A_961 = arith.addf %get3A_952, %get3A_960 : vector<16xf32>
      %add3A_962 = arith.constant 2 : i32
      %add3A_963 = arith.addi %mul3A_906, %add3A_962 : i32
      %get3A_964 = arith.constant 1 : i32
      %get3A_965 = arith.index_cast %get3A_964 : i32 to index
      %get3A_966 = arith.index_cast %add3A_963 : i32 to index
      %get3A_967 = arith.constant 16 : index
      %get3A_968 = tpu.vector_load %arg7[%get3A_965, %get3A_966, %get3A_967] {strides = array<i32>} : memref<2x256x128xf32, #tpu.memory_space<vmem>>, vector<1x1x16xf32>,
      %get3A_969 = vector.shape_cast %get3A_968 : vector<1x1x16xf32> to vector<16xf32>
      %add3A_970 = arith.constant 3 : i32
      %add3A_971 = arith.addi %mul3A_906, %add3A_970 : i32
      %get3A_972 = arith.constant 1 : i32
      %get3A_973 = arith.index_cast %get3A_972 : i32 to index
      %get3A_974 = arith.index_cast %add3A_971 : i32 to index
      %get3A_975 = arith.constant 16 : index
      %get3A_976 = tpu.vector_load %arg7[%get3A_973, %get3A_974, %get3A_975] {strides = array<i32>} : memref<2x256x128xf32, #tpu.memory_space<vmem>>, vector<1x1x16xf32>,
      %get3A_977 = vector.shape_cast %get3A_976 : vector<1x1x16xf32> to vector<16xf32>
      %add3A_978 = arith.addf %get3A_969, %get3A_977 : vector<16xf32>
      %add3A_979 = arith.addf %add3A_961, %add3A_978 : vector<16xf32>
      %get3A_980 = arith.constant 1 : i32
      %get3A_981 = arith.index_cast %get3A_980 : i32 to index
      %get3A_982 = arith.index_cast %scan3A_903 : i32 to index
      %get3A_983 = arith.constant 16 : index
      %get3A_984 = tpu.vector_load %arg8[%get3A_981, %get3A_982, %get3A_983] {strides = array<i32>} : memref<2x64x100xf32, #tpu.memory_space<vmem>>, vector<1x1x16xf32>,
      %get3A_985 = vector.shape_cast %get3A_984 : vector<1x1x16xf32> to vector<16xf32>
      %sub3A_986 = arith.subf %add3A_979, %get3A_985 : vector<16xf32>
      %mul3A_987 = arith.mulf %sub3A_986, %sub3A_986 : vector<16xf32>
      %add3A_988 = arith.addf %add3A_946, %mul3A_987 : vector<16xf32>
      %get3A_989 = arith.constant 1 : i32
      %get3A_990 = arith.index_cast %get3A_989 : i32 to index
      %get3A_991 = arith.index_cast %mul3A_906 : i32 to index
      %get3A_992 = arith.constant 32 : index
      %get3A_993 = tpu.vector_load %arg7[%get3A_990, %get3A_991, %get3A_992] {strides = array<i32>} : memref<2x256x128xf32, #tpu.memory_space<vmem>>, vector<1x1x16xf32>,
      %get3A_994 = vector.shape_cast %get3A_993 : vector<1x1x16xf32> to vector<16xf32>
      %add3A_995 = arith.constant 1 : i32
      %add3A_996 = arith.addi %mul3A_906, %add3A_995 : i32
      %get3A_997 = arith.constant 1 : i32
      %get3A_998 = arith.index_cast %get3A_997 : i32 to index
      %get3A_999 = arith.index_cast %add3A_996 : i32 to index
      %get3A_1000 = arith.constant 32 : index
      %get3A_1001 = tpu.vector_load %arg7[%get3A_998, %get3A_999, %get3A_1000] {strides = array<i32>} : memref<2x256x128xf32, #tpu.memory_space<vmem>>, vector<1x1x16xf32>,
      %get3A_1002 = vector.shape_cast %get3A_1001 : vector<1x1x16xf32> to vector<16xf32>
      %add3A_1003 = arith.addf %get3A_994, %get3A_1002 : vector<16xf32>
      %add3A_1004 = arith.constant 2 : i32
      %add3A_1005 = arith.addi %mul3A_906, %add3A_1004 : i32
      %get3A_1006 = arith.constant 1 : i32
      %get3A_1007 = arith.index_cast %get3A_1006 : i32 to index
      %get3A_1008 = arith.index_cast %add3A_1005 : i32 to index
      %get3A_1009 = arith.constant 32 : index
      %get3A_1010 = tpu.vector_load %arg7[%get3A_1007, %get3A_1008, %get3A_1009] {strides = array<i32>} : memref<2x256x128xf32, #tpu.memory_space<vmem>>, vector<1x1x16xf32>,
      %get3A_1011 = vector.shape_cast %get3A_1010 : vector<1x1x16xf32> to vector<16xf32>
      %add3A_1012 = arith.constant 3 : i32
      %add3A_1013 = arith.addi %mul3A_906, %add3A_1012 : i32
      %get3A_1014 = arith.constant 1 : i32
      %get3A_1015 = arith.index_cast %get3A_1014 : i32 to index
      %get3A_1016 = arith.index_cast %add3A_1013 : i32 to index
      %get3A_1017 = arith.constant 32 : index
      %get3A_1018 = tpu.vector_load %arg7[%get3A_1015, %get3A_1016, %get3A_1017] {strides = array<i32>} : memref<2x256x128xf32, #tpu.memory_space<vmem>>, vector<1x1x16xf32>,
      %get3A_1019 = vector.shape_cast %get3A_1018 : vector<1x1x16xf32> to vector<16xf32>
      %add3A_1020 = arith.addf %get3A_1011, %get3A_1019 : vector<16xf32>
      %add3A_1021 = arith.addf %add3A_1003, %add3A_1020 : vector<16xf32>
      %get3A_1022 = arith.constant 1 : i32
      %get3A_1023 = arith.index_cast %get3A_1022 : i32 to index
      %get3A_1024 = arith.index_cast %scan3A_903 : i32 to index
      %get3A_1025 = arith.constant 32 : index
      %get3A_1026 = tpu.vector_load %arg8[%get3A_1023, %get3A_1024, %get3A_1025] {strides = array<i32>} : memref<2x64x100xf32, #tpu.memory_space<vmem>>, vector<1x1x16xf32>,
      %get3A_1027 = vector.shape_cast %get3A_1026 : vector<1x1x16xf32> to vector<16xf32>
      %sub3A_1028 = arith.subf %add3A_1021, %get3A_1027 : vector<16xf32>
      %mul3A_1029 = arith.mulf %sub3A_1028, %sub3A_1028 : vector<16xf32>
      %add3A_1030 = arith.addf %add3A_988, %mul3A_1029 : vector<16xf32>
      %get3A_1031 = arith.constant 1 : i32
      %get3A_1032 = arith.index_cast %get3A_1031 : i32 to index
      %get3A_1033 = arith.index_cast %mul3A_906 : i32 to index
      %get3A_1034 = arith.constant 48 : index
      %get3A_1035 = tpu.vector_load %arg7[%get3A_1032, %get3A_1033, %get3A_1034] {strides = array<i32>} : memref<2x256x128xf32, #tpu.memory_space<vmem>>, vector<1x1x16xf32>,
      %get3A_1036 = vector.shape_cast %get3A_1035 : vector<1x1x16xf32> to vector<16xf32>
      %add3A_1037 = arith.constant 1 : i32
      %add3A_1038 = arith.addi %mul3A_906, %add3A_1037 : i32
      %get3A_1039 = arith.constant 1 : i32
      %get3A_1040 = arith.index_cast %get3A_1039 : i32 to index
      %get3A_1041 = arith.index_cast %add3A_1038 : i32 to index
      %get3A_1042 = arith.constant 48 : index
      %get3A_1043 = tpu.vector_load %arg7[%get3A_1040, %get3A_1041, %get3A_1042] {strides = array<i32>} : memref<2x256x128xf32, #tpu.memory_space<vmem>>, vector<1x1x16xf32>,
      %get3A_1044 = vector.shape_cast %get3A_1043 : vector<1x1x16xf32> to vector<16xf32>
      %add3A_1045 = arith.addf %get3A_1036, %get3A_1044 : vector<16xf32>
      %add3A_1046 = arith.constant 2 : i32
      %add3A_1047 = arith.addi %mul3A_906, %add3A_1046 : i32
      %get3A_1048 = arith.constant 1 : i32
      %get3A_1049 = arith.index_cast %get3A_1048 : i32 to index
      %get3A_1050 = arith.index_cast %add3A_1047 : i32 to index
      %get3A_1051 = arith.constant 48 : index
      %get3A_1052 = tpu.vector_load %arg7[%get3A_1049, %get3A_1050, %get3A_1051] {strides = array<i32>} : memref<2x256x128xf32, #tpu.memory_space<vmem>>, vector<1x1x16xf32>,
      %get3A_1053 = vector.shape_cast %get3A_1052 : vector<1x1x16xf32> to vector<16xf32>
      %add3A_1054 = arith.constant 3 : i32
      %add3A_1055 = arith.addi %mul3A_906, %add3A_1054 : i32
      %get3A_1056 = arith.constant 1 : i32
      %get3A_1057 = arith.index_cast %get3A_1056 : i32 to index
      %get3A_1058 = arith.index_cast %add3A_1055 : i32 to index
      %get3A_1059 = arith.constant 48 : index
      %get3A_1060 = tpu.vector_load %arg7[%get3A_1057, %get3A_1058, %get3A_1059] {strides = array<i32>} : memref<2x256x128xf32, #tpu.memory_space<vmem>>, vector<1x1x16xf32>,
      %get3A_1061 = vector.shape_cast %get3A_1060 : vector<1x1x16xf32> to vector<16xf32>
      %add3A_1062 = arith.addf %get3A_1053, %get3A_1061 : vector<16xf32>
      %add3A_1063 = arith.addf %add3A_1045, %add3A_1062 : vector<16xf32>
      %get3A_1064 = arith.constant 1 : i32
      %get3A_1065 = arith.index_cast %get3A_1064 : i32 to index
      %get3A_1066 = arith.index_cast %scan3A_903 : i32 to index
      %get3A_1067 = arith.constant 48 : index
      %get3A_1068 = tpu.vector_load %arg8[%get3A_1065, %get3A_1066, %get3A_1067] {strides = array<i32>} : memref<2x64x100xf32, #tpu.memory_space<vmem>>, vector<1x1x16xf32>,
      %get3A_1069 = vector.shape_cast %get3A_1068 : vector<1x1x16xf32> to vector<16xf32>
      %sub3A_1070 = arith.subf %add3A_1063, %get3A_1069 : vector<16xf32>
      %mul3A_1071 = arith.mulf %sub3A_1070, %sub3A_1070 : vector<16xf32>
      %add3A_1072 = arith.addf %add3A_1030, %mul3A_1071 : vector<16xf32>
      %get3A_1073 = arith.constant 1 : i32
      %get3A_1074 = arith.index_cast %get3A_1073 : i32 to index
      %get3A_1075 = arith.index_cast %mul3A_906 : i32 to index
      %get3A_1076 = arith.constant 64 : index
      %get3A_1077 = tpu.vector_load %arg7[%get3A_1074, %get3A_1075, %get3A_1076] {strides = array<i32>} : memref<2x256x128xf32, #tpu.memory_space<vmem>>, vector<1x1x16xf32>,
      %get3A_1078 = vector.shape_cast %get3A_1077 : vector<1x1x16xf32> to vector<16xf32>
      %add3A_1079 = arith.constant 1 : i32
      %add3A_1080 = arith.addi %mul3A_906, %add3A_1079 : i32
      %get3A_1081 = arith.constant 1 : i32
      %get3A_1082 = arith.index_cast %get3A_1081 : i32 to index
      %get3A_1083 = arith.index_cast %add3A_1080 : i32 to index
      %get3A_1084 = arith.constant 64 : index
      %get3A_1085 = tpu.vector_load %arg7[%get3A_1082, %get3A_1083, %get3A_1084] {strides = array<i32>} : memref<2x256x128xf32, #tpu.memory_space<vmem>>, vector<1x1x16xf32>,
      %get3A_1086 = vector.shape_cast %get3A_1085 : vector<1x1x16xf32> to vector<16xf32>
      %add3A_1087 = arith.addf %get3A_1078, %get3A_1086 : vector<16xf32>
      %add3A_1088 = arith.constant 2 : i32
      %add3A_1089 = arith.addi %mul3A_906, %add3A_1088 : i32
      %get3A_1090 = arith.constant 1 : i32
      %get3A_1091 = arith.index_cast %get3A_1090 : i32 to index
      %get3A_1092 = arith.index_cast %add3A_1089 : i32 to index
      %get3A_1093 = arith.constant 64 : index
      %get3A_1094 = tpu.vector_load %arg7[%get3A_1091, %get3A_1092, %get3A_1093] {strides = array<i32>} : memref<2x256x128xf32, #tpu.memory_space<vmem>>, vector<1x1x16xf32>,
      %get3A_1095 = vector.shape_cast %get3A_1094 : vector<1x1x16xf32> to vector<16xf32>
      %add3A_1096 = arith.constant 3 : i32
      %add3A_1097 = arith.addi %mul3A_906, %add3A_1096 : i32
      %get3A_1098 = arith.constant 1 : i32
      %get3A_1099 = arith.index_cast %get3A_1098 : i32 to index
      %get3A_1100 = arith.index_cast %add3A_1097 : i32 to index
      %get3A_1101 = arith.constant 64 : index
      %get3A_1102 = tpu.vector_load %arg7[%get3A_1099, %get3A_1100, %get3A_1101] {strides = array<i32>} : memref<2x256x128xf32, #tpu.memory_space<vmem>>, vector<1x1x16xf32>,
      %get3A_1103 = vector.shape_cast %get3A_1102 : vector<1x1x16xf32> to vector<16xf32>
      %add3A_1104 = arith.addf %get3A_1095, %get3A_1103 : vector<16xf32>
      %add3A_1105 = arith.addf %add3A_1087, %add3A_1104 : vector<16xf32>
      %get3A_1106 = arith.constant 1 : i32
      %get3A_1107 = arith.index_cast %get3A_1106 : i32 to index
      %get3A_1108 = arith.index_cast %scan3A_903 : i32 to index
      %get3A_1109 = arith.constant 64 : index
      %get3A_1110 = tpu.vector_load %arg8[%get3A_1107, %get3A_1108, %get3A_1109] {strides = array<i32>} : memref<2x64x100xf32, #tpu.memory_space<vmem>>, vector<1x1x16xf32>,
      %get3A_1111 = vector.shape_cast %get3A_1110 : vector<1x1x16xf32> to vector<16xf32>
      %sub3A_1112 = arith.subf %add3A_1105, %get3A_1111 : vector<16xf32>
      %mul3A_1113 = arith.mulf %sub3A_1112, %sub3A_1112 : vector<16xf32>
      %add3A_1114 = arith.addf %add3A_1072, %mul3A_1113 : vector<16xf32>
      %get3A_1115 = arith.constant 1 : i32
      %get3A_1116 = arith.index_cast %get3A_1115 : i32 to index
      %get3A_1117 = arith.index_cast %mul3A_906 : i32 to index
      %get3A_1118 = arith.constant 80 : index
      %get3A_1119 = tpu.vector_load %arg7[%get3A_1116, %get3A_1117, %get3A_1118] {strides = array<i32>} : memref<2x256x128xf32, #tpu.memory_space<vmem>>, vector<1x1x16xf32>,
      %get3A_1120 = vector.shape_cast %get3A_1119 : vector<1x1x16xf32> to vector<16xf32>
      %add3A_1121 = arith.constant 1 : i32
      %add3A_1122 = arith.addi %mul3A_906, %add3A_1121 : i32
      %get3A_1123 = arith.constant 1 : i32
      %get3A_1124 = arith.index_cast %get3A_1123 : i32 to index
      %get3A_1125 = arith.index_cast %add3A_1122 : i32 to index
      %get3A_1126 = arith.constant 80 : index
      %get3A_1127 = tpu.vector_load %arg7[%get3A_1124, %get3A_1125, %get3A_1126] {strides = array<i32>} : memref<2x256x128xf32, #tpu.memory_space<vmem>>, vector<1x1x16xf32>,
      %get3A_1128 = vector.shape_cast %get3A_1127 : vector<1x1x16xf32> to vector<16xf32>
      %add3A_1129 = arith.addf %get3A_1120, %get3A_1128 : vector<16xf32>
      %add3A_1130 = arith.constant 2 : i32
      %add3A_1131 = arith.addi %mul3A_906, %add3A_1130 : i32
      %get3A_1132 = arith.constant 1 : i32
      %get3A_1133 = arith.index_cast %get3A_1132 : i32 to index
      %get3A_1134 = arith.index_cast %add3A_1131 : i32 to index
      %get3A_1135 = arith.constant 80 : index
      %get3A_1136 = tpu.vector_load %arg7[%get3A_1133, %get3A_1134, %get3A_1135] {strides = array<i32>} : memref<2x256x128xf32, #tpu.memory_space<vmem>>, vector<1x1x16xf32>,
      %get3A_1137 = vector.shape_cast %get3A_1136 : vector<1x1x16xf32> to vector<16xf32>
      %add3A_1138 = arith.constant 3 : i32
      %add3A_1139 = arith.addi %mul3A_906, %add3A_1138 : i32
      %get3A_1140 = arith.constant 1 : i32
      %get3A_1141 = arith.index_cast %get3A_1140 : i32 to index
      %get3A_1142 = arith.index_cast %add3A_1139 : i32 to index
      %get3A_1143 = arith.constant 80 : index
      %get3A_1144 = tpu.vector_load %arg7[%get3A_1141, %get3A_1142, %get3A_1143] {strides = array<i32>} : memref<2x256x128xf32, #tpu.memory_space<vmem>>, vector<1x1x16xf32>,
      %get3A_1145 = vector.shape_cast %get3A_1144 : vector<1x1x16xf32> to vector<16xf32>
      %add3A_1146 = arith.addf %get3A_1137, %get3A_1145 : vector<16xf32>
      %add3A_1147 = arith.addf %add3A_1129, %add3A_1146 : vector<16xf32>
      %get3A_1148 = arith.constant 1 : i32
      %get3A_1149 = arith.index_cast %get3A_1148 : i32 to index
      %get3A_1150 = arith.index_cast %scan3A_903 : i32 to index
      %get3A_1151 = arith.constant 80 : index
      %get3A_1152 = tpu.vector_load %arg8[%get3A_1149, %get3A_1150, %get3A_1151] {strides = array<i32>} : memref<2x64x100xf32, #tpu.memory_space<vmem>>, vector<1x1x16xf32>,
      %get3A_1153 = vector.shape_cast %get3A_1152 : vector<1x1x16xf32> to vector<16xf32>
      %sub3A_1154 = arith.subf %add3A_1147, %get3A_1153 : vector<16xf32>
      %mul3A_1155 = arith.mulf %sub3A_1154, %sub3A_1154 : vector<16xf32>
      %add3A_1156 = arith.addf %add3A_1114, %mul3A_1155 : vector<16xf32>
      %get3A_1157 = arith.constant 1 : i32
      %get3A_1158 = arith.index_cast %get3A_1157 : i32 to index
      %get3A_1159 = arith.index_cast %mul3A_906 : i32 to index
      %get3A_1160 = arith.constant 84 : index
      %get3A_1161 = tpu.vector_load %arg7[%get3A_1158, %get3A_1159, %get3A_1160] {strides = array<i32>} : memref<2x256x128xf32, #tpu.memory_space<vmem>>, vector<1x1x16xf32>,
      %get3A_1162 = vector.shape_cast %get3A_1161 : vector<1x1x16xf32> to vector<16xf32>
      %add3A_1163 = arith.constant 1 : i32
      %add3A_1164 = arith.addi %mul3A_906, %add3A_1163 : i32
      %get3A_1165 = arith.constant 1 : i32
      %get3A_1166 = arith.index_cast %get3A_1165 : i32 to index
      %get3A_1167 = arith.index_cast %add3A_1164 : i32 to index
      %get3A_1168 = arith.constant 84 : index
      %get3A_1169 = tpu.vector_load %arg7[%get3A_1166, %get3A_1167, %get3A_1168] {strides = array<i32>} : memref<2x256x128xf32, #tpu.memory_space<vmem>>, vector<1x1x16xf32>,
      %get3A_1170 = vector.shape_cast %get3A_1169 : vector<1x1x16xf32> to vector<16xf32>
      %add3A_1171 = arith.addf %get3A_1162, %get3A_1170 : vector<16xf32>
      %add3A_1172 = arith.constant 2 : i32
      %add3A_1173 = arith.addi %mul3A_906, %add3A_1172 : i32
      %get3A_1174 = arith.constant 1 : i32
      %get3A_1175 = arith.index_cast %get3A_1174 : i32 to index
      %get3A_1176 = arith.index_cast %add3A_1173 : i32 to index
      %get3A_1177 = arith.constant 84 : index
      %get3A_1178 = tpu.vector_load %arg7[%get3A_1175, %get3A_1176, %get3A_1177] {strides = array<i32>} : memref<2x256x128xf32, #tpu.memory_space<vmem>>, vector<1x1x16xf32>,
      %get3A_1179 = vector.shape_cast %get3A_1178 : vector<1x1x16xf32> to vector<16xf32>
      %add3A_1180 = arith.constant 3 : i32
      %add3A_1181 = arith.addi %mul3A_906, %add3A_1180 : i32
      %get3A_1182 = arith.constant 1 : i32
      %get3A_1183 = arith.index_cast %get3A_1182 : i32 to index
      %get3A_1184 = arith.index_cast %add3A_1181 : i32 to index
      %get3A_1185 = arith.constant 84 : index
      %get3A_1186 = tpu.vector_load %arg7[%get3A_1183, %get3A_1184, %get3A_1185] {strides = array<i32>} : memref<2x256x128xf32, #tpu.memory_space<vmem>>, vector<1x1x16xf32>,
      %get3A_1187 = vector.shape_cast %get3A_1186 : vector<1x1x16xf32> to vector<16xf32>
      %add3A_1188 = arith.addf %get3A_1179, %get3A_1187 : vector<16xf32>
      %add3A_1189 = arith.addf %add3A_1171, %add3A_1188 : vector<16xf32>
      %get3A_1190 = arith.constant 1 : i32
      %get3A_1191 = arith.index_cast %get3A_1190 : i32 to index
      %get3A_1192 = arith.index_cast %scan3A_903 : i32 to index
      %get3A_1193 = arith.constant 84 : index
      %get3A_1194 = tpu.vector_load %arg8[%get3A_1191, %get3A_1192, %get3A_1193] {strides = array<i32>} : memref<2x64x100xf32, #tpu.memory_space<vmem>>, vector<1x1x16xf32>,
      %get3A_1195 = vector.shape_cast %get3A_1194 : vector<1x1x16xf32> to vector<16xf32>
      %sub3A_1196 = arith.subf %add3A_1189, %get3A_1195 : vector<16xf32>
      %select_n3A_1197 = arith.select %ge3A_2, %sub3A_1196, %broadcast_in_dim3A_3 : vector<16xi1>, vector<16xf32>
      %mul3A_1198 = arith.mulf %select_n3A_1197, %select_n3A_1197 : vector<16xf32>
      %add3A_1199 = arith.addf %add3A_1156, %mul3A_1198 : vector<16xf32>
      scf.yield %add3A_1199 : vector<16xf32>
    }
    %scan3A_841 = arith.constant 64 : i32
    %iota3A_842 = tpu.iota {dimensions = array<i32: 0>} : vector<16xi32>
    %xor3A = arith.constant 8 : i32
    %xor3A_843 = vector.broadcast %xor3A : i32 to vector<16xi32>
    %xor3A_844 = arith.xori %iota3A_842, %xor3A_843 : vector<16xi32>
    %lt3A = arith.constant 0 : i32
    %lt3A_845 = vector.broadcast %lt3A : i32 to vector<16xi32>
    %lt3A_846 = arith.cmpi slt, %xor3A_844, %lt3A_845 : vector<16xi32>
    %add3A_847 = arith.constant 16 : i32
    %add3A_848 = vector.broadcast %add3A_847 : i32 to vector<16xi32>
    %add3A_849 = arith.addi %xor3A_844, %add3A_848 : vector<16xi32>
    %select_n3A = arith.select %lt3A_846, %add3A_849, %xor3A_844 : vector<16xi1>, vector<16xi32>
    %broadcast_in_dim3A_850 = vector.shape_cast %select_n3A : vector<16xi32> to vector<16x1xi32>
    %gather3A = vector.shape_cast %broadcast_in_dim3A_850 : vector<16x1xi32> to vector<16xi32>
    %gather3A_851 = tpu.dynamic_gather %scan3A_840[%gather3A] in [0] : vector<16xf32>, vector<16xi32> -> vector<16xf32>
    %add3A_852 = arith.addf %scan3A_840, %gather3A_851 : vector<16xf32>
    %xor3A_853 = arith.constant 4 : i32
    %xor3A_854 = vector.broadcast %xor3A_853 : i32 to vector<16xi32>
    %xor3A_855 = arith.xori %iota3A_842, %xor3A_854 : vector<16xi32>
    %lt3A_856 = arith.constant 0 : i32
    %lt3A_857 = vector.broadcast %lt3A_856 : i32 to vector<16xi32>
    %lt3A_858 = arith.cmpi slt, %xor3A_855, %lt3A_857 : vector<16xi32>
    %add3A_859 = arith.constant 16 : i32
    %add3A_860 = vector.broadcast %add3A_859 : i32 to vector<16xi32>
    %add3A_861 = arith.addi %xor3A_855, %add3A_860 : vector<16xi32>
    %select_n3A_862 = arith.select %lt3A_858, %add3A_861, %xor3A_855 : vector<16xi1>, vector<16xi32>
    %broadcast_in_dim3A_863 = vector.shape_cast %select_n3A_862 : vector<16xi32> to vector<16x1xi32>
    %gather3A_864 = vector.shape_cast %broadcast_in_dim3A_863 : vector<16x1xi32> to vector<16xi32>
    %gather3A_865 = tpu.dynamic_gather %add3A_852[%gather3A_864] in [0] : vector<16xf32>, vector<16xi32> -> vector<16xf32>
    %add3A_866 = arith.addf %add3A_852, %gather3A_865 : vector<16xf32>
    %xor3A_867 = arith.constant 2 : i32
    %xor3A_868 = vector.broadcast %xor3A_867 : i32 to vector<16xi32>
    %xor3A_869 = arith.xori %iota3A_842, %xor3A_868 : vector<16xi32>
    %lt3A_870 = arith.constant 0 : i32
    %lt3A_871 = vector.broadcast %lt3A_870 : i32 to vector<16xi32>
    %lt3A_872 = arith.cmpi slt, %xor3A_869, %lt3A_871 : vector<16xi32>
    %add3A_873 = arith.constant 16 : i32
    %add3A_874 = vector.broadcast %add3A_873 : i32 to vector<16xi32>
    %add3A_875 = arith.addi %xor3A_869, %add3A_874 : vector<16xi32>
    %select_n3A_876 = arith.select %lt3A_872, %add3A_875, %xor3A_869 : vector<16xi1>, vector<16xi32>
    %broadcast_in_dim3A_877 = vector.shape_cast %select_n3A_876 : vector<16xi32> to vector<16x1xi32>
    %gather3A_878 = vector.shape_cast %broadcast_in_dim3A_877 : vector<16x1xi32> to vector<16xi32>
    %gather3A_879 = tpu.dynamic_gather %add3A_866[%gather3A_878] in [0] : vector<16xf32>, vector<16xi32> -> vector<16xf32>
    %add3A_880 = arith.addf %add3A_866, %gather3A_879 : vector<16xf32>
    %xor3A_881 = arith.constant 1 : i32
    %xor3A_882 = vector.broadcast %xor3A_881 : i32 to vector<16xi32>
    %xor3A_883 = arith.xori %iota3A_842, %xor3A_882 : vector<16xi32>
    %lt3A_884 = arith.constant 0 : i32
    %lt3A_885 = vector.broadcast %lt3A_884 : i32 to vector<16xi32>
    %lt3A_886 = arith.cmpi slt, %xor3A_883, %lt3A_885 : vector<16xi32>
    %add3A_887 = arith.constant 16 : i32
    %add3A_888 = vector.broadcast %add3A_887 : i32 to vector<16xi32>
    %add3A_889 = arith.addi %xor3A_883, %add3A_888 : vector<16xi32>
    %select_n3A_890 = arith.select %lt3A_886, %add3A_889, %xor3A_883 : vector<16xi1>, vector<16xi32>
    %broadcast_in_dim3A_891 = vector.shape_cast %select_n3A_890 : vector<16xi32> to vector<16x1xi32>
    %gather3A_892 = vector.shape_cast %broadcast_in_dim3A_891 : vector<16x1xi32> to vector<16xi32>
    %gather3A_893 = tpu.dynamic_gather %add3A_880[%gather3A_892] in [0] : vector<16xf32>, vector<16xi32> -> vector<16xf32>
    %add3A_894 = arith.addf %add3A_880, %gather3A_893 : vector<16xf32>
    %mul3A_895 = arith.constant 6.10351549E-7 : f32
    %mul3A_896 = vector.broadcast %mul3A_895 : f32 to vector<16xf32>
    %mul3A_897 = arith.mulf %add3A_894, %mul3A_896 : vector<16xf32>
    %swap3A = arith.constant 0 : index
    %swap3A_898 = tpu.vector_load %arg9[%swap3A] {strides = array<i32>} : memref<16xf32, #tpu.memory_space<vmem>>, vector<16xf32>,
    %swap3A_899 = vector.shape_cast %swap3A_898 : vector<16xf32> to vector<16xf32>
    %swap3A_900 = vector.shape_cast %mul3A_897 : vector<16xf32> to vector<16xf32>
    tpu.vector_store %arg9[%swap3A], %swap3A_900 {strides = array<i32>} : memref<16xf32, #tpu.memory_space<vmem>>, vector<16xf32>,
    %mul3A_901 = arith.constant 16 : i32
    %mul3A_902 = arith.muli %add3A, %mul3A_901 : i32
    "tpu.region"() ({
      %run_scoped3A_903 = tpu.sem_alloc : memref<!tpu.dma_semaphore, #tpu.memory_space<semaphore_mem>>
      %dma_start3A_904 = tpu.memref_slice %arg5[%mul3A_902] : memref<512xf32, #tpu.memory_space<hbm>> -> memref<16xf32, #tpu.memory_space<hbm>>
      %dma_start3A_905 = tpu.memref_slice %arg5[%mul3A_902] : memref<512xf32, #tpu.memory_space<hbm>> -> memref<16xf32, #tpu.memory_space<hbm>>
      tpu.enqueue_dma source(%arg9 : memref<16xf32, #tpu.memory_space<vmem>>) target(%dma_start3A_905 : memref<16xf32, #tpu.memory_space<hbm>>) target_semaphore(%run_scoped3A_903 : memref<!tpu.dma_semaphore, #tpu.memory_space<semaphore_mem>>)
      %dma_wait3A_906 = tpu.memref_slice %arg5[%mul3A_902] : memref<512xf32, #tpu.memory_space<hbm>> -> memref<16xf32, #tpu.memory_space<hbm>>
      %dma_wait3A_907 = tpu.memref_slice %arg5[%mul3A_902] : memref<512xf32, #tpu.memory_space<hbm>> -> memref<16xf32, #tpu.memory_space<hbm>>
      tpu.wait_dma2 semaphore(%run_scoped3A_903 : memref<!tpu.dma_semaphore, #tpu.memory_space<semaphore_mem>>) src(%arg9 : memref<16xf32, #tpu.memory_space<vmem>>) dst(%dma_wait3A_907 : memref<16xf32, #tpu.memory_space<hbm>>)
      tpu.yield
    }) : () -> ()
    return
  }
}

module attributes {stable_mosaic.version = 14 : i64} {
  func.func @_project_body(%arg0: i32, %arg1: memref<10000x100xf32, #tpu.memory_space<vmem>>, %arg2: memref<1x100x128xf32, #tpu.memory_space<vmem>>, %arg3: memref<1x10000x128xf32, #tpu.memory_space<vmem>>) attributes {dimension_semantics = [#tpu.dimension_semantics<arbitrary>], iteration_bounds = array<i64: 4>, scalar_prefetch = 0 : i64, scratch_operands = 0 : i64, tpu.core_type = #tpu.core_type<tc>, window_params = [{pipeline_mode = #tpu.pipeline_mode<synchronous>, transform_indices = @transform_0, window_bounds = array<i64: 10000, 100>}, {transform_indices = @transform_1, window_bounds = array<i64: 1, 100, 128>}, {transform_indices = @transform_2, window_bounds = array<i64: 1, 10000, 128>}]} {
    %get3A = arith.constant 0 : index
    %get3A_0 = arith.constant 0 : index
    %get3A_1 = vector.load %arg1[%get3A, %get3A_0] : memref<10000x100xf32, #tpu.memory_space<vmem>>, vector<10000x100xf32>
    %get3A_2 = arith.constant 0 : index
    %get3A_3 = arith.constant 0 : index
    %get3A_4 = arith.constant 0 : index
    %get3A_5 = vector.load %arg2[%get3A_2, %get3A_3, %get3A_4] : memref<1x100x128xf32, #tpu.memory_space<vmem>>, vector<1x100x128xf32>
    %get3A_6 = vector.shape_cast %get3A_5 : vector<1x100x128xf32> to vector<100x128xf32>
    %dot_general3A = arith.constant dense<0.000000e+00> : vector<10000x128xf32>
    %dot_general3A_7 = tpu.matmul %get3A_1, %get3A_6, %dot_general3A {dimension_numbers = #tpu.dot_dimension_numbers<[1], [0], [0], [1], [0, 0, 1, 1], [], []>, transpose_lhs_hint = false} : vector<10000x100xf32>, vector<100x128xf32>, vector<10000x128xf32> -> vector<10000x128xf32>
    %swap3A = arith.constant 0 : index
    %swap3A_8 = arith.constant 0 : index
    %swap3A_9 = arith.constant 0 : index
    %swap3A_10 = vector.load %arg3[%swap3A, %swap3A_8, %swap3A_9] : memref<1x10000x128xf32, #tpu.memory_space<vmem>>, vector<1x10000x128xf32>
    %swap3A_11 = vector.shape_cast %swap3A_10 : vector<1x10000x128xf32> to vector<10000x128xf32>
    %swap3A_12 = vector.shape_cast %dot_general3A_7 : vector<10000x128xf32> to vector<1x10000x128xf32>
    tpu.vector_store %arg3[%swap3A, %swap3A_8, %swap3A_9], %swap3A_12 {strides = array<i32>} : memref<1x10000x128xf32, #tpu.memory_space<vmem>>, vector<1x10000x128xf32>,
    return
  }
  func.func @transform_0(%arg0: i32) -> (i32, i32) {
    %c0_i32 = arith.constant 0 : i32
    %c0_i32_0 = arith.constant 0 : i32
    %c0_i32_1 = arith.constant 0 : i32
    return %c0_i32, %c0_i32_0 : i32, i32
  }
  func.func @transform_1(%arg0: i32) -> (i32, i32, i32) {
    %c0_i32 = arith.constant 0 : i32
    %c0_i32_0 = arith.constant 0 : i32
    %c0_i32_1 = arith.constant 0 : i32
    return %arg0, %c0_i32, %c0_i32_0 : i32, i32, i32
  }
  func.func @transform_2(%arg0: i32) -> (i32, i32, i32) {
    %c0_i32 = arith.constant 0 : i32
    %c0_i32_0 = arith.constant 0 : i32
    %c0_i32_1 = arith.constant 0 : i32
    return %arg0, %c0_i32, %c0_i32_0 : i32, i32, i32
  }
}

</mosaic_0001>

<sc_bundles>
// kernel: kernel.4.cloned.1.call-start
scs
__scs_entry_jumppad:
0x0: {  	(pc) =	sbr.rel $0x88, $3  }
0x1: {  	(tag) =	ssettag $0x0;
	lr =	simm.s32 $0x1  }
0x2: {  	[smem:$0x3F9C] =	sst lr;
	_ =	strace $0xD0000000  }
0x3: {  	_ = 	snop  }
0x4: {  	_ = 	snop  }
0x5: {  	_ = 	snop  }
0x6: {  	_ = 	snop  }
0x7: {  	_ = 	snop  }
__scs_overlays_trampoline_lowered:
0x8: {  	[smem:$0x3FAB] =	sst s0  }
0x9: {  	[smem:$0x3FAC] =	sst s1  }
0xa: {  	[smem:$0x3FAD] =	sst s2  }
0xb: {  	[smem:$0x3FAE] =	sst s3  }
0xc: {  	[smem:$0x3FAF] =	sst s4  }
0xd: {  	[smem:$0x3FB0] =	sst s5  }
0xe: {  	[smem:$0x3FB1] =	sst s6  }
0xf: {  	[smem:$0x3FB2] =	sst s7  }
0x10: {  	[smem:$0x3FB3] =	sst s8  }
0x11: {  	[smem:$0x3FB4] =	sst s9;
	s0 =	simm.s32 @!p0 $0x0  }
0x12: {  	s1 =	sld [smem:$0x3F9A];
	s0 =	simm.s32 @p0 $0x1  }
0x13: {  	[smem:$0x3FB5] =	sst s0;
	s0 =	simm.s32 @!p1 $0x0  }
0x14: {  	s2 =	sld [smem:$0x3F99];
	s0 =	simm.s32 @p1 $0x1  }
0x15: {  	[smem:$0x3FB6] =	sst s0;
	s0 =	simm.s32 @!p2 $0x0  }
0x16: {  	s3 =	sld [smem:$0x3FDB];
	s0 =	simm.s32 @p2 $0x1  }
0x17: {  	s4 =	simm.s32 $0x1BF5;
	[smem:$0x3FB8] =	sst s0  }
0x18: {  	s0 =	sld [smem:$0x3F9B];
	_ =	swait.ge [sflag:s4], $0x0  }
0x19: {  	s7 =	sld [smem:$0x3F9C]  }
0x1a: {  	s8 =	sadd.s32 $0xFFFFE003, lr  }
0x1b: {  	s9 =	sadd.s32 $0xFFFFFEF7, lr;
	s5 =	simm.s32 $0xFFFFFFFF;
	p2 =	slt.u32 s8, $0xFFFFF086  }
0x1c: {  	p1 =	slt.u32 s9, $0xF7A;
	s5 =	simm.s32 @!p2 $0x0  }
0x1d: {  	s5 =	simm.s32 @p1 $0x1;
	p0 =	seq.s32 s7, s2  }
0x1e: {  	s7 =	smul.u32 @!p0 $0xF7A, s2;
	p2 =	seq.s32 @!p0 s5, $0x0  }
0x1f: {  	s9 =	smul.u32 $0xF7A, s1;
	s8 =	simm.s32 @!p0 $0x1BF5;
	p2 =	por !p2, p0  }
0x20: {  	[sflag:s8] =	ssyncset.s32 @!p0 $0xFFFFF086;
	s6 =	sadd.s32 @!p0 s3, s7;
	s7 =	simm.s32 @!p0 $0x108  }
0x21: {  	s3 =	sadd.s32 s3, s9;
	s6 =	sadd.s32 @!p0 $0x88, s6;
	s7 =	simm.s32 @p2 $0x1082  }
0x22: {  	[simem:s7], [sflag:s8] =	dma.local @!p0 [hbm:s6], $0xF7A  }
0x23: {  	s9 =	sor.u32 $0xD0000000, s2;
	s6 =	simm.s32 $0x108;
	_ =	swait.ge @!p0 [sflag:s8], $0x0  }
0x24: {  	s3 =	sadd.s32 $0x88, s3;
	s6 =	simm.s32 @!p1 $0x1082;
	[sflag:s4] =	ssyncset.s32 $0xFFFFF086  }
0x25: {  	[simem:s6], [sflag:s4] =	dma.local [hbm:s3], $0xF7A  }
0x26: {  	[smem:$0x3F9C] =	sst s1;
	(tag) =	ssettag s2;
	_ =	strace s9  }
0x27: {  	s1 =	sld [smem:$0x3FAC]  }
0x28: {  	s2 =	sld [smem:$0x3FAD]  }
0x29: {  	s4 =	sld [smem:$0x3FAF]  }
0x2a: {  	p0 =	seq.s32 s5, $0x0;
	s5 =	sld [smem:$0x3FB0]  }
0x2b: {  	s6 =	sld [smem:$0x3FB1]  }
0x2c: {  	s7 =	sld [smem:$0x3FB2]  }
0x2d: {  	s3 =	simm.s32 $0x108;
	s8 =	sld [smem:$0x3FB3]  }
0x2e: {  	s3 =	simm.s32 @!p0 $0x1082;
	s9 =	sld [smem:$0x3FB4]  }
0x2f: {  	lr =	sadd.s32 s0, s3;
	s0 =	sld [smem:$0x3FAB]  }
0x30: {  	s3 =	sld [smem:$0x3FAE]  }
0x31: {  	[smem:$0x3FB7] =	sst s10  }
0x32: {  	s10 =	sld [smem:$0x3FB5];
	_ =	sdelay $0x3  }
0x33: {  	p0 =	seq.s32 s10, $0x1;
	s10 =	sld [smem:$0x3FB7];
	_ =	sdelay $0x3  }
0x34: {  	[smem:$0x3FB7] =	sst s10  }
0x35: {  	s10 =	sld [smem:$0x3FB6];
	_ =	sdelay $0x3  }
0x36: {  	p1 =	seq.s32 s10, $0x1;
	s10 =	sld [smem:$0x3FB7];
	_ =	sdelay $0x3  }
0x37: {  	[smem:$0x3FB7] =	sst s10  }
0x38: {  	s10 =	sld [smem:$0x3FB8]  }
0x39: {  	_ = 	snop;
	(pc) =	sbr.ind lr, $3  }
0x3a: {  	_ = 	snop  }
0x3b: {  	_ = 	snop  }
0x3c: {  	p2 =	seq.s32 s10, $0x1;
	s10 =	sld [smem:$0x3FB7]  }
0x3d: {  	_ =	shalt  }
0x3e: {  	_ =	shalt  }
0x3f: {  	_ =	shalt  }
0x40: {  	_ =	shalt  }
0x41: {  	_ =	shalt  }
0x42: {  	_ =	shalt  }
0x43: {  	_ =	shalt  }
0x44: {  	_ =	shalt  }
0x45: {  	_ =	shalt  }
0x46: {  	_ =	shalt  }
0x47: {  	_ =	shalt  }
0x48: {  	_ =	shalt  }
0x49: {  	_ =	shalt  }
0x4a: {  	_ =	shalt  }
0x4b: {  	_ =	shalt  }
0x4c: {  	_ =	shalt  }
0x4d: {  	_ =	shalt  }
0x4e: {  	_ =	shalt  }
0x4f: {  	_ =	shalt  }
0x50: {  	_ =	shalt  }
0x51: {  	_ =	shalt  }
0x52: {  	_ =	shalt  }
0x53: {  	_ =	shalt  }
0x54: {  	_ =	shalt  }
0x55: {  	_ =	shalt  }
0x56: {  	_ =	shalt  }
0x57: {  	_ =	shalt  }
0x58: {  	_ =	shalt  }
0x59: {  	_ =	shalt  }
0x5a: {  	_ =	shalt  }
0x5b: {  	_ =	shalt  }
0x5c: {  	_ =	shalt  }
0x5d: {  	_ =	shalt  }
0x5e: {  	_ =	shalt  }
0x5f: {  	_ =	shalt  }
0x60: {  	_ =	shalt  }
0x61: {  	_ =	shalt  }
0x62: {  	_ =	shalt  }
0x63: {  	_ =	shalt  }
0x64: {  	_ =	shalt  }
0x65: {  	_ =	shalt  }
0x66: {  	_ =	shalt  }
0x67: {  	_ =	shalt  }
0x68: {  	_ =	shalt  }
0x69: {  	_ =	shalt  }
0x6a: {  	_ =	shalt  }
0x6b: {  	_ =	shalt  }
0x6c: {  	_ =	shalt  }
0x6d: {  	_ =	shalt  }
0x6e: {  	_ =	shalt  }
0x6f: {  	_ =	shalt  }
0x70: {  	_ =	shalt  }
0x71: {  	_ =	shalt  }
0x72: {  	_ =	shalt  }
0x73: {  	_ =	shalt  }
0x74: {  	_ =	shalt  }
0x75: {  	_ =	shalt  }
0x76: {  	_ =	shalt  }
0x77: {  	_ =	shalt  }
0x78: {  	_ =	shalt  }
0x79: {  	_ =	shalt  }
0x7a: {  	_ =	shalt  }
0x7b: {  	_ =	shalt  }
0x7c: {  	_ =	shalt  }
0x7d: {  	_ =	shalt  }
0x7e: {  	_ =	shalt  }
0x7f: {  	_ =	shalt  }
0x80: {  	_ =	shalt  }
0x81: {  	_ =	shalt  }
0x82: {  	_ =	shalt  }
0x83: {  	_ =	shalt  }
0x84: {  	_ =	shalt  }
0x85: {  	_ =	shalt  }
0x86: {  	_ =	shalt  }
0x87: {  	_ =	shalt  }
.Lfunc_end0:
.L_simem_size_0:
called_computation_lowered:
.L_overlay_start_0:
0x88: {  	s2 =	sld [smem:$0x3FD9]  }
0x89: {  	s3 =	sld [smem:$0x3FFE];
	_ =	sdelay $0x1  }
0x8a: {  	s1 =	srdreg.scid  }
0x8b: {  	s0 =	sand.u32 $0x1, s1  }
0x8c: {  	s16 =	sshll.u32 s0, $0xA;
	s2 =	sadd.s32 s3, s2  }
0x8d: {  	s2 =	sadd.s32 s2, s16  }
0x8e: {  	[smem:$0x3FC3] =	sst s2  }
0x8f: {  	_ = 	snop  }
0x90: {  	(tm) =	ssettm $0x1  }
0x91: {  	s17 =	sld [smem:$0x3FFB];
	_ =	sdelay $0x3  }
0x92: {  	_ =	strace s17  }
0x93: {  	s2 =	sld [smem:$0x3FFC];
	_ =	sdelay $0x3  }
0x94: {  	_ =	strace s2  }
0x95: {  	s2 =	sld [smem:$0x3FFD];
	_ =	sdelay $0x3  }
0x96: {  	_ =	strace s2  }
0x97: {  	_ =	strace $0x8FFFFFFF  }
0x98: {  	s18 =	sld [smem:$0x3FDB];
	_ =	sdelay $0x1  }
0x99: {  	s19 =	simm.s32 $_scs_section_size  }
0x9a: {  	s4 =	simm.s32 $_size__tile_overlayer_lowered;
	s5 =	simm.s32 $_tile_overlayer_lowered  }
0x9b: {  	s22 =	simm.s32 $0x1BFF;
	s21 =	sshll.u32 s5, $0x1;
	s2 =	sadd.s32 s19, s18  }
0x9c: {  	s6 =	simm.s32 $0x0;
	s20 =	sshll.u32 s4, $0x1;
	s4 =	sadd.s32 s21, s2  }
0x9d: {  	[timem:s6], [sflag:s22] =	dma.local [hbm:s4], s20  }
0x9e: {  	_ =	swait.ge [sflag:s22], s20  }
0x9f: {  	s3 =	ssub.s32 $0x0, s20;
	[sflag:s22] =	ssyncset.done $0x0  }
0xa0: {  	[sflag:s22] =	ssyncadd.s32 s3;
	_ =	sdelay $0x1  }
0xa1: {  	s23 =	simm.s32 $0x1B8B  }
0xa2: {  	_ =	swait.ge [sflag:s23], $0x1  }
0xa3: {  	[sflag:s23] =	ssyncset.done $0x0  }
0xa4: {  	s25 =	simm.s32 $0x1B8E;
	s24 =	sld [smem:$0x3FFE];
	[sflag:s23] =	ssyncadd.s32 $0xFFFFFFFF  }
0xa5: {  	s26 =	simm.s32 $execute0_lowered;
	[smem:$0x3FD2] =	sst s25  }
0xa6: {  	s4 =	sshll.u32 s26, $0x1;
	_ =	strace $0x80000046;
	[dreg:$0x1] =	wrdreg $0xFFFFFFFF  }
0xa7: {  	s28 =	simm.s32 $_size_execute0_lowered;
	s2 =	sadd.s32 s2, s4;
	[dreg:$0x0] =	wrdreg $0x0  }
0xa8: {  	s4 =	sshll.u32 s28, $0x1;
	[dreg:$0x2] =	wrdreg s2  }
0xa9: {  	[dreg:$0x3] =	wrdreg s4  }
0xaa: {  	[dreg:$0x4] =	wrdreg $0xC0  }
0xab: {  	_ =	task [dreg:s6], $0x5FFFF  }
0xac: {  	[dreg:$0x1] =	wrdreg $0xFFFFFFFF  }
0xad: {  	[dreg:$0x0] =	wrdreg $0x60  }
0xae: {  	[dreg:$0x2] =	wrdreg s24  }
0xaf: {  	[dreg:$0x3] =	wrdreg $0x9  }
0xb0: {  	_ =	task.clear_ibuf [dreg:s6], $0x4FFFF;
	_ =	strace $0x90000046  }
0xb1: {  	s29 =	simm.s32 $0x9;
	_ =	strace $0x80000048  }
0xb2: {  	_ =	swait.ge [sflag:s29], $0x1  }
0xb3: {  	[sflag:s29] =	ssyncadd.s32 $0xFFFFFFFF  }
0xb4: {  	_ =	strace $0x90000048  }
0xb5: {  	_ =	sfence  }
0xb6: {  	s30 =	sld [smem:$0x0];
	_ =	sdelay $0x2  }
0xb7: {  	s31 =	sshll.u32 s1, $0xD;
	s1 =	sshrl.u32 s1, $0x2  }
0xb8: {  	s3 =	sand.u32 $0x4000, s31;
	s1 =	sadd.s32 s1, s30  }
0xb9: {  	s0 =	sor.u32 s3, s0;
	s1 =	sshll.u32 s1, $0x11  }
0xba: {  	s0 =	sor.u32 s1, s0  }
0xbb: {  	s0 =	sadd.s32 $0x8F2B, s0  }
0xbc: {  	[sflag:s0] =	ssyncadd.remote.s32 $0x1  }
0xbd: {  	_ =	sfence.sel $0xFFFF  }
0xbe: {  	[dreg:$0x0] =	wrdreg $0xFFFFFFFF;
	(pc) =	sbr.abs _section_cstart, $3  }
0xbf: {  	[dreg:$0x1] =	wrdreg $0xFFFFFFFF  }
0xc0: {  	_ =	task.clear_ibuf [dreg:s6], $0x2FFFF;
	_ =	strace $0x9FFFFFFF  }
0xc1: {  	(tm) =	ssettm $0x7FFFFFFF  }
tec
execute0_lowered:
.L_overlay_start_1:
0x0: {  	(tag) =	ssettag $0x1  }
0x1: {  	s0 =	rddreg [dreg:$0x0];
	s2 =	simm.s32 $0x0  }
0x2: {  	s1 =	srdreg.scid;
	s3 =	stileid.u32;
	s28 =	simm.s32 $0x4200  }
0x3: {  	s29 =	simm.s32 $0x10200;
	s30 =	simm.s32 $0x180;
	s31 =	simm.s32 $0x8200  }
0x4: {  	[smem:$0x7FF] =	sst s2;
	s1 =	sand.u32 $0x1, s1;
	s3 =	sshll.u32 s3, $0x1  }
0x5: {  	s5 =	sadd.s32 $0xE00, s0;
	s7 =	sadd.s32 $0x2E00, s0;
	_ =	strace $0x80000047  }
0x6: {  	s4 =	sor.u32 s1, s3;
	s1 =	ssub.s32 $0x2, s1;
	s3 =	sadd.s32 $0x42E00, s0  }
0x7: {  	s6 =	sshll.u32 s4, $0x1;
	s8 =	sshrl.u32 s1, $0x1;
	s9 =	sshll.u32 s4, $0x9  }
0x8: {  	s11 =	sshll.u32 s4, $0x8;
	s12 =	sshll.u32 s4, $0xD;
	s0 =	sadd.s32 s6, s0  }
0x9: {  	s1 =	ssub.s32 s1, s8;
	s4 =	sadd.s32 s5, s11;
	s13 =	sadd.s32 s7, s12  }
0xa: {  	s14 =	sor.u32 $0x40, s9;
	s11 =	sor.u32 $0x80, s9;
	s19 =	sor.u32 $0xC0, s9  }
0xb: {  	s21 =	sor.u32 $0x100, s9;
	s24 =	sor.u32 $0x180, s9;
	[dreg:$0x2] =	wrdreg s13  }
0xc: {  	s15 =	sshrl.u32 s14, $0x1;
	s10 =	sshll.u32 s14, $0x4;
	s17 =	sshrl.u32 s11, $0x1  }
0xd: {  	s18 =	sshll.u32 s11, $0x4;
	s20 =	sshrl.u32 s19, $0x1;
	s11 =	sshll.u32 s19, $0x4  }
0xe: {  	s12 =	sshrl.u32 s21, $0x1;
	s13 =	sor.u32 $0x140, s9;
	s9 =	sor.u32 $0x1C0, s9  }
0xf: {  	s6 =	sadd.s32 s5, s15;
	s16 =	sadd.s32 s7, s10;
	s8 =	sadd.s32 s5, s17  }
0x10: {  	s10 =	sadd.s32 s7, s18;
	s11 =	sadd.s32 s7, s11;
	s12 =	sadd.s32 s5, s12  }
0x11: {  	v0 =	vimm.s32 $0xFEDCBA98;
	v1 =	vimm.s32 $0x76543210;
	s22 =	sshrl.u32 s13, $0x1;
	s23 =	sshll.u32 s13, $0x4;
	s15 =	sshrl.u32 s24, $0x1  }
0x12: {  	v2 =	vimm.s32 $0xBA98FEDC;
	v3 =	vimm.s32 $0x32107654;
	v4 =	vimm.s32 $0xDCFE98BA;
	s13 =	sshll.u32 s24, $0x4;
	s26 =	sshrl.u32 s9, $0x1;
	s9 =	sshll.u32 s9, $0x4  }
0x13: {  	v5 =	vimm.s32 $0x54761032;
	v6 =	vimm.s32 $0xEFCDAB89;
	s18 =	sadd.s32 $0xDF200, s0;
	s24 =	simm.s32 $0x3;
	[dreg:$0x3] =	wrdreg s16  }
0x14: {  	v7 =	vimm.s32 $0x67452301;
	v0 =	vunpack.c.l.s4.s8 v0;
	v1 =	vunpack.c.l.s4.s8 v1;
	s0 =	simm.s32 $0xC200;
	[dreg:$0x4] =	wrdreg s10;
	s10 =	sadd.s32 s5, s20  }
0x15: {  	v2 =	vunpack.c.l.s4.s8 v2;
	v3 =	vunpack.c.l.s4.s8 v3;
	v4 =	vunpack.c.l.s4.s8 v4;
	[dreg:$0x5] =	wrdreg s11;
	s11 =	sshll.u32 s21, $0x4;
	s14 =	sadd.s32 s5, s22  }
0x16: {  	v5 =	vunpack.c.l.s4.s8 v5;
	v6 =	vunpack.c.l.s4.s8 v6;
	v7 =	vunpack.c.l.s4.s8 v7;
	s16 =	sadd.s32 s5, s15;
	s25 =	sadd.s32 s7, s13;
	s19 =	sadd.s32 s5, s26  }
0x17: {  	v0 =	vunpack.c.0.s8.s32 v0;
	v1 =	vunpack.c.0.s8.s32 v1;
	v2 =	vunpack.c.0.s8.s32 v2;
	s20 =	sadd.s32 s7, s9;
	s21 =	smax.u32 s1, $0x1;
	s22 =	sadd.s32 $0x10, s4  }
0x18: {  	v3 =	vunpack.c.0.s8.s32 v3;
	v4 =	vunpack.c.0.s8.s32 v4;
	v5 =	vunpack.c.0.s8.s32 v5;
	s26 =	simm.s32 $0x200;
	s1 =	simm.s32 $0x12200;
	s5 =	simm.s32 $0x1  }
0x19: {  	v6 =	vunpack.c.0.s8.s32 v6;
	v7 =	vunpack.c.0.s8.s32 v7;
	v0 =	vand.u32 $0xF, v0;
	s9 =	simm.s32 $0x0;
	s11 =	sadd.s32 s7, s11;
	[dreg:$0x8] =	wrdreg s25  }
0x1a: {  	v0 =	vcombine.low v0, v1;
	v1 =	vcombine.low v3, v2;
	s25 =	simm.s32 $0x80;
	[dreg:$0x6] =	wrdreg s11;
	s11 =	sadd.s32 s7, s23  }
0x1b: {  	vm0 =	vmmov $0xfff;
	v2 =	vcombine.low v5, v4;
	v3 =	vcombine.low v7, v6;
	s23 =	simm.s32 $0x100;
	s7 =	simm.s32 $0x2;
	[dreg:$0x7] =	wrdreg s11  }
.LBB2_1:
0x1c: {  	[tilespmem:s2], [sflag:$0x3] =	stream.linear.gather [hbm4b:s4+s2], $0x80, $0x38;
	[tilespmem:$0x14280] =	vst v63  }
0x1d: {  	_ = 	snop  }
0x1e: {  	[tilespmem:s23], [sflag:$0x3] =	stream.linear.gather [hbm4b:s22+s2], $0x80, $0x38;
	[tilespmem:$0x14280] =	vst v63  }
0x1f: {  	_ =	swait.ge [sflag:s24], $0x100  }
0x20: {  	[sflag:s24] =	ssyncset.done $0x0  }
0x21: {  	[sflag:s24] =	ssyncadd.s32 $0xFFFFFF00  }
0x22: {  	[tilespmem:s26], [sflag:$0x1] =	stream.indirect.gather [hbm4b:s3+s25], $0x80, s2, s25, $0xb8;
	[tilespmem:$0x14280] =	vst v63  }
0x23: {  	_ = 	snop  }
0x24: {  	[tilespmem:s28], [sflag:$0x1] =	stream.indirect.gather [hbm4b:s3+s25], $0x80, s23, s25, $0xb8;
	[tilespmem:$0x14280] =	vst v63  }
0x25: {  	s11 =	rddreg [dreg:$0x2]  }
0x26: {  	[tilespmem:s29], [sflag:$0x1] =	stream.linear.gather [hbm4b:s11+s2], $0x2000, $0x38;
	[tilespmem:$0x14280] =	vst v63  }
0x27: {  	_ = 	snop  }
0x28: {  	[tilespmem:s25], [sflag:$0x3] =	stream.linear.gather [hbm4b:s6+s2], $0x80, $0x38;
	[tilespmem:$0x14280] =	vst v63  }
0x29: {  	s15 =	sadd.s32 $0x10, s6  }
0x2a: {  	[tilespmem:s30], [sflag:$0x3] =	stream.linear.gather [hbm4b:s15+s2], $0x80, $0x38;
	[tilespmem:$0x14280] =	vst v63  }
0x2b: {  	_ =	swait.ge [sflag:s24], $0x100  }
0x2c: {  	[sflag:s24] =	ssyncset.done $0x0  }
0x2d: {  	[sflag:s24] =	ssyncadd.s32 $0xFFFFFF00  }
0x2e: {  	[tilespmem:s31], [sflag:$0x2] =	stream.indirect.gather [hbm4b:s3+s25], $0x80, s25, s25, $0xb8;
	[tilespmem:$0x14280] =	vst v63  }
0x2f: {  	_ = 	snop  }
0x30: {  	[tilespmem:s0], [sflag:$0x2] =	stream.indirect.gather [hbm4b:s3+s25], $0x80, s30, s25, $0xb8;
	[tilespmem:$0x14280] =	vst v63  }
0x31: {  	s17 =	rddreg [dreg:$0x3]  }
0x32: {  	[tilespmem:s1], [sflag:$0x2] =	stream.linear.gather [hbm4b:s17+s2], $0x2000, $0x38;
	[tilespmem:$0x14280] =	vst v63  }
0x33: {  	_ =	swait.ge [sflag:s5], $0x4000  }
0x34: {  	[sflag:s5] =	ssyncset.done $0x0  }
0x35: {  	[sflag:s5] =	ssyncadd.s32 $0xFFFFC000  }
0x36: {  	_ =	swait.ge [sflag:s5], $0x4000  }
0x37: {  	[sflag:s5] =	ssyncset.done $0x0  }
0x38: {  	[sflag:s5] =	ssyncadd.s32 $0xFFFFC000  }
0x39: {  	_ =	swait.ge [sflag:s5], $0x2000  }
0x3a: {  	[sflag:s5] =	ssyncset.done $0x0  }
0x3b: {  	s11 =	simm.s32 $0x300;
	[sflag:s5] =	ssyncadd.s32 $0xFFFFE000  }
0x3c: {  	v4 =	vld [tilespmem:s11+$0xFFFFFF54]  }
0x3d: {  	v9 =	vld [tilespmem:s11+$0xFFFFFFD4]  }
0x3e: {  	v5 =	vld [tilespmem:s11+$0x54]  }
0x3f: {  	v11 =	vld [tilespmem:s11+$0xFFFFFF50]  }
0x40: {  	v16 =	vld [tilespmem:s11+$0xFFFFFFD0]  }
0x41: {  	v6 =	vld [tilespmem:s11+$0x50]  }
0x42: {  	v10 =	vld [tilespmem:s11+$0xFFFFFF40]  }
0x43: {  	v15 =	vld [tilespmem:s11+$0xFFFFFFC0]  }
0x44: {  	v8 =	vld [tilespmem:s11+$0x40]  }
0x45: {  	v7 =	vld [tilespmem:s11+$0xFFFFFF30]  }
0x46: {  	v13 =	vld [tilespmem:s11+$0xFFFFFFB0]  }
0x47: {  	v14 =	vld [tilespmem:s11+$0x30]  }
0x48: {  	v17 =	vld [tilespmem:s11+$0xFFFFFF20]  }
0x49: {  	v18 =	vld [tilespmem:s11+$0xFFFFFFA0]  }
0x4a: {  	v19 =	vld [tilespmem:s11+$0x20]  }
0x4b: {  	v20 =	vld [tilespmem:s11+$0xFFFFFF10]  }
0x4c: {  	v21 =	vld [tilespmem:s11+$0xFFFFFF90]  }
0x4d: {  	v22 =	vld [tilespmem:s11+$0xFFFFFF00]  }
0x4e: {  	v23 =	vld [tilespmem:s11+$0xFFFFFF80]  }
0x4f: {  	v24 =	vld [tilespmem:s11+$0x0]  }
0x50: {  	v12 =	vimm.f32 $0.0e+00;
	s13 =	simm.s32 $0x0;
	s15 =	simm.s32 $0x200;
	v25 =	vld [tilespmem:s11+$0x80]  }
.LBB2_2:
0x51: {  	p0 =	sne.s32 s15, $0x7E00;
	v26 =	vld [tilespmem:s11+$0x10]  }
0x52: {  	v27 =	vld [tilespmem:s11+$0x90]  }
0x53: {  	s17 =	sshra.s32 s13, $0x2;
	s13 =	smov.u32 s15;
	v28 =	vld [tilespmem:s11+$0xA0]  }
0x54: {  	v11 =	vadd.f32 v16, v11;
	v16 =	vadd.f32 v9, v4;
	v29 =	vld [tilespmem:s17+$0x10200]  }
0x55: {  	v4 =	vadd.f32 v23, v22;
	v9 =	vadd.f32 v25, v24;
	v22 =	vld [tilespmem:s11+$0xB0]  }
0x56: {  	v20 =	vadd.f32 v21, v20;
	v10 =	vadd.f32 v15, v10;
	v21 =	vld [tilespmem:s17+$0x10210]  }
0x57: {  	v4 =	vadd.f32 v9, v4;
	v9 =	vadd.f32 v27, v26;
	v15 =	vld [tilespmem:s11+$0xC0]  }
0x58: {  	v17 =	vadd.f32 v18, v17;
	v18 =	vadd.f32 v28, v19;
	v19 =	vld [tilespmem:s17+$0x10220]  }
0x59: {  	v4 =	vsub.f32 v4, v29;
	v9 =	vadd.f32 v9, v20;
	v20 =	vld [tilespmem:s11+$0xD0]  }
0x5a: {  	v7 =	vadd.f32 v13, v7;
	v13 =	vadd.f32 v22, v14;
	v14 =	vld [tilespmem:s17+$0x10230]  }
0x5b: {  	v17 =	vadd.f32 v18, v17;
	v4 =	vmul.f32 v4, v4;
	v9 =	vsub.f32 v9, v21;
	v18 =	vld [tilespmem:s11+$0xD4]  }
0x5c: {  	v7 =	vadd.f32 v13, v7;
	v8 =	vadd.f32 v15, v8;
	v13 =	vld [tilespmem:s17+$0x10240]  }
0x5d: {  	v12 =	vadd.f32 v4, v12;
	v9 =	vmul.f32 v9, v9;
	v15 =	vsub.f32 v17, v19;
	v17 =	vld [tilespmem:s17+$0x10254]  }
0x5e: {  	s11 =	sadd.s32 $0x200, s11;
	v8 =	vadd.f32 v8, v10;
	v6 =	vadd.f32 v20, v6;
	v10 =	vld [tilespmem:s17+$0x10250]  }
0x5f: {  	v4 =	vld [tilespmem:s11+$0xFFFFFF54];
	v12 =	vadd.f32 v9, v12;
	v15 =	vmul.f32 v15, v15;
	v7 =	vsub.f32 v7, v14  }
0x60: {  	v9 =	vld [tilespmem:s11+$0xFFFFFFD4];
	v6 =	vadd.f32 v6, v11;
	v14 =	vadd.f32 v18, v5  }
0x61: {  	v5 =	vld [tilespmem:s11+$0x54];
	v12 =	vadd.f32 v15, v12;
	v7 =	vmul.f32 v7, v7;
	v8 =	vsub.f32 v8, v13  }
0x62: {  	v11 =	vld [tilespmem:s11+$0xFFFFFF50];
	v13 =	vadd.f32 v14, v16  }
0x63: {  	v16 =	vld [tilespmem:s11+$0xFFFFFFD0];
	v7 =	vadd.f32 v7, v12;
	v8 =	vmul.f32 v8, v8;
	v12 =	vsub.f32 v6, v10  }
0x64: {  	v6 =	vld [tilespmem:s11+$0x50];
	v13 =	vsub.f32 v13, v17  }
0x65: {  	v10 =	vld [tilespmem:s11+$0xFFFFFF40];
	v7 =	vadd.f32 v8, v7;
	v12 =	vmul.f32 v12, v12  }
0x66: {  	v15 =	vld [tilespmem:s11+$0xFFFFFFC0];
	v13 =	vsel vm0, $0x0, v13  }
0x67: {  	v8 =	vld [tilespmem:s11+$0x40];
	v12 =	vadd.f32 v12, v7;
	v14 =	vmul.f32 v13, v13  }
0x68: {  	v7 =	vld [tilespmem:s11+$0xFFFFFF30]  }
0x69: {  	v13 =	vld [tilespmem:s11+$0xFFFFFFB0];
	v12 =	vadd.f32 v14, v12  }
0x6a: {  	v14 =	vld [tilespmem:s11+$0x30]  }
0x6b: {  	v17 =	vld [tilespmem:s11+$0xFFFFFF20]  }
0x6c: {  	v18 =	vld [tilespmem:s11+$0xFFFFFFA0]  }
0x6d: {  	v19 =	vld [tilespmem:s11+$0x20]  }
0x6e: {  	v20 =	vld [tilespmem:s11+$0xFFFFFF10]  }
.Ltmp0:
0x6f: {  	v21 =	vld [tilespmem:s11+$0xFFFFFF90];
	(pc) =	sbr.rel @p0 .LBB2_2-.Ltmp0, $4  }
0x70: {  	v22 =	vld [tilespmem:s11+$0xFFFFFF00]  }
0x71: {  	v23 =	vld [tilespmem:s11+$0xFFFFFF80]  }
0x72: {  	v24 =	vld [tilespmem:s11+$0x0]  }
0x73: {  	s15 =	sadd.s32 $0x200, s15;
	v25 =	vld [tilespmem:s11+$0x80]  }
0x74: {  	v26 =	vld [tilespmem:s11+$0x10]  }
0x75: {  	v27 =	vld [tilespmem:s11+$0x90]  }
0x76: {  	v28 =	vld [tilespmem:s11+$0xA0]  }
0x77: {  	v30 =	vld [tilespmem:s11+$0xB0]  }
0x78: {  	v32 =	vld [tilespmem:s11+$0xC0]  }
0x79: {  	v34 =	vld [tilespmem:s11+$0xD0]  }
0x7a: {  	s13 =	sshra.s32 s13, $0x2;
	v36 =	vld [tilespmem:s11+$0xD4]  }
0x7b: {  	v29 =	vld [tilespmem:s13+$0x10200]  }
0x7c: {  	v31 =	vld [tilespmem:s13+$0x10210]  }
0x7d: {  	v33 =	vld [tilespmem:s13+$0x10220]  }
0x7e: {  	v35 =	vld [tilespmem:s13+$0x10230]  }
0x7f: {  	v37 =	vld [tilespmem:s13+$0x10240]  }
0x80: {  	s11 =	simm.s32 $0x0;
	v38 =	vld [tilespmem:s13+$0x10254]  }
0x81: {  	v39 =	vld [tilespmem:s13+$0x10250];
	[tilespmem:s11], [sflag:$0x3] =	stream.linear.gather [hbm4b:s8+s11], $0x80, $0x38  }
0x82: {  	s15 =	sadd.s32 $0x10, s8  }
0x83: {  	[tilespmem:s23], [sflag:$0x3] =	stream.linear.gather [hbm4b:s15+s11], $0x80, $0x38;
	[tilespmem:$0x14280] =	vst v63  }
0x84: {  	_ =	swait.ge [sflag:s24], $0x100  }
0x85: {  	[sflag:s24] =	ssyncset.done $0x0  }
0x86: {  	[sflag:s24] =	ssyncadd.s32 $0xFFFFFF00  }
0x87: {  	[tilespmem:s26], [sflag:$0x1] =	stream.indirect.gather [hbm4b:s3+s25], $0x80, s11, s25, $0xb8;
	[tilespmem:$0x14280] =	vst v63  }
0x88: {  	_ = 	snop  }
0x89: {  	[tilespmem:s28], [sflag:$0x1] =	stream.indirect.gather [hbm4b:s3+s25], $0x80, s23, s25, $0xb8;
	[tilespmem:$0x14280] =	vst v63  }
0x8a: {  	s17 =	rddreg [dreg:$0x4]  }
0x8b: {  	[tilespmem:s29], [sflag:$0x1] =	stream.linear.gather [hbm4b:s17+s11], $0x2000, $0x38;
	[tilespmem:$0x14280] =	vst v63  }
0x8c: {  	_ =	swait.ge [sflag:s7], $0x4000  }
0x8d: {  	[sflag:s7] =	ssyncset.done $0x0  }
0x8e: {  	[sflag:s7] =	ssyncadd.s32 $0xFFFFC000  }
0x8f: {  	_ =	swait.ge [sflag:s7], $0x4000  }
0x90: {  	[sflag:s7] =	ssyncset.done $0x0  }
0x91: {  	[sflag:s7] =	ssyncadd.s32 $0xFFFFC000  }
0x92: {  	_ =	swait.ge [sflag:s7], $0x2000  }
0x93: {  	v16 =	vadd.f32 v16, v11;
	v40 =	vadd.f32 v9, v4;
	[sflag:s7] =	ssyncset.done $0x0  }
0x94: {  	v9 =	vadd.f32 v23, v22;
	v11 =	vadd.f32 v25, v24;
	s11 =	simm.s32 $0x12254;
	[sflag:s7] =	ssyncadd.s32 $0xFFFFE000  }
0x95: {  	v20 =	vadd.f32 v21, v20;
	v15 =	vadd.f32 v15, v10;
	s13 =	simm.s32 $0x0;
	v4 =	vld [tilespmem:s11+$0xFFFFFFDC]  }
0x96: {  	v21 =	vadd.f32 v27, v26;
	v11 =	vadd.f32 v11, v9;
	v9 =	vld [tilespmem:s13+$0x8254]  }
0x97: {  	v17 =	vadd.f32 v18, v17;
	v18 =	vadd.f32 v28, v19;
	v10 =	vld [tilespmem:s13+$0x82D4]  }
0x98: {  	v20 =	vadd.f32 v21, v20;
	v19 =	vsub.f32 v11, v29;
	v11 =	vld [tilespmem:s13+$0x8250]  }
0x99: {  	v13 =	vadd.f32 v13, v7;
	v21 =	vadd.f32 v30, v14;
	v14 =	vld [tilespmem:s13+$0x82D0]  }
0x9a: {  	v17 =	vadd.f32 v18, v17;
	v20 =	vsub.f32 v20, v31;
	v19 =	vmul.f32 v19, v19;
	v7 =	vld [tilespmem:s13+$0x8350]  }
0x9b: {  	v8 =	vadd.f32 v32, v8;
	v18 =	vadd.f32 v21, v13;
	v13 =	vld [tilespmem:s13+$0x8240]  }
0x9c: {  	v12 =	vadd.f32 v19, v12;
	v19 =	vmul.f32 v20, v20;
	v20 =	vsub.f32 v17, v33;
	v17 =	vld [tilespmem:s13+$0x82C0]  }
0x9d: {  	v15 =	vadd.f32 v8, v15;
	v21 =	vadd.f32 v34, v6;
	v8 =	vld [tilespmem:s13+$0x8340]  }
0x9e: {  	v18 =	vsub.f32 v18, v35;
	v19 =	vadd.f32 v19, v12;
	v20 =	vmul.f32 v20, v20;
	v6 =	vld [tilespmem:s13+$0x8230]  }
0x9f: {  	v5 =	vadd.f32 v36, v5;
	v15 =	vsub.f32 v15, v37;
	v12 =	vld [tilespmem:s13+$0x82B0]  }
0xa0: {  	v21 =	vadd.f32 v21, v16;
	v19 =	vadd.f32 v20, v19;
	v20 =	vmul.f32 v18, v18;
	v16 =	vld [tilespmem:s13+$0x8330]  }
0xa1: {  	v5 =	vadd.f32 v5, v40;
	v18 =	vld [tilespmem:s13+$0x8220]  }
0xa2: {  	v15 =	vmul.f32 v15, v15;
	v21 =	vsub.f32 v21, v39;
	v22 =	vadd.f32 v20, v19;
	v19 =	vld [tilespmem:s13+$0x82A0]  }
0xa3: {  	v23 =	vsub.f32 v5, v38;
	v20 =	vld [tilespmem:s13+$0x8320]  }
0xa4: {  	v15 =	vadd.f32 v15, v22;
	v22 =	vmul.f32 v21, v21;
	v5 =	vld [tilespmem:s13+$0x8210]  }
0xa5: {  	v23 =	vsel vm0, $0x0, v23;
	v21 =	vld [tilespmem:s13+$0x8290]  }
0xa6: {  	v24 =	vmul.f32 v23, v23;
	v23 =	vld [tilespmem:s13+$0x8280];
	v15 =	vadd.f32 v22, v15  }
0xa7: {  	v22 =	vld [tilespmem:s13+$0x8200]  }
0xa8: {  	s15 =	simm.s32 $0x800;
	v15 =	vadd.f32 v24, v15;
	v24 =	vld [tilespmem:s13+$0x8300]  }
.LBB2_4:
0xa9: {  	p0 =	sne.s32 s15, $0x1F800;
	v25 =	vld [tilespmem:s13+$0x8380]  }
0xaa: {  	v26 =	vld [tilespmem:s13+$0x8310]  }
0xab: {  	v27 =	vld [tilespmem:s13+$0x8390]  }
0xac: {  	v28 =	vld [tilespmem:s13+$0x83A0]  }
0xad: {  	v11 =	vadd.f32 v14, v11;
	v14 =	vadd.f32 v10, v9;
	v29 =	vld [tilespmem:s11+$0xFFFFFFAC]  }
0xae: {  	v9 =	vadd.f32 v23, v22;
	v10 =	vadd.f32 v25, v24;
	v22 =	vld [tilespmem:s13+$0x83B0]  }
0xaf: {  	v13 =	vadd.f32 v17, v13;
	v5 =	vadd.f32 v21, v5;
	v21 =	vld [tilespmem:s11+$0xFFFFFFBC]  }
0xb0: {  	v9 =	vadd.f32 v10, v9;
	v10 =	vadd.f32 v27, v26;
	v17 =	vld [tilespmem:s13+$0x83C0]  }
0xb1: {  	v18 =	vadd.f32 v19, v18;
	v19 =	vadd.f32 v28, v20;
	v20 =	vld [tilespmem:s11+$0xFFFFFFCC]  }
0xb2: {  	v9 =	vsub.f32 v9, v29;
	v5 =	vadd.f32 v10, v5;
	v10 =	vld [tilespmem:s13+$0x83D0]  }
0xb3: {  	v6 =	vadd.f32 v12, v6;
	v12 =	vadd.f32 v22, v16;
	v16 =	vld [tilespmem:s13+$0x8354]  }
0xb4: {  	v18 =	vadd.f32 v19, v18;
	v9 =	vmul.f32 v9, v9;
	v5 =	vsub.f32 v5, v21;
	v19 =	vld [tilespmem:s13+$0x83D4]  }
0xb5: {  	v6 =	vadd.f32 v12, v6;
	v8 =	vadd.f32 v17, v8;
	v12 =	vld [tilespmem:s11+$0xFFFFFFEC]  }
0xb6: {  	v9 =	vadd.f32 v9, v15;
	v5 =	vmul.f32 v5, v5;
	v15 =	vsub.f32 v18, v20;
	v17 =	vld [tilespmem:s11+$0x0]  }
0xb7: {  	v8 =	vadd.f32 v8, v13;
	v7 =	vadd.f32 v10, v7;
	v13 =	vld [tilespmem:s11+$0xFFFFFFFC];
	s11 =	sadd.s32 $0x80, s11  }
0xb8: {  	s13 =	sshra.s32 s15, $0x2;
	v6 =	vsub.f32 v6, v4;
	v5 =	vadd.f32 v5, v9;
	v15 =	vmul.f32 v15, v15;
	v4 =	vld [tilespmem:s11+$0xFFFFFFDC]  }
0xb9: {  	v9 =	vld [tilespmem:s13+$0x8254];
	v7 =	vadd.f32 v7, v11;
	v16 =	vadd.f32 v19, v16  }
0xba: {  	v6 =	vmul.f32 v6, v6;
	v10 =	vld [tilespmem:s13+$0x82D4];
	v5 =	vadd.f32 v15, v5;
	v8 =	vsub.f32 v8, v12  }
0xbb: {  	v11 =	vld [tilespmem:s13+$0x8250];
	v12 =	vadd.f32 v16, v14  }
0xbc: {  	v14 =	vld [tilespmem:s13+$0x82D0];
	v5 =	vadd.f32 v6, v5;
	v6 =	vmul.f32 v8, v8;
	v8 =	vsub.f32 v7, v13  }
0xbd: {  	v7 =	vld [tilespmem:s13+$0x8350];
	v12 =	vsub.f32 v12, v17  }
0xbe: {  	v13 =	vld [tilespmem:s13+$0x8240];
	v5 =	vadd.f32 v6, v5;
	v6 =	vmul.f32 v8, v8  }
0xbf: {  	v17 =	vld [tilespmem:s13+$0x82C0];
	v12 =	vsel vm0, $0x0, v12  }
0xc0: {  	v8 =	vld [tilespmem:s13+$0x8340];
	v5 =	vadd.f32 v6, v5;
	v15 =	vmul.f32 v12, v12  }
0xc1: {  	v6 =	vld [tilespmem:s13+$0x8230]  }
0xc2: {  	v12 =	vld [tilespmem:s13+$0x82B0];
	v15 =	vadd.f32 v15, v5  }
0xc3: {  	v16 =	vld [tilespmem:s13+$0x8330]  }
0xc4: {  	v18 =	vld [tilespmem:s13+$0x8220]  }
0xc5: {  	v19 =	vld [tilespmem:s13+$0x82A0]  }
0xc6: {  	v20 =	vld [tilespmem:s13+$0x8320]  }
.Ltmp1:
0xc7: {  	v5 =	vld [tilespmem:s13+$0x8210];
	(pc) =	sbr.rel @p0 .LBB2_4-.Ltmp1, $4  }
0xc8: {  	v21 =	vld [tilespmem:s13+$0x8290]  }
0xc9: {  	v22 =	vld [tilespmem:s13+$0x8200]  }
0xca: {  	v23 =	vld [tilespmem:s13+$0x8280]  }
0xcb: {  	s15 =	sadd.s32 $0x800, s15;
	v24 =	vld [tilespmem:s13+$0x8300]  }
0xcc: {  	v25 =	vld [tilespmem:s13+$0x8380]  }
0xcd: {  	v26 =	vld [tilespmem:s13+$0x8310]  }
0xce: {  	v27 =	vld [tilespmem:s13+$0x8390]  }
0xcf: {  	v28 =	vld [tilespmem:s13+$0x83A0]  }
0xd0: {  	v29 =	vld [tilespmem:s11+$0xFFFFFFAC]  }
0xd1: {  	v30 =	vld [tilespmem:s13+$0x83B0]  }
0xd2: {  	v31 =	vld [tilespmem:s11+$0xFFFFFFBC]  }
0xd3: {  	v32 =	vld [tilespmem:s13+$0x83C0]  }
0xd4: {  	v33 =	vld [tilespmem:s11+$0xFFFFFFCC]  }
0xd5: {  	v34 =	vld [tilespmem:s13+$0x83D0]  }
0xd6: {  	v35 =	vld [tilespmem:s13+$0x8354]  }
0xd7: {  	v37 =	vld [tilespmem:s11+$0xFFFFFFEC]  }
0xd8: {  	v38 =	vld [tilespmem:s11+$0x0]  }
0xd9: {  	v39 =	vld [tilespmem:s11+$0xFFFFFFFC];
	s11 =	simm.s32 $0x0  }
0xda: {  	v36 =	vld [tilespmem:s13+$0x83D4];
	[tilespmem:s25], [sflag:$0x3] =	stream.linear.gather [hbm4b:s10+s11], $0x80, $0x38  }
0xdb: {  	s15 =	sadd.s32 $0x10, s10  }
0xdc: {  	[tilespmem:s30], [sflag:$0x3] =	stream.linear.gather [hbm4b:s15+s11], $0x80, $0x38;
	[tilespmem:$0x14280] =	vst v63  }
0xdd: {  	_ =	swait.ge [sflag:s24], $0x100  }
0xde: {  	[sflag:s24] =	ssyncset.done $0x0  }
0xdf: {  	[sflag:s24] =	ssyncadd.s32 $0xFFFFFF00  }
0xe0: {  	[tilespmem:s31], [sflag:$0x2] =	stream.indirect.gather [hbm4b:s3+s25], $0x80, s25, s25, $0xb8;
	[tilespmem:$0x14280] =	vst v63  }
0xe1: {  	_ = 	snop  }
0xe2: {  	[tilespmem:s0], [sflag:$0x2] =	stream.indirect.gather [hbm4b:s3+s25], $0x80, s30, s25, $0xb8;
	[tilespmem:$0x14280] =	vst v63  }
0xe3: {  	s17 =	rddreg [dreg:$0x5]  }
0xe4: {  	[tilespmem:s1], [sflag:$0x2] =	stream.linear.gather [hbm4b:s17+s11], $0x2000, $0x38;
	[tilespmem:$0x14280] =	vst v63  }
0xe5: {  	_ =	swait.ge [sflag:s5], $0x4000  }
0xe6: {  	[sflag:s5] =	ssyncset.done $0x0  }
0xe7: {  	[sflag:s5] =	ssyncadd.s32 $0xFFFFC000  }
0xe8: {  	_ =	swait.ge [sflag:s5], $0x4000  }
0xe9: {  	[sflag:s5] =	ssyncset.done $0x0  }
0xea: {  	[sflag:s5] =	ssyncadd.s32 $0xFFFFC000  }
0xeb: {  	_ =	swait.ge [sflag:s5], $0x2000  }
0xec: {  	[sflag:s5] =	ssyncset.done $0x0  }
0xed: {  	v40 =	vadd.f32 v14, v11;
	v41 =	vadd.f32 v10, v9;
	s13 =	simm.s32 $0x300;
	[sflag:s5] =	ssyncadd.s32 $0xFFFFE000  }
0xee: {  	v11 =	vadd.f32 v23, v22;
	v14 =	vadd.f32 v25, v24;
	v9 =	vld [tilespmem:s13+$0xFFFFFF54]  }
0xef: {  	v13 =	vadd.f32 v17, v13;
	v21 =	vadd.f32 v21, v5;
	v10 =	vld [tilespmem:s13+$0xFFFFFFD4]  }
0xf0: {  	v17 =	vadd.f32 v27, v26;
	v14 =	vadd.f32 v14, v11;
	v5 =	vld [tilespmem:s13+$0x54]  }
0xf1: {  	v18 =	vadd.f32 v19, v18;
	v19 =	vadd.f32 v28, v20;
	v11 =	vld [tilespmem:s13+$0xFFFFFF50]  }
0xf2: {  	v17 =	vadd.f32 v17, v21;
	v20 =	vsub.f32 v14, v29;
	v14 =	vld [tilespmem:s13+$0xFFFFFFD0]  }
0xf3: {  	v16 =	vadd.f32 v30, v16;
	v21 =	vadd.f32 v12, v6;
	v6 =	vld [tilespmem:s13+$0x50]  }
0xf4: {  	v18 =	vadd.f32 v19, v18;
	v22 =	vsub.f32 v17, v31;
	v20 =	vmul.f32 v20, v20;
	v12 =	vld [tilespmem:s13+$0xFFFFFF40]  }
0xf5: {  	v19 =	vadd.f32 v32, v8;
	v16 =	vadd.f32 v16, v21;
	v17 =	vld [tilespmem:s13+$0xFFFFFFC0]  }
0xf6: {  	v18 =	vsub.f32 v18, v33;
	v15 =	vadd.f32 v20, v15;
	v20 =	vmul.f32 v22, v22;
	v8 =	vld [tilespmem:s13+$0x40]  }
0xf7: {  	v19 =	vadd.f32 v19, v13;
	v21 =	vadd.f32 v34, v7;
	v7 =	vld [tilespmem:s13+$0xFFFFFF30]  }
0xf8: {  	v18 =	vmul.f32 v18, v18;
	v4 =	vsub.f32 v16, v4;
	v15 =	vadd.f32 v20, v15;
	v13 =	vld [tilespmem:s13+$0xFFFFFFB0]  }
0xf9: {  	v20 =	vadd.f32 v21, v40;
	v21 =	vadd.f32 v36, v35;
	v16 =	vld [tilespmem:s13+$0x30]  }
0xfa: {  	v4 =	vmul.f32 v4, v4;
	v22 =	vsub.f32 v19, v37;
	v15 =	vadd.f32 v18, v15;
	v18 =	vld [tilespmem:s13+$0xFFFFFF20]  }
0xfb: {  	v21 =	vadd.f32 v21, v41;
	v19 =	vld [tilespmem:s13+$0xFFFFFFA0]  }
0xfc: {  	v22 =	vmul.f32 v22, v22;
	v23 =	vsub.f32 v20, v39;
	v15 =	vadd.f32 v4, v15;
	v20 =	vld [tilespmem:s13+$0x20]  }
0xfd: {  	v24 =	vsub.f32 v21, v38;
	v4 =	vld [tilespmem:s13+$0xFFFFFF10]  }
0xfe: {  	v23 =	vmul.f32 v23, v23;
	v15 =	vadd.f32 v22, v15;
	v21 =	vld [tilespmem:s13+$0xFFFFFF90]  }
0xff: {  	v24 =	vsel vm0, $0x0, v24;
	v22 =	vld [tilespmem:s13+$0xFFFFFF00]  }
0x100: {  	v25 =	vmul.f32 v24, v24;
	v24 =	vld [tilespmem:s13+$0x0];
	v15 =	vadd.f32 v23, v15  }
0x101: {  	v23 =	vld [tilespmem:s13+$0xFFFFFF80]  }
0x102: {  	s15 =	simm.s32 $0x200;
	v15 =	vadd.f32 v25, v15;
	v25 =	vld [tilespmem:s13+$0x80]  }
.LBB2_6:
0x103: {  	p0 =	sne.s32 s15, $0x7E00;
	v26 =	vld [tilespmem:s13+$0x10]  }
0x104: {  	v27 =	vld [tilespmem:s13+$0x90]  }
0x105: {  	s17 =	sshra.s32 s11, $0x2;
	s11 =	smov.u32 s15;
	v28 =	vld [tilespmem:s13+$0xA0]  }
0x106: {  	v11 =	vadd.f32 v14, v11;
	v14 =	vadd.f32 v10, v9;
	v29 =	vld [tilespmem:s17+$0x10200]  }
0x107: {  	v9 =	vadd.f32 v23, v22;
	v10 =	vadd.f32 v25, v24;
	v22 =	vld [tilespmem:s13+$0xB0]  }
0x108: {  	v4 =	vadd.f32 v21, v4;
	v12 =	vadd.f32 v17, v12;
	v21 =	vld [tilespmem:s17+$0x10210]  }
0x109: {  	v9 =	vadd.f32 v10, v9;
	v10 =	vadd.f32 v27, v26;
	v17 =	vld [tilespmem:s13+$0xC0]  }
0x10a: {  	v18 =	vadd.f32 v19, v18;
	v19 =	vadd.f32 v28, v20;
	v20 =	vld [tilespmem:s17+$0x10220]  }
0x10b: {  	v9 =	vsub.f32 v9, v29;
	v4 =	vadd.f32 v10, v4;
	v10 =	vld [tilespmem:s13+$0xD0]  }
0x10c: {  	v7 =	vadd.f32 v13, v7;
	v13 =	vadd.f32 v22, v16;
	v16 =	vld [tilespmem:s17+$0x10230]  }
0x10d: {  	v18 =	vadd.f32 v19, v18;
	v9 =	vmul.f32 v9, v9;
	v4 =	vsub.f32 v4, v21;
	v19 =	vld [tilespmem:s13+$0xD4]  }
0x10e: {  	v7 =	vadd.f32 v13, v7;
	v8 =	vadd.f32 v17, v8;
	v13 =	vld [tilespmem:s17+$0x10240]  }
0x10f: {  	v15 =	vadd.f32 v9, v15;
	v4 =	vmul.f32 v4, v4;
	v17 =	vsub.f32 v18, v20;
	v18 =	vld [tilespmem:s17+$0x10254]  }
0x110: {  	s13 =	sadd.s32 $0x200, s13;
	v8 =	vadd.f32 v8, v12;
	v6 =	vadd.f32 v10, v6;
	v12 =	vld [tilespmem:s17+$0x10250]  }
0x111: {  	v9 =	vld [tilespmem:s13+$0xFFFFFF54];
	v4 =	vadd.f32 v4, v15;
	v15 =	vmul.f32 v17, v17;
	v7 =	vsub.f32 v7, v16  }
0x112: {  	v10 =	vld [tilespmem:s13+$0xFFFFFFD4];
	v6 =	vadd.f32 v6, v11;
	v16 =	vadd.f32 v19, v5  }
0x113: {  	v5 =	vld [tilespmem:s13+$0x54];
	v4 =	vadd.f32 v15, v4;
	v7 =	vmul.f32 v7, v7;
	v8 =	vsub.f32 v8, v13  }
0x114: {  	v11 =	vld [tilespmem:s13+$0xFFFFFF50];
	v13 =	vadd.f32 v16, v14  }
0x115: {  	v14 =	vld [tilespmem:s13+$0xFFFFFFD0];
	v4 =	vadd.f32 v7, v4;
	v7 =	vmul.f32 v8, v8;
	v8 =	vsub.f32 v6, v12  }
0x116: {  	v6 =	vld [tilespmem:s13+$0x50];
	v13 =	vsub.f32 v13, v18  }
0x117: {  	v12 =	vld [tilespmem:s13+$0xFFFFFF40];
	v4 =	vadd.f32 v7, v4;
	v7 =	vmul.f32 v8, v8  }
0x118: {  	v17 =	vld [tilespmem:s13+$0xFFFFFFC0];
	v13 =	vsel vm0, $0x0, v13  }
0x119: {  	v8 =	vld [tilespmem:s13+$0x40];
	v4 =	vadd.f32 v7, v4;
	v15 =	vmul.f32 v13, v13  }
0x11a: {  	v7 =	vld [tilespmem:s13+$0xFFFFFF30]  }
0x11b: {  	v13 =	vld [tilespmem:s13+$0xFFFFFFB0];
	v15 =	vadd.f32 v15, v4  }
0x11c: {  	v16 =	vld [tilespmem:s13+$0x30]  }
0x11d: {  	v18 =	vld [tilespmem:s13+$0xFFFFFF20]  }
0x11e: {  	v19 =	vld [tilespmem:s13+$0xFFFFFFA0]  }
0x11f: {  	v20 =	vld [tilespmem:s13+$0x20]  }
0x120: {  	v4 =	vld [tilespmem:s13+$0xFFFFFF10]  }
.Ltmp2:
0x121: {  	v21 =	vld [tilespmem:s13+$0xFFFFFF90];
	(pc) =	sbr.rel @p0 .LBB2_6-.Ltmp2, $4  }
0x122: {  	v22 =	vld [tilespmem:s13+$0xFFFFFF00]  }
0x123: {  	v23 =	vld [tilespmem:s13+$0xFFFFFF80]  }
0x124: {  	v24 =	vld [tilespmem:s13+$0x0]  }
0x125: {  	s15 =	sadd.s32 $0x200, s15;
	v25 =	vld [tilespmem:s13+$0x80]  }
0x126: {  	v26 =	vld [tilespmem:s13+$0x10]  }
0x127: {  	v27 =	vld [tilespmem:s13+$0x90]  }
0x128: {  	v28 =	vld [tilespmem:s13+$0xA0]  }
0x129: {  	v30 =	vld [tilespmem:s13+$0xB0]  }
0x12a: {  	v32 =	vld [tilespmem:s13+$0xC0]  }
0x12b: {  	s11 =	sshra.s32 s11, $0x2;
	v34 =	vld [tilespmem:s13+$0xD0]  }
0x12c: {  	v29 =	vld [tilespmem:s11+$0x10200]  }
0x12d: {  	v31 =	vld [tilespmem:s11+$0x10210]  }
0x12e: {  	v33 =	vld [tilespmem:s11+$0x10220]  }
0x12f: {  	v35 =	vld [tilespmem:s11+$0x10230]  }
0x130: {  	v37 =	vld [tilespmem:s11+$0x10240]  }
0x131: {  	v38 =	vld [tilespmem:s11+$0x10254]  }
0x132: {  	v39 =	vld [tilespmem:s11+$0x10250];
	s11 =	simm.s32 $0x0  }
0x133: {  	v36 =	vld [tilespmem:s13+$0xD4];
	[tilespmem:s11], [sflag:$0x3] =	stream.linear.gather [hbm4b:s12+s11], $0x80, $0x38  }
0x134: {  	s15 =	sadd.s32 $0x10, s12  }
0x135: {  	[tilespmem:s23], [sflag:$0x3] =	stream.linear.gather [hbm4b:s15+s11], $0x80, $0x38;
	[tilespmem:$0x14280] =	vst v63  }
0x136: {  	_ =	swait.ge [sflag:s24], $0x100  }
0x137: {  	[sflag:s24] =	ssyncset.done $0x0  }
0x138: {  	[sflag:s24] =	ssyncadd.s32 $0xFFFFFF00  }
0x139: {  	[tilespmem:s26], [sflag:$0x1] =	stream.indirect.gather [hbm4b:s3+s25], $0x80, s11, s25, $0xb8;
	[tilespmem:$0x14280] =	vst v63  }
0x13a: {  	_ = 	snop  }
0x13b: {  	[tilespmem:s28], [sflag:$0x1] =	stream.indirect.gather [hbm4b:s3+s25], $0x80, s23, s25, $0xb8;
	[tilespmem:$0x14280] =	vst v63  }
0x13c: {  	s17 =	rddreg [dreg:$0x6]  }
0x13d: {  	[tilespmem:s29], [sflag:$0x1] =	stream.linear.gather [hbm4b:s17+s11], $0x2000, $0x38;
	[tilespmem:$0x14280] =	vst v63  }
0x13e: {  	_ =	swait.ge [sflag:s7], $0x4000  }
0x13f: {  	[sflag:s7] =	ssyncset.done $0x0  }
0x140: {  	[sflag:s7] =	ssyncadd.s32 $0xFFFFC000  }
0x141: {  	_ =	swait.ge [sflag:s7], $0x4000  }
0x142: {  	[sflag:s7] =	ssyncset.done $0x0  }
0x143: {  	[sflag:s7] =	ssyncadd.s32 $0xFFFFC000  }
0x144: {  	_ =	swait.ge [sflag:s7], $0x2000  }
0x145: {  	v40 =	vadd.f32 v14, v11;
	v41 =	vadd.f32 v10, v9;
	[sflag:s7] =	ssyncset.done $0x0  }
0x146: {  	v9 =	vadd.f32 v23, v22;
	v10 =	vadd.f32 v25, v24;
	s11 =	simm.s32 $0x12254;
	[sflag:s7] =	ssyncadd.s32 $0xFFFFE000  }
0x147: {  	v11 =	vadd.f32 v21, v4;
	v17 =	vadd.f32 v17, v12;
	s13 =	simm.s32 $0x0;
	v4 =	vld [tilespmem:s11+$0xFFFFFFDC]  }
0x148: {  	v14 =	vadd.f32 v27, v26;
	v12 =	vadd.f32 v10, v9;
	v9 =	vld [tilespmem:s13+$0x8254]  }
0x149: {  	v18 =	vadd.f32 v19, v18;
	v19 =	vadd.f32 v28, v20;
	v10 =	vld [tilespmem:s13+$0x82D4]  }
0x14a: {  	v14 =	vadd.f32 v14, v11;
	v12 =	vsub.f32 v12, v29;
	v11 =	vld [tilespmem:s13+$0x8250]  }
0x14b: {  	v20 =	vadd.f32 v13, v7;
	v16 =	vadd.f32 v30, v16;
	v13 =	vld [tilespmem:s13+$0x82D0]  }
0x14c: {  	v18 =	vadd.f32 v19, v18;
	v14 =	vsub.f32 v14, v31;
	v21 =	vmul.f32 v12, v12;
	v7 =	vld [tilespmem:s13+$0x8350]  }
0x14d: {  	v8 =	vadd.f32 v32, v8;
	v16 =	vadd.f32 v16, v20;
	v12 =	vld [tilespmem:s13+$0x8240]  }
0x14e: {  	v18 =	vsub.f32 v18, v33;
	v19 =	vmul.f32 v14, v14;
	v15 =	vadd.f32 v21, v15;
	v14 =	vld [tilespmem:s13+$0x82C0]  }
0x14f: {  	v17 =	vadd.f32 v8, v17;
	v20 =	vadd.f32 v34, v6;
	v8 =	vld [tilespmem:s13+$0x8340]  }
0x150: {  	v16 =	vsub.f32 v16, v35;
	v18 =	vmul.f32 v18, v18;
	v19 =	vadd.f32 v19, v15;
	v6 =	vld [tilespmem:s13+$0x8230]  }
0x151: {  	v5 =	vadd.f32 v36, v5;
	v20 =	vadd.f32 v20, v40;
	v15 =	vld [tilespmem:s13+$0x82B0]  }
0x152: {  	v16 =	vmul.f32 v16, v16;
	v21 =	vsub.f32 v17, v37;
	v19 =	vadd.f32 v18, v19;
	v17 =	vld [tilespmem:s13+$0x8330]  }
0x153: {  	v5 =	vadd.f32 v5, v41;
	v18 =	vld [tilespmem:s13+$0x8220]  }
0x154: {  	v22 =	vsub.f32 v20, v39;
	v21 =	vmul.f32 v21, v21;
	v16 =	vadd.f32 v16, v19;
	v19 =	vld [tilespmem:s13+$0x82A0]  }
0x155: {  	v23 =	vsub.f32 v5, v38;
	v20 =	vld [tilespmem:s13+$0x8320]  }
0x156: {  	v22 =	vmul.f32 v22, v22;
	v16 =	vadd.f32 v21, v16;
	v5 =	vld [tilespmem:s13+$0x8210]  }
0x157: {  	v23 =	vsel vm0, $0x0, v23;
	v21 =	vld [tilespmem:s13+$0x8290]  }
0x158: {  	v24 =	vmul.f32 v23, v23;
	v16 =	vadd.f32 v22, v16;
	v22 =	vld [tilespmem:s13+$0x8200]  }
0x159: {  	v23 =	vld [tilespmem:s13+$0x8280]  }
0x15a: {  	s15 =	simm.s32 $0x800;
	v16 =	vadd.f32 v24, v16;
	v24 =	vld [tilespmem:s13+$0x8300]  }
.LBB2_8:
0x15b: {  	p0 =	sne.s32 s15, $0x1F800;
	v25 =	vld [tilespmem:s13+$0x8380]  }
0x15c: {  	v26 =	vld [tilespmem:s13+$0x8310]  }
0x15d: {  	v27 =	vld [tilespmem:s13+$0x8390]  }
0x15e: {  	v28 =	vld [tilespmem:s13+$0x83A0]  }
0x15f: {  	v11 =	vadd.f32 v13, v11;
	v13 =	vadd.f32 v10, v9;
	v29 =	vld [tilespmem:s11+$0xFFFFFFAC]  }
0x160: {  	v9 =	vadd.f32 v23, v22;
	v10 =	vadd.f32 v25, v24;
	v22 =	vld [tilespmem:s13+$0x83B0]  }
0x161: {  	v12 =	vadd.f32 v14, v12;
	v5 =	vadd.f32 v21, v5;
	v21 =	vld [tilespmem:s11+$0xFFFFFFBC]  }
0x162: {  	v9 =	vadd.f32 v10, v9;
	v10 =	vadd.f32 v27, v26;
	v14 =	vld [tilespmem:s13+$0x83C0]  }
0x163: {  	v18 =	vadd.f32 v19, v18;
	v19 =	vadd.f32 v28, v20;
	v20 =	vld [tilespmem:s11+$0xFFFFFFCC]  }
0x164: {  	v9 =	vsub.f32 v9, v29;
	v5 =	vadd.f32 v10, v5;
	v10 =	vld [tilespmem:s13+$0x83D0]  }
0x165: {  	v6 =	vadd.f32 v15, v6;
	v15 =	vadd.f32 v22, v17;
	v17 =	vld [tilespmem:s13+$0x8354]  }
0x166: {  	v18 =	vadd.f32 v19, v18;
	v9 =	vmul.f32 v9, v9;
	v5 =	vsub.f32 v5, v21;
	v19 =	vld [tilespmem:s13+$0x83D4]  }
0x167: {  	v6 =	vadd.f32 v15, v6;
	v8 =	vadd.f32 v14, v8;
	v14 =	vld [tilespmem:s11+$0xFFFFFFEC]  }
0x168: {  	v9 =	vadd.f32 v9, v16;
	v5 =	vmul.f32 v5, v5;
	v15 =	vsub.f32 v18, v20;
	v16 =	vld [tilespmem:s11+$0x0]  }
0x169: {  	v8 =	vadd.f32 v8, v12;
	v7 =	vadd.f32 v10, v7;
	v12 =	vld [tilespmem:s11+$0xFFFFFFFC];
	s11 =	sadd.s32 $0x80, s11  }
0x16a: {  	s13 =	sshra.s32 s15, $0x2;
	v6 =	vsub.f32 v6, v4;
	v5 =	vadd.f32 v5, v9;
	v15 =	vmul.f32 v15, v15;
	v4 =	vld [tilespmem:s11+$0xFFFFFFDC]  }
0x16b: {  	v9 =	vld [tilespmem:s13+$0x8254];
	v7 =	vadd.f32 v7, v11;
	v17 =	vadd.f32 v19, v17  }
0x16c: {  	v6 =	vmul.f32 v6, v6;
	v10 =	vld [tilespmem:s13+$0x82D4];
	v5 =	vadd.f32 v15, v5;
	v8 =	vsub.f32 v8, v14  }
0x16d: {  	v11 =	vld [tilespmem:s13+$0x8250];
	v14 =	vadd.f32 v17, v13  }
0x16e: {  	v13 =	vld [tilespmem:s13+$0x82D0];
	v5 =	vadd.f32 v6, v5;
	v6 =	vmul.f32 v8, v8;
	v8 =	vsub.f32 v7, v12  }
0x16f: {  	v7 =	vld [tilespmem:s13+$0x8350];
	v15 =	vsub.f32 v14, v16  }
0x170: {  	v12 =	vld [tilespmem:s13+$0x8240];
	v5 =	vadd.f32 v6, v5;
	v6 =	vmul.f32 v8, v8  }
0x171: {  	v14 =	vld [tilespmem:s13+$0x82C0];
	v15 =	vsel vm0, $0x0, v15  }
0x172: {  	v8 =	vld [tilespmem:s13+$0x8340];
	v5 =	vadd.f32 v6, v5;
	v16 =	vmul.f32 v15, v15  }
0x173: {  	v6 =	vld [tilespmem:s13+$0x8230]  }
0x174: {  	v15 =	vld [tilespmem:s13+$0x82B0];
	v16 =	vadd.f32 v16, v5  }
0x175: {  	v17 =	vld [tilespmem:s13+$0x8330]  }
0x176: {  	v18 =	vld [tilespmem:s13+$0x8220]  }
0x177: {  	v19 =	vld [tilespmem:s13+$0x82A0]  }
0x178: {  	v20 =	vld [tilespmem:s13+$0x8320]  }
.Ltmp3:
0x179: {  	v5 =	vld [tilespmem:s13+$0x8210];
	(pc) =	sbr.rel @p0 .LBB2_8-.Ltmp3, $4  }
0x17a: {  	v21 =	vld [tilespmem:s13+$0x8290]  }
0x17b: {  	v22 =	vld [tilespmem:s13+$0x8200]  }
0x17c: {  	v23 =	vld [tilespmem:s13+$0x8280]  }
0x17d: {  	s15 =	sadd.s32 $0x800, s15;
	v24 =	vld [tilespmem:s13+$0x8300]  }
0x17e: {  	v25 =	vld [tilespmem:s13+$0x8380]  }
0x17f: {  	v26 =	vld [tilespmem:s13+$0x8310]  }
0x180: {  	v27 =	vld [tilespmem:s13+$0x8390]  }
0x181: {  	v28 =	vld [tilespmem:s13+$0x83A0]  }
0x182: {  	v29 =	vld [tilespmem:s11+$0xFFFFFFAC]  }
0x183: {  	v30 =	vld [tilespmem:s13+$0x83B0]  }
0x184: {  	v31 =	vld [tilespmem:s11+$0xFFFFFFBC]  }
0x185: {  	v32 =	vld [tilespmem:s13+$0x83C0]  }
0x186: {  	v33 =	vld [tilespmem:s11+$0xFFFFFFCC]  }
0x187: {  	v34 =	vld [tilespmem:s13+$0x83D0]  }
0x188: {  	v35 =	vld [tilespmem:s13+$0x8354]  }
0x189: {  	v37 =	vld [tilespmem:s11+$0xFFFFFFEC]  }
0x18a: {  	v38 =	vld [tilespmem:s11+$0x0]  }
0x18b: {  	v39 =	vld [tilespmem:s11+$0xFFFFFFFC];
	s11 =	simm.s32 $0x0  }
0x18c: {  	v36 =	vld [tilespmem:s13+$0x83D4];
	[tilespmem:s25], [sflag:$0x3] =	stream.linear.gather [hbm4b:s14+s11], $0x80, $0x38  }
0x18d: {  	s15 =	sadd.s32 $0x10, s14  }
0x18e: {  	[tilespmem:s30], [sflag:$0x3] =	stream.linear.gather [hbm4b:s15+s11], $0x80, $0x38;
	[tilespmem:$0x14280] =	vst v63  }
0x18f: {  	_ =	swait.ge [sflag:s24], $0x100  }
0x190: {  	[sflag:s24] =	ssyncset.done $0x0  }
0x191: {  	[sflag:s24] =	ssyncadd.s32 $0xFFFFFF00  }
0x192: {  	[tilespmem:s31], [sflag:$0x2] =	stream.indirect.gather [hbm4b:s3+s25], $0x80, s25, s25, $0xb8;
	[tilespmem:$0x14280] =	vst v63  }
0x193: {  	_ = 	snop  }
0x194: {  	[tilespmem:s0], [sflag:$0x2] =	stream.indirect.gather [hbm4b:s3+s25], $0x80, s30, s25, $0xb8;
	[tilespmem:$0x14280] =	vst v63  }
0x195: {  	s17 =	rddreg [dreg:$0x7]  }
0x196: {  	[tilespmem:s1], [sflag:$0x2] =	stream.linear.gather [hbm4b:s17+s11], $0x2000, $0x38;
	[tilespmem:$0x14280] =	vst v63  }
0x197: {  	_ =	swait.ge [sflag:s5], $0x4000  }
0x198: {  	[sflag:s5] =	ssyncset.done $0x0  }
0x199: {  	[sflag:s5] =	ssyncadd.s32 $0xFFFFC000  }
0x19a: {  	_ =	swait.ge [sflag:s5], $0x4000  }
0x19b: {  	[sflag:s5] =	ssyncset.done $0x0  }
0x19c: {  	[sflag:s5] =	ssyncadd.s32 $0xFFFFC000  }
0x19d: {  	_ =	swait.ge [sflag:s5], $0x2000  }
0x19e: {  	[sflag:s5] =	ssyncset.done $0x0  }
0x19f: {  	v40 =	vadd.f32 v13, v11;
	v41 =	vadd.f32 v10, v9;
	s13 =	simm.s32 $0x300;
	[sflag:s5] =	ssyncadd.s32 $0xFFFFE000  }
0x1a0: {  	v11 =	vadd.f32 v23, v22;
	v13 =	vadd.f32 v25, v24;
	v9 =	vld [tilespmem:s13+$0xFFFFFF54]  }
0x1a1: {  	v21 =	vadd.f32 v21, v5;
	v22 =	vadd.f32 v14, v12;
	v10 =	vld [tilespmem:s13+$0xFFFFFFD4]  }
0x1a2: {  	v12 =	vadd.f32 v13, v11;
	v13 =	vadd.f32 v27, v26;
	v5 =	vld [tilespmem:s13+$0x54]  }
0x1a3: {  	v18 =	vadd.f32 v19, v18;
	v19 =	vadd.f32 v28, v20;
	v11 =	vld [tilespmem:s13+$0xFFFFFF50]  }
0x1a4: {  	v12 =	vsub.f32 v12, v29;
	v13 =	vadd.f32 v13, v21;
	v14 =	vld [tilespmem:s13+$0xFFFFFFD0]  }
0x1a5: {  	v15 =	vadd.f32 v15, v6;
	v17 =	vadd.f32 v30, v17;
	v6 =	vld [tilespmem:s13+$0x50]  }
0x1a6: {  	v18 =	vadd.f32 v19, v18;
	v13 =	vsub.f32 v13, v31;
	v20 =	vmul.f32 v12, v12;
	v12 =	vld [tilespmem:s13+$0xFFFFFF40]  }
0x1a7: {  	v15 =	vadd.f32 v17, v15;
	v19 =	vadd.f32 v32, v8;
	v17 =	vld [tilespmem:s13+$0xFFFFFFC0]  }
0x1a8: {  	v18 =	vsub.f32 v18, v33;
	v16 =	vadd.f32 v20, v16;
	v13 =	vmul.f32 v13, v13;
	v8 =	vld [tilespmem:s13+$0x40]  }
0x1a9: {  	v19 =	vadd.f32 v19, v22;
	v20 =	vadd.f32 v34, v7;
	v7 =	vld [tilespmem:s13+$0xFFFFFF30]  }
0x1aa: {  	v4 =	vsub.f32 v15, v4;
	v18 =	vmul.f32 v18, v18;
	v21 =	vadd.f32 v13, v16;
	v13 =	vld [tilespmem:s13+$0xFFFFFFB0]  }
0x1ab: {  	v15 =	vadd.f32 v20, v40;
	v20 =	vadd.f32 v36, v35;
	v16 =	vld [tilespmem:s13+$0x30]  }
0x1ac: {  	v4 =	vmul.f32 v4, v4;
	v22 =	vsub.f32 v19, v37;
	v21 =	vadd.f32 v18, v21;
	v18 =	vld [tilespmem:s13+$0xFFFFFF20]  }
0x1ad: {  	v23 =	vadd.f32 v20, v41;
	v19 =	vld [tilespmem:s13+$0xFFFFFFA0]  }
0x1ae: {  	v22 =	vmul.f32 v22, v22;
	v15 =	vsub.f32 v15, v39;
	v21 =	vadd.f32 v4, v21;
	v20 =	vld [tilespmem:s13+$0x20]  }
0x1af: {  	v23 =	vsub.f32 v23, v38;
	v4 =	vld [tilespmem:s13+$0xFFFFFF10]  }
0x1b0: {  	v15 =	vmul.f32 v15, v15;
	v24 =	vadd.f32 v22, v21;
	v21 =	vld [tilespmem:s13+$0xFFFFFF90]  }
0x1b1: {  	v23 =	vsel vm0, $0x0, v23;
	v22 =	vld [tilespmem:s13+$0xFFFFFF00]  }
0x1b2: {  	v25 =	vmul.f32 v23, v23;
	v23 =	vld [tilespmem:s13+$0xFFFFFF80];
	v15 =	vadd.f32 v15, v24  }
0x1b3: {  	v24 =	vld [tilespmem:s13+$0x0]  }
0x1b4: {  	s15 =	simm.s32 $0x200;
	v15 =	vadd.f32 v25, v15;
	v25 =	vld [tilespmem:s13+$0x80]  }
.LBB2_10:
0x1b5: {  	p0 =	sne.s32 s15, $0x7E00;
	v26 =	vld [tilespmem:s13+$0x10]  }
0x1b6: {  	v27 =	vld [tilespmem:s13+$0x90]  }
0x1b7: {  	s17 =	sshra.s32 s11, $0x2;
	s11 =	smov.u32 s15;
	v28 =	vld [tilespmem:s13+$0xA0]  }
0x1b8: {  	v11 =	vadd.f32 v14, v11;
	v14 =	vadd.f32 v10, v9;
	v29 =	vld [tilespmem:s17+$0x10200]  }
0x1b9: {  	v9 =	vadd.f32 v23, v22;
	v10 =	vadd.f32 v25, v24;
	v22 =	vld [tilespmem:s13+$0xB0]  }
0x1ba: {  	v4 =	vadd.f32 v21, v4;
	v12 =	vadd.f32 v17, v12;
	v21 =	vld [tilespmem:s17+$0x10210]  }
0x1bb: {  	v9 =	vadd.f32 v10, v9;
	v10 =	vadd.f32 v27, v26;
	v17 =	vld [tilespmem:s13+$0xC0]  }
0x1bc: {  	v18 =	vadd.f32 v19, v18;
	v19 =	vadd.f32 v28, v20;
	v20 =	vld [tilespmem:s17+$0x10220]  }
0x1bd: {  	v9 =	vsub.f32 v9, v29;
	v4 =	vadd.f32 v10, v4;
	v10 =	vld [tilespmem:s13+$0xD0]  }
0x1be: {  	v7 =	vadd.f32 v13, v7;
	v13 =	vadd.f32 v22, v16;
	v16 =	vld [tilespmem:s17+$0x10230]  }
0x1bf: {  	v18 =	vadd.f32 v19, v18;
	v9 =	vmul.f32 v9, v9;
	v4 =	vsub.f32 v4, v21;
	v19 =	vld [tilespmem:s13+$0xD4]  }
0x1c0: {  	v7 =	vadd.f32 v13, v7;
	v8 =	vadd.f32 v17, v8;
	v13 =	vld [tilespmem:s17+$0x10240]  }
0x1c1: {  	v15 =	vadd.f32 v9, v15;
	v4 =	vmul.f32 v4, v4;
	v17 =	vsub.f32 v18, v20;
	v18 =	vld [tilespmem:s17+$0x10254]  }
0x1c2: {  	s13 =	sadd.s32 $0x200, s13;
	v8 =	vadd.f32 v8, v12;
	v6 =	vadd.f32 v10, v6;
	v12 =	vld [tilespmem:s17+$0x10250]  }
0x1c3: {  	v9 =	vld [tilespmem:s13+$0xFFFFFF54];
	v4 =	vadd.f32 v4, v15;
	v15 =	vmul.f32 v17, v17;
	v7 =	vsub.f32 v7, v16  }
0x1c4: {  	v10 =	vld [tilespmem:s13+$0xFFFFFFD4];
	v6 =	vadd.f32 v6, v11;
	v16 =	vadd.f32 v19, v5  }
0x1c5: {  	v5 =	vld [tilespmem:s13+$0x54];
	v4 =	vadd.f32 v15, v4;
	v7 =	vmul.f32 v7, v7;
	v8 =	vsub.f32 v8, v13  }
0x1c6: {  	v11 =	vld [tilespmem:s13+$0xFFFFFF50];
	v13 =	vadd.f32 v16, v14  }
0x1c7: {  	v14 =	vld [tilespmem:s13+$0xFFFFFFD0];
	v4 =	vadd.f32 v7, v4;
	v7 =	vmul.f32 v8, v8;
	v8 =	vsub.f32 v6, v12  }
0x1c8: {  	v6 =	vld [tilespmem:s13+$0x50];
	v13 =	vsub.f32 v13, v18  }
0x1c9: {  	v12 =	vld [tilespmem:s13+$0xFFFFFF40];
	v4 =	vadd.f32 v7, v4;
	v7 =	vmul.f32 v8, v8  }
0x1ca: {  	v17 =	vld [tilespmem:s13+$0xFFFFFFC0];
	v13 =	vsel vm0, $0x0, v13  }
0x1cb: {  	v8 =	vld [tilespmem:s13+$0x40];
	v4 =	vadd.f32 v7, v4;
	v15 =	vmul.f32 v13, v13  }
0x1cc: {  	v7 =	vld [tilespmem:s13+$0xFFFFFF30]  }
0x1cd: {  	v13 =	vld [tilespmem:s13+$0xFFFFFFB0];
	v15 =	vadd.f32 v15, v4  }
0x1ce: {  	v16 =	vld [tilespmem:s13+$0x30]  }
0x1cf: {  	v18 =	vld [tilespmem:s13+$0xFFFFFF20]  }
0x1d0: {  	v19 =	vld [tilespmem:s13+$0xFFFFFFA0]  }
0x1d1: {  	v20 =	vld [tilespmem:s13+$0x20]  }
0x1d2: {  	v4 =	vld [tilespmem:s13+$0xFFFFFF10]  }
.Ltmp4:
0x1d3: {  	v21 =	vld [tilespmem:s13+$0xFFFFFF90];
	(pc) =	sbr.rel @p0 .LBB2_10-.Ltmp4, $4  }
0x1d4: {  	v22 =	vld [tilespmem:s13+$0xFFFFFF00]  }
0x1d5: {  	v23 =	vld [tilespmem:s13+$0xFFFFFF80]  }
0x1d6: {  	v24 =	vld [tilespmem:s13+$0x0]  }
0x1d7: {  	s15 =	sadd.s32 $0x200, s15;
	v25 =	vld [tilespmem:s13+$0x80]  }
0x1d8: {  	v26 =	vld [tilespmem:s13+$0x10]  }
0x1d9: {  	v27 =	vld [tilespmem:s13+$0x90]  }
0x1da: {  	v28 =	vld [tilespmem:s13+$0xA0]  }
0x1db: {  	v30 =	vld [tilespmem:s13+$0xB0]  }
0x1dc: {  	v32 =	vld [tilespmem:s13+$0xC0]  }
0x1dd: {  	s11 =	sshra.s32 s11, $0x2;
	v34 =	vld [tilespmem:s13+$0xD0]  }
0x1de: {  	v29 =	vld [tilespmem:s11+$0x10200]  }
0x1df: {  	v31 =	vld [tilespmem:s11+$0x10210]  }
0x1e0: {  	v33 =	vld [tilespmem:s11+$0x10220]  }
0x1e1: {  	v35 =	vld [tilespmem:s11+$0x10230]  }
0x1e2: {  	v37 =	vld [tilespmem:s11+$0x10240]  }
0x1e3: {  	v38 =	vld [tilespmem:s11+$0x10254]  }
0x1e4: {  	v39 =	vld [tilespmem:s11+$0x10250];
	s11 =	simm.s32 $0x0  }
0x1e5: {  	v36 =	vld [tilespmem:s13+$0xD4];
	[tilespmem:s11], [sflag:$0x3] =	stream.linear.gather [hbm4b:s16+s11], $0x80, $0x38  }
0x1e6: {  	s15 =	sadd.s32 $0x10, s16  }
0x1e7: {  	[tilespmem:s23], [sflag:$0x3] =	stream.linear.gather [hbm4b:s15+s11], $0x80, $0x38;
	[tilespmem:$0x14280] =	vst v63  }
0x1e8: {  	_ =	swait.ge [sflag:s24], $0x100  }
0x1e9: {  	[sflag:s24] =	ssyncset.done $0x0  }
0x1ea: {  	[sflag:s24] =	ssyncadd.s32 $0xFFFFFF00  }
0x1eb: {  	[tilespmem:s26], [sflag:$0x1] =	stream.indirect.gather [hbm4b:s3+s25], $0x80, s11, s25, $0xb8;
	[tilespmem:$0x14280] =	vst v63  }
0x1ec: {  	_ = 	snop  }
0x1ed: {  	[tilespmem:s28], [sflag:$0x1] =	stream.indirect.gather [hbm4b:s3+s25], $0x80, s23, s25, $0xb8;
	[tilespmem:$0x14280] =	vst v63  }
0x1ee: {  	s17 =	rddreg [dreg:$0x8]  }
0x1ef: {  	[tilespmem:s29], [sflag:$0x1] =	stream.linear.gather [hbm4b:s17+s11], $0x2000, $0x38;
	[tilespmem:$0x14280] =	vst v63  }
0x1f0: {  	_ =	swait.ge [sflag:s7], $0x4000  }
0x1f1: {  	[sflag:s7] =	ssyncset.done $0x0  }
0x1f2: {  	[sflag:s7] =	ssyncadd.s32 $0xFFFFC000  }
0x1f3: {  	_ =	swait.ge [sflag:s7], $0x4000  }
0x1f4: {  	[sflag:s7] =	ssyncset.done $0x0  }
0x1f5: {  	[sflag:s7] =	ssyncadd.s32 $0xFFFFC000  }
0x1f6: {  	_ =	swait.ge [sflag:s7], $0x2000  }
0x1f7: {  	v14 =	vadd.f32 v14, v11;
	v40 =	vadd.f32 v10, v9;
	[sflag:s7] =	ssyncset.done $0x0  }
0x1f8: {  	v9 =	vadd.f32 v23, v22;
	v10 =	vadd.f32 v25, v24;
	s11 =	simm.s32 $0x12254;
	[sflag:s7] =	ssyncadd.s32 $0xFFFFE000  }
0x1f9: {  	v11 =	vadd.f32 v21, v4;
	v21 =	vadd.f32 v17, v12;
	s13 =	simm.s32 $0x0;
	v4 =	vld [tilespmem:s11+$0xFFFFFFDC]  }
0x1fa: {  	v17 =	vadd.f32 v27, v26;
	v12 =	vadd.f32 v10, v9;
	v9 =	vld [tilespmem:s13+$0x8254]  }
0x1fb: {  	v18 =	vadd.f32 v19, v18;
	v19 =	vadd.f32 v28, v20;
	v10 =	vld [tilespmem:s13+$0x82D4]  }
0x1fc: {  	v17 =	vadd.f32 v17, v11;
	v12 =	vsub.f32 v12, v29;
	v11 =	vld [tilespmem:s13+$0x8250]  }
0x1fd: {  	v20 =	vadd.f32 v13, v7;
	v16 =	vadd.f32 v30, v16;
	v13 =	vld [tilespmem:s13+$0x82D0]  }
0x1fe: {  	v18 =	vadd.f32 v19, v18;
	v17 =	vsub.f32 v17, v31;
	v22 =	vmul.f32 v12, v12;
	v7 =	vld [tilespmem:s13+$0x8350]  }
0x1ff: {  	v8 =	vadd.f32 v32, v8;
	v16 =	vadd.f32 v16, v20;
	v12 =	vld [tilespmem:s13+$0x8240]  }
0x200: {  	v18 =	vsub.f32 v18, v33;
	v19 =	vmul.f32 v17, v17;
	v15 =	vadd.f32 v22, v15;
	v17 =	vld [tilespmem:s13+$0x82C0]  }
0x201: {  	v20 =	vadd.f32 v8, v21;
	v21 =	vadd.f32 v34, v6;
	v8 =	vld [tilespmem:s13+$0x8340]  }
0x202: {  	v16 =	vsub.f32 v16, v35;
	v18 =	vmul.f32 v18, v18;
	v15 =	vadd.f32 v19, v15;
	v6 =	vld [tilespmem:s13+$0x8230]  }
0x203: {  	v5 =	vadd.f32 v36, v5;
	v19 =	vadd.f32 v21, v14;
	v14 =	vld [tilespmem:s13+$0x82B0]  }
0x204: {  	v20 =	vsub.f32 v20, v37;
	v21 =	vmul.f32 v16, v16;
	v15 =	vadd.f32 v18, v15;
	v16 =	vld [tilespmem:s13+$0x8330]  }
0x205: {  	v5 =	vadd.f32 v5, v40;
	v18 =	vld [tilespmem:s13+$0x8220]  }
0x206: {  	v22 =	vsub.f32 v19, v39;
	v15 =	vadd.f32 v21, v15;
	v21 =	vmul.f32 v20, v20;
	v19 =	vld [tilespmem:s13+$0x82A0]  }
0x207: {  	v23 =	vsub.f32 v5, v38;
	v20 =	vld [tilespmem:s13+$0x8320]  }
0x208: {  	v22 =	vmul.f32 v22, v22;
	v15 =	vadd.f32 v21, v15;
	v5 =	vld [tilespmem:s13+$0x8210]  }
0x209: {  	v23 =	vsel vm0, $0x0, v23;
	v21 =	vld [tilespmem:s13+$0x8290]  }
0x20a: {  	v24 =	vmul.f32 v23, v23;
	v15 =	vadd.f32 v22, v15;
	v22 =	vld [tilespmem:s13+$0x8200]  }
0x20b: {  	v23 =	vld [tilespmem:s13+$0x8280]  }
0x20c: {  	s15 =	simm.s32 $0x800;
	v15 =	vadd.f32 v24, v15;
	v24 =	vld [tilespmem:s13+$0x8300]  }
.LBB2_12:
0x20d: {  	p0 =	sne.s32 s15, $0x1F800;
	v25 =	vld [tilespmem:s13+$0x8380]  }
0x20e: {  	v26 =	vld [tilespmem:s13+$0x8310]  }
0x20f: {  	v27 =	vld [tilespmem:s13+$0x8390]  }
0x210: {  	v28 =	vld [tilespmem:s13+$0x83A0]  }
0x211: {  	v11 =	vadd.f32 v13, v11;
	v13 =	vadd.f32 v10, v9;
	v29 =	vld [tilespmem:s11+$0xFFFFFFAC]  }
0x212: {  	v9 =	vadd.f32 v23, v22;
	v10 =	vadd.f32 v25, v24;
	v22 =	vld [tilespmem:s13+$0x83B0]  }
0x213: {  	v12 =	vadd.f32 v17, v12;
	v5 =	vadd.f32 v21, v5;
	v21 =	vld [tilespmem:s11+$0xFFFFFFBC]  }
0x214: {  	v9 =	vadd.f32 v10, v9;
	v10 =	vadd.f32 v27, v26;
	v17 =	vld [tilespmem:s13+$0x83C0]  }
0x215: {  	v18 =	vadd.f32 v19, v18;
	v19 =	vadd.f32 v28, v20;
	v20 =	vld [tilespmem:s11+$0xFFFFFFCC]  }
0x216: {  	v9 =	vsub.f32 v9, v29;
	v5 =	vadd.f32 v10, v5;
	v10 =	vld [tilespmem:s13+$0x83D0]  }
0x217: {  	v6 =	vadd.f32 v14, v6;
	v14 =	vadd.f32 v22, v16;
	v16 =	vld [tilespmem:s13+$0x8354]  }
0x218: {  	v18 =	vadd.f32 v19, v18;
	v9 =	vmul.f32 v9, v9;
	v5 =	vsub.f32 v5, v21;
	v19 =	vld [tilespmem:s13+$0x83D4]  }
0x219: {  	v6 =	vadd.f32 v14, v6;
	v8 =	vadd.f32 v17, v8;
	v14 =	vld [tilespmem:s11+$0xFFFFFFEC]  }
0x21a: {  	v9 =	vadd.f32 v9, v15;
	v5 =	vmul.f32 v5, v5;
	v15 =	vsub.f32 v18, v20;
	v17 =	vld [tilespmem:s11+$0x0]  }
0x21b: {  	v8 =	vadd.f32 v8, v12;
	v7 =	vadd.f32 v10, v7;
	v12 =	vld [tilespmem:s11+$0xFFFFFFFC];
	s11 =	sadd.s32 $0x80, s11  }
0x21c: {  	s13 =	sshra.s32 s15, $0x2;
	v6 =	vsub.f32 v6, v4;
	v5 =	vadd.f32 v5, v9;
	v15 =	vmul.f32 v15, v15;
	v4 =	vld [tilespmem:s11+$0xFFFFFFDC]  }
0x21d: {  	v9 =	vld [tilespmem:s13+$0x8254];
	v7 =	vadd.f32 v7, v11;
	v16 =	vadd.f32 v19, v16  }
0x21e: {  	v6 =	vmul.f32 v6, v6;
	v10 =	vld [tilespmem:s13+$0x82D4];
	v5 =	vadd.f32 v15, v5;
	v8 =	vsub.f32 v8, v14  }
0x21f: {  	v11 =	vld [tilespmem:s13+$0x8250];
	v14 =	vadd.f32 v16, v13  }
0x220: {  	v13 =	vld [tilespmem:s13+$0x82D0];
	v5 =	vadd.f32 v6, v5;
	v6 =	vmul.f32 v8, v8;
	v8 =	vsub.f32 v7, v12  }
0x221: {  	v7 =	vld [tilespmem:s13+$0x8350];
	v14 =	vsub.f32 v14, v17  }
0x222: {  	v12 =	vld [tilespmem:s13+$0x8240];
	v5 =	vadd.f32 v6, v5;
	v6 =	vmul.f32 v8, v8  }
0x223: {  	v17 =	vld [tilespmem:s13+$0x82C0];
	v14 =	vsel vm0, $0x0, v14  }
0x224: {  	v8 =	vld [tilespmem:s13+$0x8340];
	v5 =	vadd.f32 v6, v5;
	v15 =	vmul.f32 v14, v14  }
0x225: {  	v6 =	vld [tilespmem:s13+$0x8230]  }
0x226: {  	v14 =	vld [tilespmem:s13+$0x82B0];
	v15 =	vadd.f32 v15, v5  }
0x227: {  	v16 =	vld [tilespmem:s13+$0x8330]  }
0x228: {  	v18 =	vld [tilespmem:s13+$0x8220]  }
0x229: {  	v19 =	vld [tilespmem:s13+$0x82A0]  }
0x22a: {  	v20 =	vld [tilespmem:s13+$0x8320]  }
.Ltmp5:
0x22b: {  	v5 =	vld [tilespmem:s13+$0x8210];
	(pc) =	sbr.rel @p0 .LBB2_12-.Ltmp5, $4  }
0x22c: {  	v21 =	vld [tilespmem:s13+$0x8290]  }
0x22d: {  	v22 =	vld [tilespmem:s13+$0x8200]  }
0x22e: {  	v23 =	vld [tilespmem:s13+$0x8280]  }
0x22f: {  	s15 =	sadd.s32 $0x800, s15;
	v24 =	vld [tilespmem:s13+$0x8300]  }
0x230: {  	v25 =	vld [tilespmem:s13+$0x8380]  }
0x231: {  	v26 =	vld [tilespmem:s13+$0x8310]  }
0x232: {  	v27 =	vld [tilespmem:s13+$0x8390]  }
0x233: {  	v28 =	vld [tilespmem:s13+$0x83A0]  }
0x234: {  	v29 =	vld [tilespmem:s11+$0xFFFFFFAC]  }
0x235: {  	v30 =	vld [tilespmem:s13+$0x83B0]  }
0x236: {  	v31 =	vld [tilespmem:s11+$0xFFFFFFBC]  }
0x237: {  	v32 =	vld [tilespmem:s13+$0x83C0]  }
0x238: {  	v33 =	vld [tilespmem:s11+$0xFFFFFFCC]  }
0x239: {  	v34 =	vld [tilespmem:s13+$0x83D0]  }
0x23a: {  	v35 =	vld [tilespmem:s13+$0x8354]  }
0x23b: {  	v37 =	vld [tilespmem:s11+$0xFFFFFFEC]  }
0x23c: {  	v38 =	vld [tilespmem:s11+$0x0]  }
0x23d: {  	v39 =	vld [tilespmem:s11+$0xFFFFFFFC];
	s11 =	simm.s32 $0x0  }
0x23e: {  	v36 =	vld [tilespmem:s13+$0x83D4];
	[tilespmem:s25], [sflag:$0x3] =	stream.linear.gather [hbm4b:s19+s11], $0x80, $0x38  }
0x23f: {  	s17 =	sadd.s32 $0x10, s19  }
0x240: {  	[tilespmem:s30], [sflag:$0x3] =	stream.linear.gather [hbm4b:s17+s11], $0x80, $0x38;
	[tilespmem:$0x14280] =	vst v63  }
0x241: {  	_ =	swait.ge [sflag:s24], $0x100  }
0x242: {  	[sflag:s24] =	ssyncset.done $0x0  }
0x243: {  	[sflag:s24] =	ssyncadd.s32 $0xFFFFFF00  }
0x244: {  	[tilespmem:s31], [sflag:$0x2] =	stream.indirect.gather [hbm4b:s3+s25], $0x80, s25, s25, $0xb8;
	[tilespmem:$0x14280] =	vst v63  }
0x245: {  	_ = 	snop  }
0x246: {  	[tilespmem:s0], [sflag:$0x2] =	stream.indirect.gather [hbm4b:s3+s25], $0x80, s30, s25, $0xb8;
	[tilespmem:$0x14280] =	vst v63  }
0x247: {  	_ = 	snop  }
0x248: {  	[tilespmem:s1], [sflag:$0x2] =	stream.linear.gather [hbm4b:s20+s11], $0x2000, $0x38;
	[tilespmem:$0x14280] =	vst v63  }
0x249: {  	_ =	swait.ge [sflag:s5], $0x4000  }
0x24a: {  	[sflag:s5] =	ssyncset.done $0x0  }
0x24b: {  	[sflag:s5] =	ssyncadd.s32 $0xFFFFC000  }
0x24c: {  	_ =	swait.ge [sflag:s5], $0x4000  }
0x24d: {  	[sflag:s5] =	ssyncset.done $0x0  }
0x24e: {  	[sflag:s5] =	ssyncadd.s32 $0xFFFFC000  }
0x24f: {  	_ =	swait.ge [sflag:s5], $0x2000  }
0x250: {  	[sflag:s5] =	ssyncset.done $0x0  }
0x251: {  	v40 =	vadd.f32 v13, v11;
	v41 =	vadd.f32 v10, v9;
	s13 =	simm.s32 $0x300;
	[sflag:s5] =	ssyncadd.s32 $0xFFFFE000  }
0x252: {  	v11 =	vadd.f32 v23, v22;
	v13 =	vadd.f32 v25, v24;
	v9 =	vld [tilespmem:s13+$0xFFFFFF54]  }
0x253: {  	v21 =	vadd.f32 v21, v5;
	v22 =	vadd.f32 v17, v12;
	v10 =	vld [tilespmem:s13+$0xFFFFFFD4]  }
0x254: {  	v12 =	vadd.f32 v13, v11;
	v13 =	vadd.f32 v27, v26;
	v5 =	vld [tilespmem:s13+$0x54]  }
0x255: {  	v18 =	vadd.f32 v19, v18;
	v19 =	vadd.f32 v28, v20;
	v11 =	vld [tilespmem:s13+$0xFFFFFF50]  }
0x256: {  	v12 =	vsub.f32 v12, v29;
	v13 =	vadd.f32 v13, v21;
	v17 =	vld [tilespmem:s13+$0xFFFFFFD0]  }
0x257: {  	v14 =	vadd.f32 v14, v6;
	v16 =	vadd.f32 v30, v16;
	v6 =	vld [tilespmem:s13+$0x50]  }
0x258: {  	v18 =	vadd.f32 v19, v18;
	v13 =	vsub.f32 v13, v31;
	v20 =	vmul.f32 v12, v12;
	v12 =	vld [tilespmem:s13+$0xFFFFFF40]  }
0x259: {  	v14 =	vadd.f32 v16, v14;
	v19 =	vadd.f32 v32, v8;
	v16 =	vld [tilespmem:s13+$0xFFFFFFC0]  }
0x25a: {  	v18 =	vsub.f32 v18, v33;
	v15 =	vadd.f32 v20, v15;
	v13 =	vmul.f32 v13, v13;
	v8 =	vld [tilespmem:s13+$0x40]  }
0x25b: {  	v19 =	vadd.f32 v19, v22;
	v20 =	vadd.f32 v34, v7;
	v7 =	vld [tilespmem:s13+$0xFFFFFF30]  }
0x25c: {  	v4 =	vsub.f32 v14, v4;
	v18 =	vmul.f32 v18, v18;
	v21 =	vadd.f32 v13, v15;
	v13 =	vld [tilespmem:s13+$0xFFFFFFB0]  }
0x25d: {  	v14 =	vadd.f32 v20, v40;
	v20 =	vadd.f32 v36, v35;
	v15 =	vld [tilespmem:s13+$0x30]  }
0x25e: {  	v4 =	vmul.f32 v4, v4;
	v22 =	vsub.f32 v19, v37;
	v21 =	vadd.f32 v18, v21;
	v18 =	vld [tilespmem:s13+$0xFFFFFF20]  }
0x25f: {  	v23 =	vadd.f32 v20, v41;
	v19 =	vld [tilespmem:s13+$0xFFFFFFA0]  }
0x260: {  	v22 =	vmul.f32 v22, v22;
	v14 =	vsub.f32 v14, v39;
	v21 =	vadd.f32 v4, v21;
	v20 =	vld [tilespmem:s13+$0x20]  }
0x261: {  	v23 =	vsub.f32 v23, v38;
	v4 =	vld [tilespmem:s13+$0xFFFFFF10]  }
0x262: {  	v14 =	vmul.f32 v14, v14;
	v24 =	vadd.f32 v22, v21;
	v21 =	vld [tilespmem:s13+$0xFFFFFF90]  }
0x263: {  	v23 =	vsel vm0, $0x0, v23;
	v22 =	vld [tilespmem:s13+$0xFFFFFF00]  }
0x264: {  	v25 =	vmul.f32 v23, v23;
	v23 =	vld [tilespmem:s13+$0xFFFFFF80];
	v14 =	vadd.f32 v14, v24  }
0x265: {  	v24 =	vld [tilespmem:s13+$0x0]  }
0x266: {  	s15 =	simm.s32 $0x200;
	v14 =	vadd.f32 v25, v14;
	v25 =	vld [tilespmem:s13+$0x80]  }
.LBB2_14:
0x267: {  	p0 =	sne.s32 s15, $0x7E00;
	v26 =	vld [tilespmem:s13+$0x10]  }
0x268: {  	v27 =	vld [tilespmem:s13+$0x90]  }
0x269: {  	s17 =	sshra.s32 s11, $0x2;
	s11 =	smov.u32 s15;
	v28 =	vld [tilespmem:s13+$0xA0]  }
0x26a: {  	v11 =	vadd.f32 v17, v11;
	v17 =	vadd.f32 v10, v9;
	v29 =	vld [tilespmem:s17+$0x10200]  }
0x26b: {  	v9 =	vadd.f32 v23, v22;
	v10 =	vadd.f32 v25, v24;
	v22 =	vld [tilespmem:s13+$0xB0]  }
0x26c: {  	v4 =	vadd.f32 v21, v4;
	v12 =	vadd.f32 v16, v12;
	v21 =	vld [tilespmem:s17+$0x10210]  }
0x26d: {  	v9 =	vadd.f32 v10, v9;
	v10 =	vadd.f32 v27, v26;
	v16 =	vld [tilespmem:s13+$0xC0]  }
0x26e: {  	v18 =	vadd.f32 v19, v18;
	v19 =	vadd.f32 v28, v20;
	v20 =	vld [tilespmem:s17+$0x10220]  }
0x26f: {  	v9 =	vsub.f32 v9, v29;
	v4 =	vadd.f32 v10, v4;
	v10 =	vld [tilespmem:s13+$0xD0]  }
0x270: {  	v7 =	vadd.f32 v13, v7;
	v13 =	vadd.f32 v22, v15;
	v15 =	vld [tilespmem:s17+$0x10230]  }
0x271: {  	v18 =	vadd.f32 v19, v18;
	v9 =	vmul.f32 v9, v9;
	v4 =	vsub.f32 v4, v21;
	v19 =	vld [tilespmem:s13+$0xD4]  }
0x272: {  	v7 =	vadd.f32 v13, v7;
	v8 =	vadd.f32 v16, v8;
	v13 =	vld [tilespmem:s17+$0x10240]  }
0x273: {  	v14 =	vadd.f32 v9, v14;
	v4 =	vmul.f32 v4, v4;
	v16 =	vsub.f32 v18, v20;
	v18 =	vld [tilespmem:s17+$0x10254]  }
0x274: {  	s13 =	sadd.s32 $0x200, s13;
	v8 =	vadd.f32 v8, v12;
	v6 =	vadd.f32 v10, v6;
	v12 =	vld [tilespmem:s17+$0x10250]  }
0x275: {  	v9 =	vld [tilespmem:s13+$0xFFFFFF54];
	v4 =	vadd.f32 v4, v14;
	v14 =	vmul.f32 v16, v16;
	v7 =	vsub.f32 v7, v15  }
0x276: {  	v10 =	vld [tilespmem:s13+$0xFFFFFFD4];
	v6 =	vadd.f32 v6, v11;
	v15 =	vadd.f32 v19, v5  }
0x277: {  	v5 =	vld [tilespmem:s13+$0x54];
	v4 =	vadd.f32 v14, v4;
	v7 =	vmul.f32 v7, v7;
	v8 =	vsub.f32 v8, v13  }
0x278: {  	v11 =	vld [tilespmem:s13+$0xFFFFFF50];
	v13 =	vadd.f32 v15, v17  }
0x279: {  	v17 =	vld [tilespmem:s13+$0xFFFFFFD0];
	v4 =	vadd.f32 v7, v4;
	v7 =	vmul.f32 v8, v8;
	v8 =	vsub.f32 v6, v12  }
0x27a: {  	v6 =	vld [tilespmem:s13+$0x50];
	v13 =	vsub.f32 v13, v18  }
0x27b: {  	v12 =	vld [tilespmem:s13+$0xFFFFFF40];
	v4 =	vadd.f32 v7, v4;
	v7 =	vmul.f32 v8, v8  }
0x27c: {  	v16 =	vld [tilespmem:s13+$0xFFFFFFC0];
	v13 =	vsel vm0, $0x0, v13  }
0x27d: {  	v8 =	vld [tilespmem:s13+$0x40];
	v4 =	vadd.f32 v7, v4;
	v14 =	vmul.f32 v13, v13  }
0x27e: {  	v7 =	vld [tilespmem:s13+$0xFFFFFF30]  }
0x27f: {  	v13 =	vld [tilespmem:s13+$0xFFFFFFB0];
	v14 =	vadd.f32 v14, v4  }
0x280: {  	v15 =	vld [tilespmem:s13+$0x30]  }
0x281: {  	v18 =	vld [tilespmem:s13+$0xFFFFFF20]  }
0x282: {  	v19 =	vld [tilespmem:s13+$0xFFFFFFA0]  }
0x283: {  	v20 =	vld [tilespmem:s13+$0x20]  }
0x284: {  	v4 =	vld [tilespmem:s13+$0xFFFFFF10]  }
.Ltmp6:
0x285: {  	v21 =	vld [tilespmem:s13+$0xFFFFFF90];
	(pc) =	sbr.rel @p0 .LBB2_14-.Ltmp6, $4  }
0x286: {  	v22 =	vld [tilespmem:s13+$0xFFFFFF00]  }
0x287: {  	v23 =	vld [tilespmem:s13+$0xFFFFFF80]  }
0x288: {  	v24 =	vld [tilespmem:s13+$0x0]  }
0x289: {  	s15 =	sadd.s32 $0x200, s15;
	v25 =	vld [tilespmem:s13+$0x80]  }
0x28a: {  	v26 =	vld [tilespmem:s13+$0x10]  }
0x28b: {  	v27 =	vld [tilespmem:s13+$0x90]  }
0x28c: {  	v28 =	vld [tilespmem:s13+$0xA0]  }
0x28d: {  	v30 =	vld [tilespmem:s13+$0xB0]  }
0x28e: {  	v32 =	vld [tilespmem:s13+$0xC0]  }
0x28f: {  	v34 =	vld [tilespmem:s13+$0xD0]  }
0x290: {  	s11 =	sshra.s32 s11, $0x2;
	v36 =	vld [tilespmem:s13+$0xD4]  }
0x291: {  	v29 =	vld [tilespmem:s11+$0x10200]  }
0x292: {  	v31 =	vld [tilespmem:s11+$0x10210]  }
0x293: {  	v33 =	vld [tilespmem:s11+$0x10220]  }
0x294: {  	v35 =	vld [tilespmem:s11+$0x10230]  }
0x295: {  	v37 =	vld [tilespmem:s11+$0x10240]  }
0x296: {  	v38 =	vld [tilespmem:s11+$0x10254]  }
0x297: {  	v39 =	vld [tilespmem:s11+$0x10250];
	_ =	swait.ge [sflag:s7], $0x4000  }
0x298: {  	[sflag:s7] =	ssyncset.done $0x0  }
0x299: {  	[sflag:s7] =	ssyncadd.s32 $0xFFFFC000  }
0x29a: {  	_ =	swait.ge [sflag:s7], $0x4000  }
0x29b: {  	[sflag:s7] =	ssyncset.done $0x0  }
0x29c: {  	[sflag:s7] =	ssyncadd.s32 $0xFFFFC000  }
0x29d: {  	_ =	swait.ge [sflag:s7], $0x2000  }
0x29e: {  	v17 =	vadd.f32 v17, v11;
	v40 =	vadd.f32 v10, v9;
	[sflag:s7] =	ssyncset.done $0x0  }
0x29f: {  	s11 =	simm.s32 $0x12254;
	v9 =	vadd.f32 v23, v22;
	v10 =	vadd.f32 v25, v24;
	[sflag:s7] =	ssyncadd.s32 $0xFFFFE000  }
0x2a0: {  	v11 =	vadd.f32 v21, v4;
	v16 =	vadd.f32 v16, v12;
	s13 =	simm.s32 $0x0;
	v4 =	vld [tilespmem:s11+$0xFFFFFFDC]  }
0x2a1: {  	v21 =	vadd.f32 v27, v26;
	v12 =	vadd.f32 v10, v9;
	v9 =	vld [tilespmem:s13+$0x8254]  }
0x2a2: {  	v18 =	vadd.f32 v19, v18;
	v19 =	vadd.f32 v28, v20;
	v10 =	vld [tilespmem:s13+$0x82D4]  }
0x2a3: {  	v20 =	vadd.f32 v21, v11;
	v12 =	vsub.f32 v12, v29;
	v11 =	vld [tilespmem:s13+$0x8250]  }
0x2a4: {  	v15 =	vadd.f32 v30, v15;
	v21 =	vadd.f32 v13, v7;
	v13 =	vld [tilespmem:s13+$0x82D0]  }
0x2a5: {  	v18 =	vadd.f32 v19, v18;
	v20 =	vsub.f32 v20, v31;
	v22 =	vmul.f32 v12, v12;
	v7 =	vld [tilespmem:s13+$0x8350]  }
0x2a6: {  	v8 =	vadd.f32 v32, v8;
	v19 =	vadd.f32 v15, v21;
	v12 =	vld [tilespmem:s13+$0x8240]  }
0x2a7: {  	v18 =	vsub.f32 v18, v33;
	v15 =	vld [tilespmem:s13+$0x82C0];
	v20 =	vmul.f32 v20, v20;
	v14 =	vadd.f32 v22, v14  }
0x2a8: {  	v16 =	vadd.f32 v8, v16;
	v21 =	vadd.f32 v34, v6;
	v6 =	vld [tilespmem:s13+$0x8340]  }
0x2a9: {  	v8 =	vld [tilespmem:s13+$0x8230];
	v18 =	vmul.f32 v18, v18;
	v19 =	vsub.f32 v19, v35;
	v14 =	vadd.f32 v20, v14  }
0x2aa: {  	v20 =	vadd.f32 v21, v17;
	v17 =	vadd.f32 v36, v5;
	v5 =	vld [tilespmem:s13+$0x82B0]  }
0x2ab: {  	v14 =	vadd.f32 v18, v14;
	v18 =	vmul.f32 v19, v19;
	v19 =	vsub.f32 v16, v37;
	v16 =	vld [tilespmem:s13+$0x8330]  }
0x2ac: {  	v21 =	vadd.f32 v17, v40;
	v17 =	vld [tilespmem:s13+$0x8220]  }
0x2ad: {  	v20 =	vsub.f32 v20, v39;
	v14 =	vadd.f32 v18, v14;
	v22 =	vmul.f32 v19, v19;
	v18 =	vld [tilespmem:s13+$0x82A0]  }
0x2ae: {  	v21 =	vsub.f32 v21, v38;
	v19 =	vld [tilespmem:s13+$0x8320]  }
0x2af: {  	v14 =	vadd.f32 v22, v14;
	v22 =	vmul.f32 v20, v20;
	v20 =	vld [tilespmem:s13+$0x8210]  }
0x2b0: {  	v23 =	vsel vm0, $0x0, v21;
	v21 =	vld [tilespmem:s13+$0x8290]  }
0x2b1: {  	v24 =	vmul.f32 v23, v23;
	v23 =	vld [tilespmem:s13+$0x8280];
	v14 =	vadd.f32 v22, v14  }
0x2b2: {  	v22 =	vld [tilespmem:s13+$0x8200]  }
0x2b3: {  	s15 =	simm.s32 $0x800;
	v14 =	vadd.f32 v24, v14;
	v24 =	vld [tilespmem:s13+$0x8300]  }
.LBB2_16:
0x2b4: {  	p0 =	sne.s32 s15, $0x1F800;
	v25 =	vld [tilespmem:s13+$0x8380]  }
0x2b5: {  	v26 =	vld [tilespmem:s13+$0x8310]  }
0x2b6: {  	v27 =	vld [tilespmem:s13+$0x8390]  }
0x2b7: {  	v28 =	vld [tilespmem:s13+$0x83A0]  }
0x2b8: {  	v11 =	vadd.f32 v13, v11;
	v13 =	vadd.f32 v10, v9;
	v29 =	vld [tilespmem:s11+$0xFFFFFFAC]  }
0x2b9: {  	v9 =	vadd.f32 v23, v22;
	v10 =	vadd.f32 v25, v24;
	v22 =	vld [tilespmem:s13+$0x83B0]  }
0x2ba: {  	v12 =	vadd.f32 v15, v12;
	v20 =	vadd.f32 v21, v20;
	v21 =	vld [tilespmem:s11+$0xFFFFFFBC]  }
0x2bb: {  	v9 =	vadd.f32 v10, v9;
	v10 =	vadd.f32 v27, v26;
	v15 =	vld [tilespmem:s13+$0x83C0]  }
0x2bc: {  	v17 =	vadd.f32 v18, v17;
	v18 =	vadd.f32 v28, v19;
	v19 =	vld [tilespmem:s11+$0xFFFFFFCC]  }
0x2bd: {  	v9 =	vsub.f32 v9, v29;
	v10 =	vadd.f32 v10, v20;
	v20 =	vld [tilespmem:s13+$0x83D0]  }
0x2be: {  	v5 =	vadd.f32 v5, v8;
	v8 =	vadd.f32 v22, v16;
	v16 =	vld [tilespmem:s13+$0x8354]  }
0x2bf: {  	v17 =	vadd.f32 v18, v17;
	v9 =	vmul.f32 v9, v9;
	v10 =	vsub.f32 v10, v21;
	v18 =	vld [tilespmem:s13+$0x83D4]  }
0x2c0: {  	v5 =	vadd.f32 v8, v5;
	v6 =	vadd.f32 v15, v6;
	v8 =	vld [tilespmem:s11+$0xFFFFFFEC]  }
0x2c1: {  	v9 =	vadd.f32 v9, v14;
	v10 =	vmul.f32 v10, v10;
	v14 =	vsub.f32 v17, v19;
	v15 =	vld [tilespmem:s11+$0x0]  }
0x2c2: {  	v6 =	vadd.f32 v6, v12;
	v7 =	vadd.f32 v20, v7;
	v12 =	vld [tilespmem:s11+$0xFFFFFFFC];
	s11 =	sadd.s32 $0x80, s11  }
0x2c3: {  	s13 =	sshra.s32 s15, $0x2;
	v5 =	vsub.f32 v5, v4;
	v17 =	vadd.f32 v10, v9;
	v14 =	vmul.f32 v14, v14;
	v4 =	vld [tilespmem:s11+$0xFFFFFFDC]  }
0x2c4: {  	v9 =	vld [tilespmem:s13+$0x8254];
	v7 =	vadd.f32 v7, v11;
	v16 =	vadd.f32 v18, v16  }
0x2c5: {  	v5 =	vmul.f32 v5, v5;
	v10 =	vld [tilespmem:s13+$0x82D4];
	v14 =	vadd.f32 v14, v17;
	v6 =	vsub.f32 v6, v8  }
0x2c6: {  	v11 =	vld [tilespmem:s13+$0x8250];
	v8 =	vadd.f32 v16, v13  }
0x2c7: {  	v13 =	vld [tilespmem:s13+$0x82D0];
	v5 =	vadd.f32 v5, v14;
	v6 =	vmul.f32 v6, v6;
	v14 =	vsub.f32 v7, v12  }
0x2c8: {  	v7 =	vld [tilespmem:s13+$0x8350];
	v8 =	vsub.f32 v8, v15  }
0x2c9: {  	v12 =	vld [tilespmem:s13+$0x8240];
	v5 =	vadd.f32 v6, v5;
	v14 =	vmul.f32 v14, v14  }
0x2ca: {  	v15 =	vld [tilespmem:s13+$0x82C0];
	v8 =	vsel vm0, $0x0, v8  }
0x2cb: {  	v6 =	vld [tilespmem:s13+$0x8340];
	v14 =	vadd.f32 v14, v5;
	v16 =	vmul.f32 v8, v8  }
0x2cc: {  	v8 =	vld [tilespmem:s13+$0x8230]  }
0x2cd: {  	v5 =	vld [tilespmem:s13+$0x82B0];
	v14 =	vadd.f32 v16, v14  }
0x2ce: {  	v16 =	vld [tilespmem:s13+$0x8330]  }
0x2cf: {  	v17 =	vld [tilespmem:s13+$0x8220]  }
0x2d0: {  	v18 =	vld [tilespmem:s13+$0x82A0]  }
0x2d1: {  	v19 =	vld [tilespmem:s13+$0x8320]  }
.Ltmp7:
0x2d2: {  	v20 =	vld [tilespmem:s13+$0x8210];
	(pc) =	sbr.rel @p0 .LBB2_16-.Ltmp7, $4  }
0x2d3: {  	v21 =	vld [tilespmem:s13+$0x8290]  }
0x2d4: {  	v22 =	vld [tilespmem:s13+$0x8200]  }
0x2d5: {  	v23 =	vld [tilespmem:s13+$0x8280]  }
0x2d6: {  	s15 =	sadd.s32 $0x800, s15;
	v24 =	vld [tilespmem:s13+$0x8300]  }
0x2d7: {  	v25 =	vld [tilespmem:s13+$0x8380]  }
0x2d8: {  	v26 =	vld [tilespmem:s13+$0x8310]  }
0x2d9: {  	v27 =	vld [tilespmem:s13+$0x8390]  }
0x2da: {  	v28 =	vld [tilespmem:s13+$0x83A0]  }
0x2db: {  	v29 =	vld [tilespmem:s11+$0xFFFFFFAC];
	v11 =	vadd.f32 v13, v11;
	v9 =	vadd.f32 v10, v9  }
0x2dc: {  	v47 =	vld [tilespmem:s13+$0x83B0];
	v45 =	vadd.f32 v23, v22;
	v46 =	vadd.f32 v25, v24  }
0x2dd: {  	v48 =	vld [tilespmem:s11+$0xFFFFFFBC];
	v12 =	vadd.f32 v15, v12;
	v20 =	vadd.f32 v21, v20  }
0x2de: {  	v50 =	vld [tilespmem:s13+$0x83C0];
	v49 =	vadd.f32 v27, v26;
	v10 =	vadd.f32 v46, v45  }
0x2df: {  	v17 =	vadd.f32 v18, v17;
	v52 =	vld [tilespmem:s11+$0xFFFFFFCC];
	v51 =	vadd.f32 v28, v19  }
0x2e0: {  	v53 =	vld [tilespmem:s13+$0x83D0];
	v13 =	vadd.f32 v49, v20;
	v10 =	vsub.f32 v10, v29  }
0x2e1: {  	v5 =	vadd.f32 v5, v8;
	v55 =	vld [tilespmem:s13+$0x8354];
	v54 =	vadd.f32 v47, v16  }
0x2e2: {  	v56 =	vld [tilespmem:s13+$0x83D4];
	v17 =	vadd.f32 v51, v17;
	v13 =	vsub.f32 v13, v48;
	v10 =	vmul.f32 v10, v10  }
0x2e3: {  	v57 =	vld [tilespmem:s11+$0xFFFFFFEC];
	v6 =	vadd.f32 v50, v6;
	v5 =	vadd.f32 v54, v5  }
0x2e4: {  	v58 =	vsub.f32 v17, v52;
	v13 =	vmul.f32 v13, v13;
	v10 =	vadd.f32 v10, v14  }
0x2e5: {  	v59 =	vld [tilespmem:s11+$0xFFFFFFFC];
	v7 =	vadd.f32 v53, v7;
	v6 =	vadd.f32 v6, v12  }
0x2e6: {  	v60 =	vld [tilespmem:s11+$0x0];
	v4 =	vsub.f32 v5, v4;
	v61 =	vmul.f32 v58, v58;
	v10 =	vadd.f32 v13, v10  }
0x2e7: {  	v62 =	vadd.f32 v56, v55;
	v5 =	vadd.f32 v7, v11  }
0x2e8: {  	v6 =	vsub.f32 v6, v57;
	v4 =	vmul.f32 v4, v4;
	v10 =	vadd.f32 v61, v10  }
0x2e9: {  	v7 =	vadd.f32 v62, v9  }
0x2ea: {  	v6 =	vmul.f32 v6, v6;
	v5 =	vsub.f32 v5, v59;
	v4 =	vadd.f32 v4, v10  }
0x2eb: {  	v7 =	vsub.f32 v7, v60  }
0x2ec: {  	v5 =	vmul.f32 v5, v5;
	v4 =	vadd.f32 v6, v4  }
0x2ed: {  	v63 =	vsel vm0, $0x0, v7  }
0x2ee: {  	v4 =	vadd.f32 v5, v4;
	v5 =	vmul.f32 v63, v63;
	_ =	sdelay $0x1  }
0x2ef: {  	v4 =	vadd.f32 v5, v4;
	_ =	sdelay $0x1  }
0x2f0: {  	v5 =	vperm.xlane v4, v0;
	_ =	sdelay $0x1  }
0x2f1: {  	v4 =	vadd.f32 v5, v4;
	_ =	sdelay $0x1  }
0x2f2: {  	v5 =	vperm.xlane v4, v1;
	_ =	sdelay $0x1  }
0x2f3: {  	v4 =	vadd.f32 v5, v4;
	_ =	sdelay $0x1  }
0x2f4: {  	v5 =	vperm.xlane v4, v2;
	_ =	sdelay $0x1  }
0x2f5: {  	v4 =	vadd.f32 v5, v4;
	_ =	sdelay $0x1  }
0x2f6: {  	v5 =	vperm.xlane v4, v3;
	_ =	sdelay $0x1  }
0x2f7: {  	v4 =	vadd.f32 v5, v4;
	_ =	sdelay $0x1  }
0x2f8: {  	s9 =	sadd.s32 $0x1, s9;
	v4 =	vmul.f32 $6.103515490e-07, v4  }
0x2f9: {  	p0 =	sne.s32 s9, s21  }
.Ltmp8:
0x2fa: {  	s17 =	simm.s32 $0x14200;
	[tilespmem:$0x14200] =	vst v4;
	(pc) =	sbr.rel @p0 .LBB2_1-.Ltmp8, $4  }
0x2fb: {  	[hbm4b:s18+s2] =	stream.linear.scatter [tilespmem:s17], [sflag:$0x3], $0x10, $0x38;
	[tilespmem:$0x14280] =	vst v63  }
0x2fc: {  	_ =	swait.ge [sflag:s24], $0x10  }
0x2fd: {  	[sflag:s24] =	ssyncset.done $0x0  }
0x2fe: {  	[sflag:s24] =	ssyncadd.s32 $0xFFFFFFF0  }
0x2ff: {  	_ =	sfence.sel $0x180000  }
0x300: {  	[bflag:$0x0] =	sbarrier.arrive $0xFFFF  }
0x301: {  	_ =	strace $0x90000047  }
0x302: {  	s0 =	stileid.u32;
	[bflag:$0x2] =	sbarrier.arrive $0xFFFF  }
0x303: {  	p0 =	sne.s32 s0, $0x0;
	s0 =	rddreg [dreg:$0x1]  }
0x304: {  	s0 =	sadd.s32 @!p0 $0x100000, s0  }
0x305: {  	[sflag:s0] =	ssyncadd.tile.s32 @!p0 $0x1;
	_ =	shalt  }
.Lfunc_end2:
_tile_overlayer_lowered:
.L_overlay_start_2:
0x306: {  	(tag) =	ssettag $0x2  }
0x307: {  	s0 =	rddreg [dreg:$0x0];
	s2 =	stileid.u32  }
0x308: {  	s1 =	rddreg [dreg:$0x1];
	p0 =	sne.s32 s2, $0x0  }
0x309: {  	s3 =	rddreg [dreg:$0x2];
	[bflag:$0x3] =	sbarrier.arrive $0xFFFF;
	s2 =	simm.s32 @!p0 $0x1C03  }
0x30a: {  	[timem:s3], [sflag:s2] =	dma.local @!p0 [hbm:s0], s1  }
0x30b: {  	s0 =	simm.s32 @!p0 $0x3  }
0x30c: {  	_ =	swait.ge @!p0 [sflag:s0], s1  }
0x30d: {  	s1 =	ssub.s32 @!p0 $0x0, s1;
	[sflag:s0] =	ssyncset.done @!p0 $0x0  }
0x30e: {  	[sflag:s0] =	ssyncadd.s32 @!p0 s1  }
0x30f: {  	[bflag:$0x3] =	sbarrier.arrive $0xFFFF  }
0x310: {  	_ =	shalt  }

</sc_bundles>
